<compile_context>
chip_gen: v7x
topology: tpu7x:2x2x1
jax: 0.10.2.dev20260603
libtpu: 0.0.44.dev20260713+nightly
codegen_flags: <defaults>
</compile_context>

<pallas_src>
import functools

import jax
import jax.numpy as jnp
from jax import lax
from jax.experimental import pallas as pl
from jax.experimental.pallas import tpu as pltpu
from jax.experimental.pallas import tpu_sc as plsc

NUM_EDGES = 1536
HIDDEN = 32
HPAIRS = HIDDEN // 2
BS = 8
N_NODE = 256
EDGE_FEAT = 3
ROW_I = N_NODE * EDGE_FEAT
L = 16
NC, NS = 2, 16
NW = NC * NS
N_OUT = N_NODE + 1
TASKS = BS * N_NODE
TASKS_PER_W = TASKS // NW
W_PER_B = NW // BS
ROWS_PER_W = N_NODE // W_PER_B
N_CHUNK = 17


def _body(idx_hbm, tab_hbm, vw_hbm, out_hbm,
          table_v, idx_v, blocks, vw_v, sem_idx, sem_out):
    wid = lax.axis_index("s") * NC + lax.axis_index("c")
    b = wid // W_PER_B
    i0 = (wid % W_PER_B) * ROWS_PER_W

    pltpu.sync_copy(tab_hbm, table_v)
    pltpu.sync_copy(vw_hbm, vw_v)

    iota = lax.iota(jnp.int32, L)
    mask0 = iota >= 1
    maskL = iota == 0
    lastc = jnp.minimum(16 * (N_CHUNK - 1) + iota, N_OUT - 1)
    himask = jnp.full((L,), -65536, jnp.int32)

    def fill_h(h, _):
        hs = jnp.full((L,), h, jnp.int32)
        vwh = plsc.load_gather(vw_v, [hs])
        for blk in blocks:
            for k in range(N_CHUNK - 1):
                blk[h, pl.ds(16 * k, 16)] = vwh
            plsc.store_scatter(blk, [hs, lastc], vwh, mask=maskL)
        return 0

    lax.fori_loop(0, HIDDEN, fill_h, 0, unroll=False)

    @pl.when(wid % W_PER_B == 0)
    def _():
        pltpu.sync_copy(blocks[0], out_hbm.at[b, :, 0, :])

    def idx_dma(t, p):
        return pltpu.make_async_copy(
            idx_hbm.at[pl.ds((b * N_NODE + i0 + t) * ROW_I, ROW_I)],
            idx_v.at[pl.ds(p * ROW_I, ROW_I)], sem_idx[p])

    def out_dma(t, p):
        return pltpu.make_async_copy(
            blocks[p], out_hbm.at[b, :, i0 + t + 1, :], sem_out[p])

    def compute(t, p):
        blk = blocks[p]
        base = p * ROW_I
        for k in range(N_CHUNK):
            jj = jnp.clip(16 * k + iota - 1, 0, N_NODE - 1)
            ci = base + jj * EDGE_FEAT
            a0 = plsc.load_gather(idx_v, [ci]) * HPAIRS
            a1 = plsc.load_gather(idx_v, [ci + 1]) * HPAIRS
            a2 = plsc.load_gather(idx_v, [ci + 2]) * HPAIRS

            def h_body(hp, _):
                hs = jnp.full((L,), hp, jnp.int32)
                g0 = plsc.load_gather(table_v, [a0 + hs])
                g1 = plsc.load_gather(table_v, [a1 + hs])
                g2 = plsc.load_gather(table_v, [a2 + hs])
                s = (plsc.bitcast(g0, jnp.bfloat16)
                     + plsc.bitcast(g1, jnp.bfloat16)
                     + plsc.bitcast(g2, jnp.bfloat16))
                sw = plsc.bitcast(s, jnp.int32)
                even = plsc.bitcast(lax.shift_left(sw, 16), jnp.float32)
                odd = plsc.bitcast(lax.bitwise_and(sw, himask), jnp.float32)
                h2 = hp + hp
                if k == 0:
                    plsc.store_scatter(blk, [hs + hs, iota], even, mask=mask0)
                    plsc.store_scatter(blk, [hs + hs + 1, iota], odd, mask=mask0)
                elif k == N_CHUNK - 1:
                    plsc.store_scatter(blk, [hs + hs, lastc], even, mask=maskL)
                    plsc.store_scatter(blk, [hs + hs + 1, lastc], odd, mask=maskL)
                else:
                    blk[h2, pl.ds(16 * k, 16)] = even
                    blk[h2 + 1, pl.ds(16 * k, 16)] = odd
                return 0

            lax.fori_loop(0, HPAIRS, h_body, 0, unroll=False)

    idx_dma(0, 0).start()

    def task_pair(t2, _):
        for p in (0, 1):
            t = t2 + t2 + p

            @pl.when(t + 1 < TASKS_PER_W)
            def _():
                idx_dma(t + 1, 1 - p).start()

            idx_dma(t, p).wait()

            @pl.when(t >= 2)
            def _():
                out_dma(t - 2, p).wait()

            compute(t, p)
            out_dma(t, p).start()
        return 0

    lax.fori_loop(0, TASKS_PER_W // 2, task_pair, 0, unroll=False)
    out_dma(TASKS_PER_W - 2, 0).wait()
    out_dma(TASKS_PER_W - 1, 1).wait()


@jax.jit
def _edge_feature_sc(idx_flat, tab_packed, vw_flat):
    mesh = plsc.VectorSubcoreMesh(core_axis_name="c", subcore_axis_name="s")
    return pl.kernel(
        _body,
        out_type=jax.ShapeDtypeStruct((BS, HIDDEN, N_OUT, N_OUT), jnp.float32),
        mesh=mesh,
        compiler_params=pltpu.CompilerParams(use_tc_tiling_on_sc=False,
                                             needs_layout_passes=False),
        scratch_types=[
            pltpu.VMEM((NUM_EDGES * HPAIRS,), jnp.int32),
            pltpu.VMEM((2 * ROW_I,), jnp.int32),
            [pltpu.VMEM((HIDDEN, N_OUT), jnp.float32) for _ in range(2)],
            pltpu.VMEM((HIDDEN,), jnp.float32),
            [pltpu.SemaphoreType.DMA for _ in range(2)],
            [pltpu.SemaphoreType.DMA for _ in range(2)],
        ],
    )(idx_flat, tab_packed, vw_flat)


def kernel(attn_edge_type, edge_weight, virtual_weight):
    idx_flat = attn_edge_type.reshape(-1)
    wb = lax.bitcast_convert_type(
        (edge_weight * (1.0 / 3.0)).astype(jnp.bfloat16), jnp.uint16)
    packed = lax.bitcast_convert_type(
        wb[:, 0::2].astype(jnp.uint32) | (wb[:, 1::2].astype(jnp.uint32) << 16),
        jnp.int32).reshape(-1)
    vw_flat = virtual_weight.reshape(-1)
    return _edge_feature_sc(idx_flat, packed, vw_flat)

# --- scband reference (transcript-rebuilt; emitter-appended) ---
"""Pipeline reference for scband-edge-feature-38663295599219 (READ-ONLY COPY).

The authoritative reference and input builder live on the scoring server;
editing this copy changes nothing except your own understanding.
"""

import jax, jax.numpy as jnp
import numpy as np

NUM_EDGES = 1536
HIDDEN = 32
BS = 8
N_NODE = 256
EDGE_FEAT = 3


def setup_inputs(seed: int = 0) -> dict:
    key = jax.random.key(seed)
    k1, k2, k3 = jax.random.split(key, 3)
    attn_edge_type = jax.random.randint(k1, (BS, N_NODE, N_NODE, EDGE_FEAT), 0, NUM_EDGES, dtype=jnp.int32)
    edge_weight = jax.random.normal(k2, (NUM_EDGES, HIDDEN), dtype=jnp.float32) * 0.02
    edge_weight = edge_weight.at[0].set(0.0)  # padding_idx=0
    virtual_weight = jax.random.normal(k3, (1, HIDDEN), dtype=jnp.float32) * 0.02
    return {"attn_edge_type": attn_edge_type, "edge_weight": edge_weight, "virtual_weight": virtual_weight}


def reference(attn_edge_type, edge_weight, virtual_weight):
    bs, n_node = attn_edge_type.shape[:2]
    hidden_dim = edge_weight.shape[1]
    # embedding lookup: [bs, n, n, edge_feat] -> [bs, n, n, edge_feat, hidden]
    edge_attr = jnp.take(edge_weight, attn_edge_type, axis=0)
    # mean over edge-feature dim, then permute to [bs, hidden, n, n]
    edge_attr = edge_attr.mean(-2).transpose(0, 3, 1, 2)
    graph_attn_bias = jnp.zeros((bs, hidden_dim, n_node + 1, n_node + 1), dtype=jnp.float32)
    graph_attn_bias = graph_attn_bias.at[:, :, 1:, 1:].add(edge_attr)
    t = virtual_weight.reshape(1, hidden_dim, 1)
    graph_attn_bias = graph_attn_bias.at[:, :, 1:, 0].add(t)
    graph_attn_bias = graph_attn_bias.at[:, :, 0, :].add(t)
    return graph_attn_bias

if __name__ == "__main__":
    import jax
    _d = setup_inputs()
    print(jax.jit(kernel)(*tuple(_d.values())))

</pallas_src>

<mosaic_0001>
#map = affine_map<(d0, d1) -> (0)>
#map1 = affine_map<(d0, d1) -> (0, 0, 0, 0)>
module attributes {stable_mosaic.version = 14 : i64} {
  func.func @_body(%arg0: i32, %arg1: i32, %arg2: memref<1572864xi32, #tpu.memory_space<hbm>>, %arg3: memref<24576xi32, #tpu.memory_space<hbm>>, %arg4: memref<32xf32, #tpu.memory_space<hbm>>, %arg5: memref<8x32x257x257xf32, #tpu.memory_space<hbm>>, %arg6: memref<24576xi32, #tpu.memory_space<vmem>>, %arg7: memref<1536xi32, #tpu.memory_space<vmem>>, %arg8: memref<32x257xf32, #tpu.memory_space<vmem>>, %arg9: memref<32x257xf32, #tpu.memory_space<vmem>>, %arg10: memref<32xf32, #tpu.memory_space<vmem>>, %arg11: memref<!tpu.dma_semaphore, #tpu.memory_space<semaphore_mem>>, %arg12: memref<!tpu.dma_semaphore, #tpu.memory_space<semaphore_mem>>, %arg13: memref<!tpu.dma_semaphore, #tpu.memory_space<semaphore_mem>>, %arg14: memref<!tpu.dma_semaphore, #tpu.memory_space<semaphore_mem>>) attributes {dimension_semantics = [#tpu.dimension_semantics<core_parallel>, #tpu.dimension_semantics<subcore_parallel>], iteration_bounds = array<i64: 2, 16>, scalar_prefetch = 0 : i64, scratch_operands = 9 : i64, tpu.core_type = #tpu.core_type<sc_vector_subcore>, window_params = [{transform_indices = #map}, {transform_indices = #map}, {transform_indices = #map}, {transform_indices = #map1}]} {
    %mul3A = arith.constant 2 : i32
    %mul3A_0 = arith.muli %arg1, %mul3A : i32
    %add3A = arith.addi %mul3A_0, %arg0 : i32
    %jit3A = arith.constant 4 : i32
    %div3A = arith.divsi %add3A, %jit3A : i32
    %sign3A = arith.constant 0 : i32
    %sign3A_1 = arith.cmpi sgt, %add3A, %sign3A : i32
    %sign3A_2 = arith.extui %sign3A_1 : i1 to i32
    %sign3A_3 = arith.constant 0 : i32
    %sign3A_4 = arith.cmpi slt, %add3A, %sign3A_3 : i32
    %sign3A_5 = arith.extui %sign3A_4 : i1 to i32
    %sign3A_6 = arith.subi %sign3A_2, %sign3A_5 : i32
    %sign3A_7 = arith.constant 0 : i32
    %sign3A_8 = arith.cmpi sgt, %jit3A, %sign3A_7 : i32
    %sign3A_9 = arith.extui %sign3A_8 : i1 to i32
    %sign3A_10 = arith.constant 0 : i32
    %sign3A_11 = arith.cmpi slt, %jit3A, %sign3A_10 : i32
    %sign3A_12 = arith.extui %sign3A_11 : i1 to i32
    %sign3A_13 = arith.subi %sign3A_9, %sign3A_12 : i32
    %ne3A = arith.cmpi ne, %sign3A_6, %sign3A_13 : i32
    %rem3A = arith.remsi %add3A, %jit3A : i32
    %ne3A_14 = arith.constant 0 : i32
    %ne3A_15 = arith.cmpi ne, %rem3A, %ne3A_14 : i32
    %and3A = arith.andi %ne3A, %ne3A_15 : i1
    %sub3A = arith.constant 1 : i32
    %sub3A_16 = arith.subi %div3A, %sub3A : i32
    %select_n3A = arith.select %and3A, %sub3A_16, %div3A : i32
    %jit3A_17 = arith.constant 4 : i32
    %eq3A = arith.constant 0 : i32
    %eq3A_18 = arith.cmpi eq, %jit3A_17, %eq3A : i32
    %jit3A_19 = arith.constant 1 : i32
    %select_n3A_20 = arith.select %eq3A_18, %jit3A_19, %jit3A_17 : i32
    %rem3A_21 = arith.remsi %add3A, %select_n3A_20 : i32
    %ne3A_22 = arith.constant 0 : i32
    %ne3A_23 = arith.cmpi ne, %rem3A_21, %ne3A_22 : i32
    %lt3A = arith.constant 0 : i32
    %lt3A_24 = arith.cmpi slt, %rem3A_21, %lt3A : i32
    %lt3A_25 = arith.constant 0 : i32
    %lt3A_26 = arith.cmpi slt, %select_n3A_20, %lt3A_25 : i32
    %ne3A_27 = arith.xori %lt3A_24, %lt3A_26 : i1
    %and3A_28 = arith.andi %ne3A_27, %ne3A_23 : i1
    %add3A_29 = arith.addi %rem3A_21, %select_n3A_20 : i32
    %select_n3A_30 = arith.select %and3A_28, %add3A_29, %rem3A_21 : i32
    %mul3A_31 = arith.constant 64 : i32
    %mul3A_32 = arith.muli %select_n3A_30, %mul3A_31 : i32
    "tpu.region"() ({
      %run_scoped3A = tpu.sem_alloc : memref<!tpu.dma_semaphore, #tpu.memory_space<semaphore_mem>>
      tpu.enqueue_dma source(%arg3 : memref<24576xi32, #tpu.memory_space<hbm>>) target(%arg6 : memref<24576xi32, #tpu.memory_space<vmem>>) target_semaphore(%run_scoped3A : memref<!tpu.dma_semaphore, #tpu.memory_space<semaphore_mem>>)
      tpu.wait_dma2 semaphore(%run_scoped3A : memref<!tpu.dma_semaphore, #tpu.memory_space<semaphore_mem>>) src(%arg3 : memref<24576xi32, #tpu.memory_space<hbm>>) dst(%arg6 : memref<24576xi32, #tpu.memory_space<vmem>>)
      tpu.yield
    }) : () -> ()
    "tpu.region"() ({
      %run_scoped3A = tpu.sem_alloc : memref<!tpu.dma_semaphore, #tpu.memory_space<semaphore_mem>>
      tpu.enqueue_dma source(%arg4 : memref<32xf32, #tpu.memory_space<hbm>>) target(%arg10 : memref<32xf32, #tpu.memory_space<vmem>>) target_semaphore(%run_scoped3A : memref<!tpu.dma_semaphore, #tpu.memory_space<semaphore_mem>>)
      tpu.wait_dma2 semaphore(%run_scoped3A : memref<!tpu.dma_semaphore, #tpu.memory_space<semaphore_mem>>) src(%arg4 : memref<32xf32, #tpu.memory_space<hbm>>) dst(%arg10 : memref<32xf32, #tpu.memory_space<vmem>>)
      tpu.yield
    }) : () -> ()
    %iota3A = tpu.iota {dimensions = array<i32: 0>} : vector<16xi32>
    %ge3A = arith.constant 1 : i32
    %ge3A_33 = vector.broadcast %ge3A : i32 to vector<16xi32>
    %ge3A_34 = arith.cmpi sge, %iota3A, %ge3A_33 : vector<16xi32>
    %eq3A_35 = arith.constant 0 : i32
    %eq3A_36 = vector.broadcast %eq3A_35 : i32 to vector<16xi32>
    %eq3A_37 = arith.cmpi eq, %iota3A, %eq3A_36 : vector<16xi32>
    %add3A_38 = arith.constant 256 : i32
    %add3A_39 = vector.broadcast %add3A_38 : i32 to vector<16xi32>
    %add3A_40 = arith.addi %add3A_39, %iota3A : vector<16xi32>
    %min3A = arith.constant 256 : i32
    %min3A_41 = vector.broadcast %min3A : i32 to vector<16xi32>
    %min3A_42 = arith.minsi %add3A_40, %min3A_41 : vector<16xi32>
    %broadcast_in_dim3A = arith.constant -65536 : i32
    %broadcast_in_dim3A_43 = vector.broadcast %broadcast_in_dim3A : i32 to vector<16xi32>
    %scan3A = arith.constant 0 : i32
    %scan3A_44 = arith.constant 0 : i32
    %scan3A_45 = arith.constant 32 : i32
    %scan3A_46 = arith.addi %scan3A_44, %scan3A_45 : i32
    %scan3A_47 = arith.constant 1 : i32
    %scan3A_48 = scf.for %scan3A_111 = %scan3A_44 to %scan3A_46 step %scan3A_47 iter_args(%scan3A_112 = %scan3A) -> (i32)  : i32 {
      %broadcast_in_dim3A_113 = vector.broadcast %scan3A_111 : i32 to vector<16xi32>
      %gather3A = tpu.vector_load_idx %arg10[%broadcast_in_dim3A_113] : memref<32xf32, #tpu.memory_space<vmem>>[vector<16xi32>], vector<16xf32>,
      %swap3A = arith.index_cast %scan3A_111 : i32 to index
      %swap3A_114 = arith.constant 0 : index
      %swap3A_115 = tpu.vector_load %arg8[%swap3A, %swap3A_114] {strides = array<i32>} : memref<32x257xf32, #tpu.memory_space<vmem>>, vector<16xf32>,
      tpu.vector_store %arg8[%swap3A, %swap3A_114], %gather3A {strides = array<i32>} : memref<32x257xf32, #tpu.memory_space<vmem>>, vector<16xf32>,
      %swap3A_116 = arith.index_cast %scan3A_111 : i32 to index
      %swap3A_117 = arith.constant 16 : index
      %swap3A_118 = tpu.vector_load %arg8[%swap3A_116, %swap3A_117] {strides = array<i32>} : memref<32x257xf32, #tpu.memory_space<vmem>>, vector<16xf32>,
      tpu.vector_store %arg8[%swap3A_116, %swap3A_117], %gather3A {strides = array<i32>} : memref<32x257xf32, #tpu.memory_space<vmem>>, vector<16xf32>,
      %swap3A_119 = arith.index_cast %scan3A_111 : i32 to index
      %swap3A_120 = arith.constant 32 : index
      %swap3A_121 = tpu.vector_load %arg8[%swap3A_119, %swap3A_120] {strides = array<i32>} : memref<32x257xf32, #tpu.memory_space<vmem>>, vector<16xf32>,
      tpu.vector_store %arg8[%swap3A_119, %swap3A_120], %gather3A {strides = array<i32>} : memref<32x257xf32, #tpu.memory_space<vmem>>, vector<16xf32>,
      %swap3A_122 = arith.index_cast %scan3A_111 : i32 to index
      %swap3A_123 = arith.constant 48 : index
      %swap3A_124 = tpu.vector_load %arg8[%swap3A_122, %swap3A_123] {strides = array<i32>} : memref<32x257xf32, #tpu.memory_space<vmem>>, vector<16xf32>,
      tpu.vector_store %arg8[%swap3A_122, %swap3A_123], %gather3A {strides = array<i32>} : memref<32x257xf32, #tpu.memory_space<vmem>>, vector<16xf32>,
      %swap3A_125 = arith.index_cast %scan3A_111 : i32 to index
      %swap3A_126 = arith.constant 64 : index
      %swap3A_127 = tpu.vector_load %arg8[%swap3A_125, %swap3A_126] {strides = array<i32>} : memref<32x257xf32, #tpu.memory_space<vmem>>, vector<16xf32>,
      tpu.vector_store %arg8[%swap3A_125, %swap3A_126], %gather3A {strides = array<i32>} : memref<32x257xf32, #tpu.memory_space<vmem>>, vector<16xf32>,
      %swap3A_128 = arith.index_cast %scan3A_111 : i32 to index
      %swap3A_129 = arith.constant 80 : index
      %swap3A_130 = tpu.vector_load %arg8[%swap3A_128, %swap3A_129] {strides = array<i32>} : memref<32x257xf32, #tpu.memory_space<vmem>>, vector<16xf32>,
      tpu.vector_store %arg8[%swap3A_128, %swap3A_129], %gather3A {strides = array<i32>} : memref<32x257xf32, #tpu.memory_space<vmem>>, vector<16xf32>,
      %swap3A_131 = arith.index_cast %scan3A_111 : i32 to index
      %swap3A_132 = arith.constant 96 : index
      %swap3A_133 = tpu.vector_load %arg8[%swap3A_131, %swap3A_132] {strides = array<i32>} : memref<32x257xf32, #tpu.memory_space<vmem>>, vector<16xf32>,
      tpu.vector_store %arg8[%swap3A_131, %swap3A_132], %gather3A {strides = array<i32>} : memref<32x257xf32, #tpu.memory_space<vmem>>, vector<16xf32>,
      %swap3A_134 = arith.index_cast %scan3A_111 : i32 to index
      %swap3A_135 = arith.constant 112 : index
      %swap3A_136 = tpu.vector_load %arg8[%swap3A_134, %swap3A_135] {strides = array<i32>} : memref<32x257xf32, #tpu.memory_space<vmem>>, vector<16xf32>,
      tpu.vector_store %arg8[%swap3A_134, %swap3A_135], %gather3A {strides = array<i32>} : memref<32x257xf32, #tpu.memory_space<vmem>>, vector<16xf32>,
      %swap3A_137 = arith.index_cast %scan3A_111 : i32 to index
      %swap3A_138 = arith.constant 128 : index
      %swap3A_139 = tpu.vector_load %arg8[%swap3A_137, %swap3A_138] {strides = array<i32>} : memref<32x257xf32, #tpu.memory_space<vmem>>, vector<16xf32>,
      tpu.vector_store %arg8[%swap3A_137, %swap3A_138], %gather3A {strides = array<i32>} : memref<32x257xf32, #tpu.memory_space<vmem>>, vector<16xf32>,
      %swap3A_140 = arith.index_cast %scan3A_111 : i32 to index
      %swap3A_141 = arith.constant 144 : index
      %swap3A_142 = tpu.vector_load %arg8[%swap3A_140, %swap3A_141] {strides = array<i32>} : memref<32x257xf32, #tpu.memory_space<vmem>>, vector<16xf32>,
      tpu.vector_store %arg8[%swap3A_140, %swap3A_141], %gather3A {strides = array<i32>} : memref<32x257xf32, #tpu.memory_space<vmem>>, vector<16xf32>,
      %swap3A_143 = arith.index_cast %scan3A_111 : i32 to index
      %swap3A_144 = arith.constant 160 : index
      %swap3A_145 = tpu.vector_load %arg8[%swap3A_143, %swap3A_144] {strides = array<i32>} : memref<32x257xf32, #tpu.memory_space<vmem>>, vector<16xf32>,
      tpu.vector_store %arg8[%swap3A_143, %swap3A_144], %gather3A {strides = array<i32>} : memref<32x257xf32, #tpu.memory_space<vmem>>, vector<16xf32>,
      %swap3A_146 = arith.index_cast %scan3A_111 : i32 to index
      %swap3A_147 = arith.constant 176 : index
      %swap3A_148 = tpu.vector_load %arg8[%swap3A_146, %swap3A_147] {strides = array<i32>} : memref<32x257xf32, #tpu.memory_space<vmem>>, vector<16xf32>,
      tpu.vector_store %arg8[%swap3A_146, %swap3A_147], %gather3A {strides = array<i32>} : memref<32x257xf32, #tpu.memory_space<vmem>>, vector<16xf32>,
      %swap3A_149 = arith.index_cast %scan3A_111 : i32 to index
      %swap3A_150 = arith.constant 192 : index
      %swap3A_151 = tpu.vector_load %arg8[%swap3A_149, %swap3A_150] {strides = array<i32>} : memref<32x257xf32, #tpu.memory_space<vmem>>, vector<16xf32>,
      tpu.vector_store %arg8[%swap3A_149, %swap3A_150], %gather3A {strides = array<i32>} : memref<32x257xf32, #tpu.memory_space<vmem>>, vector<16xf32>,
      %swap3A_152 = arith.index_cast %scan3A_111 : i32 to index
      %swap3A_153 = arith.constant 208 : index
      %swap3A_154 = tpu.vector_load %arg8[%swap3A_152, %swap3A_153] {strides = array<i32>} : memref<32x257xf32, #tpu.memory_space<vmem>>, vector<16xf32>,
      tpu.vector_store %arg8[%swap3A_152, %swap3A_153], %gather3A {strides = array<i32>} : memref<32x257xf32, #tpu.memory_space<vmem>>, vector<16xf32>,
      %swap3A_155 = arith.index_cast %scan3A_111 : i32 to index
      %swap3A_156 = arith.constant 224 : index
      %swap3A_157 = tpu.vector_load %arg8[%swap3A_155, %swap3A_156] {strides = array<i32>} : memref<32x257xf32, #tpu.memory_space<vmem>>, vector<16xf32>,
      tpu.vector_store %arg8[%swap3A_155, %swap3A_156], %gather3A {strides = array<i32>} : memref<32x257xf32, #tpu.memory_space<vmem>>, vector<16xf32>,
      %swap3A_158 = arith.index_cast %scan3A_111 : i32 to index
      %swap3A_159 = arith.constant 240 : index
      %swap3A_160 = tpu.vector_load %arg8[%swap3A_158, %swap3A_159] {strides = array<i32>} : memref<32x257xf32, #tpu.memory_space<vmem>>, vector<16xf32>,
      tpu.vector_store %arg8[%swap3A_158, %swap3A_159], %gather3A {strides = array<i32>} : memref<32x257xf32, #tpu.memory_space<vmem>>, vector<16xf32>,
      tpu.vector_store_idx %arg8[%broadcast_in_dim3A_113, %min3A_42], %gather3A masked %eq3A_37 : memref<32x257xf32, #tpu.memory_space<vmem>>[vector<16xi32>, vector<16xi32>], vector<16xf32>, vector<16xi1>
      %swap3A_161 = arith.index_cast %scan3A_111 : i32 to index
      %swap3A_162 = arith.constant 0 : index
      %swap3A_163 = tpu.vector_load %arg9[%swap3A_161, %swap3A_162] {strides = array<i32>} : memref<32x257xf32, #tpu.memory_space<vmem>>, vector<16xf32>,
      tpu.vector_store %arg9[%swap3A_161, %swap3A_162], %gather3A {strides = array<i32>} : memref<32x257xf32, #tpu.memory_space<vmem>>, vector<16xf32>,
      %swap3A_164 = arith.index_cast %scan3A_111 : i32 to index
      %swap3A_165 = arith.constant 16 : index
      %swap3A_166 = tpu.vector_load %arg9[%swap3A_164, %swap3A_165] {strides = array<i32>} : memref<32x257xf32, #tpu.memory_space<vmem>>, vector<16xf32>,
      tpu.vector_store %arg9[%swap3A_164, %swap3A_165], %gather3A {strides = array<i32>} : memref<32x257xf32, #tpu.memory_space<vmem>>, vector<16xf32>,
      %swap3A_167 = arith.index_cast %scan3A_111 : i32 to index
      %swap3A_168 = arith.constant 32 : index
      %swap3A_169 = tpu.vector_load %arg9[%swap3A_167, %swap3A_168] {strides = array<i32>} : memref<32x257xf32, #tpu.memory_space<vmem>>, vector<16xf32>,
      tpu.vector_store %arg9[%swap3A_167, %swap3A_168], %gather3A {strides = array<i32>} : memref<32x257xf32, #tpu.memory_space<vmem>>, vector<16xf32>,
      %swap3A_170 = arith.index_cast %scan3A_111 : i32 to index
      %swap3A_171 = arith.constant 48 : index
      %swap3A_172 = tpu.vector_load %arg9[%swap3A_170, %swap3A_171] {strides = array<i32>} : memref<32x257xf32, #tpu.memory_space<vmem>>, vector<16xf32>,
      tpu.vector_store %arg9[%swap3A_170, %swap3A_171], %gather3A {strides = array<i32>} : memref<32x257xf32, #tpu.memory_space<vmem>>, vector<16xf32>,
      %swap3A_173 = arith.index_cast %scan3A_111 : i32 to index
      %swap3A_174 = arith.constant 64 : index
      %swap3A_175 = tpu.vector_load %arg9[%swap3A_173, %swap3A_174] {strides = array<i32>} : memref<32x257xf32, #tpu.memory_space<vmem>>, vector<16xf32>,
      tpu.vector_store %arg9[%swap3A_173, %swap3A_174], %gather3A {strides = array<i32>} : memref<32x257xf32, #tpu.memory_space<vmem>>, vector<16xf32>,
      %swap3A_176 = arith.index_cast %scan3A_111 : i32 to index
      %swap3A_177 = arith.constant 80 : index
      %swap3A_178 = tpu.vector_load %arg9[%swap3A_176, %swap3A_177] {strides = array<i32>} : memref<32x257xf32, #tpu.memory_space<vmem>>, vector<16xf32>,
      tpu.vector_store %arg9[%swap3A_176, %swap3A_177], %gather3A {strides = array<i32>} : memref<32x257xf32, #tpu.memory_space<vmem>>, vector<16xf32>,
      %swap3A_179 = arith.index_cast %scan3A_111 : i32 to index
      %swap3A_180 = arith.constant 96 : index
      %swap3A_181 = tpu.vector_load %arg9[%swap3A_179, %swap3A_180] {strides = array<i32>} : memref<32x257xf32, #tpu.memory_space<vmem>>, vector<16xf32>,
      tpu.vector_store %arg9[%swap3A_179, %swap3A_180], %gather3A {strides = array<i32>} : memref<32x257xf32, #tpu.memory_space<vmem>>, vector<16xf32>,
      %swap3A_182 = arith.index_cast %scan3A_111 : i32 to index
      %swap3A_183 = arith.constant 112 : index
      %swap3A_184 = tpu.vector_load %arg9[%swap3A_182, %swap3A_183] {strides = array<i32>} : memref<32x257xf32, #tpu.memory_space<vmem>>, vector<16xf32>,
      tpu.vector_store %arg9[%swap3A_182, %swap3A_183], %gather3A {strides = array<i32>} : memref<32x257xf32, #tpu.memory_space<vmem>>, vector<16xf32>,
      %swap3A_185 = arith.index_cast %scan3A_111 : i32 to index
      %swap3A_186 = arith.constant 128 : index
      %swap3A_187 = tpu.vector_load %arg9[%swap3A_185, %swap3A_186] {strides = array<i32>} : memref<32x257xf32, #tpu.memory_space<vmem>>, vector<16xf32>,
      tpu.vector_store %arg9[%swap3A_185, %swap3A_186], %gather3A {strides = array<i32>} : memref<32x257xf32, #tpu.memory_space<vmem>>, vector<16xf32>,
      %swap3A_188 = arith.index_cast %scan3A_111 : i32 to index
      %swap3A_189 = arith.constant 144 : index
      %swap3A_190 = tpu.vector_load %arg9[%swap3A_188, %swap3A_189] {strides = array<i32>} : memref<32x257xf32, #tpu.memory_space<vmem>>, vector<16xf32>,
      tpu.vector_store %arg9[%swap3A_188, %swap3A_189], %gather3A {strides = array<i32>} : memref<32x257xf32, #tpu.memory_space<vmem>>, vector<16xf32>,
      %swap3A_191 = arith.index_cast %scan3A_111 : i32 to index
      %swap3A_192 = arith.constant 160 : index
      %swap3A_193 = tpu.vector_load %arg9[%swap3A_191, %swap3A_192] {strides = array<i32>} : memref<32x257xf32, #tpu.memory_space<vmem>>, vector<16xf32>,
      tpu.vector_store %arg9[%swap3A_191, %swap3A_192], %gather3A {strides = array<i32>} : memref<32x257xf32, #tpu.memory_space<vmem>>, vector<16xf32>,
      %swap3A_194 = arith.index_cast %scan3A_111 : i32 to index
      %swap3A_195 = arith.constant 176 : index
      %swap3A_196 = tpu.vector_load %arg9[%swap3A_194, %swap3A_195] {strides = array<i32>} : memref<32x257xf32, #tpu.memory_space<vmem>>, vector<16xf32>,
      tpu.vector_store %arg9[%swap3A_194, %swap3A_195], %gather3A {strides = array<i32>} : memref<32x257xf32, #tpu.memory_space<vmem>>, vector<16xf32>,
      %swap3A_197 = arith.index_cast %scan3A_111 : i32 to index
      %swap3A_198 = arith.constant 192 : index
      %swap3A_199 = tpu.vector_load %arg9[%swap3A_197, %swap3A_198] {strides = array<i32>} : memref<32x257xf32, #tpu.memory_space<vmem>>, vector<16xf32>,
      tpu.vector_store %arg9[%swap3A_197, %swap3A_198], %gather3A {strides = array<i32>} : memref<32x257xf32, #tpu.memory_space<vmem>>, vector<16xf32>,
      %swap3A_200 = arith.index_cast %scan3A_111 : i32 to index
      %swap3A_201 = arith.constant 208 : index
      %swap3A_202 = tpu.vector_load %arg9[%swap3A_200, %swap3A_201] {strides = array<i32>} : memref<32x257xf32, #tpu.memory_space<vmem>>, vector<16xf32>,
      tpu.vector_store %arg9[%swap3A_200, %swap3A_201], %gather3A {strides = array<i32>} : memref<32x257xf32, #tpu.memory_space<vmem>>, vector<16xf32>,
      %swap3A_203 = arith.index_cast %scan3A_111 : i32 to index
      %swap3A_204 = arith.constant 224 : index
      %swap3A_205 = tpu.vector_load %arg9[%swap3A_203, %swap3A_204] {strides = array<i32>} : memref<32x257xf32, #tpu.memory_space<vmem>>, vector<16xf32>,
      tpu.vector_store %arg9[%swap3A_203, %swap3A_204], %gather3A {strides = array<i32>} : memref<32x257xf32, #tpu.memory_space<vmem>>, vector<16xf32>,
      %swap3A_206 = arith.index_cast %scan3A_111 : i32 to index
      %swap3A_207 = arith.constant 240 : index
      %swap3A_208 = tpu.vector_load %arg9[%swap3A_206, %swap3A_207] {strides = array<i32>} : memref<32x257xf32, #tpu.memory_space<vmem>>, vector<16xf32>,
      tpu.vector_store %arg9[%swap3A_206, %swap3A_207], %gather3A {strides = array<i32>} : memref<32x257xf32, #tpu.memory_space<vmem>>, vector<16xf32>,
      tpu.vector_store_idx %arg9[%broadcast_in_dim3A_113, %min3A_42], %gather3A masked %eq3A_37 : memref<32x257xf32, #tpu.memory_space<vmem>>[vector<16xi32>, vector<16xi32>], vector<16xf32>, vector<16xi1>
      %scan3A_209 = arith.constant 0 : i32
      scf.yield %scan3A_209 : i32
    }
    %scan3A_49 = arith.constant 32 : i32
    %jit3A_50 = arith.constant 4 : i32
    %eq3A_51 = arith.constant 0 : i32
    %eq3A_52 = arith.cmpi eq, %jit3A_50, %eq3A_51 : i32
    %jit3A_53 = arith.constant 1 : i32
    %select_n3A_54 = arith.select %eq3A_52, %jit3A_53, %jit3A_50 : i32
    %rem3A_55 = arith.remsi %add3A, %select_n3A_54 : i32
    %ne3A_56 = arith.constant 0 : i32
    %ne3A_57 = arith.cmpi ne, %rem3A_55, %ne3A_56 : i32
    %lt3A_58 = arith.constant 0 : i32
    %lt3A_59 = arith.cmpi slt, %rem3A_55, %lt3A_58 : i32
    %lt3A_60 = arith.constant 0 : i32
    %lt3A_61 = arith.cmpi slt, %select_n3A_54, %lt3A_60 : i32
    %ne3A_62 = arith.xori %lt3A_59, %lt3A_61 : i1
    %and3A_63 = arith.andi %ne3A_62, %ne3A_57 : i1
    %add3A_64 = arith.addi %rem3A_55, %select_n3A_54 : i32
    %select_n3A_65 = arith.select %and3A_63, %add3A_64, %rem3A_55 : i32
    %eq3A_66 = arith.constant 0 : i32
    %eq3A_67 = arith.cmpi eq, %select_n3A_65, %eq3A_66 : i32
    %convert_element_type3A = arith.extui %eq3A_67 : i1 to i32
    %cond3A = arith.constant 0 : i32
    %cond3A_68 = arith.cmpi ne, %convert_element_type3A, %cond3A : i32
    scf.if %cond3A_68 {
      %run_scoped3A = arith.constant 0 : i32
      "tpu.region"() ({
        %run_scoped3A_111 = tpu.sem_alloc : memref<!tpu.dma_semaphore, #tpu.memory_space<semaphore_mem>>
        %dma_start3A_112 = arith.constant 0 : i32
        %dma_start3A_113 = arith.constant 0 : i32
        %dma_start3A_114 = tpu.memref_slice %arg5[%select_n3A, %dma_start3A_112, %run_scoped3A, %dma_start3A_113] : memref<8x32x257x257xf32, #tpu.memory_space<hbm>> -> memref<1x32x1x257xf32, #tpu.memory_space<hbm>>
        %dma_start3A_115 = tpu.memref_squeeze %dma_start3A_114 : memref<1x32x1x257xf32, #tpu.memory_space<hbm>> -> memref<32x257xf32, #tpu.memory_space<hbm>>
        %dma_start3A_116 = arith.constant 0 : i32
        %dma_start3A_117 = arith.constant 0 : i32
        %dma_start3A_118 = tpu.memref_slice %arg5[%select_n3A, %dma_start3A_116, %run_scoped3A, %dma_start3A_117] : memref<8x32x257x257xf32, #tpu.memory_space<hbm>> -> memref<1x32x1x257xf32, #tpu.memory_space<hbm>>
        %dma_start3A_119 = tpu.memref_squeeze %dma_start3A_118 : memref<1x32x1x257xf32, #tpu.memory_space<hbm>> -> memref<32x257xf32, #tpu.memory_space<hbm>>
        tpu.enqueue_dma source(%arg8 : memref<32x257xf32, #tpu.memory_space<vmem>>) target(%dma_start3A_119 : memref<32x257xf32, #tpu.memory_space<hbm>>) target_semaphore(%run_scoped3A_111 : memref<!tpu.dma_semaphore, #tpu.memory_space<semaphore_mem>>)
        %dma_wait3A_120 = arith.constant 0 : i32
        %dma_wait3A_121 = arith.constant 0 : i32
        %dma_wait3A_122 = tpu.memref_slice %arg5[%select_n3A, %dma_wait3A_120, %run_scoped3A, %dma_wait3A_121] : memref<8x32x257x257xf32, #tpu.memory_space<hbm>> -> memref<1x32x1x257xf32, #tpu.memory_space<hbm>>
        %dma_wait3A_123 = tpu.memref_squeeze %dma_wait3A_122 : memref<1x32x1x257xf32, #tpu.memory_space<hbm>> -> memref<32x257xf32, #tpu.memory_space<hbm>>
        %dma_wait3A_124 = arith.constant 0 : i32
        %dma_wait3A_125 = arith.constant 0 : i32
        %dma_wait3A_126 = tpu.memref_slice %arg5[%select_n3A, %dma_wait3A_124, %run_scoped3A, %dma_wait3A_125] : memref<8x32x257x257xf32, #tpu.memory_space<hbm>> -> memref<1x32x1x257xf32, #tpu.memory_space<hbm>>
        %dma_wait3A_127 = tpu.memref_squeeze %dma_wait3A_126 : memref<1x32x1x257xf32, #tpu.memory_space<hbm>> -> memref<32x257xf32, #tpu.memory_space<hbm>>
        tpu.wait_dma2 semaphore(%run_scoped3A_111 : memref<!tpu.dma_semaphore, #tpu.memory_space<semaphore_mem>>) src(%arg8 : memref<32x257xf32, #tpu.memory_space<vmem>>) dst(%dma_wait3A_127 : memref<32x257xf32, #tpu.memory_space<hbm>>)
        tpu.yield
      }) : () -> ()
    } else {
    }
    %mul3A_69 = arith.constant 256 : i32
    %mul3A_70 = arith.muli %select_n3A, %mul3A_69 : i32
    %add3A_71 = arith.addi %mul3A_70, %mul3A_32 : i32
    %add3A_72 = arith.constant 0 : i32
    %add3A_73 = arith.addi %add3A_71, %add3A_72 : i32
    %mul3A_74 = arith.constant 768 : i32
    %mul3A_75 = arith.muli %add3A_73, %mul3A_74 : i32
    %dma_start3A = arith.constant 0 : i32
    %dma_start3A_76 = tpu.memref_slice %arg7[%dma_start3A] : memref<1536xi32, #tpu.memory_space<vmem>> -> memref<768xi32, #tpu.memory_space<vmem>>
    %dma_start3A_77 = tpu.memref_slice %arg2[%mul3A_75] : memref<1572864xi32, #tpu.memory_space<hbm>> -> memref<768xi32, #tpu.memory_space<hbm>>
    %dma_start3A_78 = arith.constant 0 : i32
    %dma_start3A_79 = tpu.memref_slice %arg7[%dma_start3A_78] : memref<1536xi32, #tpu.memory_space<vmem>> -> memref<768xi32, #tpu.memory_space<vmem>>
    %dma_start3A_80 = tpu.memref_slice %arg2[%mul3A_75] : memref<1572864xi32, #tpu.memory_space<hbm>> -> memref<768xi32, #tpu.memory_space<hbm>>
    tpu.enqueue_dma source(%dma_start3A_80 : memref<768xi32, #tpu.memory_space<hbm>>) target(%dma_start3A_79 : memref<768xi32, #tpu.memory_space<vmem>>) target_semaphore(%arg11 : memref<!tpu.dma_semaphore, #tpu.memory_space<semaphore_mem>>)
    %scan3A_81 = arith.constant 0 : i32
    %scan3A_82 = arith.constant 0 : i32
    %scan3A_83 = arith.constant 32 : i32
    %scan3A_84 = arith.addi %scan3A_82, %scan3A_83 : i32
    %scan3A_85 = arith.constant 1 : i32
    %scan3A_86 = scf.for %scan3A_111 = %scan3A_82 to %scan3A_84 step %scan3A_85 iter_args(%scan3A_112 = %scan3A_81) -> (i32)  : i32 {
      %add3A_113 = arith.addi %scan3A_111, %scan3A_111 : i32
      %add3A_114 = arith.constant 0 : i32
      %add3A_115 = arith.addi %add3A_113, %add3A_114 : i32
      %add3A_116 = arith.constant 1 : i32
      %add3A_117 = arith.addi %add3A_115, %add3A_116 : i32
      %lt3A_118 = arith.constant 64 : i32
      %lt3A_119 = arith.cmpi slt, %add3A_117, %lt3A_118 : i32
      %convert_element_type3A_120 = arith.extui %lt3A_119 : i1 to i32
      %cond3A_121 = arith.constant 0 : i32
      %cond3A_122 = arith.cmpi ne, %convert_element_type3A_120, %cond3A_121 : i32
      scf.if %cond3A_122 {
        %add3A_1650 = arith.constant 1 : i32
        %add3A_1651 = arith.addi %add3A_115, %add3A_1650 : i32
        %mul3A_1652 = arith.constant 256 : i32
        %mul3A_1653 = arith.muli %select_n3A, %mul3A_1652 : i32
        %add3A_1654 = arith.addi %mul3A_1653, %mul3A_32 : i32
        %add3A_1655 = arith.addi %add3A_1654, %add3A_1651 : i32
        %mul3A_1656 = arith.constant 768 : i32
        %mul3A_1657 = arith.muli %add3A_1655, %mul3A_1656 : i32
        %dma_start3A_1658 = arith.constant 768 : i32
        %dma_start3A_1659 = tpu.memref_slice %arg7[%dma_start3A_1658] : memref<1536xi32, #tpu.memory_space<vmem>> -> memref<768xi32, #tpu.memory_space<vmem>>
        %dma_start3A_1660 = tpu.memref_slice %arg2[%mul3A_1657] : memref<1572864xi32, #tpu.memory_space<hbm>> -> memref<768xi32, #tpu.memory_space<hbm>>
        %dma_start3A_1661 = arith.constant 768 : i32
        %dma_start3A_1662 = tpu.memref_slice %arg7[%dma_start3A_1661] : memref<1536xi32, #tpu.memory_space<vmem>> -> memref<768xi32, #tpu.memory_space<vmem>>
        %dma_start3A_1663 = tpu.memref_slice %arg2[%mul3A_1657] : memref<1572864xi32, #tpu.memory_space<hbm>> -> memref<768xi32, #tpu.memory_space<hbm>>
        tpu.enqueue_dma source(%dma_start3A_1663 : memref<768xi32, #tpu.memory_space<hbm>>) target(%dma_start3A_1662 : memref<768xi32, #tpu.memory_space<vmem>>) target_semaphore(%arg12 : memref<!tpu.dma_semaphore, #tpu.memory_space<semaphore_mem>>)
      } else {
      }
      %mul3A_123 = arith.constant 256 : i32
      %mul3A_124 = arith.muli %select_n3A, %mul3A_123 : i32
      %add3A_125 = arith.addi %mul3A_124, %mul3A_32 : i32
      %add3A_126 = arith.addi %add3A_125, %add3A_115 : i32
      %mul3A_127 = arith.constant 768 : i32
      %mul3A_128 = arith.muli %add3A_126, %mul3A_127 : i32
      %dma_wait3A_129 = arith.constant 0 : i32
      %dma_wait3A_130 = tpu.memref_slice %arg7[%dma_wait3A_129] : memref<1536xi32, #tpu.memory_space<vmem>> -> memref<768xi32, #tpu.memory_space<vmem>>
      %dma_wait3A_131 = tpu.memref_slice %arg2[%mul3A_128] : memref<1572864xi32, #tpu.memory_space<hbm>> -> memref<768xi32, #tpu.memory_space<hbm>>
      %dma_wait3A_132 = arith.constant 0 : i32
      %dma_wait3A_133 = tpu.memref_slice %arg7[%dma_wait3A_132] : memref<1536xi32, #tpu.memory_space<vmem>> -> memref<768xi32, #tpu.memory_space<vmem>>
      %dma_wait3A_134 = tpu.memref_slice %arg2[%mul3A_128] : memref<1572864xi32, #tpu.memory_space<hbm>> -> memref<768xi32, #tpu.memory_space<hbm>>
      tpu.wait_dma2 semaphore(%arg11 : memref<!tpu.dma_semaphore, #tpu.memory_space<semaphore_mem>>) src(%dma_wait3A_134 : memref<768xi32, #tpu.memory_space<hbm>>) dst(%dma_wait3A_133 : memref<768xi32, #tpu.memory_space<vmem>>)
      %ge3A_135 = arith.constant 2 : i32
      %ge3A_136 = arith.cmpi sge, %add3A_115, %ge3A_135 : i32
      %convert_element_type3A_137 = arith.extui %ge3A_136 : i1 to i32
      %cond3A_138 = arith.constant 0 : i32
      %cond3A_139 = arith.cmpi ne, %convert_element_type3A_137, %cond3A_138 : i32
      scf.if %cond3A_139 {
        %sub3A_1650 = arith.constant 2 : i32
        %sub3A_1651 = arith.subi %add3A_115, %sub3A_1650 : i32
        %add3A_1652 = arith.addi %mul3A_32, %sub3A_1651 : i32
        %add3A_1653 = arith.constant 1 : i32
        %add3A_1654 = arith.addi %add3A_1652, %add3A_1653 : i32
        %dma_wait3A_1655 = arith.constant 0 : i32
        %dma_wait3A_1656 = arith.constant 0 : i32
        %dma_wait3A_1657 = tpu.memref_slice %arg5[%select_n3A, %dma_wait3A_1655, %add3A_1654, %dma_wait3A_1656] : memref<8x32x257x257xf32, #tpu.memory_space<hbm>> -> memref<1x32x1x257xf32, #tpu.memory_space<hbm>>
        %dma_wait3A_1658 = tpu.memref_squeeze %dma_wait3A_1657 : memref<1x32x1x257xf32, #tpu.memory_space<hbm>> -> memref<32x257xf32, #tpu.memory_space<hbm>>
        %dma_wait3A_1659 = arith.constant 0 : i32
        %dma_wait3A_1660 = arith.constant 0 : i32
        %dma_wait3A_1661 = tpu.memref_slice %arg5[%select_n3A, %dma_wait3A_1659, %add3A_1654, %dma_wait3A_1660] : memref<8x32x257x257xf32, #tpu.memory_space<hbm>> -> memref<1x32x1x257xf32, #tpu.memory_space<hbm>>
        %dma_wait3A_1662 = tpu.memref_squeeze %dma_wait3A_1661 : memref<1x32x1x257xf32, #tpu.memory_space<hbm>> -> memref<32x257xf32, #tpu.memory_space<hbm>>
        tpu.wait_dma2 semaphore(%arg13 : memref<!tpu.dma_semaphore, #tpu.memory_space<semaphore_mem>>) src(%arg8 : memref<32x257xf32, #tpu.memory_space<vmem>>) dst(%dma_wait3A_1662 : memref<32x257xf32, #tpu.memory_space<hbm>>)
      } else {
      }
      %add3A_140 = arith.constant 0 : i32
      %add3A_141 = vector.broadcast %add3A_140 : i32 to vector<16xi32>
      %add3A_142 = arith.addi %add3A_141, %iota3A : vector<16xi32>
      %sub3A_143 = arith.constant 1 : i32
      %sub3A_144 = vector.broadcast %sub3A_143 : i32 to vector<16xi32>
      %sub3A_145 = arith.subi %add3A_142, %sub3A_144 : vector<16xi32>
      %jit3A_146 = arith.constant 0 : i32
      %jit3A_147 = arith.constant 255 : i32
      %max3A = vector.broadcast %jit3A_146 : i32 to vector<16xi32>
      %max3A_148 = arith.maxsi %max3A, %sub3A_145 : vector<16xi32>
      %min3A_149 = vector.broadcast %jit3A_147 : i32 to vector<16xi32>
      %min3A_150 = arith.minsi %min3A_149, %max3A_148 : vector<16xi32>
      %mul3A_151 = arith.constant 3 : i32
      %mul3A_152 = vector.broadcast %mul3A_151 : i32 to vector<16xi32>
      %mul3A_153 = arith.muli %min3A_150, %mul3A_152 : vector<16xi32>
      %add3A_154 = arith.constant 0 : i32
      %add3A_155 = vector.broadcast %add3A_154 : i32 to vector<16xi32>
      %add3A_156 = arith.addi %add3A_155, %mul3A_153 : vector<16xi32>
      %gather3A = tpu.vector_load_idx %arg7[%add3A_156] : memref<1536xi32, #tpu.memory_space<vmem>>[vector<16xi32>], vector<16xi32>,
      %mul3A_157 = arith.constant 16 : i32
      %mul3A_158 = vector.broadcast %mul3A_157 : i32 to vector<16xi32>
      %mul3A_159 = arith.muli %gather3A, %mul3A_158 : vector<16xi32>
      %add3A_160 = arith.constant 1 : i32
      %add3A_161 = vector.broadcast %add3A_160 : i32 to vector<16xi32>
      %add3A_162 = arith.addi %add3A_156, %add3A_161 : vector<16xi32>
      %gather3A_163 = tpu.vector_load_idx %arg7[%add3A_162] : memref<1536xi32, #tpu.memory_space<vmem>>[vector<16xi32>], vector<16xi32>,
      %mul3A_164 = arith.constant 16 : i32
      %mul3A_165 = vector.broadcast %mul3A_164 : i32 to vector<16xi32>
      %mul3A_166 = arith.muli %gather3A_163, %mul3A_165 : vector<16xi32>
      %add3A_167 = arith.constant 2 : i32
      %add3A_168 = vector.broadcast %add3A_167 : i32 to vector<16xi32>
      %add3A_169 = arith.addi %add3A_156, %add3A_168 : vector<16xi32>
      %gather3A_170 = tpu.vector_load_idx %arg7[%add3A_169] : memref<1536xi32, #tpu.memory_space<vmem>>[vector<16xi32>], vector<16xi32>,
      %mul3A_171 = arith.constant 16 : i32
      %mul3A_172 = vector.broadcast %mul3A_171 : i32 to vector<16xi32>
      %mul3A_173 = arith.muli %gather3A_170, %mul3A_172 : vector<16xi32>
      %scan3A_174 = arith.constant 0 : i32
      %scan3A_175 = arith.constant 0 : i32
      %scan3A_176 = arith.constant 16 : i32
      %scan3A_177 = arith.addi %scan3A_175, %scan3A_176 : i32
      %scan3A_178 = arith.constant 1 : i32
      %scan3A_179 = scf.for %scan3A_1650 = %scan3A_175 to %scan3A_177 step %scan3A_178 iter_args(%scan3A_1651 = %scan3A_174) -> (i32)  : i32 {
        %broadcast_in_dim3A_1652 = vector.broadcast %scan3A_1650 : i32 to vector<16xi32>
        %add3A_1653 = arith.addi %mul3A_159, %broadcast_in_dim3A_1652 : vector<16xi32>
        %gather3A_1654 = tpu.vector_load_idx %arg6[%add3A_1653] : memref<24576xi32, #tpu.memory_space<vmem>>[vector<16xi32>], vector<16xi32>,
        %add3A_1655 = arith.addi %mul3A_166, %broadcast_in_dim3A_1652 : vector<16xi32>
        %gather3A_1656 = tpu.vector_load_idx %arg6[%add3A_1655] : memref<24576xi32, #tpu.memory_space<vmem>>[vector<16xi32>], vector<16xi32>,
        %add3A_1657 = arith.addi %mul3A_173, %broadcast_in_dim3A_1652 : vector<16xi32>
        %gather3A_1658 = tpu.vector_load_idx %arg6[%add3A_1657] : memref<24576xi32, #tpu.memory_space<vmem>>[vector<16xi32>], vector<16xi32>,
        %bitcast3A = vector.bitcast %gather3A_1654 : vector<16xi32> to vector<32xbf16>
        %bitcast3A_1659 = vector.bitcast %gather3A_1656 : vector<16xi32> to vector<32xbf16>
        %add3A_1660 = arith.addf %bitcast3A, %bitcast3A_1659 : vector<32xbf16>
        %bitcast3A_1661 = vector.bitcast %gather3A_1658 : vector<16xi32> to vector<32xbf16>
        %add3A_1662 = arith.addf %add3A_1660, %bitcast3A_1661 : vector<32xbf16>
        %bitcast3A_1663 = vector.bitcast %add3A_1662 : vector<32xbf16> to vector<16xi32>
        %shift_left3A = arith.constant 16 : i32
        %shift_left3A_1664 = vector.broadcast %shift_left3A : i32 to vector<16xi32>
        %shift_left3A_1665 = arith.shli %bitcast3A_1663, %shift_left3A_1664 : vector<16xi32>
        %bitcast3A_1666 = vector.bitcast %shift_left3A_1665 : vector<16xi32> to vector<16xf32>
        %and3A_1667 = arith.andi %bitcast3A_1663, %broadcast_in_dim3A_43 : vector<16xi32>
        %bitcast3A_1668 = vector.bitcast %and3A_1667 : vector<16xi32> to vector<16xf32>
        %add3A_1669 = arith.addi %scan3A_1650, %scan3A_1650 : i32
        %add3A_1670 = arith.addi %broadcast_in_dim3A_1652, %broadcast_in_dim3A_1652 : vector<16xi32>
        tpu.vector_store_idx %arg8[%add3A_1670, %iota3A], %bitcast3A_1666 masked %ge3A_34 : memref<32x257xf32, #tpu.memory_space<vmem>>[vector<16xi32>, vector<16xi32>], vector<16xf32>, vector<16xi1>
        %add3A_1671 = arith.addi %broadcast_in_dim3A_1652, %broadcast_in_dim3A_1652 : vector<16xi32>
        %add3A_1672 = arith.constant 1 : i32
        %add3A_1673 = vector.broadcast %add3A_1672 : i32 to vector<16xi32>
        %add3A_1674 = arith.addi %add3A_1671, %add3A_1673 : vector<16xi32>
        tpu.vector_store_idx %arg8[%add3A_1674, %iota3A], %bitcast3A_1668 masked %ge3A_34 : memref<32x257xf32, #tpu.memory_space<vmem>>[vector<16xi32>, vector<16xi32>], vector<16xf32>, vector<16xi1>
        %scan3A_1675 = arith.constant 0 : i32
        scf.yield %scan3A_1675 : i32
      }
      %scan3A_180 = arith.constant 16 : i32
      %add3A_181 = arith.constant 16 : i32
      %add3A_182 = vector.broadcast %add3A_181 : i32 to vector<16xi32>
      %add3A_183 = arith.addi %add3A_182, %iota3A : vector<16xi32>
      %sub3A_184 = arith.constant 1 : i32
      %sub3A_185 = vector.broadcast %sub3A_184 : i32 to vector<16xi32>
      %sub3A_186 = arith.subi %add3A_183, %sub3A_185 : vector<16xi32>
      %jit3A_187 = arith.constant 0 : i32
      %jit3A_188 = arith.constant 255 : i32
      %max3A_189 = vector.broadcast %jit3A_187 : i32 to vector<16xi32>
      %max3A_190 = arith.maxsi %max3A_189, %sub3A_186 : vector<16xi32>
      %min3A_191 = vector.broadcast %jit3A_188 : i32 to vector<16xi32>
      %min3A_192 = arith.minsi %min3A_191, %max3A_190 : vector<16xi32>
      %mul3A_193 = arith.constant 3 : i32
      %mul3A_194 = vector.broadcast %mul3A_193 : i32 to vector<16xi32>
      %mul3A_195 = arith.muli %min3A_192, %mul3A_194 : vector<16xi32>
      %add3A_196 = arith.constant 0 : i32
      %add3A_197 = vector.broadcast %add3A_196 : i32 to vector<16xi32>
      %add3A_198 = arith.addi %add3A_197, %mul3A_195 : vector<16xi32>
      %gather3A_199 = tpu.vector_load_idx %arg7[%add3A_198] : memref<1536xi32, #tpu.memory_space<vmem>>[vector<16xi32>], vector<16xi32>,
      %mul3A_200 = arith.constant 16 : i32
      %mul3A_201 = vector.broadcast %mul3A_200 : i32 to vector<16xi32>
      %mul3A_202 = arith.muli %gather3A_199, %mul3A_201 : vector<16xi32>
      %add3A_203 = arith.constant 1 : i32
      %add3A_204 = vector.broadcast %add3A_203 : i32 to vector<16xi32>
      %add3A_205 = arith.addi %add3A_198, %add3A_204 : vector<16xi32>
      %gather3A_206 = tpu.vector_load_idx %arg7[%add3A_205] : memref<1536xi32, #tpu.memory_space<vmem>>[vector<16xi32>], vector<16xi32>,
      %mul3A_207 = arith.constant 16 : i32
      %mul3A_208 = vector.broadcast %mul3A_207 : i32 to vector<16xi32>
      %mul3A_209 = arith.muli %gather3A_206, %mul3A_208 : vector<16xi32>
      %add3A_210 = arith.constant 2 : i32
      %add3A_211 = vector.broadcast %add3A_210 : i32 to vector<16xi32>
      %add3A_212 = arith.addi %add3A_198, %add3A_211 : vector<16xi32>
      %gather3A_213 = tpu.vector_load_idx %arg7[%add3A_212] : memref<1536xi32, #tpu.memory_space<vmem>>[vector<16xi32>], vector<16xi32>,
      %mul3A_214 = arith.constant 16 : i32
      %mul3A_215 = vector.broadcast %mul3A_214 : i32 to vector<16xi32>
      %mul3A_216 = arith.muli %gather3A_213, %mul3A_215 : vector<16xi32>
      %scan3A_217 = arith.constant 0 : i32
      %scan3A_218 = arith.constant 0 : i32
      %scan3A_219 = arith.constant 16 : i32
      %scan3A_220 = arith.addi %scan3A_218, %scan3A_219 : i32
      %scan3A_221 = arith.constant 1 : i32
      %scan3A_222 = scf.for %scan3A_1650 = %scan3A_218 to %scan3A_220 step %scan3A_221 iter_args(%scan3A_1651 = %scan3A_217) -> (i32)  : i32 {
        %broadcast_in_dim3A_1652 = vector.broadcast %scan3A_1650 : i32 to vector<16xi32>
        %add3A_1653 = arith.addi %mul3A_202, %broadcast_in_dim3A_1652 : vector<16xi32>
        %gather3A_1654 = tpu.vector_load_idx %arg6[%add3A_1653] : memref<24576xi32, #tpu.memory_space<vmem>>[vector<16xi32>], vector<16xi32>,
        %add3A_1655 = arith.addi %mul3A_209, %broadcast_in_dim3A_1652 : vector<16xi32>
        %gather3A_1656 = tpu.vector_load_idx %arg6[%add3A_1655] : memref<24576xi32, #tpu.memory_space<vmem>>[vector<16xi32>], vector<16xi32>,
        %add3A_1657 = arith.addi %mul3A_216, %broadcast_in_dim3A_1652 : vector<16xi32>
        %gather3A_1658 = tpu.vector_load_idx %arg6[%add3A_1657] : memref<24576xi32, #tpu.memory_space<vmem>>[vector<16xi32>], vector<16xi32>,
        %bitcast3A = vector.bitcast %gather3A_1654 : vector<16xi32> to vector<32xbf16>
        %bitcast3A_1659 = vector.bitcast %gather3A_1656 : vector<16xi32> to vector<32xbf16>
        %add3A_1660 = arith.addf %bitcast3A, %bitcast3A_1659 : vector<32xbf16>
        %bitcast3A_1661 = vector.bitcast %gather3A_1658 : vector<16xi32> to vector<32xbf16>
        %add3A_1662 = arith.addf %add3A_1660, %bitcast3A_1661 : vector<32xbf16>
        %bitcast3A_1663 = vector.bitcast %add3A_1662 : vector<32xbf16> to vector<16xi32>
        %shift_left3A = arith.constant 16 : i32
        %shift_left3A_1664 = vector.broadcast %shift_left3A : i32 to vector<16xi32>
        %shift_left3A_1665 = arith.shli %bitcast3A_1663, %shift_left3A_1664 : vector<16xi32>
        %bitcast3A_1666 = vector.bitcast %shift_left3A_1665 : vector<16xi32> to vector<16xf32>
        %and3A_1667 = arith.andi %bitcast3A_1663, %broadcast_in_dim3A_43 : vector<16xi32>
        %bitcast3A_1668 = vector.bitcast %and3A_1667 : vector<16xi32> to vector<16xf32>
        %add3A_1669 = arith.addi %scan3A_1650, %scan3A_1650 : i32
        %swap3A = arith.index_cast %add3A_1669 : i32 to index
        %swap3A_1670 = arith.constant 16 : index
        %swap3A_1671 = tpu.vector_load %arg8[%swap3A, %swap3A_1670] {strides = array<i32>} : memref<32x257xf32, #tpu.memory_space<vmem>>, vector<16xf32>,
        tpu.vector_store %arg8[%swap3A, %swap3A_1670], %bitcast3A_1666 {strides = array<i32>} : memref<32x257xf32, #tpu.memory_space<vmem>>, vector<16xf32>,
        %add3A_1672 = arith.constant 1 : i32
        %add3A_1673 = arith.addi %add3A_1669, %add3A_1672 : i32
        %swap3A_1674 = arith.index_cast %add3A_1673 : i32 to index
        %swap3A_1675 = arith.constant 16 : index
        %swap3A_1676 = tpu.vector_load %arg8[%swap3A_1674, %swap3A_1675] {strides = array<i32>} : memref<32x257xf32, #tpu.memory_space<vmem>>, vector<16xf32>,
        tpu.vector_store %arg8[%swap3A_1674, %swap3A_1675], %bitcast3A_1668 {strides = array<i32>} : memref<32x257xf32, #tpu.memory_space<vmem>>, vector<16xf32>,
        %scan3A_1677 = arith.constant 0 : i32
        scf.yield %scan3A_1677 : i32
      }
      %scan3A_223 = arith.constant 16 : i32
      %add3A_224 = arith.constant 32 : i32
      %add3A_225 = vector.broadcast %add3A_224 : i32 to vector<16xi32>
      %add3A_226 = arith.addi %add3A_225, %iota3A : vector<16xi32>
      %sub3A_227 = arith.constant 1 : i32
      %sub3A_228 = vector.broadcast %sub3A_227 : i32 to vector<16xi32>
      %sub3A_229 = arith.subi %add3A_226, %sub3A_228 : vector<16xi32>
      %jit3A_230 = arith.constant 0 : i32
      %jit3A_231 = arith.constant 255 : i32
      %max3A_232 = vector.broadcast %jit3A_230 : i32 to vector<16xi32>
      %max3A_233 = arith.maxsi %max3A_232, %sub3A_229 : vector<16xi32>
      %min3A_234 = vector.broadcast %jit3A_231 : i32 to vector<16xi32>
      %min3A_235 = arith.minsi %min3A_234, %max3A_233 : vector<16xi32>
      %mul3A_236 = arith.constant 3 : i32
      %mul3A_237 = vector.broadcast %mul3A_236 : i32 to vector<16xi32>
      %mul3A_238 = arith.muli %min3A_235, %mul3A_237 : vector<16xi32>
      %add3A_239 = arith.constant 0 : i32
      %add3A_240 = vector.broadcast %add3A_239 : i32 to vector<16xi32>
      %add3A_241 = arith.addi %add3A_240, %mul3A_238 : vector<16xi32>
      %gather3A_242 = tpu.vector_load_idx %arg7[%add3A_241] : memref<1536xi32, #tpu.memory_space<vmem>>[vector<16xi32>], vector<16xi32>,
      %mul3A_243 = arith.constant 16 : i32
      %mul3A_244 = vector.broadcast %mul3A_243 : i32 to vector<16xi32>
      %mul3A_245 = arith.muli %gather3A_242, %mul3A_244 : vector<16xi32>
      %add3A_246 = arith.constant 1 : i32
      %add3A_247 = vector.broadcast %add3A_246 : i32 to vector<16xi32>
      %add3A_248 = arith.addi %add3A_241, %add3A_247 : vector<16xi32>
      %gather3A_249 = tpu.vector_load_idx %arg7[%add3A_248] : memref<1536xi32, #tpu.memory_space<vmem>>[vector<16xi32>], vector<16xi32>,
      %mul3A_250 = arith.constant 16 : i32
      %mul3A_251 = vector.broadcast %mul3A_250 : i32 to vector<16xi32>
      %mul3A_252 = arith.muli %gather3A_249, %mul3A_251 : vector<16xi32>
      %add3A_253 = arith.constant 2 : i32
      %add3A_254 = vector.broadcast %add3A_253 : i32 to vector<16xi32>
      %add3A_255 = arith.addi %add3A_241, %add3A_254 : vector<16xi32>
      %gather3A_256 = tpu.vector_load_idx %arg7[%add3A_255] : memref<1536xi32, #tpu.memory_space<vmem>>[vector<16xi32>], vector<16xi32>,
      %mul3A_257 = arith.constant 16 : i32
      %mul3A_258 = vector.broadcast %mul3A_257 : i32 to vector<16xi32>
      %mul3A_259 = arith.muli %gather3A_256, %mul3A_258 : vector<16xi32>
      %scan3A_260 = arith.constant 0 : i32
      %scan3A_261 = arith.constant 0 : i32
      %scan3A_262 = arith.constant 16 : i32
      %scan3A_263 = arith.addi %scan3A_261, %scan3A_262 : i32
      %scan3A_264 = arith.constant 1 : i32
      %scan3A_265 = scf.for %scan3A_1650 = %scan3A_261 to %scan3A_263 step %scan3A_264 iter_args(%scan3A_1651 = %scan3A_260) -> (i32)  : i32 {
        %broadcast_in_dim3A_1652 = vector.broadcast %scan3A_1650 : i32 to vector<16xi32>
        %add3A_1653 = arith.addi %mul3A_245, %broadcast_in_dim3A_1652 : vector<16xi32>
        %gather3A_1654 = tpu.vector_load_idx %arg6[%add3A_1653] : memref<24576xi32, #tpu.memory_space<vmem>>[vector<16xi32>], vector<16xi32>,
        %add3A_1655 = arith.addi %mul3A_252, %broadcast_in_dim3A_1652 : vector<16xi32>
        %gather3A_1656 = tpu.vector_load_idx %arg6[%add3A_1655] : memref<24576xi32, #tpu.memory_space<vmem>>[vector<16xi32>], vector<16xi32>,
        %add3A_1657 = arith.addi %mul3A_259, %broadcast_in_dim3A_1652 : vector<16xi32>
        %gather3A_1658 = tpu.vector_load_idx %arg6[%add3A_1657] : memref<24576xi32, #tpu.memory_space<vmem>>[vector<16xi32>], vector<16xi32>,
        %bitcast3A = vector.bitcast %gather3A_1654 : vector<16xi32> to vector<32xbf16>
        %bitcast3A_1659 = vector.bitcast %gather3A_1656 : vector<16xi32> to vector<32xbf16>
        %add3A_1660 = arith.addf %bitcast3A, %bitcast3A_1659 : vector<32xbf16>
        %bitcast3A_1661 = vector.bitcast %gather3A_1658 : vector<16xi32> to vector<32xbf16>
        %add3A_1662 = arith.addf %add3A_1660, %bitcast3A_1661 : vector<32xbf16>
        %bitcast3A_1663 = vector.bitcast %add3A_1662 : vector<32xbf16> to vector<16xi32>
        %shift_left3A = arith.constant 16 : i32
        %shift_left3A_1664 = vector.broadcast %shift_left3A : i32 to vector<16xi32>
        %shift_left3A_1665 = arith.shli %bitcast3A_1663, %shift_left3A_1664 : vector<16xi32>
        %bitcast3A_1666 = vector.bitcast %shift_left3A_1665 : vector<16xi32> to vector<16xf32>
        %and3A_1667 = arith.andi %bitcast3A_1663, %broadcast_in_dim3A_43 : vector<16xi32>
        %bitcast3A_1668 = vector.bitcast %and3A_1667 : vector<16xi32> to vector<16xf32>
        %add3A_1669 = arith.addi %scan3A_1650, %scan3A_1650 : i32
        %swap3A = arith.index_cast %add3A_1669 : i32 to index
        %swap3A_1670 = arith.constant 32 : index
        %swap3A_1671 = tpu.vector_load %arg8[%swap3A, %swap3A_1670] {strides = array<i32>} : memref<32x257xf32, #tpu.memory_space<vmem>>, vector<16xf32>,
        tpu.vector_store %arg8[%swap3A, %swap3A_1670], %bitcast3A_1666 {strides = array<i32>} : memref<32x257xf32, #tpu.memory_space<vmem>>, vector<16xf32>,
        %add3A_1672 = arith.constant 1 : i32
        %add3A_1673 = arith.addi %add3A_1669, %add3A_1672 : i32
        %swap3A_1674 = arith.index_cast %add3A_1673 : i32 to index
        %swap3A_1675 = arith.constant 32 : index
        %swap3A_1676 = tpu.vector_load %arg8[%swap3A_1674, %swap3A_1675] {strides = array<i32>} : memref<32x257xf32, #tpu.memory_space<vmem>>, vector<16xf32>,
        tpu.vector_store %arg8[%swap3A_1674, %swap3A_1675], %bitcast3A_1668 {strides = array<i32>} : memref<32x257xf32, #tpu.memory_space<vmem>>, vector<16xf32>,
        %scan3A_1677 = arith.constant 0 : i32
        scf.yield %scan3A_1677 : i32
      }
      %scan3A_266 = arith.constant 16 : i32
      %add3A_267 = arith.constant 48 : i32
      %add3A_268 = vector.broadcast %add3A_267 : i32 to vector<16xi32>
      %add3A_269 = arith.addi %add3A_268, %iota3A : vector<16xi32>
      %sub3A_270 = arith.constant 1 : i32
      %sub3A_271 = vector.broadcast %sub3A_270 : i32 to vector<16xi32>
      %sub3A_272 = arith.subi %add3A_269, %sub3A_271 : vector<16xi32>
      %jit3A_273 = arith.constant 0 : i32
      %jit3A_274 = arith.constant 255 : i32
      %max3A_275 = vector.broadcast %jit3A_273 : i32 to vector<16xi32>
      %max3A_276 = arith.maxsi %max3A_275, %sub3A_272 : vector<16xi32>
      %min3A_277 = vector.broadcast %jit3A_274 : i32 to vector<16xi32>
      %min3A_278 = arith.minsi %min3A_277, %max3A_276 : vector<16xi32>
      %mul3A_279 = arith.constant 3 : i32
      %mul3A_280 = vector.broadcast %mul3A_279 : i32 to vector<16xi32>
      %mul3A_281 = arith.muli %min3A_278, %mul3A_280 : vector<16xi32>
      %add3A_282 = arith.constant 0 : i32
      %add3A_283 = vector.broadcast %add3A_282 : i32 to vector<16xi32>
      %add3A_284 = arith.addi %add3A_283, %mul3A_281 : vector<16xi32>
      %gather3A_285 = tpu.vector_load_idx %arg7[%add3A_284] : memref<1536xi32, #tpu.memory_space<vmem>>[vector<16xi32>], vector<16xi32>,
      %mul3A_286 = arith.constant 16 : i32
      %mul3A_287 = vector.broadcast %mul3A_286 : i32 to vector<16xi32>
      %mul3A_288 = arith.muli %gather3A_285, %mul3A_287 : vector<16xi32>
      %add3A_289 = arith.constant 1 : i32
      %add3A_290 = vector.broadcast %add3A_289 : i32 to vector<16xi32>
      %add3A_291 = arith.addi %add3A_284, %add3A_290 : vector<16xi32>
      %gather3A_292 = tpu.vector_load_idx %arg7[%add3A_291] : memref<1536xi32, #tpu.memory_space<vmem>>[vector<16xi32>], vector<16xi32>,
      %mul3A_293 = arith.constant 16 : i32
      %mul3A_294 = vector.broadcast %mul3A_293 : i32 to vector<16xi32>
      %mul3A_295 = arith.muli %gather3A_292, %mul3A_294 : vector<16xi32>
      %add3A_296 = arith.constant 2 : i32
      %add3A_297 = vector.broadcast %add3A_296 : i32 to vector<16xi32>
      %add3A_298 = arith.addi %add3A_284, %add3A_297 : vector<16xi32>
      %gather3A_299 = tpu.vector_load_idx %arg7[%add3A_298] : memref<1536xi32, #tpu.memory_space<vmem>>[vector<16xi32>], vector<16xi32>,
      %mul3A_300 = arith.constant 16 : i32
      %mul3A_301 = vector.broadcast %mul3A_300 : i32 to vector<16xi32>
      %mul3A_302 = arith.muli %gather3A_299, %mul3A_301 : vector<16xi32>
      %scan3A_303 = arith.constant 0 : i32
      %scan3A_304 = arith.constant 0 : i32
      %scan3A_305 = arith.constant 16 : i32
      %scan3A_306 = arith.addi %scan3A_304, %scan3A_305 : i32
      %scan3A_307 = arith.constant 1 : i32
      %scan3A_308 = scf.for %scan3A_1650 = %scan3A_304 to %scan3A_306 step %scan3A_307 iter_args(%scan3A_1651 = %scan3A_303) -> (i32)  : i32 {
        %broadcast_in_dim3A_1652 = vector.broadcast %scan3A_1650 : i32 to vector<16xi32>
        %add3A_1653 = arith.addi %mul3A_288, %broadcast_in_dim3A_1652 : vector<16xi32>
        %gather3A_1654 = tpu.vector_load_idx %arg6[%add3A_1653] : memref<24576xi32, #tpu.memory_space<vmem>>[vector<16xi32>], vector<16xi32>,
        %add3A_1655 = arith.addi %mul3A_295, %broadcast_in_dim3A_1652 : vector<16xi32>
        %gather3A_1656 = tpu.vector_load_idx %arg6[%add3A_1655] : memref<24576xi32, #tpu.memory_space<vmem>>[vector<16xi32>], vector<16xi32>,
        %add3A_1657 = arith.addi %mul3A_302, %broadcast_in_dim3A_1652 : vector<16xi32>
        %gather3A_1658 = tpu.vector_load_idx %arg6[%add3A_1657] : memref<24576xi32, #tpu.memory_space<vmem>>[vector<16xi32>], vector<16xi32>,
        %bitcast3A = vector.bitcast %gather3A_1654 : vector<16xi32> to vector<32xbf16>
        %bitcast3A_1659 = vector.bitcast %gather3A_1656 : vector<16xi32> to vector<32xbf16>
        %add3A_1660 = arith.addf %bitcast3A, %bitcast3A_1659 : vector<32xbf16>
        %bitcast3A_1661 = vector.bitcast %gather3A_1658 : vector<16xi32> to vector<32xbf16>
        %add3A_1662 = arith.addf %add3A_1660, %bitcast3A_1661 : vector<32xbf16>
        %bitcast3A_1663 = vector.bitcast %add3A_1662 : vector<32xbf16> to vector<16xi32>
        %shift_left3A = arith.constant 16 : i32
        %shift_left3A_1664 = vector.broadcast %shift_left3A : i32 to vector<16xi32>
        %shift_left3A_1665 = arith.shli %bitcast3A_1663, %shift_left3A_1664 : vector<16xi32>
        %bitcast3A_1666 = vector.bitcast %shift_left3A_1665 : vector<16xi32> to vector<16xf32>
        %and3A_1667 = arith.andi %bitcast3A_1663, %broadcast_in_dim3A_43 : vector<16xi32>
        %bitcast3A_1668 = vector.bitcast %and3A_1667 : vector<16xi32> to vector<16xf32>
        %add3A_1669 = arith.addi %scan3A_1650, %scan3A_1650 : i32
        %swap3A = arith.index_cast %add3A_1669 : i32 to index
        %swap3A_1670 = arith.constant 48 : index
        %swap3A_1671 = tpu.vector_load %arg8[%swap3A, %swap3A_1670] {strides = array<i32>} : memref<32x257xf32, #tpu.memory_space<vmem>>, vector<16xf32>,
        tpu.vector_store %arg8[%swap3A, %swap3A_1670], %bitcast3A_1666 {strides = array<i32>} : memref<32x257xf32, #tpu.memory_space<vmem>>, vector<16xf32>,
        %add3A_1672 = arith.constant 1 : i32
        %add3A_1673 = arith.addi %add3A_1669, %add3A_1672 : i32
        %swap3A_1674 = arith.index_cast %add3A_1673 : i32 to index
        %swap3A_1675 = arith.constant 48 : index
        %swap3A_1676 = tpu.vector_load %arg8[%swap3A_1674, %swap3A_1675] {strides = array<i32>} : memref<32x257xf32, #tpu.memory_space<vmem>>, vector<16xf32>,
        tpu.vector_store %arg8[%swap3A_1674, %swap3A_1675], %bitcast3A_1668 {strides = array<i32>} : memref<32x257xf32, #tpu.memory_space<vmem>>, vector<16xf32>,
        %scan3A_1677 = arith.constant 0 : i32
        scf.yield %scan3A_1677 : i32
      }
      %scan3A_309 = arith.constant 16 : i32
      %add3A_310 = arith.constant 64 : i32
      %add3A_311 = vector.broadcast %add3A_310 : i32 to vector<16xi32>
      %add3A_312 = arith.addi %add3A_311, %iota3A : vector<16xi32>
      %sub3A_313 = arith.constant 1 : i32
      %sub3A_314 = vector.broadcast %sub3A_313 : i32 to vector<16xi32>
      %sub3A_315 = arith.subi %add3A_312, %sub3A_314 : vector<16xi32>
      %jit3A_316 = arith.constant 0 : i32
      %jit3A_317 = arith.constant 255 : i32
      %max3A_318 = vector.broadcast %jit3A_316 : i32 to vector<16xi32>
      %max3A_319 = arith.maxsi %max3A_318, %sub3A_315 : vector<16xi32>
      %min3A_320 = vector.broadcast %jit3A_317 : i32 to vector<16xi32>
      %min3A_321 = arith.minsi %min3A_320, %max3A_319 : vector<16xi32>
      %mul3A_322 = arith.constant 3 : i32
      %mul3A_323 = vector.broadcast %mul3A_322 : i32 to vector<16xi32>
      %mul3A_324 = arith.muli %min3A_321, %mul3A_323 : vector<16xi32>
      %add3A_325 = arith.constant 0 : i32
      %add3A_326 = vector.broadcast %add3A_325 : i32 to vector<16xi32>
      %add3A_327 = arith.addi %add3A_326, %mul3A_324 : vector<16xi32>
      %gather3A_328 = tpu.vector_load_idx %arg7[%add3A_327] : memref<1536xi32, #tpu.memory_space<vmem>>[vector<16xi32>], vector<16xi32>,
      %mul3A_329 = arith.constant 16 : i32
      %mul3A_330 = vector.broadcast %mul3A_329 : i32 to vector<16xi32>
      %mul3A_331 = arith.muli %gather3A_328, %mul3A_330 : vector<16xi32>
      %add3A_332 = arith.constant 1 : i32
      %add3A_333 = vector.broadcast %add3A_332 : i32 to vector<16xi32>
      %add3A_334 = arith.addi %add3A_327, %add3A_333 : vector<16xi32>
      %gather3A_335 = tpu.vector_load_idx %arg7[%add3A_334] : memref<1536xi32, #tpu.memory_space<vmem>>[vector<16xi32>], vector<16xi32>,
      %mul3A_336 = arith.constant 16 : i32
      %mul3A_337 = vector.broadcast %mul3A_336 : i32 to vector<16xi32>
      %mul3A_338 = arith.muli %gather3A_335, %mul3A_337 : vector<16xi32>
      %add3A_339 = arith.constant 2 : i32
      %add3A_340 = vector.broadcast %add3A_339 : i32 to vector<16xi32>
      %add3A_341 = arith.addi %add3A_327, %add3A_340 : vector<16xi32>
      %gather3A_342 = tpu.vector_load_idx %arg7[%add3A_341] : memref<1536xi32, #tpu.memory_space<vmem>>[vector<16xi32>], vector<16xi32>,
      %mul3A_343 = arith.constant 16 : i32
      %mul3A_344 = vector.broadcast %mul3A_343 : i32 to vector<16xi32>
      %mul3A_345 = arith.muli %gather3A_342, %mul3A_344 : vector<16xi32>
      %scan3A_346 = arith.constant 0 : i32
      %scan3A_347 = arith.constant 0 : i32
      %scan3A_348 = arith.constant 16 : i32
      %scan3A_349 = arith.addi %scan3A_347, %scan3A_348 : i32
      %scan3A_350 = arith.constant 1 : i32
      %scan3A_351 = scf.for %scan3A_1650 = %scan3A_347 to %scan3A_349 step %scan3A_350 iter_args(%scan3A_1651 = %scan3A_346) -> (i32)  : i32 {
        %broadcast_in_dim3A_1652 = vector.broadcast %scan3A_1650 : i32 to vector<16xi32>
        %add3A_1653 = arith.addi %mul3A_331, %broadcast_in_dim3A_1652 : vector<16xi32>
        %gather3A_1654 = tpu.vector_load_idx %arg6[%add3A_1653] : memref<24576xi32, #tpu.memory_space<vmem>>[vector<16xi32>], vector<16xi32>,
        %add3A_1655 = arith.addi %mul3A_338, %broadcast_in_dim3A_1652 : vector<16xi32>
        %gather3A_1656 = tpu.vector_load_idx %arg6[%add3A_1655] : memref<24576xi32, #tpu.memory_space<vmem>>[vector<16xi32>], vector<16xi32>,
        %add3A_1657 = arith.addi %mul3A_345, %broadcast_in_dim3A_1652 : vector<16xi32>
        %gather3A_1658 = tpu.vector_load_idx %arg6[%add3A_1657] : memref<24576xi32, #tpu.memory_space<vmem>>[vector<16xi32>], vector<16xi32>,
        %bitcast3A = vector.bitcast %gather3A_1654 : vector<16xi32> to vector<32xbf16>
        %bitcast3A_1659 = vector.bitcast %gather3A_1656 : vector<16xi32> to vector<32xbf16>
        %add3A_1660 = arith.addf %bitcast3A, %bitcast3A_1659 : vector<32xbf16>
        %bitcast3A_1661 = vector.bitcast %gather3A_1658 : vector<16xi32> to vector<32xbf16>
        %add3A_1662 = arith.addf %add3A_1660, %bitcast3A_1661 : vector<32xbf16>
        %bitcast3A_1663 = vector.bitcast %add3A_1662 : vector<32xbf16> to vector<16xi32>
        %shift_left3A = arith.constant 16 : i32
        %shift_left3A_1664 = vector.broadcast %shift_left3A : i32 to vector<16xi32>
        %shift_left3A_1665 = arith.shli %bitcast3A_1663, %shift_left3A_1664 : vector<16xi32>
        %bitcast3A_1666 = vector.bitcast %shift_left3A_1665 : vector<16xi32> to vector<16xf32>
        %and3A_1667 = arith.andi %bitcast3A_1663, %broadcast_in_dim3A_43 : vector<16xi32>
        %bitcast3A_1668 = vector.bitcast %and3A_1667 : vector<16xi32> to vector<16xf32>
        %add3A_1669 = arith.addi %scan3A_1650, %scan3A_1650 : i32
        %swap3A = arith.index_cast %add3A_1669 : i32 to index
        %swap3A_1670 = arith.constant 64 : index
        %swap3A_1671 = tpu.vector_load %arg8[%swap3A, %swap3A_1670] {strides = array<i32>} : memref<32x257xf32, #tpu.memory_space<vmem>>, vector<16xf32>,
        tpu.vector_store %arg8[%swap3A, %swap3A_1670], %bitcast3A_1666 {strides = array<i32>} : memref<32x257xf32, #tpu.memory_space<vmem>>, vector<16xf32>,
        %add3A_1672 = arith.constant 1 : i32
        %add3A_1673 = arith.addi %add3A_1669, %add3A_1672 : i32
        %swap3A_1674 = arith.index_cast %add3A_1673 : i32 to index
        %swap3A_1675 = arith.constant 64 : index
        %swap3A_1676 = tpu.vector_load %arg8[%swap3A_1674, %swap3A_1675] {strides = array<i32>} : memref<32x257xf32, #tpu.memory_space<vmem>>, vector<16xf32>,
        tpu.vector_store %arg8[%swap3A_1674, %swap3A_1675], %bitcast3A_1668 {strides = array<i32>} : memref<32x257xf32, #tpu.memory_space<vmem>>, vector<16xf32>,
        %scan3A_1677 = arith.constant 0 : i32
        scf.yield %scan3A_1677 : i32
      }
      %scan3A_352 = arith.constant 16 : i32
      %add3A_353 = arith.constant 80 : i32
      %add3A_354 = vector.broadcast %add3A_353 : i32 to vector<16xi32>
      %add3A_355 = arith.addi %add3A_354, %iota3A : vector<16xi32>
      %sub3A_356 = arith.constant 1 : i32
      %sub3A_357 = vector.broadcast %sub3A_356 : i32 to vector<16xi32>
      %sub3A_358 = arith.subi %add3A_355, %sub3A_357 : vector<16xi32>
      %jit3A_359 = arith.constant 0 : i32
      %jit3A_360 = arith.constant 255 : i32
      %max3A_361 = vector.broadcast %jit3A_359 : i32 to vector<16xi32>
      %max3A_362 = arith.maxsi %max3A_361, %sub3A_358 : vector<16xi32>
      %min3A_363 = vector.broadcast %jit3A_360 : i32 to vector<16xi32>
      %min3A_364 = arith.minsi %min3A_363, %max3A_362 : vector<16xi32>
      %mul3A_365 = arith.constant 3 : i32
      %mul3A_366 = vector.broadcast %mul3A_365 : i32 to vector<16xi32>
      %mul3A_367 = arith.muli %min3A_364, %mul3A_366 : vector<16xi32>
      %add3A_368 = arith.constant 0 : i32
      %add3A_369 = vector.broadcast %add3A_368 : i32 to vector<16xi32>
      %add3A_370 = arith.addi %add3A_369, %mul3A_367 : vector<16xi32>
      %gather3A_371 = tpu.vector_load_idx %arg7[%add3A_370] : memref<1536xi32, #tpu.memory_space<vmem>>[vector<16xi32>], vector<16xi32>,
      %mul3A_372 = arith.constant 16 : i32
      %mul3A_373 = vector.broadcast %mul3A_372 : i32 to vector<16xi32>
      %mul3A_374 = arith.muli %gather3A_371, %mul3A_373 : vector<16xi32>
      %add3A_375 = arith.constant 1 : i32
      %add3A_376 = vector.broadcast %add3A_375 : i32 to vector<16xi32>
      %add3A_377 = arith.addi %add3A_370, %add3A_376 : vector<16xi32>
      %gather3A_378 = tpu.vector_load_idx %arg7[%add3A_377] : memref<1536xi32, #tpu.memory_space<vmem>>[vector<16xi32>], vector<16xi32>,
      %mul3A_379 = arith.constant 16 : i32
      %mul3A_380 = vector.broadcast %mul3A_379 : i32 to vector<16xi32>
      %mul3A_381 = arith.muli %gather3A_378, %mul3A_380 : vector<16xi32>
      %add3A_382 = arith.constant 2 : i32
      %add3A_383 = vector.broadcast %add3A_382 : i32 to vector<16xi32>
      %add3A_384 = arith.addi %add3A_370, %add3A_383 : vector<16xi32>
      %gather3A_385 = tpu.vector_load_idx %arg7[%add3A_384] : memref<1536xi32, #tpu.memory_space<vmem>>[vector<16xi32>], vector<16xi32>,
      %mul3A_386 = arith.constant 16 : i32
      %mul3A_387 = vector.broadcast %mul3A_386 : i32 to vector<16xi32>
      %mul3A_388 = arith.muli %gather3A_385, %mul3A_387 : vector<16xi32>
      %scan3A_389 = arith.constant 0 : i32
      %scan3A_390 = arith.constant 0 : i32
      %scan3A_391 = arith.constant 16 : i32
      %scan3A_392 = arith.addi %scan3A_390, %scan3A_391 : i32
      %scan3A_393 = arith.constant 1 : i32
      %scan3A_394 = scf.for %scan3A_1650 = %scan3A_390 to %scan3A_392 step %scan3A_393 iter_args(%scan3A_1651 = %scan3A_389) -> (i32)  : i32 {
        %broadcast_in_dim3A_1652 = vector.broadcast %scan3A_1650 : i32 to vector<16xi32>
        %add3A_1653 = arith.addi %mul3A_374, %broadcast_in_dim3A_1652 : vector<16xi32>
        %gather3A_1654 = tpu.vector_load_idx %arg6[%add3A_1653] : memref<24576xi32, #tpu.memory_space<vmem>>[vector<16xi32>], vector<16xi32>,
        %add3A_1655 = arith.addi %mul3A_381, %broadcast_in_dim3A_1652 : vector<16xi32>
        %gather3A_1656 = tpu.vector_load_idx %arg6[%add3A_1655] : memref<24576xi32, #tpu.memory_space<vmem>>[vector<16xi32>], vector<16xi32>,
        %add3A_1657 = arith.addi %mul3A_388, %broadcast_in_dim3A_1652 : vector<16xi32>
        %gather3A_1658 = tpu.vector_load_idx %arg6[%add3A_1657] : memref<24576xi32, #tpu.memory_space<vmem>>[vector<16xi32>], vector<16xi32>,
        %bitcast3A = vector.bitcast %gather3A_1654 : vector<16xi32> to vector<32xbf16>
        %bitcast3A_1659 = vector.bitcast %gather3A_1656 : vector<16xi32> to vector<32xbf16>
        %add3A_1660 = arith.addf %bitcast3A, %bitcast3A_1659 : vector<32xbf16>
        %bitcast3A_1661 = vector.bitcast %gather3A_1658 : vector<16xi32> to vector<32xbf16>
        %add3A_1662 = arith.addf %add3A_1660, %bitcast3A_1661 : vector<32xbf16>
        %bitcast3A_1663 = vector.bitcast %add3A_1662 : vector<32xbf16> to vector<16xi32>
        %shift_left3A = arith.constant 16 : i32
        %shift_left3A_1664 = vector.broadcast %shift_left3A : i32 to vector<16xi32>
        %shift_left3A_1665 = arith.shli %bitcast3A_1663, %shift_left3A_1664 : vector<16xi32>
        %bitcast3A_1666 = vector.bitcast %shift_left3A_1665 : vector<16xi32> to vector<16xf32>
        %and3A_1667 = arith.andi %bitcast3A_1663, %broadcast_in_dim3A_43 : vector<16xi32>
        %bitcast3A_1668 = vector.bitcast %and3A_1667 : vector<16xi32> to vector<16xf32>
        %add3A_1669 = arith.addi %scan3A_1650, %scan3A_1650 : i32
        %swap3A = arith.index_cast %add3A_1669 : i32 to index
        %swap3A_1670 = arith.constant 80 : index
        %swap3A_1671 = tpu.vector_load %arg8[%swap3A, %swap3A_1670] {strides = array<i32>} : memref<32x257xf32, #tpu.memory_space<vmem>>, vector<16xf32>,
        tpu.vector_store %arg8[%swap3A, %swap3A_1670], %bitcast3A_1666 {strides = array<i32>} : memref<32x257xf32, #tpu.memory_space<vmem>>, vector<16xf32>,
        %add3A_1672 = arith.constant 1 : i32
        %add3A_1673 = arith.addi %add3A_1669, %add3A_1672 : i32
        %swap3A_1674 = arith.index_cast %add3A_1673 : i32 to index
        %swap3A_1675 = arith.constant 80 : index
        %swap3A_1676 = tpu.vector_load %arg8[%swap3A_1674, %swap3A_1675] {strides = array<i32>} : memref<32x257xf32, #tpu.memory_space<vmem>>, vector<16xf32>,
        tpu.vector_store %arg8[%swap3A_1674, %swap3A_1675], %bitcast3A_1668 {strides = array<i32>} : memref<32x257xf32, #tpu.memory_space<vmem>>, vector<16xf32>,
        %scan3A_1677 = arith.constant 0 : i32
        scf.yield %scan3A_1677 : i32
      }
      %scan3A_395 = arith.constant 16 : i32
      %add3A_396 = arith.constant 96 : i32
      %add3A_397 = vector.broadcast %add3A_396 : i32 to vector<16xi32>
      %add3A_398 = arith.addi %add3A_397, %iota3A : vector<16xi32>
      %sub3A_399 = arith.constant 1 : i32
      %sub3A_400 = vector.broadcast %sub3A_399 : i32 to vector<16xi32>
      %sub3A_401 = arith.subi %add3A_398, %sub3A_400 : vector<16xi32>
      %jit3A_402 = arith.constant 0 : i32
      %jit3A_403 = arith.constant 255 : i32
      %max3A_404 = vector.broadcast %jit3A_402 : i32 to vector<16xi32>
      %max3A_405 = arith.maxsi %max3A_404, %sub3A_401 : vector<16xi32>
      %min3A_406 = vector.broadcast %jit3A_403 : i32 to vector<16xi32>
      %min3A_407 = arith.minsi %min3A_406, %max3A_405 : vector<16xi32>
      %mul3A_408 = arith.constant 3 : i32
      %mul3A_409 = vector.broadcast %mul3A_408 : i32 to vector<16xi32>
      %mul3A_410 = arith.muli %min3A_407, %mul3A_409 : vector<16xi32>
      %add3A_411 = arith.constant 0 : i32
      %add3A_412 = vector.broadcast %add3A_411 : i32 to vector<16xi32>
      %add3A_413 = arith.addi %add3A_412, %mul3A_410 : vector<16xi32>
      %gather3A_414 = tpu.vector_load_idx %arg7[%add3A_413] : memref<1536xi32, #tpu.memory_space<vmem>>[vector<16xi32>], vector<16xi32>,
      %mul3A_415 = arith.constant 16 : i32
      %mul3A_416 = vector.broadcast %mul3A_415 : i32 to vector<16xi32>
      %mul3A_417 = arith.muli %gather3A_414, %mul3A_416 : vector<16xi32>
      %add3A_418 = arith.constant 1 : i32
      %add3A_419 = vector.broadcast %add3A_418 : i32 to vector<16xi32>
      %add3A_420 = arith.addi %add3A_413, %add3A_419 : vector<16xi32>
      %gather3A_421 = tpu.vector_load_idx %arg7[%add3A_420] : memref<1536xi32, #tpu.memory_space<vmem>>[vector<16xi32>], vector<16xi32>,
      %mul3A_422 = arith.constant 16 : i32
      %mul3A_423 = vector.broadcast %mul3A_422 : i32 to vector<16xi32>
      %mul3A_424 = arith.muli %gather3A_421, %mul3A_423 : vector<16xi32>
      %add3A_425 = arith.constant 2 : i32
      %add3A_426 = vector.broadcast %add3A_425 : i32 to vector<16xi32>
      %add3A_427 = arith.addi %add3A_413, %add3A_426 : vector<16xi32>
      %gather3A_428 = tpu.vector_load_idx %arg7[%add3A_427] : memref<1536xi32, #tpu.memory_space<vmem>>[vector<16xi32>], vector<16xi32>,
      %mul3A_429 = arith.constant 16 : i32
      %mul3A_430 = vector.broadcast %mul3A_429 : i32 to vector<16xi32>
      %mul3A_431 = arith.muli %gather3A_428, %mul3A_430 : vector<16xi32>
      %scan3A_432 = arith.constant 0 : i32
      %scan3A_433 = arith.constant 0 : i32
      %scan3A_434 = arith.constant 16 : i32
      %scan3A_435 = arith.addi %scan3A_433, %scan3A_434 : i32
      %scan3A_436 = arith.constant 1 : i32
      %scan3A_437 = scf.for %scan3A_1650 = %scan3A_433 to %scan3A_435 step %scan3A_436 iter_args(%scan3A_1651 = %scan3A_432) -> (i32)  : i32 {
        %broadcast_in_dim3A_1652 = vector.broadcast %scan3A_1650 : i32 to vector<16xi32>
        %add3A_1653 = arith.addi %mul3A_417, %broadcast_in_dim3A_1652 : vector<16xi32>
        %gather3A_1654 = tpu.vector_load_idx %arg6[%add3A_1653] : memref<24576xi32, #tpu.memory_space<vmem>>[vector<16xi32>], vector<16xi32>,
        %add3A_1655 = arith.addi %mul3A_424, %broadcast_in_dim3A_1652 : vector<16xi32>
        %gather3A_1656 = tpu.vector_load_idx %arg6[%add3A_1655] : memref<24576xi32, #tpu.memory_space<vmem>>[vector<16xi32>], vector<16xi32>,
        %add3A_1657 = arith.addi %mul3A_431, %broadcast_in_dim3A_1652 : vector<16xi32>
        %gather3A_1658 = tpu.vector_load_idx %arg6[%add3A_1657] : memref<24576xi32, #tpu.memory_space<vmem>>[vector<16xi32>], vector<16xi32>,
        %bitcast3A = vector.bitcast %gather3A_1654 : vector<16xi32> to vector<32xbf16>
        %bitcast3A_1659 = vector.bitcast %gather3A_1656 : vector<16xi32> to vector<32xbf16>
        %add3A_1660 = arith.addf %bitcast3A, %bitcast3A_1659 : vector<32xbf16>
        %bitcast3A_1661 = vector.bitcast %gather3A_1658 : vector<16xi32> to vector<32xbf16>
        %add3A_1662 = arith.addf %add3A_1660, %bitcast3A_1661 : vector<32xbf16>
        %bitcast3A_1663 = vector.bitcast %add3A_1662 : vector<32xbf16> to vector<16xi32>
        %shift_left3A = arith.constant 16 : i32
        %shift_left3A_1664 = vector.broadcast %shift_left3A : i32 to vector<16xi32>
        %shift_left3A_1665 = arith.shli %bitcast3A_1663, %shift_left3A_1664 : vector<16xi32>
        %bitcast3A_1666 = vector.bitcast %shift_left3A_1665 : vector<16xi32> to vector<16xf32>
        %and3A_1667 = arith.andi %bitcast3A_1663, %broadcast_in_dim3A_43 : vector<16xi32>
        %bitcast3A_1668 = vector.bitcast %and3A_1667 : vector<16xi32> to vector<16xf32>
        %add3A_1669 = arith.addi %scan3A_1650, %scan3A_1650 : i32
        %swap3A = arith.index_cast %add3A_1669 : i32 to index
        %swap3A_1670 = arith.constant 96 : index
        %swap3A_1671 = tpu.vector_load %arg8[%swap3A, %swap3A_1670] {strides = array<i32>} : memref<32x257xf32, #tpu.memory_space<vmem>>, vector<16xf32>,
        tpu.vector_store %arg8[%swap3A, %swap3A_1670], %bitcast3A_1666 {strides = array<i32>} : memref<32x257xf32, #tpu.memory_space<vmem>>, vector<16xf32>,
        %add3A_1672 = arith.constant 1 : i32
        %add3A_1673 = arith.addi %add3A_1669, %add3A_1672 : i32
        %swap3A_1674 = arith.index_cast %add3A_1673 : i32 to index
        %swap3A_1675 = arith.constant 96 : index
        %swap3A_1676 = tpu.vector_load %arg8[%swap3A_1674, %swap3A_1675] {strides = array<i32>} : memref<32x257xf32, #tpu.memory_space<vmem>>, vector<16xf32>,
        tpu.vector_store %arg8[%swap3A_1674, %swap3A_1675], %bitcast3A_1668 {strides = array<i32>} : memref<32x257xf32, #tpu.memory_space<vmem>>, vector<16xf32>,
        %scan3A_1677 = arith.constant 0 : i32
        scf.yield %scan3A_1677 : i32
      }
      %scan3A_438 = arith.constant 16 : i32
      %add3A_439 = arith.constant 112 : i32
      %add3A_440 = vector.broadcast %add3A_439 : i32 to vector<16xi32>
      %add3A_441 = arith.addi %add3A_440, %iota3A : vector<16xi32>
      %sub3A_442 = arith.constant 1 : i32
      %sub3A_443 = vector.broadcast %sub3A_442 : i32 to vector<16xi32>
      %sub3A_444 = arith.subi %add3A_441, %sub3A_443 : vector<16xi32>
      %jit3A_445 = arith.constant 0 : i32
      %jit3A_446 = arith.constant 255 : i32
      %max3A_447 = vector.broadcast %jit3A_445 : i32 to vector<16xi32>
      %max3A_448 = arith.maxsi %max3A_447, %sub3A_444 : vector<16xi32>
      %min3A_449 = vector.broadcast %jit3A_446 : i32 to vector<16xi32>
      %min3A_450 = arith.minsi %min3A_449, %max3A_448 : vector<16xi32>
      %mul3A_451 = arith.constant 3 : i32
      %mul3A_452 = vector.broadcast %mul3A_451 : i32 to vector<16xi32>
      %mul3A_453 = arith.muli %min3A_450, %mul3A_452 : vector<16xi32>
      %add3A_454 = arith.constant 0 : i32
      %add3A_455 = vector.broadcast %add3A_454 : i32 to vector<16xi32>
      %add3A_456 = arith.addi %add3A_455, %mul3A_453 : vector<16xi32>
      %gather3A_457 = tpu.vector_load_idx %arg7[%add3A_456] : memref<1536xi32, #tpu.memory_space<vmem>>[vector<16xi32>], vector<16xi32>,
      %mul3A_458 = arith.constant 16 : i32
      %mul3A_459 = vector.broadcast %mul3A_458 : i32 to vector<16xi32>
      %mul3A_460 = arith.muli %gather3A_457, %mul3A_459 : vector<16xi32>
      %add3A_461 = arith.constant 1 : i32
      %add3A_462 = vector.broadcast %add3A_461 : i32 to vector<16xi32>
      %add3A_463 = arith.addi %add3A_456, %add3A_462 : vector<16xi32>
      %gather3A_464 = tpu.vector_load_idx %arg7[%add3A_463] : memref<1536xi32, #tpu.memory_space<vmem>>[vector<16xi32>], vector<16xi32>,
      %mul3A_465 = arith.constant 16 : i32
      %mul3A_466 = vector.broadcast %mul3A_465 : i32 to vector<16xi32>
      %mul3A_467 = arith.muli %gather3A_464, %mul3A_466 : vector<16xi32>
      %add3A_468 = arith.constant 2 : i32
      %add3A_469 = vector.broadcast %add3A_468 : i32 to vector<16xi32>
      %add3A_470 = arith.addi %add3A_456, %add3A_469 : vector<16xi32>
      %gather3A_471 = tpu.vector_load_idx %arg7[%add3A_470] : memref<1536xi32, #tpu.memory_space<vmem>>[vector<16xi32>], vector<16xi32>,
      %mul3A_472 = arith.constant 16 : i32
      %mul3A_473 = vector.broadcast %mul3A_472 : i32 to vector<16xi32>
      %mul3A_474 = arith.muli %gather3A_471, %mul3A_473 : vector<16xi32>
      %scan3A_475 = arith.constant 0 : i32
      %scan3A_476 = arith.constant 0 : i32
      %scan3A_477 = arith.constant 16 : i32
      %scan3A_478 = arith.addi %scan3A_476, %scan3A_477 : i32
      %scan3A_479 = arith.constant 1 : i32
      %scan3A_480 = scf.for %scan3A_1650 = %scan3A_476 to %scan3A_478 step %scan3A_479 iter_args(%scan3A_1651 = %scan3A_475) -> (i32)  : i32 {
        %broadcast_in_dim3A_1652 = vector.broadcast %scan3A_1650 : i32 to vector<16xi32>
        %add3A_1653 = arith.addi %mul3A_460, %broadcast_in_dim3A_1652 : vector<16xi32>
        %gather3A_1654 = tpu.vector_load_idx %arg6[%add3A_1653] : memref<24576xi32, #tpu.memory_space<vmem>>[vector<16xi32>], vector<16xi32>,
        %add3A_1655 = arith.addi %mul3A_467, %broadcast_in_dim3A_1652 : vector<16xi32>
        %gather3A_1656 = tpu.vector_load_idx %arg6[%add3A_1655] : memref<24576xi32, #tpu.memory_space<vmem>>[vector<16xi32>], vector<16xi32>,
        %add3A_1657 = arith.addi %mul3A_474, %broadcast_in_dim3A_1652 : vector<16xi32>
        %gather3A_1658 = tpu.vector_load_idx %arg6[%add3A_1657] : memref<24576xi32, #tpu.memory_space<vmem>>[vector<16xi32>], vector<16xi32>,
        %bitcast3A = vector.bitcast %gather3A_1654 : vector<16xi32> to vector<32xbf16>
        %bitcast3A_1659 = vector.bitcast %gather3A_1656 : vector<16xi32> to vector<32xbf16>
        %add3A_1660 = arith.addf %bitcast3A, %bitcast3A_1659 : vector<32xbf16>
        %bitcast3A_1661 = vector.bitcast %gather3A_1658 : vector<16xi32> to vector<32xbf16>
        %add3A_1662 = arith.addf %add3A_1660, %bitcast3A_1661 : vector<32xbf16>
        %bitcast3A_1663 = vector.bitcast %add3A_1662 : vector<32xbf16> to vector<16xi32>
        %shift_left3A = arith.constant 16 : i32
        %shift_left3A_1664 = vector.broadcast %shift_left3A : i32 to vector<16xi32>
        %shift_left3A_1665 = arith.shli %bitcast3A_1663, %shift_left3A_1664 : vector<16xi32>
        %bitcast3A_1666 = vector.bitcast %shift_left3A_1665 : vector<16xi32> to vector<16xf32>
        %and3A_1667 = arith.andi %bitcast3A_1663, %broadcast_in_dim3A_43 : vector<16xi32>
        %bitcast3A_1668 = vector.bitcast %and3A_1667 : vector<16xi32> to vector<16xf32>
        %add3A_1669 = arith.addi %scan3A_1650, %scan3A_1650 : i32
        %swap3A = arith.index_cast %add3A_1669 : i32 to index
        %swap3A_1670 = arith.constant 112 : index
        %swap3A_1671 = tpu.vector_load %arg8[%swap3A, %swap3A_1670] {strides = array<i32>} : memref<32x257xf32, #tpu.memory_space<vmem>>, vector<16xf32>,
        tpu.vector_store %arg8[%swap3A, %swap3A_1670], %bitcast3A_1666 {strides = array<i32>} : memref<32x257xf32, #tpu.memory_space<vmem>>, vector<16xf32>,
        %add3A_1672 = arith.constant 1 : i32
        %add3A_1673 = arith.addi %add3A_1669, %add3A_1672 : i32
        %swap3A_1674 = arith.index_cast %add3A_1673 : i32 to index
        %swap3A_1675 = arith.constant 112 : index
        %swap3A_1676 = tpu.vector_load %arg8[%swap3A_1674, %swap3A_1675] {strides = array<i32>} : memref<32x257xf32, #tpu.memory_space<vmem>>, vector<16xf32>,
        tpu.vector_store %arg8[%swap3A_1674, %swap3A_1675], %bitcast3A_1668 {strides = array<i32>} : memref<32x257xf32, #tpu.memory_space<vmem>>, vector<16xf32>,
        %scan3A_1677 = arith.constant 0 : i32
        scf.yield %scan3A_1677 : i32
      }
      %scan3A_481 = arith.constant 16 : i32
      %add3A_482 = arith.constant 128 : i32
      %add3A_483 = vector.broadcast %add3A_482 : i32 to vector<16xi32>
      %add3A_484 = arith.addi %add3A_483, %iota3A : vector<16xi32>
      %sub3A_485 = arith.constant 1 : i32
      %sub3A_486 = vector.broadcast %sub3A_485 : i32 to vector<16xi32>
      %sub3A_487 = arith.subi %add3A_484, %sub3A_486 : vector<16xi32>
      %jit3A_488 = arith.constant 0 : i32
      %jit3A_489 = arith.constant 255 : i32
      %max3A_490 = vector.broadcast %jit3A_488 : i32 to vector<16xi32>
      %max3A_491 = arith.maxsi %max3A_490, %sub3A_487 : vector<16xi32>
      %min3A_492 = vector.broadcast %jit3A_489 : i32 to vector<16xi32>
      %min3A_493 = arith.minsi %min3A_492, %max3A_491 : vector<16xi32>
      %mul3A_494 = arith.constant 3 : i32
      %mul3A_495 = vector.broadcast %mul3A_494 : i32 to vector<16xi32>
      %mul3A_496 = arith.muli %min3A_493, %mul3A_495 : vector<16xi32>
      %add3A_497 = arith.constant 0 : i32
      %add3A_498 = vector.broadcast %add3A_497 : i32 to vector<16xi32>
      %add3A_499 = arith.addi %add3A_498, %mul3A_496 : vector<16xi32>
      %gather3A_500 = tpu.vector_load_idx %arg7[%add3A_499] : memref<1536xi32, #tpu.memory_space<vmem>>[vector<16xi32>], vector<16xi32>,
      %mul3A_501 = arith.constant 16 : i32
      %mul3A_502 = vector.broadcast %mul3A_501 : i32 to vector<16xi32>
      %mul3A_503 = arith.muli %gather3A_500, %mul3A_502 : vector<16xi32>
      %add3A_504 = arith.constant 1 : i32
      %add3A_505 = vector.broadcast %add3A_504 : i32 to vector<16xi32>
      %add3A_506 = arith.addi %add3A_499, %add3A_505 : vector<16xi32>
      %gather3A_507 = tpu.vector_load_idx %arg7[%add3A_506] : memref<1536xi32, #tpu.memory_space<vmem>>[vector<16xi32>], vector<16xi32>,
      %mul3A_508 = arith.constant 16 : i32
      %mul3A_509 = vector.broadcast %mul3A_508 : i32 to vector<16xi32>
      %mul3A_510 = arith.muli %gather3A_507, %mul3A_509 : vector<16xi32>
      %add3A_511 = arith.constant 2 : i32
      %add3A_512 = vector.broadcast %add3A_511 : i32 to vector<16xi32>
      %add3A_513 = arith.addi %add3A_499, %add3A_512 : vector<16xi32>
      %gather3A_514 = tpu.vector_load_idx %arg7[%add3A_513] : memref<1536xi32, #tpu.memory_space<vmem>>[vector<16xi32>], vector<16xi32>,
      %mul3A_515 = arith.constant 16 : i32
      %mul3A_516 = vector.broadcast %mul3A_515 : i32 to vector<16xi32>
      %mul3A_517 = arith.muli %gather3A_514, %mul3A_516 : vector<16xi32>
      %scan3A_518 = arith.constant 0 : i32
      %scan3A_519 = arith.constant 0 : i32
      %scan3A_520 = arith.constant 16 : i32
      %scan3A_521 = arith.addi %scan3A_519, %scan3A_520 : i32
      %scan3A_522 = arith.constant 1 : i32
      %scan3A_523 = scf.for %scan3A_1650 = %scan3A_519 to %scan3A_521 step %scan3A_522 iter_args(%scan3A_1651 = %scan3A_518) -> (i32)  : i32 {
        %broadcast_in_dim3A_1652 = vector.broadcast %scan3A_1650 : i32 to vector<16xi32>
        %add3A_1653 = arith.addi %mul3A_503, %broadcast_in_dim3A_1652 : vector<16xi32>
        %gather3A_1654 = tpu.vector_load_idx %arg6[%add3A_1653] : memref<24576xi32, #tpu.memory_space<vmem>>[vector<16xi32>], vector<16xi32>,
        %add3A_1655 = arith.addi %mul3A_510, %broadcast_in_dim3A_1652 : vector<16xi32>
        %gather3A_1656 = tpu.vector_load_idx %arg6[%add3A_1655] : memref<24576xi32, #tpu.memory_space<vmem>>[vector<16xi32>], vector<16xi32>,
        %add3A_1657 = arith.addi %mul3A_517, %broadcast_in_dim3A_1652 : vector<16xi32>
        %gather3A_1658 = tpu.vector_load_idx %arg6[%add3A_1657] : memref<24576xi32, #tpu.memory_space<vmem>>[vector<16xi32>], vector<16xi32>,
        %bitcast3A = vector.bitcast %gather3A_1654 : vector<16xi32> to vector<32xbf16>
        %bitcast3A_1659 = vector.bitcast %gather3A_1656 : vector<16xi32> to vector<32xbf16>
        %add3A_1660 = arith.addf %bitcast3A, %bitcast3A_1659 : vector<32xbf16>
        %bitcast3A_1661 = vector.bitcast %gather3A_1658 : vector<16xi32> to vector<32xbf16>
        %add3A_1662 = arith.addf %add3A_1660, %bitcast3A_1661 : vector<32xbf16>
        %bitcast3A_1663 = vector.bitcast %add3A_1662 : vector<32xbf16> to vector<16xi32>
        %shift_left3A = arith.constant 16 : i32
        %shift_left3A_1664 = vector.broadcast %shift_left3A : i32 to vector<16xi32>
        %shift_left3A_1665 = arith.shli %bitcast3A_1663, %shift_left3A_1664 : vector<16xi32>
        %bitcast3A_1666 = vector.bitcast %shift_left3A_1665 : vector<16xi32> to vector<16xf32>
        %and3A_1667 = arith.andi %bitcast3A_1663, %broadcast_in_dim3A_43 : vector<16xi32>
        %bitcast3A_1668 = vector.bitcast %and3A_1667 : vector<16xi32> to vector<16xf32>
        %add3A_1669 = arith.addi %scan3A_1650, %scan3A_1650 : i32
        %swap3A = arith.index_cast %add3A_1669 : i32 to index
        %swap3A_1670 = arith.constant 128 : index
        %swap3A_1671 = tpu.vector_load %arg8[%swap3A, %swap3A_1670] {strides = array<i32>} : memref<32x257xf32, #tpu.memory_space<vmem>>, vector<16xf32>,
        tpu.vector_store %arg8[%swap3A, %swap3A_1670], %bitcast3A_1666 {strides = array<i32>} : memref<32x257xf32, #tpu.memory_space<vmem>>, vector<16xf32>,
        %add3A_1672 = arith.constant 1 : i32
        %add3A_1673 = arith.addi %add3A_1669, %add3A_1672 : i32
        %swap3A_1674 = arith.index_cast %add3A_1673 : i32 to index
        %swap3A_1675 = arith.constant 128 : index
        %swap3A_1676 = tpu.vector_load %arg8[%swap3A_1674, %swap3A_1675] {strides = array<i32>} : memref<32x257xf32, #tpu.memory_space<vmem>>, vector<16xf32>,
        tpu.vector_store %arg8[%swap3A_1674, %swap3A_1675], %bitcast3A_1668 {strides = array<i32>} : memref<32x257xf32, #tpu.memory_space<vmem>>, vector<16xf32>,
        %scan3A_1677 = arith.constant 0 : i32
        scf.yield %scan3A_1677 : i32
      }
      %scan3A_524 = arith.constant 16 : i32
      %add3A_525 = arith.constant 144 : i32
      %add3A_526 = vector.broadcast %add3A_525 : i32 to vector<16xi32>
      %add3A_527 = arith.addi %add3A_526, %iota3A : vector<16xi32>
      %sub3A_528 = arith.constant 1 : i32
      %sub3A_529 = vector.broadcast %sub3A_528 : i32 to vector<16xi32>
      %sub3A_530 = arith.subi %add3A_527, %sub3A_529 : vector<16xi32>
      %jit3A_531 = arith.constant 0 : i32
      %jit3A_532 = arith.constant 255 : i32
      %max3A_533 = vector.broadcast %jit3A_531 : i32 to vector<16xi32>
      %max3A_534 = arith.maxsi %max3A_533, %sub3A_530 : vector<16xi32>
      %min3A_535 = vector.broadcast %jit3A_532 : i32 to vector<16xi32>
      %min3A_536 = arith.minsi %min3A_535, %max3A_534 : vector<16xi32>
      %mul3A_537 = arith.constant 3 : i32
      %mul3A_538 = vector.broadcast %mul3A_537 : i32 to vector<16xi32>
      %mul3A_539 = arith.muli %min3A_536, %mul3A_538 : vector<16xi32>
      %add3A_540 = arith.constant 0 : i32
      %add3A_541 = vector.broadcast %add3A_540 : i32 to vector<16xi32>
      %add3A_542 = arith.addi %add3A_541, %mul3A_539 : vector<16xi32>
      %gather3A_543 = tpu.vector_load_idx %arg7[%add3A_542] : memref<1536xi32, #tpu.memory_space<vmem>>[vector<16xi32>], vector<16xi32>,
      %mul3A_544 = arith.constant 16 : i32
      %mul3A_545 = vector.broadcast %mul3A_544 : i32 to vector<16xi32>
      %mul3A_546 = arith.muli %gather3A_543, %mul3A_545 : vector<16xi32>
      %add3A_547 = arith.constant 1 : i32
      %add3A_548 = vector.broadcast %add3A_547 : i32 to vector<16xi32>
      %add3A_549 = arith.addi %add3A_542, %add3A_548 : vector<16xi32>
      %gather3A_550 = tpu.vector_load_idx %arg7[%add3A_549] : memref<1536xi32, #tpu.memory_space<vmem>>[vector<16xi32>], vector<16xi32>,
      %mul3A_551 = arith.constant 16 : i32
      %mul3A_552 = vector.broadcast %mul3A_551 : i32 to vector<16xi32>
      %mul3A_553 = arith.muli %gather3A_550, %mul3A_552 : vector<16xi32>
      %add3A_554 = arith.constant 2 : i32
      %add3A_555 = vector.broadcast %add3A_554 : i32 to vector<16xi32>
      %add3A_556 = arith.addi %add3A_542, %add3A_555 : vector<16xi32>
      %gather3A_557 = tpu.vector_load_idx %arg7[%add3A_556] : memref<1536xi32, #tpu.memory_space<vmem>>[vector<16xi32>], vector<16xi32>,
      %mul3A_558 = arith.constant 16 : i32
      %mul3A_559 = vector.broadcast %mul3A_558 : i32 to vector<16xi32>
      %mul3A_560 = arith.muli %gather3A_557, %mul3A_559 : vector<16xi32>
      %scan3A_561 = arith.constant 0 : i32
      %scan3A_562 = arith.constant 0 : i32
      %scan3A_563 = arith.constant 16 : i32
      %scan3A_564 = arith.addi %scan3A_562, %scan3A_563 : i32
      %scan3A_565 = arith.constant 1 : i32
      %scan3A_566 = scf.for %scan3A_1650 = %scan3A_562 to %scan3A_564 step %scan3A_565 iter_args(%scan3A_1651 = %scan3A_561) -> (i32)  : i32 {
        %broadcast_in_dim3A_1652 = vector.broadcast %scan3A_1650 : i32 to vector<16xi32>
        %add3A_1653 = arith.addi %mul3A_546, %broadcast_in_dim3A_1652 : vector<16xi32>
        %gather3A_1654 = tpu.vector_load_idx %arg6[%add3A_1653] : memref<24576xi32, #tpu.memory_space<vmem>>[vector<16xi32>], vector<16xi32>,
        %add3A_1655 = arith.addi %mul3A_553, %broadcast_in_dim3A_1652 : vector<16xi32>
        %gather3A_1656 = tpu.vector_load_idx %arg6[%add3A_1655] : memref<24576xi32, #tpu.memory_space<vmem>>[vector<16xi32>], vector<16xi32>,
        %add3A_1657 = arith.addi %mul3A_560, %broadcast_in_dim3A_1652 : vector<16xi32>
        %gather3A_1658 = tpu.vector_load_idx %arg6[%add3A_1657] : memref<24576xi32, #tpu.memory_space<vmem>>[vector<16xi32>], vector<16xi32>,
        %bitcast3A = vector.bitcast %gather3A_1654 : vector<16xi32> to vector<32xbf16>
        %bitcast3A_1659 = vector.bitcast %gather3A_1656 : vector<16xi32> to vector<32xbf16>
        %add3A_1660 = arith.addf %bitcast3A, %bitcast3A_1659 : vector<32xbf16>
        %bitcast3A_1661 = vector.bitcast %gather3A_1658 : vector<16xi32> to vector<32xbf16>
        %add3A_1662 = arith.addf %add3A_1660, %bitcast3A_1661 : vector<32xbf16>
        %bitcast3A_1663 = vector.bitcast %add3A_1662 : vector<32xbf16> to vector<16xi32>
        %shift_left3A = arith.constant 16 : i32
        %shift_left3A_1664 = vector.broadcast %shift_left3A : i32 to vector<16xi32>
        %shift_left3A_1665 = arith.shli %bitcast3A_1663, %shift_left3A_1664 : vector<16xi32>
        %bitcast3A_1666 = vector.bitcast %shift_left3A_1665 : vector<16xi32> to vector<16xf32>
        %and3A_1667 = arith.andi %bitcast3A_1663, %broadcast_in_dim3A_43 : vector<16xi32>
        %bitcast3A_1668 = vector.bitcast %and3A_1667 : vector<16xi32> to vector<16xf32>
        %add3A_1669 = arith.addi %scan3A_1650, %scan3A_1650 : i32
        %swap3A = arith.index_cast %add3A_1669 : i32 to index
        %swap3A_1670 = arith.constant 144 : index
        %swap3A_1671 = tpu.vector_load %arg8[%swap3A, %swap3A_1670] {strides = array<i32>} : memref<32x257xf32, #tpu.memory_space<vmem>>, vector<16xf32>,
        tpu.vector_store %arg8[%swap3A, %swap3A_1670], %bitcast3A_1666 {strides = array<i32>} : memref<32x257xf32, #tpu.memory_space<vmem>>, vector<16xf32>,
        %add3A_1672 = arith.constant 1 : i32
        %add3A_1673 = arith.addi %add3A_1669, %add3A_1672 : i32
        %swap3A_1674 = arith.index_cast %add3A_1673 : i32 to index
        %swap3A_1675 = arith.constant 144 : index
        %swap3A_1676 = tpu.vector_load %arg8[%swap3A_1674, %swap3A_1675] {strides = array<i32>} : memref<32x257xf32, #tpu.memory_space<vmem>>, vector<16xf32>,
        tpu.vector_store %arg8[%swap3A_1674, %swap3A_1675], %bitcast3A_1668 {strides = array<i32>} : memref<32x257xf32, #tpu.memory_space<vmem>>, vector<16xf32>,
        %scan3A_1677 = arith.constant 0 : i32
        scf.yield %scan3A_1677 : i32
      }
      %scan3A_567 = arith.constant 16 : i32
      %add3A_568 = arith.constant 160 : i32
      %add3A_569 = vector.broadcast %add3A_568 : i32 to vector<16xi32>
      %add3A_570 = arith.addi %add3A_569, %iota3A : vector<16xi32>
      %sub3A_571 = arith.constant 1 : i32
      %sub3A_572 = vector.broadcast %sub3A_571 : i32 to vector<16xi32>
      %sub3A_573 = arith.subi %add3A_570, %sub3A_572 : vector<16xi32>
      %jit3A_574 = arith.constant 0 : i32
      %jit3A_575 = arith.constant 255 : i32
      %max3A_576 = vector.broadcast %jit3A_574 : i32 to vector<16xi32>
      %max3A_577 = arith.maxsi %max3A_576, %sub3A_573 : vector<16xi32>
      %min3A_578 = vector.broadcast %jit3A_575 : i32 to vector<16xi32>
      %min3A_579 = arith.minsi %min3A_578, %max3A_577 : vector<16xi32>
      %mul3A_580 = arith.constant 3 : i32
      %mul3A_581 = vector.broadcast %mul3A_580 : i32 to vector<16xi32>
      %mul3A_582 = arith.muli %min3A_579, %mul3A_581 : vector<16xi32>
      %add3A_583 = arith.constant 0 : i32
      %add3A_584 = vector.broadcast %add3A_583 : i32 to vector<16xi32>
      %add3A_585 = arith.addi %add3A_584, %mul3A_582 : vector<16xi32>
      %gather3A_586 = tpu.vector_load_idx %arg7[%add3A_585] : memref<1536xi32, #tpu.memory_space<vmem>>[vector<16xi32>], vector<16xi32>,
      %mul3A_587 = arith.constant 16 : i32
      %mul3A_588 = vector.broadcast %mul3A_587 : i32 to vector<16xi32>
      %mul3A_589 = arith.muli %gather3A_586, %mul3A_588 : vector<16xi32>
      %add3A_590 = arith.constant 1 : i32
      %add3A_591 = vector.broadcast %add3A_590 : i32 to vector<16xi32>
      %add3A_592 = arith.addi %add3A_585, %add3A_591 : vector<16xi32>
      %gather3A_593 = tpu.vector_load_idx %arg7[%add3A_592] : memref<1536xi32, #tpu.memory_space<vmem>>[vector<16xi32>], vector<16xi32>,
      %mul3A_594 = arith.constant 16 : i32
      %mul3A_595 = vector.broadcast %mul3A_594 : i32 to vector<16xi32>
      %mul3A_596 = arith.muli %gather3A_593, %mul3A_595 : vector<16xi32>
      %add3A_597 = arith.constant 2 : i32
      %add3A_598 = vector.broadcast %add3A_597 : i32 to vector<16xi32>
      %add3A_599 = arith.addi %add3A_585, %add3A_598 : vector<16xi32>
      %gather3A_600 = tpu.vector_load_idx %arg7[%add3A_599] : memref<1536xi32, #tpu.memory_space<vmem>>[vector<16xi32>], vector<16xi32>,
      %mul3A_601 = arith.constant 16 : i32
      %mul3A_602 = vector.broadcast %mul3A_601 : i32 to vector<16xi32>
      %mul3A_603 = arith.muli %gather3A_600, %mul3A_602 : vector<16xi32>
      %scan3A_604 = arith.constant 0 : i32
      %scan3A_605 = arith.constant 0 : i32
      %scan3A_606 = arith.constant 16 : i32
      %scan3A_607 = arith.addi %scan3A_605, %scan3A_606 : i32
      %scan3A_608 = arith.constant 1 : i32
      %scan3A_609 = scf.for %scan3A_1650 = %scan3A_605 to %scan3A_607 step %scan3A_608 iter_args(%scan3A_1651 = %scan3A_604) -> (i32)  : i32 {
        %broadcast_in_dim3A_1652 = vector.broadcast %scan3A_1650 : i32 to vector<16xi32>
        %add3A_1653 = arith.addi %mul3A_589, %broadcast_in_dim3A_1652 : vector<16xi32>
        %gather3A_1654 = tpu.vector_load_idx %arg6[%add3A_1653] : memref<24576xi32, #tpu.memory_space<vmem>>[vector<16xi32>], vector<16xi32>,
        %add3A_1655 = arith.addi %mul3A_596, %broadcast_in_dim3A_1652 : vector<16xi32>
        %gather3A_1656 = tpu.vector_load_idx %arg6[%add3A_1655] : memref<24576xi32, #tpu.memory_space<vmem>>[vector<16xi32>], vector<16xi32>,
        %add3A_1657 = arith.addi %mul3A_603, %broadcast_in_dim3A_1652 : vector<16xi32>
        %gather3A_1658 = tpu.vector_load_idx %arg6[%add3A_1657] : memref<24576xi32, #tpu.memory_space<vmem>>[vector<16xi32>], vector<16xi32>,
        %bitcast3A = vector.bitcast %gather3A_1654 : vector<16xi32> to vector<32xbf16>
        %bitcast3A_1659 = vector.bitcast %gather3A_1656 : vector<16xi32> to vector<32xbf16>
        %add3A_1660 = arith.addf %bitcast3A, %bitcast3A_1659 : vector<32xbf16>
        %bitcast3A_1661 = vector.bitcast %gather3A_1658 : vector<16xi32> to vector<32xbf16>
        %add3A_1662 = arith.addf %add3A_1660, %bitcast3A_1661 : vector<32xbf16>
        %bitcast3A_1663 = vector.bitcast %add3A_1662 : vector<32xbf16> to vector<16xi32>
        %shift_left3A = arith.constant 16 : i32
        %shift_left3A_1664 = vector.broadcast %shift_left3A : i32 to vector<16xi32>
        %shift_left3A_1665 = arith.shli %bitcast3A_1663, %shift_left3A_1664 : vector<16xi32>
        %bitcast3A_1666 = vector.bitcast %shift_left3A_1665 : vector<16xi32> to vector<16xf32>
        %and3A_1667 = arith.andi %bitcast3A_1663, %broadcast_in_dim3A_43 : vector<16xi32>
        %bitcast3A_1668 = vector.bitcast %and3A_1667 : vector<16xi32> to vector<16xf32>
        %add3A_1669 = arith.addi %scan3A_1650, %scan3A_1650 : i32
        %swap3A = arith.index_cast %add3A_1669 : i32 to index
        %swap3A_1670 = arith.constant 160 : index
        %swap3A_1671 = tpu.vector_load %arg8[%swap3A, %swap3A_1670] {strides = array<i32>} : memref<32x257xf32, #tpu.memory_space<vmem>>, vector<16xf32>,
        tpu.vector_store %arg8[%swap3A, %swap3A_1670], %bitcast3A_1666 {strides = array<i32>} : memref<32x257xf32, #tpu.memory_space<vmem>>, vector<16xf32>,
        %add3A_1672 = arith.constant 1 : i32
        %add3A_1673 = arith.addi %add3A_1669, %add3A_1672 : i32
        %swap3A_1674 = arith.index_cast %add3A_1673 : i32 to index
        %swap3A_1675 = arith.constant 160 : index
        %swap3A_1676 = tpu.vector_load %arg8[%swap3A_1674, %swap3A_1675] {strides = array<i32>} : memref<32x257xf32, #tpu.memory_space<vmem>>, vector<16xf32>,
        tpu.vector_store %arg8[%swap3A_1674, %swap3A_1675], %bitcast3A_1668 {strides = array<i32>} : memref<32x257xf32, #tpu.memory_space<vmem>>, vector<16xf32>,
        %scan3A_1677 = arith.constant 0 : i32
        scf.yield %scan3A_1677 : i32
      }
      %scan3A_610 = arith.constant 16 : i32
      %add3A_611 = arith.constant 176 : i32
      %add3A_612 = vector.broadcast %add3A_611 : i32 to vector<16xi32>
      %add3A_613 = arith.addi %add3A_612, %iota3A : vector<16xi32>
      %sub3A_614 = arith.constant 1 : i32
      %sub3A_615 = vector.broadcast %sub3A_614 : i32 to vector<16xi32>
      %sub3A_616 = arith.subi %add3A_613, %sub3A_615 : vector<16xi32>
      %jit3A_617 = arith.constant 0 : i32
      %jit3A_618 = arith.constant 255 : i32
      %max3A_619 = vector.broadcast %jit3A_617 : i32 to vector<16xi32>
      %max3A_620 = arith.maxsi %max3A_619, %sub3A_616 : vector<16xi32>
      %min3A_621 = vector.broadcast %jit3A_618 : i32 to vector<16xi32>
      %min3A_622 = arith.minsi %min3A_621, %max3A_620 : vector<16xi32>
      %mul3A_623 = arith.constant 3 : i32
      %mul3A_624 = vector.broadcast %mul3A_623 : i32 to vector<16xi32>
      %mul3A_625 = arith.muli %min3A_622, %mul3A_624 : vector<16xi32>
      %add3A_626 = arith.constant 0 : i32
      %add3A_627 = vector.broadcast %add3A_626 : i32 to vector<16xi32>
      %add3A_628 = arith.addi %add3A_627, %mul3A_625 : vector<16xi32>
      %gather3A_629 = tpu.vector_load_idx %arg7[%add3A_628] : memref<1536xi32, #tpu.memory_space<vmem>>[vector<16xi32>], vector<16xi32>,
      %mul3A_630 = arith.constant 16 : i32
      %mul3A_631 = vector.broadcast %mul3A_630 : i32 to vector<16xi32>
      %mul3A_632 = arith.muli %gather3A_629, %mul3A_631 : vector<16xi32>
      %add3A_633 = arith.constant 1 : i32
      %add3A_634 = vector.broadcast %add3A_633 : i32 to vector<16xi32>
      %add3A_635 = arith.addi %add3A_628, %add3A_634 : vector<16xi32>
      %gather3A_636 = tpu.vector_load_idx %arg7[%add3A_635] : memref<1536xi32, #tpu.memory_space<vmem>>[vector<16xi32>], vector<16xi32>,
      %mul3A_637 = arith.constant 16 : i32
      %mul3A_638 = vector.broadcast %mul3A_637 : i32 to vector<16xi32>
      %mul3A_639 = arith.muli %gather3A_636, %mul3A_638 : vector<16xi32>
      %add3A_640 = arith.constant 2 : i32
      %add3A_641 = vector.broadcast %add3A_640 : i32 to vector<16xi32>
      %add3A_642 = arith.addi %add3A_628, %add3A_641 : vector<16xi32>
      %gather3A_643 = tpu.vector_load_idx %arg7[%add3A_642] : memref<1536xi32, #tpu.memory_space<vmem>>[vector<16xi32>], vector<16xi32>,
      %mul3A_644 = arith.constant 16 : i32
      %mul3A_645 = vector.broadcast %mul3A_644 : i32 to vector<16xi32>
      %mul3A_646 = arith.muli %gather3A_643, %mul3A_645 : vector<16xi32>
      %scan3A_647 = arith.constant 0 : i32
      %scan3A_648 = arith.constant 0 : i32
      %scan3A_649 = arith.constant 16 : i32
      %scan3A_650 = arith.addi %scan3A_648, %scan3A_649 : i32
      %scan3A_651 = arith.constant 1 : i32
      %scan3A_652 = scf.for %scan3A_1650 = %scan3A_648 to %scan3A_650 step %scan3A_651 iter_args(%scan3A_1651 = %scan3A_647) -> (i32)  : i32 {
        %broadcast_in_dim3A_1652 = vector.broadcast %scan3A_1650 : i32 to vector<16xi32>
        %add3A_1653 = arith.addi %mul3A_632, %broadcast_in_dim3A_1652 : vector<16xi32>
        %gather3A_1654 = tpu.vector_load_idx %arg6[%add3A_1653] : memref<24576xi32, #tpu.memory_space<vmem>>[vector<16xi32>], vector<16xi32>,
        %add3A_1655 = arith.addi %mul3A_639, %broadcast_in_dim3A_1652 : vector<16xi32>
        %gather3A_1656 = tpu.vector_load_idx %arg6[%add3A_1655] : memref<24576xi32, #tpu.memory_space<vmem>>[vector<16xi32>], vector<16xi32>,
        %add3A_1657 = arith.addi %mul3A_646, %broadcast_in_dim3A_1652 : vector<16xi32>
        %gather3A_1658 = tpu.vector_load_idx %arg6[%add3A_1657] : memref<24576xi32, #tpu.memory_space<vmem>>[vector<16xi32>], vector<16xi32>,
        %bitcast3A = vector.bitcast %gather3A_1654 : vector<16xi32> to vector<32xbf16>
        %bitcast3A_1659 = vector.bitcast %gather3A_1656 : vector<16xi32> to vector<32xbf16>
        %add3A_1660 = arith.addf %bitcast3A, %bitcast3A_1659 : vector<32xbf16>
        %bitcast3A_1661 = vector.bitcast %gather3A_1658 : vector<16xi32> to vector<32xbf16>
        %add3A_1662 = arith.addf %add3A_1660, %bitcast3A_1661 : vector<32xbf16>
        %bitcast3A_1663 = vector.bitcast %add3A_1662 : vector<32xbf16> to vector<16xi32>
        %shift_left3A = arith.constant 16 : i32
        %shift_left3A_1664 = vector.broadcast %shift_left3A : i32 to vector<16xi32>
        %shift_left3A_1665 = arith.shli %bitcast3A_1663, %shift_left3A_1664 : vector<16xi32>
        %bitcast3A_1666 = vector.bitcast %shift_left3A_1665 : vector<16xi32> to vector<16xf32>
        %and3A_1667 = arith.andi %bitcast3A_1663, %broadcast_in_dim3A_43 : vector<16xi32>
        %bitcast3A_1668 = vector.bitcast %and3A_1667 : vector<16xi32> to vector<16xf32>
        %add3A_1669 = arith.addi %scan3A_1650, %scan3A_1650 : i32
        %swap3A = arith.index_cast %add3A_1669 : i32 to index
        %swap3A_1670 = arith.constant 176 : index
        %swap3A_1671 = tpu.vector_load %arg8[%swap3A, %swap3A_1670] {strides = array<i32>} : memref<32x257xf32, #tpu.memory_space<vmem>>, vector<16xf32>,
        tpu.vector_store %arg8[%swap3A, %swap3A_1670], %bitcast3A_1666 {strides = array<i32>} : memref<32x257xf32, #tpu.memory_space<vmem>>, vector<16xf32>,
        %add3A_1672 = arith.constant 1 : i32
        %add3A_1673 = arith.addi %add3A_1669, %add3A_1672 : i32
        %swap3A_1674 = arith.index_cast %add3A_1673 : i32 to index
        %swap3A_1675 = arith.constant 176 : index
        %swap3A_1676 = tpu.vector_load %arg8[%swap3A_1674, %swap3A_1675] {strides = array<i32>} : memref<32x257xf32, #tpu.memory_space<vmem>>, vector<16xf32>,
        tpu.vector_store %arg8[%swap3A_1674, %swap3A_1675], %bitcast3A_1668 {strides = array<i32>} : memref<32x257xf32, #tpu.memory_space<vmem>>, vector<16xf32>,
        %scan3A_1677 = arith.constant 0 : i32
        scf.yield %scan3A_1677 : i32
      }
      %scan3A_653 = arith.constant 16 : i32
      %add3A_654 = arith.constant 192 : i32
      %add3A_655 = vector.broadcast %add3A_654 : i32 to vector<16xi32>
      %add3A_656 = arith.addi %add3A_655, %iota3A : vector<16xi32>
      %sub3A_657 = arith.constant 1 : i32
      %sub3A_658 = vector.broadcast %sub3A_657 : i32 to vector<16xi32>
      %sub3A_659 = arith.subi %add3A_656, %sub3A_658 : vector<16xi32>
      %jit3A_660 = arith.constant 0 : i32
      %jit3A_661 = arith.constant 255 : i32
      %max3A_662 = vector.broadcast %jit3A_660 : i32 to vector<16xi32>
      %max3A_663 = arith.maxsi %max3A_662, %sub3A_659 : vector<16xi32>
      %min3A_664 = vector.broadcast %jit3A_661 : i32 to vector<16xi32>
      %min3A_665 = arith.minsi %min3A_664, %max3A_663 : vector<16xi32>
      %mul3A_666 = arith.constant 3 : i32
      %mul3A_667 = vector.broadcast %mul3A_666 : i32 to vector<16xi32>
      %mul3A_668 = arith.muli %min3A_665, %mul3A_667 : vector<16xi32>
      %add3A_669 = arith.constant 0 : i32
      %add3A_670 = vector.broadcast %add3A_669 : i32 to vector<16xi32>
      %add3A_671 = arith.addi %add3A_670, %mul3A_668 : vector<16xi32>
      %gather3A_672 = tpu.vector_load_idx %arg7[%add3A_671] : memref<1536xi32, #tpu.memory_space<vmem>>[vector<16xi32>], vector<16xi32>,
      %mul3A_673 = arith.constant 16 : i32
      %mul3A_674 = vector.broadcast %mul3A_673 : i32 to vector<16xi32>
      %mul3A_675 = arith.muli %gather3A_672, %mul3A_674 : vector<16xi32>
      %add3A_676 = arith.constant 1 : i32
      %add3A_677 = vector.broadcast %add3A_676 : i32 to vector<16xi32>
      %add3A_678 = arith.addi %add3A_671, %add3A_677 : vector<16xi32>
      %gather3A_679 = tpu.vector_load_idx %arg7[%add3A_678] : memref<1536xi32, #tpu.memory_space<vmem>>[vector<16xi32>], vector<16xi32>,
      %mul3A_680 = arith.constant 16 : i32
      %mul3A_681 = vector.broadcast %mul3A_680 : i32 to vector<16xi32>
      %mul3A_682 = arith.muli %gather3A_679, %mul3A_681 : vector<16xi32>
      %add3A_683 = arith.constant 2 : i32
      %add3A_684 = vector.broadcast %add3A_683 : i32 to vector<16xi32>
      %add3A_685 = arith.addi %add3A_671, %add3A_684 : vector<16xi32>
      %gather3A_686 = tpu.vector_load_idx %arg7[%add3A_685] : memref<1536xi32, #tpu.memory_space<vmem>>[vector<16xi32>], vector<16xi32>,
      %mul3A_687 = arith.constant 16 : i32
      %mul3A_688 = vector.broadcast %mul3A_687 : i32 to vector<16xi32>
      %mul3A_689 = arith.muli %gather3A_686, %mul3A_688 : vector<16xi32>
      %scan3A_690 = arith.constant 0 : i32
      %scan3A_691 = arith.constant 0 : i32
      %scan3A_692 = arith.constant 16 : i32
      %scan3A_693 = arith.addi %scan3A_691, %scan3A_692 : i32
      %scan3A_694 = arith.constant 1 : i32
      %scan3A_695 = scf.for %scan3A_1650 = %scan3A_691 to %scan3A_693 step %scan3A_694 iter_args(%scan3A_1651 = %scan3A_690) -> (i32)  : i32 {
        %broadcast_in_dim3A_1652 = vector.broadcast %scan3A_1650 : i32 to vector<16xi32>
        %add3A_1653 = arith.addi %mul3A_675, %broadcast_in_dim3A_1652 : vector<16xi32>
        %gather3A_1654 = tpu.vector_load_idx %arg6[%add3A_1653] : memref<24576xi32, #tpu.memory_space<vmem>>[vector<16xi32>], vector<16xi32>,
        %add3A_1655 = arith.addi %mul3A_682, %broadcast_in_dim3A_1652 : vector<16xi32>
        %gather3A_1656 = tpu.vector_load_idx %arg6[%add3A_1655] : memref<24576xi32, #tpu.memory_space<vmem>>[vector<16xi32>], vector<16xi32>,
        %add3A_1657 = arith.addi %mul3A_689, %broadcast_in_dim3A_1652 : vector<16xi32>
        %gather3A_1658 = tpu.vector_load_idx %arg6[%add3A_1657] : memref<24576xi32, #tpu.memory_space<vmem>>[vector<16xi32>], vector<16xi32>,
        %bitcast3A = vector.bitcast %gather3A_1654 : vector<16xi32> to vector<32xbf16>
        %bitcast3A_1659 = vector.bitcast %gather3A_1656 : vector<16xi32> to vector<32xbf16>
        %add3A_1660 = arith.addf %bitcast3A, %bitcast3A_1659 : vector<32xbf16>
        %bitcast3A_1661 = vector.bitcast %gather3A_1658 : vector<16xi32> to vector<32xbf16>
        %add3A_1662 = arith.addf %add3A_1660, %bitcast3A_1661 : vector<32xbf16>
        %bitcast3A_1663 = vector.bitcast %add3A_1662 : vector<32xbf16> to vector<16xi32>
        %shift_left3A = arith.constant 16 : i32
        %shift_left3A_1664 = vector.broadcast %shift_left3A : i32 to vector<16xi32>
        %shift_left3A_1665 = arith.shli %bitcast3A_1663, %shift_left3A_1664 : vector<16xi32>
        %bitcast3A_1666 = vector.bitcast %shift_left3A_1665 : vector<16xi32> to vector<16xf32>
        %and3A_1667 = arith.andi %bitcast3A_1663, %broadcast_in_dim3A_43 : vector<16xi32>
        %bitcast3A_1668 = vector.bitcast %and3A_1667 : vector<16xi32> to vector<16xf32>
        %add3A_1669 = arith.addi %scan3A_1650, %scan3A_1650 : i32
        %swap3A = arith.index_cast %add3A_1669 : i32 to index
        %swap3A_1670 = arith.constant 192 : index
        %swap3A_1671 = tpu.vector_load %arg8[%swap3A, %swap3A_1670] {strides = array<i32>} : memref<32x257xf32, #tpu.memory_space<vmem>>, vector<16xf32>,
        tpu.vector_store %arg8[%swap3A, %swap3A_1670], %bitcast3A_1666 {strides = array<i32>} : memref<32x257xf32, #tpu.memory_space<vmem>>, vector<16xf32>,
        %add3A_1672 = arith.constant 1 : i32
        %add3A_1673 = arith.addi %add3A_1669, %add3A_1672 : i32
        %swap3A_1674 = arith.index_cast %add3A_1673 : i32 to index
        %swap3A_1675 = arith.constant 192 : index
        %swap3A_1676 = tpu.vector_load %arg8[%swap3A_1674, %swap3A_1675] {strides = array<i32>} : memref<32x257xf32, #tpu.memory_space<vmem>>, vector<16xf32>,
        tpu.vector_store %arg8[%swap3A_1674, %swap3A_1675], %bitcast3A_1668 {strides = array<i32>} : memref<32x257xf32, #tpu.memory_space<vmem>>, vector<16xf32>,
        %scan3A_1677 = arith.constant 0 : i32
        scf.yield %scan3A_1677 : i32
      }
      %scan3A_696 = arith.constant 16 : i32
      %add3A_697 = arith.constant 208 : i32
      %add3A_698 = vector.broadcast %add3A_697 : i32 to vector<16xi32>
      %add3A_699 = arith.addi %add3A_698, %iota3A : vector<16xi32>
      %sub3A_700 = arith.constant 1 : i32
      %sub3A_701 = vector.broadcast %sub3A_700 : i32 to vector<16xi32>
      %sub3A_702 = arith.subi %add3A_699, %sub3A_701 : vector<16xi32>
      %jit3A_703 = arith.constant 0 : i32
      %jit3A_704 = arith.constant 255 : i32
      %max3A_705 = vector.broadcast %jit3A_703 : i32 to vector<16xi32>
      %max3A_706 = arith.maxsi %max3A_705, %sub3A_702 : vector<16xi32>
      %min3A_707 = vector.broadcast %jit3A_704 : i32 to vector<16xi32>
      %min3A_708 = arith.minsi %min3A_707, %max3A_706 : vector<16xi32>
      %mul3A_709 = arith.constant 3 : i32
      %mul3A_710 = vector.broadcast %mul3A_709 : i32 to vector<16xi32>
      %mul3A_711 = arith.muli %min3A_708, %mul3A_710 : vector<16xi32>
      %add3A_712 = arith.constant 0 : i32
      %add3A_713 = vector.broadcast %add3A_712 : i32 to vector<16xi32>
      %add3A_714 = arith.addi %add3A_713, %mul3A_711 : vector<16xi32>
      %gather3A_715 = tpu.vector_load_idx %arg7[%add3A_714] : memref<1536xi32, #tpu.memory_space<vmem>>[vector<16xi32>], vector<16xi32>,
      %mul3A_716 = arith.constant 16 : i32
      %mul3A_717 = vector.broadcast %mul3A_716 : i32 to vector<16xi32>
      %mul3A_718 = arith.muli %gather3A_715, %mul3A_717 : vector<16xi32>
      %add3A_719 = arith.constant 1 : i32
      %add3A_720 = vector.broadcast %add3A_719 : i32 to vector<16xi32>
      %add3A_721 = arith.addi %add3A_714, %add3A_720 : vector<16xi32>
      %gather3A_722 = tpu.vector_load_idx %arg7[%add3A_721] : memref<1536xi32, #tpu.memory_space<vmem>>[vector<16xi32>], vector<16xi32>,
      %mul3A_723 = arith.constant 16 : i32
      %mul3A_724 = vector.broadcast %mul3A_723 : i32 to vector<16xi32>
      %mul3A_725 = arith.muli %gather3A_722, %mul3A_724 : vector<16xi32>
      %add3A_726 = arith.constant 2 : i32
      %add3A_727 = vector.broadcast %add3A_726 : i32 to vector<16xi32>
      %add3A_728 = arith.addi %add3A_714, %add3A_727 : vector<16xi32>
      %gather3A_729 = tpu.vector_load_idx %arg7[%add3A_728] : memref<1536xi32, #tpu.memory_space<vmem>>[vector<16xi32>], vector<16xi32>,
      %mul3A_730 = arith.constant 16 : i32
      %mul3A_731 = vector.broadcast %mul3A_730 : i32 to vector<16xi32>
      %mul3A_732 = arith.muli %gather3A_729, %mul3A_731 : vector<16xi32>
      %scan3A_733 = arith.constant 0 : i32
      %scan3A_734 = arith.constant 0 : i32
      %scan3A_735 = arith.constant 16 : i32
      %scan3A_736 = arith.addi %scan3A_734, %scan3A_735 : i32
      %scan3A_737 = arith.constant 1 : i32
      %scan3A_738 = scf.for %scan3A_1650 = %scan3A_734 to %scan3A_736 step %scan3A_737 iter_args(%scan3A_1651 = %scan3A_733) -> (i32)  : i32 {
        %broadcast_in_dim3A_1652 = vector.broadcast %scan3A_1650 : i32 to vector<16xi32>
        %add3A_1653 = arith.addi %mul3A_718, %broadcast_in_dim3A_1652 : vector<16xi32>
        %gather3A_1654 = tpu.vector_load_idx %arg6[%add3A_1653] : memref<24576xi32, #tpu.memory_space<vmem>>[vector<16xi32>], vector<16xi32>,
        %add3A_1655 = arith.addi %mul3A_725, %broadcast_in_dim3A_1652 : vector<16xi32>
        %gather3A_1656 = tpu.vector_load_idx %arg6[%add3A_1655] : memref<24576xi32, #tpu.memory_space<vmem>>[vector<16xi32>], vector<16xi32>,
        %add3A_1657 = arith.addi %mul3A_732, %broadcast_in_dim3A_1652 : vector<16xi32>
        %gather3A_1658 = tpu.vector_load_idx %arg6[%add3A_1657] : memref<24576xi32, #tpu.memory_space<vmem>>[vector<16xi32>], vector<16xi32>,
        %bitcast3A = vector.bitcast %gather3A_1654 : vector<16xi32> to vector<32xbf16>
        %bitcast3A_1659 = vector.bitcast %gather3A_1656 : vector<16xi32> to vector<32xbf16>
        %add3A_1660 = arith.addf %bitcast3A, %bitcast3A_1659 : vector<32xbf16>
        %bitcast3A_1661 = vector.bitcast %gather3A_1658 : vector<16xi32> to vector<32xbf16>
        %add3A_1662 = arith.addf %add3A_1660, %bitcast3A_1661 : vector<32xbf16>
        %bitcast3A_1663 = vector.bitcast %add3A_1662 : vector<32xbf16> to vector<16xi32>
        %shift_left3A = arith.constant 16 : i32
        %shift_left3A_1664 = vector.broadcast %shift_left3A : i32 to vector<16xi32>
        %shift_left3A_1665 = arith.shli %bitcast3A_1663, %shift_left3A_1664 : vector<16xi32>
        %bitcast3A_1666 = vector.bitcast %shift_left3A_1665 : vector<16xi32> to vector<16xf32>
        %and3A_1667 = arith.andi %bitcast3A_1663, %broadcast_in_dim3A_43 : vector<16xi32>
        %bitcast3A_1668 = vector.bitcast %and3A_1667 : vector<16xi32> to vector<16xf32>
        %add3A_1669 = arith.addi %scan3A_1650, %scan3A_1650 : i32
        %swap3A = arith.index_cast %add3A_1669 : i32 to index
        %swap3A_1670 = arith.constant 208 : index
        %swap3A_1671 = tpu.vector_load %arg8[%swap3A, %swap3A_1670] {strides = array<i32>} : memref<32x257xf32, #tpu.memory_space<vmem>>, vector<16xf32>,
        tpu.vector_store %arg8[%swap3A, %swap3A_1670], %bitcast3A_1666 {strides = array<i32>} : memref<32x257xf32, #tpu.memory_space<vmem>>, vector<16xf32>,
        %add3A_1672 = arith.constant 1 : i32
        %add3A_1673 = arith.addi %add3A_1669, %add3A_1672 : i32
        %swap3A_1674 = arith.index_cast %add3A_1673 : i32 to index
        %swap3A_1675 = arith.constant 208 : index
        %swap3A_1676 = tpu.vector_load %arg8[%swap3A_1674, %swap3A_1675] {strides = array<i32>} : memref<32x257xf32, #tpu.memory_space<vmem>>, vector<16xf32>,
        tpu.vector_store %arg8[%swap3A_1674, %swap3A_1675], %bitcast3A_1668 {strides = array<i32>} : memref<32x257xf32, #tpu.memory_space<vmem>>, vector<16xf32>,
        %scan3A_1677 = arith.constant 0 : i32
        scf.yield %scan3A_1677 : i32
      }
      %scan3A_739 = arith.constant 16 : i32
      %add3A_740 = arith.constant 224 : i32
      %add3A_741 = vector.broadcast %add3A_740 : i32 to vector<16xi32>
      %add3A_742 = arith.addi %add3A_741, %iota3A : vector<16xi32>
      %sub3A_743 = arith.constant 1 : i32
      %sub3A_744 = vector.broadcast %sub3A_743 : i32 to vector<16xi32>
      %sub3A_745 = arith.subi %add3A_742, %sub3A_744 : vector<16xi32>
      %jit3A_746 = arith.constant 0 : i32
      %jit3A_747 = arith.constant 255 : i32
      %max3A_748 = vector.broadcast %jit3A_746 : i32 to vector<16xi32>
      %max3A_749 = arith.maxsi %max3A_748, %sub3A_745 : vector<16xi32>
      %min3A_750 = vector.broadcast %jit3A_747 : i32 to vector<16xi32>
      %min3A_751 = arith.minsi %min3A_750, %max3A_749 : vector<16xi32>
      %mul3A_752 = arith.constant 3 : i32
      %mul3A_753 = vector.broadcast %mul3A_752 : i32 to vector<16xi32>
      %mul3A_754 = arith.muli %min3A_751, %mul3A_753 : vector<16xi32>
      %add3A_755 = arith.constant 0 : i32
      %add3A_756 = vector.broadcast %add3A_755 : i32 to vector<16xi32>
      %add3A_757 = arith.addi %add3A_756, %mul3A_754 : vector<16xi32>
      %gather3A_758 = tpu.vector_load_idx %arg7[%add3A_757] : memref<1536xi32, #tpu.memory_space<vmem>>[vector<16xi32>], vector<16xi32>,
      %mul3A_759 = arith.constant 16 : i32
      %mul3A_760 = vector.broadcast %mul3A_759 : i32 to vector<16xi32>
      %mul3A_761 = arith.muli %gather3A_758, %mul3A_760 : vector<16xi32>
      %add3A_762 = arith.constant 1 : i32
      %add3A_763 = vector.broadcast %add3A_762 : i32 to vector<16xi32>
      %add3A_764 = arith.addi %add3A_757, %add3A_763 : vector<16xi32>
      %gather3A_765 = tpu.vector_load_idx %arg7[%add3A_764] : memref<1536xi32, #tpu.memory_space<vmem>>[vector<16xi32>], vector<16xi32>,
      %mul3A_766 = arith.constant 16 : i32
      %mul3A_767 = vector.broadcast %mul3A_766 : i32 to vector<16xi32>
      %mul3A_768 = arith.muli %gather3A_765, %mul3A_767 : vector<16xi32>
      %add3A_769 = arith.constant 2 : i32
      %add3A_770 = vector.broadcast %add3A_769 : i32 to vector<16xi32>
      %add3A_771 = arith.addi %add3A_757, %add3A_770 : vector<16xi32>
      %gather3A_772 = tpu.vector_load_idx %arg7[%add3A_771] : memref<1536xi32, #tpu.memory_space<vmem>>[vector<16xi32>], vector<16xi32>,
      %mul3A_773 = arith.constant 16 : i32
      %mul3A_774 = vector.broadcast %mul3A_773 : i32 to vector<16xi32>
      %mul3A_775 = arith.muli %gather3A_772, %mul3A_774 : vector<16xi32>
      %scan3A_776 = arith.constant 0 : i32
      %scan3A_777 = arith.constant 0 : i32
      %scan3A_778 = arith.constant 16 : i32
      %scan3A_779 = arith.addi %scan3A_777, %scan3A_778 : i32
      %scan3A_780 = arith.constant 1 : i32
      %scan3A_781 = scf.for %scan3A_1650 = %scan3A_777 to %scan3A_779 step %scan3A_780 iter_args(%scan3A_1651 = %scan3A_776) -> (i32)  : i32 {
        %broadcast_in_dim3A_1652 = vector.broadcast %scan3A_1650 : i32 to vector<16xi32>
        %add3A_1653 = arith.addi %mul3A_761, %broadcast_in_dim3A_1652 : vector<16xi32>
        %gather3A_1654 = tpu.vector_load_idx %arg6[%add3A_1653] : memref<24576xi32, #tpu.memory_space<vmem>>[vector<16xi32>], vector<16xi32>,
        %add3A_1655 = arith.addi %mul3A_768, %broadcast_in_dim3A_1652 : vector<16xi32>
        %gather3A_1656 = tpu.vector_load_idx %arg6[%add3A_1655] : memref<24576xi32, #tpu.memory_space<vmem>>[vector<16xi32>], vector<16xi32>,
        %add3A_1657 = arith.addi %mul3A_775, %broadcast_in_dim3A_1652 : vector<16xi32>
        %gather3A_1658 = tpu.vector_load_idx %arg6[%add3A_1657] : memref<24576xi32, #tpu.memory_space<vmem>>[vector<16xi32>], vector<16xi32>,
        %bitcast3A = vector.bitcast %gather3A_1654 : vector<16xi32> to vector<32xbf16>
        %bitcast3A_1659 = vector.bitcast %gather3A_1656 : vector<16xi32> to vector<32xbf16>
        %add3A_1660 = arith.addf %bitcast3A, %bitcast3A_1659 : vector<32xbf16>
        %bitcast3A_1661 = vector.bitcast %gather3A_1658 : vector<16xi32> to vector<32xbf16>
        %add3A_1662 = arith.addf %add3A_1660, %bitcast3A_1661 : vector<32xbf16>
        %bitcast3A_1663 = vector.bitcast %add3A_1662 : vector<32xbf16> to vector<16xi32>
        %shift_left3A = arith.constant 16 : i32
        %shift_left3A_1664 = vector.broadcast %shift_left3A : i32 to vector<16xi32>
        %shift_left3A_1665 = arith.shli %bitcast3A_1663, %shift_left3A_1664 : vector<16xi32>
        %bitcast3A_1666 = vector.bitcast %shift_left3A_1665 : vector<16xi32> to vector<16xf32>
        %and3A_1667 = arith.andi %bitcast3A_1663, %broadcast_in_dim3A_43 : vector<16xi32>
        %bitcast3A_1668 = vector.bitcast %and3A_1667 : vector<16xi32> to vector<16xf32>
        %add3A_1669 = arith.addi %scan3A_1650, %scan3A_1650 : i32
        %swap3A = arith.index_cast %add3A_1669 : i32 to index
        %swap3A_1670 = arith.constant 224 : index
        %swap3A_1671 = tpu.vector_load %arg8[%swap3A, %swap3A_1670] {strides = array<i32>} : memref<32x257xf32, #tpu.memory_space<vmem>>, vector<16xf32>,
        tpu.vector_store %arg8[%swap3A, %swap3A_1670], %bitcast3A_1666 {strides = array<i32>} : memref<32x257xf32, #tpu.memory_space<vmem>>, vector<16xf32>,
        %add3A_1672 = arith.constant 1 : i32
        %add3A_1673 = arith.addi %add3A_1669, %add3A_1672 : i32
        %swap3A_1674 = arith.index_cast %add3A_1673 : i32 to index
        %swap3A_1675 = arith.constant 224 : index
        %swap3A_1676 = tpu.vector_load %arg8[%swap3A_1674, %swap3A_1675] {strides = array<i32>} : memref<32x257xf32, #tpu.memory_space<vmem>>, vector<16xf32>,
        tpu.vector_store %arg8[%swap3A_1674, %swap3A_1675], %bitcast3A_1668 {strides = array<i32>} : memref<32x257xf32, #tpu.memory_space<vmem>>, vector<16xf32>,
        %scan3A_1677 = arith.constant 0 : i32
        scf.yield %scan3A_1677 : i32
      }
      %scan3A_782 = arith.constant 16 : i32
      %add3A_783 = arith.constant 240 : i32
      %add3A_784 = vector.broadcast %add3A_783 : i32 to vector<16xi32>
      %add3A_785 = arith.addi %add3A_784, %iota3A : vector<16xi32>
      %sub3A_786 = arith.constant 1 : i32
      %sub3A_787 = vector.broadcast %sub3A_786 : i32 to vector<16xi32>
      %sub3A_788 = arith.subi %add3A_785, %sub3A_787 : vector<16xi32>
      %jit3A_789 = arith.constant 0 : i32
      %jit3A_790 = arith.constant 255 : i32
      %max3A_791 = vector.broadcast %jit3A_789 : i32 to vector<16xi32>
      %max3A_792 = arith.maxsi %max3A_791, %sub3A_788 : vector<16xi32>
      %min3A_793 = vector.broadcast %jit3A_790 : i32 to vector<16xi32>
      %min3A_794 = arith.minsi %min3A_793, %max3A_792 : vector<16xi32>
      %mul3A_795 = arith.constant 3 : i32
      %mul3A_796 = vector.broadcast %mul3A_795 : i32 to vector<16xi32>
      %mul3A_797 = arith.muli %min3A_794, %mul3A_796 : vector<16xi32>
      %add3A_798 = arith.constant 0 : i32
      %add3A_799 = vector.broadcast %add3A_798 : i32 to vector<16xi32>
      %add3A_800 = arith.addi %add3A_799, %mul3A_797 : vector<16xi32>
      %gather3A_801 = tpu.vector_load_idx %arg7[%add3A_800] : memref<1536xi32, #tpu.memory_space<vmem>>[vector<16xi32>], vector<16xi32>,
      %mul3A_802 = arith.constant 16 : i32
      %mul3A_803 = vector.broadcast %mul3A_802 : i32 to vector<16xi32>
      %mul3A_804 = arith.muli %gather3A_801, %mul3A_803 : vector<16xi32>
      %add3A_805 = arith.constant 1 : i32
      %add3A_806 = vector.broadcast %add3A_805 : i32 to vector<16xi32>
      %add3A_807 = arith.addi %add3A_800, %add3A_806 : vector<16xi32>
      %gather3A_808 = tpu.vector_load_idx %arg7[%add3A_807] : memref<1536xi32, #tpu.memory_space<vmem>>[vector<16xi32>], vector<16xi32>,
      %mul3A_809 = arith.constant 16 : i32
      %mul3A_810 = vector.broadcast %mul3A_809 : i32 to vector<16xi32>
      %mul3A_811 = arith.muli %gather3A_808, %mul3A_810 : vector<16xi32>
      %add3A_812 = arith.constant 2 : i32
      %add3A_813 = vector.broadcast %add3A_812 : i32 to vector<16xi32>
      %add3A_814 = arith.addi %add3A_800, %add3A_813 : vector<16xi32>
      %gather3A_815 = tpu.vector_load_idx %arg7[%add3A_814] : memref<1536xi32, #tpu.memory_space<vmem>>[vector<16xi32>], vector<16xi32>,
      %mul3A_816 = arith.constant 16 : i32
      %mul3A_817 = vector.broadcast %mul3A_816 : i32 to vector<16xi32>
      %mul3A_818 = arith.muli %gather3A_815, %mul3A_817 : vector<16xi32>
      %scan3A_819 = arith.constant 0 : i32
      %scan3A_820 = arith.constant 0 : i32
      %scan3A_821 = arith.constant 16 : i32
      %scan3A_822 = arith.addi %scan3A_820, %scan3A_821 : i32
      %scan3A_823 = arith.constant 1 : i32
      %scan3A_824 = scf.for %scan3A_1650 = %scan3A_820 to %scan3A_822 step %scan3A_823 iter_args(%scan3A_1651 = %scan3A_819) -> (i32)  : i32 {
        %broadcast_in_dim3A_1652 = vector.broadcast %scan3A_1650 : i32 to vector<16xi32>
        %add3A_1653 = arith.addi %mul3A_804, %broadcast_in_dim3A_1652 : vector<16xi32>
        %gather3A_1654 = tpu.vector_load_idx %arg6[%add3A_1653] : memref<24576xi32, #tpu.memory_space<vmem>>[vector<16xi32>], vector<16xi32>,
        %add3A_1655 = arith.addi %mul3A_811, %broadcast_in_dim3A_1652 : vector<16xi32>
        %gather3A_1656 = tpu.vector_load_idx %arg6[%add3A_1655] : memref<24576xi32, #tpu.memory_space<vmem>>[vector<16xi32>], vector<16xi32>,
        %add3A_1657 = arith.addi %mul3A_818, %broadcast_in_dim3A_1652 : vector<16xi32>
        %gather3A_1658 = tpu.vector_load_idx %arg6[%add3A_1657] : memref<24576xi32, #tpu.memory_space<vmem>>[vector<16xi32>], vector<16xi32>,
        %bitcast3A = vector.bitcast %gather3A_1654 : vector<16xi32> to vector<32xbf16>
        %bitcast3A_1659 = vector.bitcast %gather3A_1656 : vector<16xi32> to vector<32xbf16>
        %add3A_1660 = arith.addf %bitcast3A, %bitcast3A_1659 : vector<32xbf16>
        %bitcast3A_1661 = vector.bitcast %gather3A_1658 : vector<16xi32> to vector<32xbf16>
        %add3A_1662 = arith.addf %add3A_1660, %bitcast3A_1661 : vector<32xbf16>
        %bitcast3A_1663 = vector.bitcast %add3A_1662 : vector<32xbf16> to vector<16xi32>
        %shift_left3A = arith.constant 16 : i32
        %shift_left3A_1664 = vector.broadcast %shift_left3A : i32 to vector<16xi32>
        %shift_left3A_1665 = arith.shli %bitcast3A_1663, %shift_left3A_1664 : vector<16xi32>
        %bitcast3A_1666 = vector.bitcast %shift_left3A_1665 : vector<16xi32> to vector<16xf32>
        %and3A_1667 = arith.andi %bitcast3A_1663, %broadcast_in_dim3A_43 : vector<16xi32>
        %bitcast3A_1668 = vector.bitcast %and3A_1667 : vector<16xi32> to vector<16xf32>
        %add3A_1669 = arith.addi %scan3A_1650, %scan3A_1650 : i32
        %swap3A = arith.index_cast %add3A_1669 : i32 to index
        %swap3A_1670 = arith.constant 240 : index
        %swap3A_1671 = tpu.vector_load %arg8[%swap3A, %swap3A_1670] {strides = array<i32>} : memref<32x257xf32, #tpu.memory_space<vmem>>, vector<16xf32>,
        tpu.vector_store %arg8[%swap3A, %swap3A_1670], %bitcast3A_1666 {strides = array<i32>} : memref<32x257xf32, #tpu.memory_space<vmem>>, vector<16xf32>,
        %add3A_1672 = arith.constant 1 : i32
        %add3A_1673 = arith.addi %add3A_1669, %add3A_1672 : i32
        %swap3A_1674 = arith.index_cast %add3A_1673 : i32 to index
        %swap3A_1675 = arith.constant 240 : index
        %swap3A_1676 = tpu.vector_load %arg8[%swap3A_1674, %swap3A_1675] {strides = array<i32>} : memref<32x257xf32, #tpu.memory_space<vmem>>, vector<16xf32>,
        tpu.vector_store %arg8[%swap3A_1674, %swap3A_1675], %bitcast3A_1668 {strides = array<i32>} : memref<32x257xf32, #tpu.memory_space<vmem>>, vector<16xf32>,
        %scan3A_1677 = arith.constant 0 : i32
        scf.yield %scan3A_1677 : i32
      }
      %scan3A_825 = arith.constant 16 : i32
      %add3A_826 = arith.constant 256 : i32
      %add3A_827 = vector.broadcast %add3A_826 : i32 to vector<16xi32>
      %add3A_828 = arith.addi %add3A_827, %iota3A : vector<16xi32>
      %sub3A_829 = arith.constant 1 : i32
      %sub3A_830 = vector.broadcast %sub3A_829 : i32 to vector<16xi32>
      %sub3A_831 = arith.subi %add3A_828, %sub3A_830 : vector<16xi32>
      %jit3A_832 = arith.constant 0 : i32
      %jit3A_833 = arith.constant 255 : i32
      %max3A_834 = vector.broadcast %jit3A_832 : i32 to vector<16xi32>
      %max3A_835 = arith.maxsi %max3A_834, %sub3A_831 : vector<16xi32>
      %min3A_836 = vector.broadcast %jit3A_833 : i32 to vector<16xi32>
      %min3A_837 = arith.minsi %min3A_836, %max3A_835 : vector<16xi32>
      %mul3A_838 = arith.constant 3 : i32
      %mul3A_839 = vector.broadcast %mul3A_838 : i32 to vector<16xi32>
      %mul3A_840 = arith.muli %min3A_837, %mul3A_839 : vector<16xi32>
      %add3A_841 = arith.constant 0 : i32
      %add3A_842 = vector.broadcast %add3A_841 : i32 to vector<16xi32>
      %add3A_843 = arith.addi %add3A_842, %mul3A_840 : vector<16xi32>
      %gather3A_844 = tpu.vector_load_idx %arg7[%add3A_843] : memref<1536xi32, #tpu.memory_space<vmem>>[vector<16xi32>], vector<16xi32>,
      %mul3A_845 = arith.constant 16 : i32
      %mul3A_846 = vector.broadcast %mul3A_845 : i32 to vector<16xi32>
      %mul3A_847 = arith.muli %gather3A_844, %mul3A_846 : vector<16xi32>
      %add3A_848 = arith.constant 1 : i32
      %add3A_849 = vector.broadcast %add3A_848 : i32 to vector<16xi32>
      %add3A_850 = arith.addi %add3A_843, %add3A_849 : vector<16xi32>
      %gather3A_851 = tpu.vector_load_idx %arg7[%add3A_850] : memref<1536xi32, #tpu.memory_space<vmem>>[vector<16xi32>], vector<16xi32>,
      %mul3A_852 = arith.constant 16 : i32
      %mul3A_853 = vector.broadcast %mul3A_852 : i32 to vector<16xi32>
      %mul3A_854 = arith.muli %gather3A_851, %mul3A_853 : vector<16xi32>
      %add3A_855 = arith.constant 2 : i32
      %add3A_856 = vector.broadcast %add3A_855 : i32 to vector<16xi32>
      %add3A_857 = arith.addi %add3A_843, %add3A_856 : vector<16xi32>
      %gather3A_858 = tpu.vector_load_idx %arg7[%add3A_857] : memref<1536xi32, #tpu.memory_space<vmem>>[vector<16xi32>], vector<16xi32>,
      %mul3A_859 = arith.constant 16 : i32
      %mul3A_860 = vector.broadcast %mul3A_859 : i32 to vector<16xi32>
      %mul3A_861 = arith.muli %gather3A_858, %mul3A_860 : vector<16xi32>
      %scan3A_862 = arith.constant 0 : i32
      %scan3A_863 = arith.constant 0 : i32
      %scan3A_864 = arith.constant 16 : i32
      %scan3A_865 = arith.addi %scan3A_863, %scan3A_864 : i32
      %scan3A_866 = arith.constant 1 : i32
      %scan3A_867 = scf.for %scan3A_1650 = %scan3A_863 to %scan3A_865 step %scan3A_866 iter_args(%scan3A_1651 = %scan3A_862) -> (i32)  : i32 {
        %broadcast_in_dim3A_1652 = vector.broadcast %scan3A_1650 : i32 to vector<16xi32>
        %add3A_1653 = arith.addi %mul3A_847, %broadcast_in_dim3A_1652 : vector<16xi32>
        %gather3A_1654 = tpu.vector_load_idx %arg6[%add3A_1653] : memref<24576xi32, #tpu.memory_space<vmem>>[vector<16xi32>], vector<16xi32>,
        %add3A_1655 = arith.addi %mul3A_854, %broadcast_in_dim3A_1652 : vector<16xi32>
        %gather3A_1656 = tpu.vector_load_idx %arg6[%add3A_1655] : memref<24576xi32, #tpu.memory_space<vmem>>[vector<16xi32>], vector<16xi32>,
        %add3A_1657 = arith.addi %mul3A_861, %broadcast_in_dim3A_1652 : vector<16xi32>
        %gather3A_1658 = tpu.vector_load_idx %arg6[%add3A_1657] : memref<24576xi32, #tpu.memory_space<vmem>>[vector<16xi32>], vector<16xi32>,
        %bitcast3A = vector.bitcast %gather3A_1654 : vector<16xi32> to vector<32xbf16>
        %bitcast3A_1659 = vector.bitcast %gather3A_1656 : vector<16xi32> to vector<32xbf16>
        %add3A_1660 = arith.addf %bitcast3A, %bitcast3A_1659 : vector<32xbf16>
        %bitcast3A_1661 = vector.bitcast %gather3A_1658 : vector<16xi32> to vector<32xbf16>
        %add3A_1662 = arith.addf %add3A_1660, %bitcast3A_1661 : vector<32xbf16>
        %bitcast3A_1663 = vector.bitcast %add3A_1662 : vector<32xbf16> to vector<16xi32>
        %shift_left3A = arith.constant 16 : i32
        %shift_left3A_1664 = vector.broadcast %shift_left3A : i32 to vector<16xi32>
        %shift_left3A_1665 = arith.shli %bitcast3A_1663, %shift_left3A_1664 : vector<16xi32>
        %bitcast3A_1666 = vector.bitcast %shift_left3A_1665 : vector<16xi32> to vector<16xf32>
        %and3A_1667 = arith.andi %bitcast3A_1663, %broadcast_in_dim3A_43 : vector<16xi32>
        %bitcast3A_1668 = vector.bitcast %and3A_1667 : vector<16xi32> to vector<16xf32>
        %add3A_1669 = arith.addi %scan3A_1650, %scan3A_1650 : i32
        %add3A_1670 = arith.addi %broadcast_in_dim3A_1652, %broadcast_in_dim3A_1652 : vector<16xi32>
        tpu.vector_store_idx %arg8[%add3A_1670, %min3A_42], %bitcast3A_1666 masked %eq3A_37 : memref<32x257xf32, #tpu.memory_space<vmem>>[vector<16xi32>, vector<16xi32>], vector<16xf32>, vector<16xi1>
        %add3A_1671 = arith.addi %broadcast_in_dim3A_1652, %broadcast_in_dim3A_1652 : vector<16xi32>
        %add3A_1672 = arith.constant 1 : i32
        %add3A_1673 = vector.broadcast %add3A_1672 : i32 to vector<16xi32>
        %add3A_1674 = arith.addi %add3A_1671, %add3A_1673 : vector<16xi32>
        tpu.vector_store_idx %arg8[%add3A_1674, %min3A_42], %bitcast3A_1668 masked %eq3A_37 : memref<32x257xf32, #tpu.memory_space<vmem>>[vector<16xi32>, vector<16xi32>], vector<16xf32>, vector<16xi1>
        %scan3A_1675 = arith.constant 0 : i32
        scf.yield %scan3A_1675 : i32
      }
      %scan3A_868 = arith.constant 16 : i32
      %add3A_869 = arith.addi %mul3A_32, %add3A_115 : i32
      %add3A_870 = arith.constant 1 : i32
      %add3A_871 = arith.addi %add3A_869, %add3A_870 : i32
      %dma_start3A_872 = arith.constant 0 : i32
      %dma_start3A_873 = arith.constant 0 : i32
      %dma_start3A_874 = tpu.memref_slice %arg5[%select_n3A, %dma_start3A_872, %add3A_871, %dma_start3A_873] : memref<8x32x257x257xf32, #tpu.memory_space<hbm>> -> memref<1x32x1x257xf32, #tpu.memory_space<hbm>>
      %dma_start3A_875 = tpu.memref_squeeze %dma_start3A_874 : memref<1x32x1x257xf32, #tpu.memory_space<hbm>> -> memref<32x257xf32, #tpu.memory_space<hbm>>
      %dma_start3A_876 = arith.constant 0 : i32
      %dma_start3A_877 = arith.constant 0 : i32
      %dma_start3A_878 = tpu.memref_slice %arg5[%select_n3A, %dma_start3A_876, %add3A_871, %dma_start3A_877] : memref<8x32x257x257xf32, #tpu.memory_space<hbm>> -> memref<1x32x1x257xf32, #tpu.memory_space<hbm>>
      %dma_start3A_879 = tpu.memref_squeeze %dma_start3A_878 : memref<1x32x1x257xf32, #tpu.memory_space<hbm>> -> memref<32x257xf32, #tpu.memory_space<hbm>>
      tpu.enqueue_dma source(%arg8 : memref<32x257xf32, #tpu.memory_space<vmem>>) target(%dma_start3A_879 : memref<32x257xf32, #tpu.memory_space<hbm>>) target_semaphore(%arg13 : memref<!tpu.dma_semaphore, #tpu.memory_space<semaphore_mem>>)
      %add3A_880 = arith.addi %scan3A_111, %scan3A_111 : i32
      %add3A_881 = arith.constant 1 : i32
      %add3A_882 = arith.addi %add3A_880, %add3A_881 : i32
      %add3A_883 = arith.constant 1 : i32
      %add3A_884 = arith.addi %add3A_882, %add3A_883 : i32
      %lt3A_885 = arith.constant 64 : i32
      %lt3A_886 = arith.cmpi slt, %add3A_884, %lt3A_885 : i32
      %convert_element_type3A_887 = arith.extui %lt3A_886 : i1 to i32
      %cond3A_888 = arith.constant 0 : i32
      %cond3A_889 = arith.cmpi ne, %convert_element_type3A_887, %cond3A_888 : i32
      scf.if %cond3A_889 {
        %add3A_1650 = arith.constant 1 : i32
        %add3A_1651 = arith.addi %add3A_882, %add3A_1650 : i32
        %mul3A_1652 = arith.constant 256 : i32
        %mul3A_1653 = arith.muli %select_n3A, %mul3A_1652 : i32
        %add3A_1654 = arith.addi %mul3A_1653, %mul3A_32 : i32
        %add3A_1655 = arith.addi %add3A_1654, %add3A_1651 : i32
        %mul3A_1656 = arith.constant 768 : i32
        %mul3A_1657 = arith.muli %add3A_1655, %mul3A_1656 : i32
        %dma_start3A_1658 = arith.constant 0 : i32
        %dma_start3A_1659 = tpu.memref_slice %arg7[%dma_start3A_1658] : memref<1536xi32, #tpu.memory_space<vmem>> -> memref<768xi32, #tpu.memory_space<vmem>>
        %dma_start3A_1660 = tpu.memref_slice %arg2[%mul3A_1657] : memref<1572864xi32, #tpu.memory_space<hbm>> -> memref<768xi32, #tpu.memory_space<hbm>>
        %dma_start3A_1661 = arith.constant 0 : i32
        %dma_start3A_1662 = tpu.memref_slice %arg7[%dma_start3A_1661] : memref<1536xi32, #tpu.memory_space<vmem>> -> memref<768xi32, #tpu.memory_space<vmem>>
        %dma_start3A_1663 = tpu.memref_slice %arg2[%mul3A_1657] : memref<1572864xi32, #tpu.memory_space<hbm>> -> memref<768xi32, #tpu.memory_space<hbm>>
        tpu.enqueue_dma source(%dma_start3A_1663 : memref<768xi32, #tpu.memory_space<hbm>>) target(%dma_start3A_1662 : memref<768xi32, #tpu.memory_space<vmem>>) target_semaphore(%arg11 : memref<!tpu.dma_semaphore, #tpu.memory_space<semaphore_mem>>)
      } else {
      }
      %mul3A_890 = arith.constant 256 : i32
      %mul3A_891 = arith.muli %select_n3A, %mul3A_890 : i32
      %add3A_892 = arith.addi %mul3A_891, %mul3A_32 : i32
      %add3A_893 = arith.addi %add3A_892, %add3A_882 : i32
      %mul3A_894 = arith.constant 768 : i32
      %mul3A_895 = arith.muli %add3A_893, %mul3A_894 : i32
      %dma_wait3A_896 = arith.constant 768 : i32
      %dma_wait3A_897 = tpu.memref_slice %arg7[%dma_wait3A_896] : memref<1536xi32, #tpu.memory_space<vmem>> -> memref<768xi32, #tpu.memory_space<vmem>>
      %dma_wait3A_898 = tpu.memref_slice %arg2[%mul3A_895] : memref<1572864xi32, #tpu.memory_space<hbm>> -> memref<768xi32, #tpu.memory_space<hbm>>
      %dma_wait3A_899 = arith.constant 768 : i32
      %dma_wait3A_900 = tpu.memref_slice %arg7[%dma_wait3A_899] : memref<1536xi32, #tpu.memory_space<vmem>> -> memref<768xi32, #tpu.memory_space<vmem>>
      %dma_wait3A_901 = tpu.memref_slice %arg2[%mul3A_895] : memref<1572864xi32, #tpu.memory_space<hbm>> -> memref<768xi32, #tpu.memory_space<hbm>>
      tpu.wait_dma2 semaphore(%arg12 : memref<!tpu.dma_semaphore, #tpu.memory_space<semaphore_mem>>) src(%dma_wait3A_901 : memref<768xi32, #tpu.memory_space<hbm>>) dst(%dma_wait3A_900 : memref<768xi32, #tpu.memory_space<vmem>>)
      %ge3A_902 = arith.constant 2 : i32
      %ge3A_903 = arith.cmpi sge, %add3A_882, %ge3A_902 : i32
      %convert_element_type3A_904 = arith.extui %ge3A_903 : i1 to i32
      %cond3A_905 = arith.constant 0 : i32
      %cond3A_906 = arith.cmpi ne, %convert_element_type3A_904, %cond3A_905 : i32
      scf.if %cond3A_906 {
        %sub3A_1650 = arith.constant 2 : i32
        %sub3A_1651 = arith.subi %add3A_882, %sub3A_1650 : i32
        %add3A_1652 = arith.addi %mul3A_32, %sub3A_1651 : i32
        %add3A_1653 = arith.constant 1 : i32
        %add3A_1654 = arith.addi %add3A_1652, %add3A_1653 : i32
        %dma_wait3A_1655 = arith.constant 0 : i32
        %dma_wait3A_1656 = arith.constant 0 : i32
        %dma_wait3A_1657 = tpu.memref_slice %arg5[%select_n3A, %dma_wait3A_1655, %add3A_1654, %dma_wait3A_1656] : memref<8x32x257x257xf32, #tpu.memory_space<hbm>> -> memref<1x32x1x257xf32, #tpu.memory_space<hbm>>
        %dma_wait3A_1658 = tpu.memref_squeeze %dma_wait3A_1657 : memref<1x32x1x257xf32, #tpu.memory_space<hbm>> -> memref<32x257xf32, #tpu.memory_space<hbm>>
        %dma_wait3A_1659 = arith.constant 0 : i32
        %dma_wait3A_1660 = arith.constant 0 : i32
        %dma_wait3A_1661 = tpu.memref_slice %arg5[%select_n3A, %dma_wait3A_1659, %add3A_1654, %dma_wait3A_1660] : memref<8x32x257x257xf32, #tpu.memory_space<hbm>> -> memref<1x32x1x257xf32, #tpu.memory_space<hbm>>
        %dma_wait3A_1662 = tpu.memref_squeeze %dma_wait3A_1661 : memref<1x32x1x257xf32, #tpu.memory_space<hbm>> -> memref<32x257xf32, #tpu.memory_space<hbm>>
        tpu.wait_dma2 semaphore(%arg14 : memref<!tpu.dma_semaphore, #tpu.memory_space<semaphore_mem>>) src(%arg9 : memref<32x257xf32, #tpu.memory_space<vmem>>) dst(%dma_wait3A_1662 : memref<32x257xf32, #tpu.memory_space<hbm>>)
      } else {
      }
      %add3A_907 = arith.constant 0 : i32
      %add3A_908 = vector.broadcast %add3A_907 : i32 to vector<16xi32>
      %add3A_909 = arith.addi %add3A_908, %iota3A : vector<16xi32>
      %sub3A_910 = arith.constant 1 : i32
      %sub3A_911 = vector.broadcast %sub3A_910 : i32 to vector<16xi32>
      %sub3A_912 = arith.subi %add3A_909, %sub3A_911 : vector<16xi32>
      %jit3A_913 = arith.constant 0 : i32
      %jit3A_914 = arith.constant 255 : i32
      %max3A_915 = vector.broadcast %jit3A_913 : i32 to vector<16xi32>
      %max3A_916 = arith.maxsi %max3A_915, %sub3A_912 : vector<16xi32>
      %min3A_917 = vector.broadcast %jit3A_914 : i32 to vector<16xi32>
      %min3A_918 = arith.minsi %min3A_917, %max3A_916 : vector<16xi32>
      %mul3A_919 = arith.constant 3 : i32
      %mul3A_920 = vector.broadcast %mul3A_919 : i32 to vector<16xi32>
      %mul3A_921 = arith.muli %min3A_918, %mul3A_920 : vector<16xi32>
      %add3A_922 = arith.constant 768 : i32
      %add3A_923 = vector.broadcast %add3A_922 : i32 to vector<16xi32>
      %add3A_924 = arith.addi %add3A_923, %mul3A_921 : vector<16xi32>
      %gather3A_925 = tpu.vector_load_idx %arg7[%add3A_924] : memref<1536xi32, #tpu.memory_space<vmem>>[vector<16xi32>], vector<16xi32>,
      %mul3A_926 = arith.constant 16 : i32
      %mul3A_927 = vector.broadcast %mul3A_926 : i32 to vector<16xi32>
      %mul3A_928 = arith.muli %gather3A_925, %mul3A_927 : vector<16xi32>
      %add3A_929 = arith.constant 1 : i32
      %add3A_930 = vector.broadcast %add3A_929 : i32 to vector<16xi32>
      %add3A_931 = arith.addi %add3A_924, %add3A_930 : vector<16xi32>
      %gather3A_932 = tpu.vector_load_idx %arg7[%add3A_931] : memref<1536xi32, #tpu.memory_space<vmem>>[vector<16xi32>], vector<16xi32>,
      %mul3A_933 = arith.constant 16 : i32
      %mul3A_934 = vector.broadcast %mul3A_933 : i32 to vector<16xi32>
      %mul3A_935 = arith.muli %gather3A_932, %mul3A_934 : vector<16xi32>
      %add3A_936 = arith.constant 2 : i32
      %add3A_937 = vector.broadcast %add3A_936 : i32 to vector<16xi32>
      %add3A_938 = arith.addi %add3A_924, %add3A_937 : vector<16xi32>
      %gather3A_939 = tpu.vector_load_idx %arg7[%add3A_938] : memref<1536xi32, #tpu.memory_space<vmem>>[vector<16xi32>], vector<16xi32>,
      %mul3A_940 = arith.constant 16 : i32
      %mul3A_941 = vector.broadcast %mul3A_940 : i32 to vector<16xi32>
      %mul3A_942 = arith.muli %gather3A_939, %mul3A_941 : vector<16xi32>
      %scan3A_943 = arith.constant 0 : i32
      %scan3A_944 = arith.constant 0 : i32
      %scan3A_945 = arith.constant 16 : i32
      %scan3A_946 = arith.addi %scan3A_944, %scan3A_945 : i32
      %scan3A_947 = arith.constant 1 : i32
      %scan3A_948 = scf.for %scan3A_1650 = %scan3A_944 to %scan3A_946 step %scan3A_947 iter_args(%scan3A_1651 = %scan3A_943) -> (i32)  : i32 {
        %broadcast_in_dim3A_1652 = vector.broadcast %scan3A_1650 : i32 to vector<16xi32>
        %add3A_1653 = arith.addi %mul3A_928, %broadcast_in_dim3A_1652 : vector<16xi32>
        %gather3A_1654 = tpu.vector_load_idx %arg6[%add3A_1653] : memref<24576xi32, #tpu.memory_space<vmem>>[vector<16xi32>], vector<16xi32>,
        %add3A_1655 = arith.addi %mul3A_935, %broadcast_in_dim3A_1652 : vector<16xi32>
        %gather3A_1656 = tpu.vector_load_idx %arg6[%add3A_1655] : memref<24576xi32, #tpu.memory_space<vmem>>[vector<16xi32>], vector<16xi32>,
        %add3A_1657 = arith.addi %mul3A_942, %broadcast_in_dim3A_1652 : vector<16xi32>
        %gather3A_1658 = tpu.vector_load_idx %arg6[%add3A_1657] : memref<24576xi32, #tpu.memory_space<vmem>>[vector<16xi32>], vector<16xi32>,
        %bitcast3A = vector.bitcast %gather3A_1654 : vector<16xi32> to vector<32xbf16>
        %bitcast3A_1659 = vector.bitcast %gather3A_1656 : vector<16xi32> to vector<32xbf16>
        %add3A_1660 = arith.addf %bitcast3A, %bitcast3A_1659 : vector<32xbf16>
        %bitcast3A_1661 = vector.bitcast %gather3A_1658 : vector<16xi32> to vector<32xbf16>
        %add3A_1662 = arith.addf %add3A_1660, %bitcast3A_1661 : vector<32xbf16>
        %bitcast3A_1663 = vector.bitcast %add3A_1662 : vector<32xbf16> to vector<16xi32>
        %shift_left3A = arith.constant 16 : i32
        %shift_left3A_1664 = vector.broadcast %shift_left3A : i32 to vector<16xi32>
        %shift_left3A_1665 = arith.shli %bitcast3A_1663, %shift_left3A_1664 : vector<16xi32>
        %bitcast3A_1666 = vector.bitcast %shift_left3A_1665 : vector<16xi32> to vector<16xf32>
        %and3A_1667 = arith.andi %bitcast3A_1663, %broadcast_in_dim3A_43 : vector<16xi32>
        %bitcast3A_1668 = vector.bitcast %and3A_1667 : vector<16xi32> to vector<16xf32>
        %add3A_1669 = arith.addi %scan3A_1650, %scan3A_1650 : i32
        %add3A_1670 = arith.addi %broadcast_in_dim3A_1652, %broadcast_in_dim3A_1652 : vector<16xi32>
        tpu.vector_store_idx %arg9[%add3A_1670, %iota3A], %bitcast3A_1666 masked %ge3A_34 : memref<32x257xf32, #tpu.memory_space<vmem>>[vector<16xi32>, vector<16xi32>], vector<16xf32>, vector<16xi1>
        %add3A_1671 = arith.addi %broadcast_in_dim3A_1652, %broadcast_in_dim3A_1652 : vector<16xi32>
        %add3A_1672 = arith.constant 1 : i32
        %add3A_1673 = vector.broadcast %add3A_1672 : i32 to vector<16xi32>
        %add3A_1674 = arith.addi %add3A_1671, %add3A_1673 : vector<16xi32>
        tpu.vector_store_idx %arg9[%add3A_1674, %iota3A], %bitcast3A_1668 masked %ge3A_34 : memref<32x257xf32, #tpu.memory_space<vmem>>[vector<16xi32>, vector<16xi32>], vector<16xf32>, vector<16xi1>
        %scan3A_1675 = arith.constant 0 : i32
        scf.yield %scan3A_1675 : i32
      }
      %scan3A_949 = arith.constant 16 : i32
      %add3A_950 = arith.constant 16 : i32
      %add3A_951 = vector.broadcast %add3A_950 : i32 to vector<16xi32>
      %add3A_952 = arith.addi %add3A_951, %iota3A : vector<16xi32>
      %sub3A_953 = arith.constant 1 : i32
      %sub3A_954 = vector.broadcast %sub3A_953 : i32 to vector<16xi32>
      %sub3A_955 = arith.subi %add3A_952, %sub3A_954 : vector<16xi32>
      %jit3A_956 = arith.constant 0 : i32
      %jit3A_957 = arith.constant 255 : i32
      %max3A_958 = vector.broadcast %jit3A_956 : i32 to vector<16xi32>
      %max3A_959 = arith.maxsi %max3A_958, %sub3A_955 : vector<16xi32>
      %min3A_960 = vector.broadcast %jit3A_957 : i32 to vector<16xi32>
      %min3A_961 = arith.minsi %min3A_960, %max3A_959 : vector<16xi32>
      %mul3A_962 = arith.constant 3 : i32
      %mul3A_963 = vector.broadcast %mul3A_962 : i32 to vector<16xi32>
      %mul3A_964 = arith.muli %min3A_961, %mul3A_963 : vector<16xi32>
      %add3A_965 = arith.constant 768 : i32
      %add3A_966 = vector.broadcast %add3A_965 : i32 to vector<16xi32>
      %add3A_967 = arith.addi %add3A_966, %mul3A_964 : vector<16xi32>
      %gather3A_968 = tpu.vector_load_idx %arg7[%add3A_967] : memref<1536xi32, #tpu.memory_space<vmem>>[vector<16xi32>], vector<16xi32>,
      %mul3A_969 = arith.constant 16 : i32
      %mul3A_970 = vector.broadcast %mul3A_969 : i32 to vector<16xi32>
      %mul3A_971 = arith.muli %gather3A_968, %mul3A_970 : vector<16xi32>
      %add3A_972 = arith.constant 1 : i32
      %add3A_973 = vector.broadcast %add3A_972 : i32 to vector<16xi32>
      %add3A_974 = arith.addi %add3A_967, %add3A_973 : vector<16xi32>
      %gather3A_975 = tpu.vector_load_idx %arg7[%add3A_974] : memref<1536xi32, #tpu.memory_space<vmem>>[vector<16xi32>], vector<16xi32>,
      %mul3A_976 = arith.constant 16 : i32
      %mul3A_977 = vector.broadcast %mul3A_976 : i32 to vector<16xi32>
      %mul3A_978 = arith.muli %gather3A_975, %mul3A_977 : vector<16xi32>
      %add3A_979 = arith.constant 2 : i32
      %add3A_980 = vector.broadcast %add3A_979 : i32 to vector<16xi32>
      %add3A_981 = arith.addi %add3A_967, %add3A_980 : vector<16xi32>
      %gather3A_982 = tpu.vector_load_idx %arg7[%add3A_981] : memref<1536xi32, #tpu.memory_space<vmem>>[vector<16xi32>], vector<16xi32>,
      %mul3A_983 = arith.constant 16 : i32
      %mul3A_984 = vector.broadcast %mul3A_983 : i32 to vector<16xi32>
      %mul3A_985 = arith.muli %gather3A_982, %mul3A_984 : vector<16xi32>
      %scan3A_986 = arith.constant 0 : i32
      %scan3A_987 = arith.constant 0 : i32
      %scan3A_988 = arith.constant 16 : i32
      %scan3A_989 = arith.addi %scan3A_987, %scan3A_988 : i32
      %scan3A_990 = arith.constant 1 : i32
      %scan3A_991 = scf.for %scan3A_1650 = %scan3A_987 to %scan3A_989 step %scan3A_990 iter_args(%scan3A_1651 = %scan3A_986) -> (i32)  : i32 {
        %broadcast_in_dim3A_1652 = vector.broadcast %scan3A_1650 : i32 to vector<16xi32>
        %add3A_1653 = arith.addi %mul3A_971, %broadcast_in_dim3A_1652 : vector<16xi32>
        %gather3A_1654 = tpu.vector_load_idx %arg6[%add3A_1653] : memref<24576xi32, #tpu.memory_space<vmem>>[vector<16xi32>], vector<16xi32>,
        %add3A_1655 = arith.addi %mul3A_978, %broadcast_in_dim3A_1652 : vector<16xi32>
        %gather3A_1656 = tpu.vector_load_idx %arg6[%add3A_1655] : memref<24576xi32, #tpu.memory_space<vmem>>[vector<16xi32>], vector<16xi32>,
        %add3A_1657 = arith.addi %mul3A_985, %broadcast_in_dim3A_1652 : vector<16xi32>
        %gather3A_1658 = tpu.vector_load_idx %arg6[%add3A_1657] : memref<24576xi32, #tpu.memory_space<vmem>>[vector<16xi32>], vector<16xi32>,
        %bitcast3A = vector.bitcast %gather3A_1654 : vector<16xi32> to vector<32xbf16>
        %bitcast3A_1659 = vector.bitcast %gather3A_1656 : vector<16xi32> to vector<32xbf16>
        %add3A_1660 = arith.addf %bitcast3A, %bitcast3A_1659 : vector<32xbf16>
        %bitcast3A_1661 = vector.bitcast %gather3A_1658 : vector<16xi32> to vector<32xbf16>
        %add3A_1662 = arith.addf %add3A_1660, %bitcast3A_1661 : vector<32xbf16>
        %bitcast3A_1663 = vector.bitcast %add3A_1662 : vector<32xbf16> to vector<16xi32>
        %shift_left3A = arith.constant 16 : i32
        %shift_left3A_1664 = vector.broadcast %shift_left3A : i32 to vector<16xi32>
        %shift_left3A_1665 = arith.shli %bitcast3A_1663, %shift_left3A_1664 : vector<16xi32>
        %bitcast3A_1666 = vector.bitcast %shift_left3A_1665 : vector<16xi32> to vector<16xf32>
        %and3A_1667 = arith.andi %bitcast3A_1663, %broadcast_in_dim3A_43 : vector<16xi32>
        %bitcast3A_1668 = vector.bitcast %and3A_1667 : vector<16xi32> to vector<16xf32>
        %add3A_1669 = arith.addi %scan3A_1650, %scan3A_1650 : i32
        %swap3A = arith.index_cast %add3A_1669 : i32 to index
        %swap3A_1670 = arith.constant 16 : index
        %swap3A_1671 = tpu.vector_load %arg9[%swap3A, %swap3A_1670] {strides = array<i32>} : memref<32x257xf32, #tpu.memory_space<vmem>>, vector<16xf32>,
        tpu.vector_store %arg9[%swap3A, %swap3A_1670], %bitcast3A_1666 {strides = array<i32>} : memref<32x257xf32, #tpu.memory_space<vmem>>, vector<16xf32>,
        %add3A_1672 = arith.constant 1 : i32
        %add3A_1673 = arith.addi %add3A_1669, %add3A_1672 : i32
        %swap3A_1674 = arith.index_cast %add3A_1673 : i32 to index
        %swap3A_1675 = arith.constant 16 : index
        %swap3A_1676 = tpu.vector_load %arg9[%swap3A_1674, %swap3A_1675] {strides = array<i32>} : memref<32x257xf32, #tpu.memory_space<vmem>>, vector<16xf32>,
        tpu.vector_store %arg9[%swap3A_1674, %swap3A_1675], %bitcast3A_1668 {strides = array<i32>} : memref<32x257xf32, #tpu.memory_space<vmem>>, vector<16xf32>,
        %scan3A_1677 = arith.constant 0 : i32
        scf.yield %scan3A_1677 : i32
      }
      %scan3A_992 = arith.constant 16 : i32
      %add3A_993 = arith.constant 32 : i32
      %add3A_994 = vector.broadcast %add3A_993 : i32 to vector<16xi32>
      %add3A_995 = arith.addi %add3A_994, %iota3A : vector<16xi32>
      %sub3A_996 = arith.constant 1 : i32
      %sub3A_997 = vector.broadcast %sub3A_996 : i32 to vector<16xi32>
      %sub3A_998 = arith.subi %add3A_995, %sub3A_997 : vector<16xi32>
      %jit3A_999 = arith.constant 0 : i32
      %jit3A_1000 = arith.constant 255 : i32
      %max3A_1001 = vector.broadcast %jit3A_999 : i32 to vector<16xi32>
      %max3A_1002 = arith.maxsi %max3A_1001, %sub3A_998 : vector<16xi32>
      %min3A_1003 = vector.broadcast %jit3A_1000 : i32 to vector<16xi32>
      %min3A_1004 = arith.minsi %min3A_1003, %max3A_1002 : vector<16xi32>
      %mul3A_1005 = arith.constant 3 : i32
      %mul3A_1006 = vector.broadcast %mul3A_1005 : i32 to vector<16xi32>
      %mul3A_1007 = arith.muli %min3A_1004, %mul3A_1006 : vector<16xi32>
      %add3A_1008 = arith.constant 768 : i32
      %add3A_1009 = vector.broadcast %add3A_1008 : i32 to vector<16xi32>
      %add3A_1010 = arith.addi %add3A_1009, %mul3A_1007 : vector<16xi32>
      %gather3A_1011 = tpu.vector_load_idx %arg7[%add3A_1010] : memref<1536xi32, #tpu.memory_space<vmem>>[vector<16xi32>], vector<16xi32>,
      %mul3A_1012 = arith.constant 16 : i32
      %mul3A_1013 = vector.broadcast %mul3A_1012 : i32 to vector<16xi32>
      %mul3A_1014 = arith.muli %gather3A_1011, %mul3A_1013 : vector<16xi32>
      %add3A_1015 = arith.constant 1 : i32
      %add3A_1016 = vector.broadcast %add3A_1015 : i32 to vector<16xi32>
      %add3A_1017 = arith.addi %add3A_1010, %add3A_1016 : vector<16xi32>
      %gather3A_1018 = tpu.vector_load_idx %arg7[%add3A_1017] : memref<1536xi32, #tpu.memory_space<vmem>>[vector<16xi32>], vector<16xi32>,
      %mul3A_1019 = arith.constant 16 : i32
      %mul3A_1020 = vector.broadcast %mul3A_1019 : i32 to vector<16xi32>
      %mul3A_1021 = arith.muli %gather3A_1018, %mul3A_1020 : vector<16xi32>
      %add3A_1022 = arith.constant 2 : i32
      %add3A_1023 = vector.broadcast %add3A_1022 : i32 to vector<16xi32>
      %add3A_1024 = arith.addi %add3A_1010, %add3A_1023 : vector<16xi32>
      %gather3A_1025 = tpu.vector_load_idx %arg7[%add3A_1024] : memref<1536xi32, #tpu.memory_space<vmem>>[vector<16xi32>], vector<16xi32>,
      %mul3A_1026 = arith.constant 16 : i32
      %mul3A_1027 = vector.broadcast %mul3A_1026 : i32 to vector<16xi32>
      %mul3A_1028 = arith.muli %gather3A_1025, %mul3A_1027 : vector<16xi32>
      %scan3A_1029 = arith.constant 0 : i32
      %scan3A_1030 = arith.constant 0 : i32
      %scan3A_1031 = arith.constant 16 : i32
      %scan3A_1032 = arith.addi %scan3A_1030, %scan3A_1031 : i32
      %scan3A_1033 = arith.constant 1 : i32
      %scan3A_1034 = scf.for %scan3A_1650 = %scan3A_1030 to %scan3A_1032 step %scan3A_1033 iter_args(%scan3A_1651 = %scan3A_1029) -> (i32)  : i32 {
        %broadcast_in_dim3A_1652 = vector.broadcast %scan3A_1650 : i32 to vector<16xi32>
        %add3A_1653 = arith.addi %mul3A_1014, %broadcast_in_dim3A_1652 : vector<16xi32>
        %gather3A_1654 = tpu.vector_load_idx %arg6[%add3A_1653] : memref<24576xi32, #tpu.memory_space<vmem>>[vector<16xi32>], vector<16xi32>,
        %add3A_1655 = arith.addi %mul3A_1021, %broadcast_in_dim3A_1652 : vector<16xi32>
        %gather3A_1656 = tpu.vector_load_idx %arg6[%add3A_1655] : memref<24576xi32, #tpu.memory_space<vmem>>[vector<16xi32>], vector<16xi32>,
        %add3A_1657 = arith.addi %mul3A_1028, %broadcast_in_dim3A_1652 : vector<16xi32>
        %gather3A_1658 = tpu.vector_load_idx %arg6[%add3A_1657] : memref<24576xi32, #tpu.memory_space<vmem>>[vector<16xi32>], vector<16xi32>,
        %bitcast3A = vector.bitcast %gather3A_1654 : vector<16xi32> to vector<32xbf16>
        %bitcast3A_1659 = vector.bitcast %gather3A_1656 : vector<16xi32> to vector<32xbf16>
        %add3A_1660 = arith.addf %bitcast3A, %bitcast3A_1659 : vector<32xbf16>
        %bitcast3A_1661 = vector.bitcast %gather3A_1658 : vector<16xi32> to vector<32xbf16>
        %add3A_1662 = arith.addf %add3A_1660, %bitcast3A_1661 : vector<32xbf16>
        %bitcast3A_1663 = vector.bitcast %add3A_1662 : vector<32xbf16> to vector<16xi32>
        %shift_left3A = arith.constant 16 : i32
        %shift_left3A_1664 = vector.broadcast %shift_left3A : i32 to vector<16xi32>
        %shift_left3A_1665 = arith.shli %bitcast3A_1663, %shift_left3A_1664 : vector<16xi32>
        %bitcast3A_1666 = vector.bitcast %shift_left3A_1665 : vector<16xi32> to vector<16xf32>
        %and3A_1667 = arith.andi %bitcast3A_1663, %broadcast_in_dim3A_43 : vector<16xi32>
        %bitcast3A_1668 = vector.bitcast %and3A_1667 : vector<16xi32> to vector<16xf32>
        %add3A_1669 = arith.addi %scan3A_1650, %scan3A_1650 : i32
        %swap3A = arith.index_cast %add3A_1669 : i32 to index
        %swap3A_1670 = arith.constant 32 : index
        %swap3A_1671 = tpu.vector_load %arg9[%swap3A, %swap3A_1670] {strides = array<i32>} : memref<32x257xf32, #tpu.memory_space<vmem>>, vector<16xf32>,
        tpu.vector_store %arg9[%swap3A, %swap3A_1670], %bitcast3A_1666 {strides = array<i32>} : memref<32x257xf32, #tpu.memory_space<vmem>>, vector<16xf32>,
        %add3A_1672 = arith.constant 1 : i32
        %add3A_1673 = arith.addi %add3A_1669, %add3A_1672 : i32
        %swap3A_1674 = arith.index_cast %add3A_1673 : i32 to index
        %swap3A_1675 = arith.constant 32 : index
        %swap3A_1676 = tpu.vector_load %arg9[%swap3A_1674, %swap3A_1675] {strides = array<i32>} : memref<32x257xf32, #tpu.memory_space<vmem>>, vector<16xf32>,
        tpu.vector_store %arg9[%swap3A_1674, %swap3A_1675], %bitcast3A_1668 {strides = array<i32>} : memref<32x257xf32, #tpu.memory_space<vmem>>, vector<16xf32>,
        %scan3A_1677 = arith.constant 0 : i32
        scf.yield %scan3A_1677 : i32
      }
      %scan3A_1035 = arith.constant 16 : i32
      %add3A_1036 = arith.constant 48 : i32
      %add3A_1037 = vector.broadcast %add3A_1036 : i32 to vector<16xi32>
      %add3A_1038 = arith.addi %add3A_1037, %iota3A : vector<16xi32>
      %sub3A_1039 = arith.constant 1 : i32
      %sub3A_1040 = vector.broadcast %sub3A_1039 : i32 to vector<16xi32>
      %sub3A_1041 = arith.subi %add3A_1038, %sub3A_1040 : vector<16xi32>
      %jit3A_1042 = arith.constant 0 : i32
      %jit3A_1043 = arith.constant 255 : i32
      %max3A_1044 = vector.broadcast %jit3A_1042 : i32 to vector<16xi32>
      %max3A_1045 = arith.maxsi %max3A_1044, %sub3A_1041 : vector<16xi32>
      %min3A_1046 = vector.broadcast %jit3A_1043 : i32 to vector<16xi32>
      %min3A_1047 = arith.minsi %min3A_1046, %max3A_1045 : vector<16xi32>
      %mul3A_1048 = arith.constant 3 : i32
      %mul3A_1049 = vector.broadcast %mul3A_1048 : i32 to vector<16xi32>
      %mul3A_1050 = arith.muli %min3A_1047, %mul3A_1049 : vector<16xi32>
      %add3A_1051 = arith.constant 768 : i32
      %add3A_1052 = vector.broadcast %add3A_1051 : i32 to vector<16xi32>
      %add3A_1053 = arith.addi %add3A_1052, %mul3A_1050 : vector<16xi32>
      %gather3A_1054 = tpu.vector_load_idx %arg7[%add3A_1053] : memref<1536xi32, #tpu.memory_space<vmem>>[vector<16xi32>], vector<16xi32>,
      %mul3A_1055 = arith.constant 16 : i32
      %mul3A_1056 = vector.broadcast %mul3A_1055 : i32 to vector<16xi32>
      %mul3A_1057 = arith.muli %gather3A_1054, %mul3A_1056 : vector<16xi32>
      %add3A_1058 = arith.constant 1 : i32
      %add3A_1059 = vector.broadcast %add3A_1058 : i32 to vector<16xi32>
      %add3A_1060 = arith.addi %add3A_1053, %add3A_1059 : vector<16xi32>
      %gather3A_1061 = tpu.vector_load_idx %arg7[%add3A_1060] : memref<1536xi32, #tpu.memory_space<vmem>>[vector<16xi32>], vector<16xi32>,
      %mul3A_1062 = arith.constant 16 : i32
      %mul3A_1063 = vector.broadcast %mul3A_1062 : i32 to vector<16xi32>
      %mul3A_1064 = arith.muli %gather3A_1061, %mul3A_1063 : vector<16xi32>
      %add3A_1065 = arith.constant 2 : i32
      %add3A_1066 = vector.broadcast %add3A_1065 : i32 to vector<16xi32>
      %add3A_1067 = arith.addi %add3A_1053, %add3A_1066 : vector<16xi32>
      %gather3A_1068 = tpu.vector_load_idx %arg7[%add3A_1067] : memref<1536xi32, #tpu.memory_space<vmem>>[vector<16xi32>], vector<16xi32>,
      %mul3A_1069 = arith.constant 16 : i32
      %mul3A_1070 = vector.broadcast %mul3A_1069 : i32 to vector<16xi32>
      %mul3A_1071 = arith.muli %gather3A_1068, %mul3A_1070 : vector<16xi32>
      %scan3A_1072 = arith.constant 0 : i32
      %scan3A_1073 = arith.constant 0 : i32
      %scan3A_1074 = arith.constant 16 : i32
      %scan3A_1075 = arith.addi %scan3A_1073, %scan3A_1074 : i32
      %scan3A_1076 = arith.constant 1 : i32
      %scan3A_1077 = scf.for %scan3A_1650 = %scan3A_1073 to %scan3A_1075 step %scan3A_1076 iter_args(%scan3A_1651 = %scan3A_1072) -> (i32)  : i32 {
        %broadcast_in_dim3A_1652 = vector.broadcast %scan3A_1650 : i32 to vector<16xi32>
        %add3A_1653 = arith.addi %mul3A_1057, %broadcast_in_dim3A_1652 : vector<16xi32>
        %gather3A_1654 = tpu.vector_load_idx %arg6[%add3A_1653] : memref<24576xi32, #tpu.memory_space<vmem>>[vector<16xi32>], vector<16xi32>,
        %add3A_1655 = arith.addi %mul3A_1064, %broadcast_in_dim3A_1652 : vector<16xi32>
        %gather3A_1656 = tpu.vector_load_idx %arg6[%add3A_1655] : memref<24576xi32, #tpu.memory_space<vmem>>[vector<16xi32>], vector<16xi32>,
        %add3A_1657 = arith.addi %mul3A_1071, %broadcast_in_dim3A_1652 : vector<16xi32>
        %gather3A_1658 = tpu.vector_load_idx %arg6[%add3A_1657] : memref<24576xi32, #tpu.memory_space<vmem>>[vector<16xi32>], vector<16xi32>,
        %bitcast3A = vector.bitcast %gather3A_1654 : vector<16xi32> to vector<32xbf16>
        %bitcast3A_1659 = vector.bitcast %gather3A_1656 : vector<16xi32> to vector<32xbf16>
        %add3A_1660 = arith.addf %bitcast3A, %bitcast3A_1659 : vector<32xbf16>
        %bitcast3A_1661 = vector.bitcast %gather3A_1658 : vector<16xi32> to vector<32xbf16>
        %add3A_1662 = arith.addf %add3A_1660, %bitcast3A_1661 : vector<32xbf16>
        %bitcast3A_1663 = vector.bitcast %add3A_1662 : vector<32xbf16> to vector<16xi32>
        %shift_left3A = arith.constant 16 : i32
        %shift_left3A_1664 = vector.broadcast %shift_left3A : i32 to vector<16xi32>
        %shift_left3A_1665 = arith.shli %bitcast3A_1663, %shift_left3A_1664 : vector<16xi32>
        %bitcast3A_1666 = vector.bitcast %shift_left3A_1665 : vector<16xi32> to vector<16xf32>
        %and3A_1667 = arith.andi %bitcast3A_1663, %broadcast_in_dim3A_43 : vector<16xi32>
        %bitcast3A_1668 = vector.bitcast %and3A_1667 : vector<16xi32> to vector<16xf32>
        %add3A_1669 = arith.addi %scan3A_1650, %scan3A_1650 : i32
        %swap3A = arith.index_cast %add3A_1669 : i32 to index
        %swap3A_1670 = arith.constant 48 : index
        %swap3A_1671 = tpu.vector_load %arg9[%swap3A, %swap3A_1670] {strides = array<i32>} : memref<32x257xf32, #tpu.memory_space<vmem>>, vector<16xf32>,
        tpu.vector_store %arg9[%swap3A, %swap3A_1670], %bitcast3A_1666 {strides = array<i32>} : memref<32x257xf32, #tpu.memory_space<vmem>>, vector<16xf32>,
        %add3A_1672 = arith.constant 1 : i32
        %add3A_1673 = arith.addi %add3A_1669, %add3A_1672 : i32
        %swap3A_1674 = arith.index_cast %add3A_1673 : i32 to index
        %swap3A_1675 = arith.constant 48 : index
        %swap3A_1676 = tpu.vector_load %arg9[%swap3A_1674, %swap3A_1675] {strides = array<i32>} : memref<32x257xf32, #tpu.memory_space<vmem>>, vector<16xf32>,
        tpu.vector_store %arg9[%swap3A_1674, %swap3A_1675], %bitcast3A_1668 {strides = array<i32>} : memref<32x257xf32, #tpu.memory_space<vmem>>, vector<16xf32>,
        %scan3A_1677 = arith.constant 0 : i32
        scf.yield %scan3A_1677 : i32
      }
      %scan3A_1078 = arith.constant 16 : i32
      %add3A_1079 = arith.constant 64 : i32
      %add3A_1080 = vector.broadcast %add3A_1079 : i32 to vector<16xi32>
      %add3A_1081 = arith.addi %add3A_1080, %iota3A : vector<16xi32>
      %sub3A_1082 = arith.constant 1 : i32
      %sub3A_1083 = vector.broadcast %sub3A_1082 : i32 to vector<16xi32>
      %sub3A_1084 = arith.subi %add3A_1081, %sub3A_1083 : vector<16xi32>
      %jit3A_1085 = arith.constant 0 : i32
      %jit3A_1086 = arith.constant 255 : i32
      %max3A_1087 = vector.broadcast %jit3A_1085 : i32 to vector<16xi32>
      %max3A_1088 = arith.maxsi %max3A_1087, %sub3A_1084 : vector<16xi32>
      %min3A_1089 = vector.broadcast %jit3A_1086 : i32 to vector<16xi32>
      %min3A_1090 = arith.minsi %min3A_1089, %max3A_1088 : vector<16xi32>
      %mul3A_1091 = arith.constant 3 : i32
      %mul3A_1092 = vector.broadcast %mul3A_1091 : i32 to vector<16xi32>
      %mul3A_1093 = arith.muli %min3A_1090, %mul3A_1092 : vector<16xi32>
      %add3A_1094 = arith.constant 768 : i32
      %add3A_1095 = vector.broadcast %add3A_1094 : i32 to vector<16xi32>
      %add3A_1096 = arith.addi %add3A_1095, %mul3A_1093 : vector<16xi32>
      %gather3A_1097 = tpu.vector_load_idx %arg7[%add3A_1096] : memref<1536xi32, #tpu.memory_space<vmem>>[vector<16xi32>], vector<16xi32>,
      %mul3A_1098 = arith.constant 16 : i32
      %mul3A_1099 = vector.broadcast %mul3A_1098 : i32 to vector<16xi32>
      %mul3A_1100 = arith.muli %gather3A_1097, %mul3A_1099 : vector<16xi32>
      %add3A_1101 = arith.constant 1 : i32
      %add3A_1102 = vector.broadcast %add3A_1101 : i32 to vector<16xi32>
      %add3A_1103 = arith.addi %add3A_1096, %add3A_1102 : vector<16xi32>
      %gather3A_1104 = tpu.vector_load_idx %arg7[%add3A_1103] : memref<1536xi32, #tpu.memory_space<vmem>>[vector<16xi32>], vector<16xi32>,
      %mul3A_1105 = arith.constant 16 : i32
      %mul3A_1106 = vector.broadcast %mul3A_1105 : i32 to vector<16xi32>
      %mul3A_1107 = arith.muli %gather3A_1104, %mul3A_1106 : vector<16xi32>
      %add3A_1108 = arith.constant 2 : i32
      %add3A_1109 = vector.broadcast %add3A_1108 : i32 to vector<16xi32>
      %add3A_1110 = arith.addi %add3A_1096, %add3A_1109 : vector<16xi32>
      %gather3A_1111 = tpu.vector_load_idx %arg7[%add3A_1110] : memref<1536xi32, #tpu.memory_space<vmem>>[vector<16xi32>], vector<16xi32>,
      %mul3A_1112 = arith.constant 16 : i32
      %mul3A_1113 = vector.broadcast %mul3A_1112 : i32 to vector<16xi32>
      %mul3A_1114 = arith.muli %gather3A_1111, %mul3A_1113 : vector<16xi32>
      %scan3A_1115 = arith.constant 0 : i32
      %scan3A_1116 = arith.constant 0 : i32
      %scan3A_1117 = arith.constant 16 : i32
      %scan3A_1118 = arith.addi %scan3A_1116, %scan3A_1117 : i32
      %scan3A_1119 = arith.constant 1 : i32
      %scan3A_1120 = scf.for %scan3A_1650 = %scan3A_1116 to %scan3A_1118 step %scan3A_1119 iter_args(%scan3A_1651 = %scan3A_1115) -> (i32)  : i32 {
        %broadcast_in_dim3A_1652 = vector.broadcast %scan3A_1650 : i32 to vector<16xi32>
        %add3A_1653 = arith.addi %mul3A_1100, %broadcast_in_dim3A_1652 : vector<16xi32>
        %gather3A_1654 = tpu.vector_load_idx %arg6[%add3A_1653] : memref<24576xi32, #tpu.memory_space<vmem>>[vector<16xi32>], vector<16xi32>,
        %add3A_1655 = arith.addi %mul3A_1107, %broadcast_in_dim3A_1652 : vector<16xi32>
        %gather3A_1656 = tpu.vector_load_idx %arg6[%add3A_1655] : memref<24576xi32, #tpu.memory_space<vmem>>[vector<16xi32>], vector<16xi32>,
        %add3A_1657 = arith.addi %mul3A_1114, %broadcast_in_dim3A_1652 : vector<16xi32>
        %gather3A_1658 = tpu.vector_load_idx %arg6[%add3A_1657] : memref<24576xi32, #tpu.memory_space<vmem>>[vector<16xi32>], vector<16xi32>,
        %bitcast3A = vector.bitcast %gather3A_1654 : vector<16xi32> to vector<32xbf16>
        %bitcast3A_1659 = vector.bitcast %gather3A_1656 : vector<16xi32> to vector<32xbf16>
        %add3A_1660 = arith.addf %bitcast3A, %bitcast3A_1659 : vector<32xbf16>
        %bitcast3A_1661 = vector.bitcast %gather3A_1658 : vector<16xi32> to vector<32xbf16>
        %add3A_1662 = arith.addf %add3A_1660, %bitcast3A_1661 : vector<32xbf16>
        %bitcast3A_1663 = vector.bitcast %add3A_1662 : vector<32xbf16> to vector<16xi32>
        %shift_left3A = arith.constant 16 : i32
        %shift_left3A_1664 = vector.broadcast %shift_left3A : i32 to vector<16xi32>
        %shift_left3A_1665 = arith.shli %bitcast3A_1663, %shift_left3A_1664 : vector<16xi32>
        %bitcast3A_1666 = vector.bitcast %shift_left3A_1665 : vector<16xi32> to vector<16xf32>
        %and3A_1667 = arith.andi %bitcast3A_1663, %broadcast_in_dim3A_43 : vector<16xi32>
        %bitcast3A_1668 = vector.bitcast %and3A_1667 : vector<16xi32> to vector<16xf32>
        %add3A_1669 = arith.addi %scan3A_1650, %scan3A_1650 : i32
        %swap3A = arith.index_cast %add3A_1669 : i32 to index
        %swap3A_1670 = arith.constant 64 : index
        %swap3A_1671 = tpu.vector_load %arg9[%swap3A, %swap3A_1670] {strides = array<i32>} : memref<32x257xf32, #tpu.memory_space<vmem>>, vector<16xf32>,
        tpu.vector_store %arg9[%swap3A, %swap3A_1670], %bitcast3A_1666 {strides = array<i32>} : memref<32x257xf32, #tpu.memory_space<vmem>>, vector<16xf32>,
        %add3A_1672 = arith.constant 1 : i32
        %add3A_1673 = arith.addi %add3A_1669, %add3A_1672 : i32
        %swap3A_1674 = arith.index_cast %add3A_1673 : i32 to index
        %swap3A_1675 = arith.constant 64 : index
        %swap3A_1676 = tpu.vector_load %arg9[%swap3A_1674, %swap3A_1675] {strides = array<i32>} : memref<32x257xf32, #tpu.memory_space<vmem>>, vector<16xf32>,
        tpu.vector_store %arg9[%swap3A_1674, %swap3A_1675], %bitcast3A_1668 {strides = array<i32>} : memref<32x257xf32, #tpu.memory_space<vmem>>, vector<16xf32>,
        %scan3A_1677 = arith.constant 0 : i32
        scf.yield %scan3A_1677 : i32
      }
      %scan3A_1121 = arith.constant 16 : i32
      %add3A_1122 = arith.constant 80 : i32
      %add3A_1123 = vector.broadcast %add3A_1122 : i32 to vector<16xi32>
      %add3A_1124 = arith.addi %add3A_1123, %iota3A : vector<16xi32>
      %sub3A_1125 = arith.constant 1 : i32
      %sub3A_1126 = vector.broadcast %sub3A_1125 : i32 to vector<16xi32>
      %sub3A_1127 = arith.subi %add3A_1124, %sub3A_1126 : vector<16xi32>
      %jit3A_1128 = arith.constant 0 : i32
      %jit3A_1129 = arith.constant 255 : i32
      %max3A_1130 = vector.broadcast %jit3A_1128 : i32 to vector<16xi32>
      %max3A_1131 = arith.maxsi %max3A_1130, %sub3A_1127 : vector<16xi32>
      %min3A_1132 = vector.broadcast %jit3A_1129 : i32 to vector<16xi32>
      %min3A_1133 = arith.minsi %min3A_1132, %max3A_1131 : vector<16xi32>
      %mul3A_1134 = arith.constant 3 : i32
      %mul3A_1135 = vector.broadcast %mul3A_1134 : i32 to vector<16xi32>
      %mul3A_1136 = arith.muli %min3A_1133, %mul3A_1135 : vector<16xi32>
      %add3A_1137 = arith.constant 768 : i32
      %add3A_1138 = vector.broadcast %add3A_1137 : i32 to vector<16xi32>
      %add3A_1139 = arith.addi %add3A_1138, %mul3A_1136 : vector<16xi32>
      %gather3A_1140 = tpu.vector_load_idx %arg7[%add3A_1139] : memref<1536xi32, #tpu.memory_space<vmem>>[vector<16xi32>], vector<16xi32>,
      %mul3A_1141 = arith.constant 16 : i32
      %mul3A_1142 = vector.broadcast %mul3A_1141 : i32 to vector<16xi32>
      %mul3A_1143 = arith.muli %gather3A_1140, %mul3A_1142 : vector<16xi32>
      %add3A_1144 = arith.constant 1 : i32
      %add3A_1145 = vector.broadcast %add3A_1144 : i32 to vector<16xi32>
      %add3A_1146 = arith.addi %add3A_1139, %add3A_1145 : vector<16xi32>
      %gather3A_1147 = tpu.vector_load_idx %arg7[%add3A_1146] : memref<1536xi32, #tpu.memory_space<vmem>>[vector<16xi32>], vector<16xi32>,
      %mul3A_1148 = arith.constant 16 : i32
      %mul3A_1149 = vector.broadcast %mul3A_1148 : i32 to vector<16xi32>
      %mul3A_1150 = arith.muli %gather3A_1147, %mul3A_1149 : vector<16xi32>
      %add3A_1151 = arith.constant 2 : i32
      %add3A_1152 = vector.broadcast %add3A_1151 : i32 to vector<16xi32>
      %add3A_1153 = arith.addi %add3A_1139, %add3A_1152 : vector<16xi32>
      %gather3A_1154 = tpu.vector_load_idx %arg7[%add3A_1153] : memref<1536xi32, #tpu.memory_space<vmem>>[vector<16xi32>], vector<16xi32>,
      %mul3A_1155 = arith.constant 16 : i32
      %mul3A_1156 = vector.broadcast %mul3A_1155 : i32 to vector<16xi32>
      %mul3A_1157 = arith.muli %gather3A_1154, %mul3A_1156 : vector<16xi32>
      %scan3A_1158 = arith.constant 0 : i32
      %scan3A_1159 = arith.constant 0 : i32
      %scan3A_1160 = arith.constant 16 : i32
      %scan3A_1161 = arith.addi %scan3A_1159, %scan3A_1160 : i32
      %scan3A_1162 = arith.constant 1 : i32
      %scan3A_1163 = scf.for %scan3A_1650 = %scan3A_1159 to %scan3A_1161 step %scan3A_1162 iter_args(%scan3A_1651 = %scan3A_1158) -> (i32)  : i32 {
        %broadcast_in_dim3A_1652 = vector.broadcast %scan3A_1650 : i32 to vector<16xi32>
        %add3A_1653 = arith.addi %mul3A_1143, %broadcast_in_dim3A_1652 : vector<16xi32>
        %gather3A_1654 = tpu.vector_load_idx %arg6[%add3A_1653] : memref<24576xi32, #tpu.memory_space<vmem>>[vector<16xi32>], vector<16xi32>,
        %add3A_1655 = arith.addi %mul3A_1150, %broadcast_in_dim3A_1652 : vector<16xi32>
        %gather3A_1656 = tpu.vector_load_idx %arg6[%add3A_1655] : memref<24576xi32, #tpu.memory_space<vmem>>[vector<16xi32>], vector<16xi32>,
        %add3A_1657 = arith.addi %mul3A_1157, %broadcast_in_dim3A_1652 : vector<16xi32>
        %gather3A_1658 = tpu.vector_load_idx %arg6[%add3A_1657] : memref<24576xi32, #tpu.memory_space<vmem>>[vector<16xi32>], vector<16xi32>,
        %bitcast3A = vector.bitcast %gather3A_1654 : vector<16xi32> to vector<32xbf16>
        %bitcast3A_1659 = vector.bitcast %gather3A_1656 : vector<16xi32> to vector<32xbf16>
        %add3A_1660 = arith.addf %bitcast3A, %bitcast3A_1659 : vector<32xbf16>
        %bitcast3A_1661 = vector.bitcast %gather3A_1658 : vector<16xi32> to vector<32xbf16>
        %add3A_1662 = arith.addf %add3A_1660, %bitcast3A_1661 : vector<32xbf16>
        %bitcast3A_1663 = vector.bitcast %add3A_1662 : vector<32xbf16> to vector<16xi32>
        %shift_left3A = arith.constant 16 : i32
        %shift_left3A_1664 = vector.broadcast %shift_left3A : i32 to vector<16xi32>
        %shift_left3A_1665 = arith.shli %bitcast3A_1663, %shift_left3A_1664 : vector<16xi32>
        %bitcast3A_1666 = vector.bitcast %shift_left3A_1665 : vector<16xi32> to vector<16xf32>
        %and3A_1667 = arith.andi %bitcast3A_1663, %broadcast_in_dim3A_43 : vector<16xi32>
        %bitcast3A_1668 = vector.bitcast %and3A_1667 : vector<16xi32> to vector<16xf32>
        %add3A_1669 = arith.addi %scan3A_1650, %scan3A_1650 : i32
        %swap3A = arith.index_cast %add3A_1669 : i32 to index
        %swap3A_1670 = arith.constant 80 : index
        %swap3A_1671 = tpu.vector_load %arg9[%swap3A, %swap3A_1670] {strides = array<i32>} : memref<32x257xf32, #tpu.memory_space<vmem>>, vector<16xf32>,
        tpu.vector_store %arg9[%swap3A, %swap3A_1670], %bitcast3A_1666 {strides = array<i32>} : memref<32x257xf32, #tpu.memory_space<vmem>>, vector<16xf32>,
        %add3A_1672 = arith.constant 1 : i32
        %add3A_1673 = arith.addi %add3A_1669, %add3A_1672 : i32
        %swap3A_1674 = arith.index_cast %add3A_1673 : i32 to index
        %swap3A_1675 = arith.constant 80 : index
        %swap3A_1676 = tpu.vector_load %arg9[%swap3A_1674, %swap3A_1675] {strides = array<i32>} : memref<32x257xf32, #tpu.memory_space<vmem>>, vector<16xf32>,
        tpu.vector_store %arg9[%swap3A_1674, %swap3A_1675], %bitcast3A_1668 {strides = array<i32>} : memref<32x257xf32, #tpu.memory_space<vmem>>, vector<16xf32>,
        %scan3A_1677 = arith.constant 0 : i32
        scf.yield %scan3A_1677 : i32
      }
      %scan3A_1164 = arith.constant 16 : i32
      %add3A_1165 = arith.constant 96 : i32
      %add3A_1166 = vector.broadcast %add3A_1165 : i32 to vector<16xi32>
      %add3A_1167 = arith.addi %add3A_1166, %iota3A : vector<16xi32>
      %sub3A_1168 = arith.constant 1 : i32
      %sub3A_1169 = vector.broadcast %sub3A_1168 : i32 to vector<16xi32>
      %sub3A_1170 = arith.subi %add3A_1167, %sub3A_1169 : vector<16xi32>
      %jit3A_1171 = arith.constant 0 : i32
      %jit3A_1172 = arith.constant 255 : i32
      %max3A_1173 = vector.broadcast %jit3A_1171 : i32 to vector<16xi32>
      %max3A_1174 = arith.maxsi %max3A_1173, %sub3A_1170 : vector<16xi32>
      %min3A_1175 = vector.broadcast %jit3A_1172 : i32 to vector<16xi32>
      %min3A_1176 = arith.minsi %min3A_1175, %max3A_1174 : vector<16xi32>
      %mul3A_1177 = arith.constant 3 : i32
      %mul3A_1178 = vector.broadcast %mul3A_1177 : i32 to vector<16xi32>
      %mul3A_1179 = arith.muli %min3A_1176, %mul3A_1178 : vector<16xi32>
      %add3A_1180 = arith.constant 768 : i32
      %add3A_1181 = vector.broadcast %add3A_1180 : i32 to vector<16xi32>
      %add3A_1182 = arith.addi %add3A_1181, %mul3A_1179 : vector<16xi32>
      %gather3A_1183 = tpu.vector_load_idx %arg7[%add3A_1182] : memref<1536xi32, #tpu.memory_space<vmem>>[vector<16xi32>], vector<16xi32>,
      %mul3A_1184 = arith.constant 16 : i32
      %mul3A_1185 = vector.broadcast %mul3A_1184 : i32 to vector<16xi32>
      %mul3A_1186 = arith.muli %gather3A_1183, %mul3A_1185 : vector<16xi32>
      %add3A_1187 = arith.constant 1 : i32
      %add3A_1188 = vector.broadcast %add3A_1187 : i32 to vector<16xi32>
      %add3A_1189 = arith.addi %add3A_1182, %add3A_1188 : vector<16xi32>
      %gather3A_1190 = tpu.vector_load_idx %arg7[%add3A_1189] : memref<1536xi32, #tpu.memory_space<vmem>>[vector<16xi32>], vector<16xi32>,
      %mul3A_1191 = arith.constant 16 : i32
      %mul3A_1192 = vector.broadcast %mul3A_1191 : i32 to vector<16xi32>
      %mul3A_1193 = arith.muli %gather3A_1190, %mul3A_1192 : vector<16xi32>
      %add3A_1194 = arith.constant 2 : i32
      %add3A_1195 = vector.broadcast %add3A_1194 : i32 to vector<16xi32>
      %add3A_1196 = arith.addi %add3A_1182, %add3A_1195 : vector<16xi32>
      %gather3A_1197 = tpu.vector_load_idx %arg7[%add3A_1196] : memref<1536xi32, #tpu.memory_space<vmem>>[vector<16xi32>], vector<16xi32>,
      %mul3A_1198 = arith.constant 16 : i32
      %mul3A_1199 = vector.broadcast %mul3A_1198 : i32 to vector<16xi32>
      %mul3A_1200 = arith.muli %gather3A_1197, %mul3A_1199 : vector<16xi32>
      %scan3A_1201 = arith.constant 0 : i32
      %scan3A_1202 = arith.constant 0 : i32
      %scan3A_1203 = arith.constant 16 : i32
      %scan3A_1204 = arith.addi %scan3A_1202, %scan3A_1203 : i32
      %scan3A_1205 = arith.constant 1 : i32
      %scan3A_1206 = scf.for %scan3A_1650 = %scan3A_1202 to %scan3A_1204 step %scan3A_1205 iter_args(%scan3A_1651 = %scan3A_1201) -> (i32)  : i32 {
        %broadcast_in_dim3A_1652 = vector.broadcast %scan3A_1650 : i32 to vector<16xi32>
        %add3A_1653 = arith.addi %mul3A_1186, %broadcast_in_dim3A_1652 : vector<16xi32>
        %gather3A_1654 = tpu.vector_load_idx %arg6[%add3A_1653] : memref<24576xi32, #tpu.memory_space<vmem>>[vector<16xi32>], vector<16xi32>,
        %add3A_1655 = arith.addi %mul3A_1193, %broadcast_in_dim3A_1652 : vector<16xi32>
        %gather3A_1656 = tpu.vector_load_idx %arg6[%add3A_1655] : memref<24576xi32, #tpu.memory_space<vmem>>[vector<16xi32>], vector<16xi32>,
        %add3A_1657 = arith.addi %mul3A_1200, %broadcast_in_dim3A_1652 : vector<16xi32>
        %gather3A_1658 = tpu.vector_load_idx %arg6[%add3A_1657] : memref<24576xi32, #tpu.memory_space<vmem>>[vector<16xi32>], vector<16xi32>,
        %bitcast3A = vector.bitcast %gather3A_1654 : vector<16xi32> to vector<32xbf16>
        %bitcast3A_1659 = vector.bitcast %gather3A_1656 : vector<16xi32> to vector<32xbf16>
        %add3A_1660 = arith.addf %bitcast3A, %bitcast3A_1659 : vector<32xbf16>
        %bitcast3A_1661 = vector.bitcast %gather3A_1658 : vector<16xi32> to vector<32xbf16>
        %add3A_1662 = arith.addf %add3A_1660, %bitcast3A_1661 : vector<32xbf16>
        %bitcast3A_1663 = vector.bitcast %add3A_1662 : vector<32xbf16> to vector<16xi32>
        %shift_left3A = arith.constant 16 : i32
        %shift_left3A_1664 = vector.broadcast %shift_left3A : i32 to vector<16xi32>
        %shift_left3A_1665 = arith.shli %bitcast3A_1663, %shift_left3A_1664 : vector<16xi32>
        %bitcast3A_1666 = vector.bitcast %shift_left3A_1665 : vector<16xi32> to vector<16xf32>
        %and3A_1667 = arith.andi %bitcast3A_1663, %broadcast_in_dim3A_43 : vector<16xi32>
        %bitcast3A_1668 = vector.bitcast %and3A_1667 : vector<16xi32> to vector<16xf32>
        %add3A_1669 = arith.addi %scan3A_1650, %scan3A_1650 : i32
        %swap3A = arith.index_cast %add3A_1669 : i32 to index
        %swap3A_1670 = arith.constant 96 : index
        %swap3A_1671 = tpu.vector_load %arg9[%swap3A, %swap3A_1670] {strides = array<i32>} : memref<32x257xf32, #tpu.memory_space<vmem>>, vector<16xf32>,
        tpu.vector_store %arg9[%swap3A, %swap3A_1670], %bitcast3A_1666 {strides = array<i32>} : memref<32x257xf32, #tpu.memory_space<vmem>>, vector<16xf32>,
        %add3A_1672 = arith.constant 1 : i32
        %add3A_1673 = arith.addi %add3A_1669, %add3A_1672 : i32
        %swap3A_1674 = arith.index_cast %add3A_1673 : i32 to index
        %swap3A_1675 = arith.constant 96 : index
        %swap3A_1676 = tpu.vector_load %arg9[%swap3A_1674, %swap3A_1675] {strides = array<i32>} : memref<32x257xf32, #tpu.memory_space<vmem>>, vector<16xf32>,
        tpu.vector_store %arg9[%swap3A_1674, %swap3A_1675], %bitcast3A_1668 {strides = array<i32>} : memref<32x257xf32, #tpu.memory_space<vmem>>, vector<16xf32>,
        %scan3A_1677 = arith.constant 0 : i32
        scf.yield %scan3A_1677 : i32
      }
      %scan3A_1207 = arith.constant 16 : i32
      %add3A_1208 = arith.constant 112 : i32
      %add3A_1209 = vector.broadcast %add3A_1208 : i32 to vector<16xi32>
      %add3A_1210 = arith.addi %add3A_1209, %iota3A : vector<16xi32>
      %sub3A_1211 = arith.constant 1 : i32
      %sub3A_1212 = vector.broadcast %sub3A_1211 : i32 to vector<16xi32>
      %sub3A_1213 = arith.subi %add3A_1210, %sub3A_1212 : vector<16xi32>
      %jit3A_1214 = arith.constant 0 : i32
      %jit3A_1215 = arith.constant 255 : i32
      %max3A_1216 = vector.broadcast %jit3A_1214 : i32 to vector<16xi32>
      %max3A_1217 = arith.maxsi %max3A_1216, %sub3A_1213 : vector<16xi32>
      %min3A_1218 = vector.broadcast %jit3A_1215 : i32 to vector<16xi32>
      %min3A_1219 = arith.minsi %min3A_1218, %max3A_1217 : vector<16xi32>
      %mul3A_1220 = arith.constant 3 : i32
      %mul3A_1221 = vector.broadcast %mul3A_1220 : i32 to vector<16xi32>
      %mul3A_1222 = arith.muli %min3A_1219, %mul3A_1221 : vector<16xi32>
      %add3A_1223 = arith.constant 768 : i32
      %add3A_1224 = vector.broadcast %add3A_1223 : i32 to vector<16xi32>
      %add3A_1225 = arith.addi %add3A_1224, %mul3A_1222 : vector<16xi32>
      %gather3A_1226 = tpu.vector_load_idx %arg7[%add3A_1225] : memref<1536xi32, #tpu.memory_space<vmem>>[vector<16xi32>], vector<16xi32>,
      %mul3A_1227 = arith.constant 16 : i32
      %mul3A_1228 = vector.broadcast %mul3A_1227 : i32 to vector<16xi32>
      %mul3A_1229 = arith.muli %gather3A_1226, %mul3A_1228 : vector<16xi32>
      %add3A_1230 = arith.constant 1 : i32
      %add3A_1231 = vector.broadcast %add3A_1230 : i32 to vector<16xi32>
      %add3A_1232 = arith.addi %add3A_1225, %add3A_1231 : vector<16xi32>
      %gather3A_1233 = tpu.vector_load_idx %arg7[%add3A_1232] : memref<1536xi32, #tpu.memory_space<vmem>>[vector<16xi32>], vector<16xi32>,
      %mul3A_1234 = arith.constant 16 : i32
      %mul3A_1235 = vector.broadcast %mul3A_1234 : i32 to vector<16xi32>
      %mul3A_1236 = arith.muli %gather3A_1233, %mul3A_1235 : vector<16xi32>
      %add3A_1237 = arith.constant 2 : i32
      %add3A_1238 = vector.broadcast %add3A_1237 : i32 to vector<16xi32>
      %add3A_1239 = arith.addi %add3A_1225, %add3A_1238 : vector<16xi32>
      %gather3A_1240 = tpu.vector_load_idx %arg7[%add3A_1239] : memref<1536xi32, #tpu.memory_space<vmem>>[vector<16xi32>], vector<16xi32>,
      %mul3A_1241 = arith.constant 16 : i32
      %mul3A_1242 = vector.broadcast %mul3A_1241 : i32 to vector<16xi32>
      %mul3A_1243 = arith.muli %gather3A_1240, %mul3A_1242 : vector<16xi32>
      %scan3A_1244 = arith.constant 0 : i32
      %scan3A_1245 = arith.constant 0 : i32
      %scan3A_1246 = arith.constant 16 : i32
      %scan3A_1247 = arith.addi %scan3A_1245, %scan3A_1246 : i32
      %scan3A_1248 = arith.constant 1 : i32
      %scan3A_1249 = scf.for %scan3A_1650 = %scan3A_1245 to %scan3A_1247 step %scan3A_1248 iter_args(%scan3A_1651 = %scan3A_1244) -> (i32)  : i32 {
        %broadcast_in_dim3A_1652 = vector.broadcast %scan3A_1650 : i32 to vector<16xi32>
        %add3A_1653 = arith.addi %mul3A_1229, %broadcast_in_dim3A_1652 : vector<16xi32>
        %gather3A_1654 = tpu.vector_load_idx %arg6[%add3A_1653] : memref<24576xi32, #tpu.memory_space<vmem>>[vector<16xi32>], vector<16xi32>,
        %add3A_1655 = arith.addi %mul3A_1236, %broadcast_in_dim3A_1652 : vector<16xi32>
        %gather3A_1656 = tpu.vector_load_idx %arg6[%add3A_1655] : memref<24576xi32, #tpu.memory_space<vmem>>[vector<16xi32>], vector<16xi32>,
        %add3A_1657 = arith.addi %mul3A_1243, %broadcast_in_dim3A_1652 : vector<16xi32>
        %gather3A_1658 = tpu.vector_load_idx %arg6[%add3A_1657] : memref<24576xi32, #tpu.memory_space<vmem>>[vector<16xi32>], vector<16xi32>,
        %bitcast3A = vector.bitcast %gather3A_1654 : vector<16xi32> to vector<32xbf16>
        %bitcast3A_1659 = vector.bitcast %gather3A_1656 : vector<16xi32> to vector<32xbf16>
        %add3A_1660 = arith.addf %bitcast3A, %bitcast3A_1659 : vector<32xbf16>
        %bitcast3A_1661 = vector.bitcast %gather3A_1658 : vector<16xi32> to vector<32xbf16>
        %add3A_1662 = arith.addf %add3A_1660, %bitcast3A_1661 : vector<32xbf16>
        %bitcast3A_1663 = vector.bitcast %add3A_1662 : vector<32xbf16> to vector<16xi32>
        %shift_left3A = arith.constant 16 : i32
        %shift_left3A_1664 = vector.broadcast %shift_left3A : i32 to vector<16xi32>
        %shift_left3A_1665 = arith.shli %bitcast3A_1663, %shift_left3A_1664 : vector<16xi32>
        %bitcast3A_1666 = vector.bitcast %shift_left3A_1665 : vector<16xi32> to vector<16xf32>
        %and3A_1667 = arith.andi %bitcast3A_1663, %broadcast_in_dim3A_43 : vector<16xi32>
        %bitcast3A_1668 = vector.bitcast %and3A_1667 : vector<16xi32> to vector<16xf32>
        %add3A_1669 = arith.addi %scan3A_1650, %scan3A_1650 : i32
        %swap3A = arith.index_cast %add3A_1669 : i32 to index
        %swap3A_1670 = arith.constant 112 : index
        %swap3A_1671 = tpu.vector_load %arg9[%swap3A, %swap3A_1670] {strides = array<i32>} : memref<32x257xf32, #tpu.memory_space<vmem>>, vector<16xf32>,
        tpu.vector_store %arg9[%swap3A, %swap3A_1670], %bitcast3A_1666 {strides = array<i32>} : memref<32x257xf32, #tpu.memory_space<vmem>>, vector<16xf32>,
        %add3A_1672 = arith.constant 1 : i32
        %add3A_1673 = arith.addi %add3A_1669, %add3A_1672 : i32
        %swap3A_1674 = arith.index_cast %add3A_1673 : i32 to index
        %swap3A_1675 = arith.constant 112 : index
        %swap3A_1676 = tpu.vector_load %arg9[%swap3A_1674, %swap3A_1675] {strides = array<i32>} : memref<32x257xf32, #tpu.memory_space<vmem>>, vector<16xf32>,
        tpu.vector_store %arg9[%swap3A_1674, %swap3A_1675], %bitcast3A_1668 {strides = array<i32>} : memref<32x257xf32, #tpu.memory_space<vmem>>, vector<16xf32>,
        %scan3A_1677 = arith.constant 0 : i32
        scf.yield %scan3A_1677 : i32
      }
      %scan3A_1250 = arith.constant 16 : i32
      %add3A_1251 = arith.constant 128 : i32
      %add3A_1252 = vector.broadcast %add3A_1251 : i32 to vector<16xi32>
      %add3A_1253 = arith.addi %add3A_1252, %iota3A : vector<16xi32>
      %sub3A_1254 = arith.constant 1 : i32
      %sub3A_1255 = vector.broadcast %sub3A_1254 : i32 to vector<16xi32>
      %sub3A_1256 = arith.subi %add3A_1253, %sub3A_1255 : vector<16xi32>
      %jit3A_1257 = arith.constant 0 : i32
      %jit3A_1258 = arith.constant 255 : i32
      %max3A_1259 = vector.broadcast %jit3A_1257 : i32 to vector<16xi32>
      %max3A_1260 = arith.maxsi %max3A_1259, %sub3A_1256 : vector<16xi32>
      %min3A_1261 = vector.broadcast %jit3A_1258 : i32 to vector<16xi32>
      %min3A_1262 = arith.minsi %min3A_1261, %max3A_1260 : vector<16xi32>
      %mul3A_1263 = arith.constant 3 : i32
      %mul3A_1264 = vector.broadcast %mul3A_1263 : i32 to vector<16xi32>
      %mul3A_1265 = arith.muli %min3A_1262, %mul3A_1264 : vector<16xi32>
      %add3A_1266 = arith.constant 768 : i32
      %add3A_1267 = vector.broadcast %add3A_1266 : i32 to vector<16xi32>
      %add3A_1268 = arith.addi %add3A_1267, %mul3A_1265 : vector<16xi32>
      %gather3A_1269 = tpu.vector_load_idx %arg7[%add3A_1268] : memref<1536xi32, #tpu.memory_space<vmem>>[vector<16xi32>], vector<16xi32>,
      %mul3A_1270 = arith.constant 16 : i32
      %mul3A_1271 = vector.broadcast %mul3A_1270 : i32 to vector<16xi32>
      %mul3A_1272 = arith.muli %gather3A_1269, %mul3A_1271 : vector<16xi32>
      %add3A_1273 = arith.constant 1 : i32
      %add3A_1274 = vector.broadcast %add3A_1273 : i32 to vector<16xi32>
      %add3A_1275 = arith.addi %add3A_1268, %add3A_1274 : vector<16xi32>
      %gather3A_1276 = tpu.vector_load_idx %arg7[%add3A_1275] : memref<1536xi32, #tpu.memory_space<vmem>>[vector<16xi32>], vector<16xi32>,
      %mul3A_1277 = arith.constant 16 : i32
      %mul3A_1278 = vector.broadcast %mul3A_1277 : i32 to vector<16xi32>
      %mul3A_1279 = arith.muli %gather3A_1276, %mul3A_1278 : vector<16xi32>
      %add3A_1280 = arith.constant 2 : i32
      %add3A_1281 = vector.broadcast %add3A_1280 : i32 to vector<16xi32>
      %add3A_1282 = arith.addi %add3A_1268, %add3A_1281 : vector<16xi32>
      %gather3A_1283 = tpu.vector_load_idx %arg7[%add3A_1282] : memref<1536xi32, #tpu.memory_space<vmem>>[vector<16xi32>], vector<16xi32>,
      %mul3A_1284 = arith.constant 16 : i32
      %mul3A_1285 = vector.broadcast %mul3A_1284 : i32 to vector<16xi32>
      %mul3A_1286 = arith.muli %gather3A_1283, %mul3A_1285 : vector<16xi32>
      %scan3A_1287 = arith.constant 0 : i32
      %scan3A_1288 = arith.constant 0 : i32
      %scan3A_1289 = arith.constant 16 : i32
      %scan3A_1290 = arith.addi %scan3A_1288, %scan3A_1289 : i32
      %scan3A_1291 = arith.constant 1 : i32
      %scan3A_1292 = scf.for %scan3A_1650 = %scan3A_1288 to %scan3A_1290 step %scan3A_1291 iter_args(%scan3A_1651 = %scan3A_1287) -> (i32)  : i32 {
        %broadcast_in_dim3A_1652 = vector.broadcast %scan3A_1650 : i32 to vector<16xi32>
        %add3A_1653 = arith.addi %mul3A_1272, %broadcast_in_dim3A_1652 : vector<16xi32>
        %gather3A_1654 = tpu.vector_load_idx %arg6[%add3A_1653] : memref<24576xi32, #tpu.memory_space<vmem>>[vector<16xi32>], vector<16xi32>,
        %add3A_1655 = arith.addi %mul3A_1279, %broadcast_in_dim3A_1652 : vector<16xi32>
        %gather3A_1656 = tpu.vector_load_idx %arg6[%add3A_1655] : memref<24576xi32, #tpu.memory_space<vmem>>[vector<16xi32>], vector<16xi32>,
        %add3A_1657 = arith.addi %mul3A_1286, %broadcast_in_dim3A_1652 : vector<16xi32>
        %gather3A_1658 = tpu.vector_load_idx %arg6[%add3A_1657] : memref<24576xi32, #tpu.memory_space<vmem>>[vector<16xi32>], vector<16xi32>,
        %bitcast3A = vector.bitcast %gather3A_1654 : vector<16xi32> to vector<32xbf16>
        %bitcast3A_1659 = vector.bitcast %gather3A_1656 : vector<16xi32> to vector<32xbf16>
        %add3A_1660 = arith.addf %bitcast3A, %bitcast3A_1659 : vector<32xbf16>
        %bitcast3A_1661 = vector.bitcast %gather3A_1658 : vector<16xi32> to vector<32xbf16>
        %add3A_1662 = arith.addf %add3A_1660, %bitcast3A_1661 : vector<32xbf16>
        %bitcast3A_1663 = vector.bitcast %add3A_1662 : vector<32xbf16> to vector<16xi32>
        %shift_left3A = arith.constant 16 : i32
        %shift_left3A_1664 = vector.broadcast %shift_left3A : i32 to vector<16xi32>
        %shift_left3A_1665 = arith.shli %bitcast3A_1663, %shift_left3A_1664 : vector<16xi32>
        %bitcast3A_1666 = vector.bitcast %shift_left3A_1665 : vector<16xi32> to vector<16xf32>
        %and3A_1667 = arith.andi %bitcast3A_1663, %broadcast_in_dim3A_43 : vector<16xi32>
        %bitcast3A_1668 = vector.bitcast %and3A_1667 : vector<16xi32> to vector<16xf32>
        %add3A_1669 = arith.addi %scan3A_1650, %scan3A_1650 : i32
        %swap3A = arith.index_cast %add3A_1669 : i32 to index
        %swap3A_1670 = arith.constant 128 : index
        %swap3A_1671 = tpu.vector_load %arg9[%swap3A, %swap3A_1670] {strides = array<i32>} : memref<32x257xf32, #tpu.memory_space<vmem>>, vector<16xf32>,
        tpu.vector_store %arg9[%swap3A, %swap3A_1670], %bitcast3A_1666 {strides = array<i32>} : memref<32x257xf32, #tpu.memory_space<vmem>>, vector<16xf32>,
        %add3A_1672 = arith.constant 1 : i32
        %add3A_1673 = arith.addi %add3A_1669, %add3A_1672 : i32
        %swap3A_1674 = arith.index_cast %add3A_1673 : i32 to index
        %swap3A_1675 = arith.constant 128 : index
        %swap3A_1676 = tpu.vector_load %arg9[%swap3A_1674, %swap3A_1675] {strides = array<i32>} : memref<32x257xf32, #tpu.memory_space<vmem>>, vector<16xf32>,
        tpu.vector_store %arg9[%swap3A_1674, %swap3A_1675], %bitcast3A_1668 {strides = array<i32>} : memref<32x257xf32, #tpu.memory_space<vmem>>, vector<16xf32>,
        %scan3A_1677 = arith.constant 0 : i32
        scf.yield %scan3A_1677 : i32
      }
      %scan3A_1293 = arith.constant 16 : i32
      %add3A_1294 = arith.constant 144 : i32
      %add3A_1295 = vector.broadcast %add3A_1294 : i32 to vector<16xi32>
      %add3A_1296 = arith.addi %add3A_1295, %iota3A : vector<16xi32>
      %sub3A_1297 = arith.constant 1 : i32
      %sub3A_1298 = vector.broadcast %sub3A_1297 : i32 to vector<16xi32>
      %sub3A_1299 = arith.subi %add3A_1296, %sub3A_1298 : vector<16xi32>
      %jit3A_1300 = arith.constant 0 : i32
      %jit3A_1301 = arith.constant 255 : i32
      %max3A_1302 = vector.broadcast %jit3A_1300 : i32 to vector<16xi32>
      %max3A_1303 = arith.maxsi %max3A_1302, %sub3A_1299 : vector<16xi32>
      %min3A_1304 = vector.broadcast %jit3A_1301 : i32 to vector<16xi32>
      %min3A_1305 = arith.minsi %min3A_1304, %max3A_1303 : vector<16xi32>
      %mul3A_1306 = arith.constant 3 : i32
      %mul3A_1307 = vector.broadcast %mul3A_1306 : i32 to vector<16xi32>
      %mul3A_1308 = arith.muli %min3A_1305, %mul3A_1307 : vector<16xi32>
      %add3A_1309 = arith.constant 768 : i32
      %add3A_1310 = vector.broadcast %add3A_1309 : i32 to vector<16xi32>
      %add3A_1311 = arith.addi %add3A_1310, %mul3A_1308 : vector<16xi32>
      %gather3A_1312 = tpu.vector_load_idx %arg7[%add3A_1311] : memref<1536xi32, #tpu.memory_space<vmem>>[vector<16xi32>], vector<16xi32>,
      %mul3A_1313 = arith.constant 16 : i32
      %mul3A_1314 = vector.broadcast %mul3A_1313 : i32 to vector<16xi32>
      %mul3A_1315 = arith.muli %gather3A_1312, %mul3A_1314 : vector<16xi32>
      %add3A_1316 = arith.constant 1 : i32
      %add3A_1317 = vector.broadcast %add3A_1316 : i32 to vector<16xi32>
      %add3A_1318 = arith.addi %add3A_1311, %add3A_1317 : vector<16xi32>
      %gather3A_1319 = tpu.vector_load_idx %arg7[%add3A_1318] : memref<1536xi32, #tpu.memory_space<vmem>>[vector<16xi32>], vector<16xi32>,
      %mul3A_1320 = arith.constant 16 : i32
      %mul3A_1321 = vector.broadcast %mul3A_1320 : i32 to vector<16xi32>
      %mul3A_1322 = arith.muli %gather3A_1319, %mul3A_1321 : vector<16xi32>
      %add3A_1323 = arith.constant 2 : i32
      %add3A_1324 = vector.broadcast %add3A_1323 : i32 to vector<16xi32>
      %add3A_1325 = arith.addi %add3A_1311, %add3A_1324 : vector<16xi32>
      %gather3A_1326 = tpu.vector_load_idx %arg7[%add3A_1325] : memref<1536xi32, #tpu.memory_space<vmem>>[vector<16xi32>], vector<16xi32>,
      %mul3A_1327 = arith.constant 16 : i32
      %mul3A_1328 = vector.broadcast %mul3A_1327 : i32 to vector<16xi32>
      %mul3A_1329 = arith.muli %gather3A_1326, %mul3A_1328 : vector<16xi32>
      %scan3A_1330 = arith.constant 0 : i32
      %scan3A_1331 = arith.constant 0 : i32
      %scan3A_1332 = arith.constant 16 : i32
      %scan3A_1333 = arith.addi %scan3A_1331, %scan3A_1332 : i32
      %scan3A_1334 = arith.constant 1 : i32
      %scan3A_1335 = scf.for %scan3A_1650 = %scan3A_1331 to %scan3A_1333 step %scan3A_1334 iter_args(%scan3A_1651 = %scan3A_1330) -> (i32)  : i32 {
        %broadcast_in_dim3A_1652 = vector.broadcast %scan3A_1650 : i32 to vector<16xi32>
        %add3A_1653 = arith.addi %mul3A_1315, %broadcast_in_dim3A_1652 : vector<16xi32>
        %gather3A_1654 = tpu.vector_load_idx %arg6[%add3A_1653] : memref<24576xi32, #tpu.memory_space<vmem>>[vector<16xi32>], vector<16xi32>,
        %add3A_1655 = arith.addi %mul3A_1322, %broadcast_in_dim3A_1652 : vector<16xi32>
        %gather3A_1656 = tpu.vector_load_idx %arg6[%add3A_1655] : memref<24576xi32, #tpu.memory_space<vmem>>[vector<16xi32>], vector<16xi32>,
        %add3A_1657 = arith.addi %mul3A_1329, %broadcast_in_dim3A_1652 : vector<16xi32>
        %gather3A_1658 = tpu.vector_load_idx %arg6[%add3A_1657] : memref<24576xi32, #tpu.memory_space<vmem>>[vector<16xi32>], vector<16xi32>,
        %bitcast3A = vector.bitcast %gather3A_1654 : vector<16xi32> to vector<32xbf16>
        %bitcast3A_1659 = vector.bitcast %gather3A_1656 : vector<16xi32> to vector<32xbf16>
        %add3A_1660 = arith.addf %bitcast3A, %bitcast3A_1659 : vector<32xbf16>
        %bitcast3A_1661 = vector.bitcast %gather3A_1658 : vector<16xi32> to vector<32xbf16>
        %add3A_1662 = arith.addf %add3A_1660, %bitcast3A_1661 : vector<32xbf16>
        %bitcast3A_1663 = vector.bitcast %add3A_1662 : vector<32xbf16> to vector<16xi32>
        %shift_left3A = arith.constant 16 : i32
        %shift_left3A_1664 = vector.broadcast %shift_left3A : i32 to vector<16xi32>
        %shift_left3A_1665 = arith.shli %bitcast3A_1663, %shift_left3A_1664 : vector<16xi32>
        %bitcast3A_1666 = vector.bitcast %shift_left3A_1665 : vector<16xi32> to vector<16xf32>
        %and3A_1667 = arith.andi %bitcast3A_1663, %broadcast_in_dim3A_43 : vector<16xi32>
        %bitcast3A_1668 = vector.bitcast %and3A_1667 : vector<16xi32> to vector<16xf32>
        %add3A_1669 = arith.addi %scan3A_1650, %scan3A_1650 : i32
        %swap3A = arith.index_cast %add3A_1669 : i32 to index
        %swap3A_1670 = arith.constant 144 : index
        %swap3A_1671 = tpu.vector_load %arg9[%swap3A, %swap3A_1670] {strides = array<i32>} : memref<32x257xf32, #tpu.memory_space<vmem>>, vector<16xf32>,
        tpu.vector_store %arg9[%swap3A, %swap3A_1670], %bitcast3A_1666 {strides = array<i32>} : memref<32x257xf32, #tpu.memory_space<vmem>>, vector<16xf32>,
        %add3A_1672 = arith.constant 1 : i32
        %add3A_1673 = arith.addi %add3A_1669, %add3A_1672 : i32
        %swap3A_1674 = arith.index_cast %add3A_1673 : i32 to index
        %swap3A_1675 = arith.constant 144 : index
        %swap3A_1676 = tpu.vector_load %arg9[%swap3A_1674, %swap3A_1675] {strides = array<i32>} : memref<32x257xf32, #tpu.memory_space<vmem>>, vector<16xf32>,
        tpu.vector_store %arg9[%swap3A_1674, %swap3A_1675], %bitcast3A_1668 {strides = array<i32>} : memref<32x257xf32, #tpu.memory_space<vmem>>, vector<16xf32>,
        %scan3A_1677 = arith.constant 0 : i32
        scf.yield %scan3A_1677 : i32
      }
      %scan3A_1336 = arith.constant 16 : i32
      %add3A_1337 = arith.constant 160 : i32
      %add3A_1338 = vector.broadcast %add3A_1337 : i32 to vector<16xi32>
      %add3A_1339 = arith.addi %add3A_1338, %iota3A : vector<16xi32>
      %sub3A_1340 = arith.constant 1 : i32
      %sub3A_1341 = vector.broadcast %sub3A_1340 : i32 to vector<16xi32>
      %sub3A_1342 = arith.subi %add3A_1339, %sub3A_1341 : vector<16xi32>
      %jit3A_1343 = arith.constant 0 : i32
      %jit3A_1344 = arith.constant 255 : i32
      %max3A_1345 = vector.broadcast %jit3A_1343 : i32 to vector<16xi32>
      %max3A_1346 = arith.maxsi %max3A_1345, %sub3A_1342 : vector<16xi32>
      %min3A_1347 = vector.broadcast %jit3A_1344 : i32 to vector<16xi32>
      %min3A_1348 = arith.minsi %min3A_1347, %max3A_1346 : vector<16xi32>
      %mul3A_1349 = arith.constant 3 : i32
      %mul3A_1350 = vector.broadcast %mul3A_1349 : i32 to vector<16xi32>
      %mul3A_1351 = arith.muli %min3A_1348, %mul3A_1350 : vector<16xi32>
      %add3A_1352 = arith.constant 768 : i32
      %add3A_1353 = vector.broadcast %add3A_1352 : i32 to vector<16xi32>
      %add3A_1354 = arith.addi %add3A_1353, %mul3A_1351 : vector<16xi32>
      %gather3A_1355 = tpu.vector_load_idx %arg7[%add3A_1354] : memref<1536xi32, #tpu.memory_space<vmem>>[vector<16xi32>], vector<16xi32>,
      %mul3A_1356 = arith.constant 16 : i32
      %mul3A_1357 = vector.broadcast %mul3A_1356 : i32 to vector<16xi32>
      %mul3A_1358 = arith.muli %gather3A_1355, %mul3A_1357 : vector<16xi32>
      %add3A_1359 = arith.constant 1 : i32
      %add3A_1360 = vector.broadcast %add3A_1359 : i32 to vector<16xi32>
      %add3A_1361 = arith.addi %add3A_1354, %add3A_1360 : vector<16xi32>
      %gather3A_1362 = tpu.vector_load_idx %arg7[%add3A_1361] : memref<1536xi32, #tpu.memory_space<vmem>>[vector<16xi32>], vector<16xi32>,
      %mul3A_1363 = arith.constant 16 : i32
      %mul3A_1364 = vector.broadcast %mul3A_1363 : i32 to vector<16xi32>
      %mul3A_1365 = arith.muli %gather3A_1362, %mul3A_1364 : vector<16xi32>
      %add3A_1366 = arith.constant 2 : i32
      %add3A_1367 = vector.broadcast %add3A_1366 : i32 to vector<16xi32>
      %add3A_1368 = arith.addi %add3A_1354, %add3A_1367 : vector<16xi32>
      %gather3A_1369 = tpu.vector_load_idx %arg7[%add3A_1368] : memref<1536xi32, #tpu.memory_space<vmem>>[vector<16xi32>], vector<16xi32>,
      %mul3A_1370 = arith.constant 16 : i32
      %mul3A_1371 = vector.broadcast %mul3A_1370 : i32 to vector<16xi32>
      %mul3A_1372 = arith.muli %gather3A_1369, %mul3A_1371 : vector<16xi32>
      %scan3A_1373 = arith.constant 0 : i32
      %scan3A_1374 = arith.constant 0 : i32
      %scan3A_1375 = arith.constant 16 : i32
      %scan3A_1376 = arith.addi %scan3A_1374, %scan3A_1375 : i32
      %scan3A_1377 = arith.constant 1 : i32
      %scan3A_1378 = scf.for %scan3A_1650 = %scan3A_1374 to %scan3A_1376 step %scan3A_1377 iter_args(%scan3A_1651 = %scan3A_1373) -> (i32)  : i32 {
        %broadcast_in_dim3A_1652 = vector.broadcast %scan3A_1650 : i32 to vector<16xi32>
        %add3A_1653 = arith.addi %mul3A_1358, %broadcast_in_dim3A_1652 : vector<16xi32>
        %gather3A_1654 = tpu.vector_load_idx %arg6[%add3A_1653] : memref<24576xi32, #tpu.memory_space<vmem>>[vector<16xi32>], vector<16xi32>,
        %add3A_1655 = arith.addi %mul3A_1365, %broadcast_in_dim3A_1652 : vector<16xi32>
        %gather3A_1656 = tpu.vector_load_idx %arg6[%add3A_1655] : memref<24576xi32, #tpu.memory_space<vmem>>[vector<16xi32>], vector<16xi32>,
        %add3A_1657 = arith.addi %mul3A_1372, %broadcast_in_dim3A_1652 : vector<16xi32>
        %gather3A_1658 = tpu.vector_load_idx %arg6[%add3A_1657] : memref<24576xi32, #tpu.memory_space<vmem>>[vector<16xi32>], vector<16xi32>,
        %bitcast3A = vector.bitcast %gather3A_1654 : vector<16xi32> to vector<32xbf16>
        %bitcast3A_1659 = vector.bitcast %gather3A_1656 : vector<16xi32> to vector<32xbf16>
        %add3A_1660 = arith.addf %bitcast3A, %bitcast3A_1659 : vector<32xbf16>
        %bitcast3A_1661 = vector.bitcast %gather3A_1658 : vector<16xi32> to vector<32xbf16>
        %add3A_1662 = arith.addf %add3A_1660, %bitcast3A_1661 : vector<32xbf16>
        %bitcast3A_1663 = vector.bitcast %add3A_1662 : vector<32xbf16> to vector<16xi32>
        %shift_left3A = arith.constant 16 : i32
        %shift_left3A_1664 = vector.broadcast %shift_left3A : i32 to vector<16xi32>
        %shift_left3A_1665 = arith.shli %bitcast3A_1663, %shift_left3A_1664 : vector<16xi32>
        %bitcast3A_1666 = vector.bitcast %shift_left3A_1665 : vector<16xi32> to vector<16xf32>
        %and3A_1667 = arith.andi %bitcast3A_1663, %broadcast_in_dim3A_43 : vector<16xi32>
        %bitcast3A_1668 = vector.bitcast %and3A_1667 : vector<16xi32> to vector<16xf32>
        %add3A_1669 = arith.addi %scan3A_1650, %scan3A_1650 : i32
        %swap3A = arith.index_cast %add3A_1669 : i32 to index
        %swap3A_1670 = arith.constant 160 : index
        %swap3A_1671 = tpu.vector_load %arg9[%swap3A, %swap3A_1670] {strides = array<i32>} : memref<32x257xf32, #tpu.memory_space<vmem>>, vector<16xf32>,
        tpu.vector_store %arg9[%swap3A, %swap3A_1670], %bitcast3A_1666 {strides = array<i32>} : memref<32x257xf32, #tpu.memory_space<vmem>>, vector<16xf32>,
        %add3A_1672 = arith.constant 1 : i32
        %add3A_1673 = arith.addi %add3A_1669, %add3A_1672 : i32
        %swap3A_1674 = arith.index_cast %add3A_1673 : i32 to index
        %swap3A_1675 = arith.constant 160 : index
        %swap3A_1676 = tpu.vector_load %arg9[%swap3A_1674, %swap3A_1675] {strides = array<i32>} : memref<32x257xf32, #tpu.memory_space<vmem>>, vector<16xf32>,
        tpu.vector_store %arg9[%swap3A_1674, %swap3A_1675], %bitcast3A_1668 {strides = array<i32>} : memref<32x257xf32, #tpu.memory_space<vmem>>, vector<16xf32>,
        %scan3A_1677 = arith.constant 0 : i32
        scf.yield %scan3A_1677 : i32
      }
      %scan3A_1379 = arith.constant 16 : i32
      %add3A_1380 = arith.constant 176 : i32
      %add3A_1381 = vector.broadcast %add3A_1380 : i32 to vector<16xi32>
      %add3A_1382 = arith.addi %add3A_1381, %iota3A : vector<16xi32>
      %sub3A_1383 = arith.constant 1 : i32
      %sub3A_1384 = vector.broadcast %sub3A_1383 : i32 to vector<16xi32>
      %sub3A_1385 = arith.subi %add3A_1382, %sub3A_1384 : vector<16xi32>
      %jit3A_1386 = arith.constant 0 : i32
      %jit3A_1387 = arith.constant 255 : i32
      %max3A_1388 = vector.broadcast %jit3A_1386 : i32 to vector<16xi32>
      %max3A_1389 = arith.maxsi %max3A_1388, %sub3A_1385 : vector<16xi32>
      %min3A_1390 = vector.broadcast %jit3A_1387 : i32 to vector<16xi32>
      %min3A_1391 = arith.minsi %min3A_1390, %max3A_1389 : vector<16xi32>
      %mul3A_1392 = arith.constant 3 : i32
      %mul3A_1393 = vector.broadcast %mul3A_1392 : i32 to vector<16xi32>
      %mul3A_1394 = arith.muli %min3A_1391, %mul3A_1393 : vector<16xi32>
      %add3A_1395 = arith.constant 768 : i32
      %add3A_1396 = vector.broadcast %add3A_1395 : i32 to vector<16xi32>
      %add3A_1397 = arith.addi %add3A_1396, %mul3A_1394 : vector<16xi32>
      %gather3A_1398 = tpu.vector_load_idx %arg7[%add3A_1397] : memref<1536xi32, #tpu.memory_space<vmem>>[vector<16xi32>], vector<16xi32>,
      %mul3A_1399 = arith.constant 16 : i32
      %mul3A_1400 = vector.broadcast %mul3A_1399 : i32 to vector<16xi32>
      %mul3A_1401 = arith.muli %gather3A_1398, %mul3A_1400 : vector<16xi32>
      %add3A_1402 = arith.constant 1 : i32
      %add3A_1403 = vector.broadcast %add3A_1402 : i32 to vector<16xi32>
      %add3A_1404 = arith.addi %add3A_1397, %add3A_1403 : vector<16xi32>
      %gather3A_1405 = tpu.vector_load_idx %arg7[%add3A_1404] : memref<1536xi32, #tpu.memory_space<vmem>>[vector<16xi32>], vector<16xi32>,
      %mul3A_1406 = arith.constant 16 : i32
      %mul3A_1407 = vector.broadcast %mul3A_1406 : i32 to vector<16xi32>
      %mul3A_1408 = arith.muli %gather3A_1405, %mul3A_1407 : vector<16xi32>
      %add3A_1409 = arith.constant 2 : i32
      %add3A_1410 = vector.broadcast %add3A_1409 : i32 to vector<16xi32>
      %add3A_1411 = arith.addi %add3A_1397, %add3A_1410 : vector<16xi32>
      %gather3A_1412 = tpu.vector_load_idx %arg7[%add3A_1411] : memref<1536xi32, #tpu.memory_space<vmem>>[vector<16xi32>], vector<16xi32>,
      %mul3A_1413 = arith.constant 16 : i32
      %mul3A_1414 = vector.broadcast %mul3A_1413 : i32 to vector<16xi32>
      %mul3A_1415 = arith.muli %gather3A_1412, %mul3A_1414 : vector<16xi32>
      %scan3A_1416 = arith.constant 0 : i32
      %scan3A_1417 = arith.constant 0 : i32
      %scan3A_1418 = arith.constant 16 : i32
      %scan3A_1419 = arith.addi %scan3A_1417, %scan3A_1418 : i32
      %scan3A_1420 = arith.constant 1 : i32
      %scan3A_1421 = scf.for %scan3A_1650 = %scan3A_1417 to %scan3A_1419 step %scan3A_1420 iter_args(%scan3A_1651 = %scan3A_1416) -> (i32)  : i32 {
        %broadcast_in_dim3A_1652 = vector.broadcast %scan3A_1650 : i32 to vector<16xi32>
        %add3A_1653 = arith.addi %mul3A_1401, %broadcast_in_dim3A_1652 : vector<16xi32>
        %gather3A_1654 = tpu.vector_load_idx %arg6[%add3A_1653] : memref<24576xi32, #tpu.memory_space<vmem>>[vector<16xi32>], vector<16xi32>,
        %add3A_1655 = arith.addi %mul3A_1408, %broadcast_in_dim3A_1652 : vector<16xi32>
        %gather3A_1656 = tpu.vector_load_idx %arg6[%add3A_1655] : memref<24576xi32, #tpu.memory_space<vmem>>[vector<16xi32>], vector<16xi32>,
        %add3A_1657 = arith.addi %mul3A_1415, %broadcast_in_dim3A_1652 : vector<16xi32>
        %gather3A_1658 = tpu.vector_load_idx %arg6[%add3A_1657] : memref<24576xi32, #tpu.memory_space<vmem>>[vector<16xi32>], vector<16xi32>,
        %bitcast3A = vector.bitcast %gather3A_1654 : vector<16xi32> to vector<32xbf16>
        %bitcast3A_1659 = vector.bitcast %gather3A_1656 : vector<16xi32> to vector<32xbf16>
        %add3A_1660 = arith.addf %bitcast3A, %bitcast3A_1659 : vector<32xbf16>
        %bitcast3A_1661 = vector.bitcast %gather3A_1658 : vector<16xi32> to vector<32xbf16>
        %add3A_1662 = arith.addf %add3A_1660, %bitcast3A_1661 : vector<32xbf16>
        %bitcast3A_1663 = vector.bitcast %add3A_1662 : vector<32xbf16> to vector<16xi32>
        %shift_left3A = arith.constant 16 : i32
        %shift_left3A_1664 = vector.broadcast %shift_left3A : i32 to vector<16xi32>
        %shift_left3A_1665 = arith.shli %bitcast3A_1663, %shift_left3A_1664 : vector<16xi32>
        %bitcast3A_1666 = vector.bitcast %shift_left3A_1665 : vector<16xi32> to vector<16xf32>
        %and3A_1667 = arith.andi %bitcast3A_1663, %broadcast_in_dim3A_43 : vector<16xi32>
        %bitcast3A_1668 = vector.bitcast %and3A_1667 : vector<16xi32> to vector<16xf32>
        %add3A_1669 = arith.addi %scan3A_1650, %scan3A_1650 : i32
        %swap3A = arith.index_cast %add3A_1669 : i32 to index
        %swap3A_1670 = arith.constant 176 : index
        %swap3A_1671 = tpu.vector_load %arg9[%swap3A, %swap3A_1670] {strides = array<i32>} : memref<32x257xf32, #tpu.memory_space<vmem>>, vector<16xf32>,
        tpu.vector_store %arg9[%swap3A, %swap3A_1670], %bitcast3A_1666 {strides = array<i32>} : memref<32x257xf32, #tpu.memory_space<vmem>>, vector<16xf32>,
        %add3A_1672 = arith.constant 1 : i32
        %add3A_1673 = arith.addi %add3A_1669, %add3A_1672 : i32
        %swap3A_1674 = arith.index_cast %add3A_1673 : i32 to index
        %swap3A_1675 = arith.constant 176 : index
        %swap3A_1676 = tpu.vector_load %arg9[%swap3A_1674, %swap3A_1675] {strides = array<i32>} : memref<32x257xf32, #tpu.memory_space<vmem>>, vector<16xf32>,
        tpu.vector_store %arg9[%swap3A_1674, %swap3A_1675], %bitcast3A_1668 {strides = array<i32>} : memref<32x257xf32, #tpu.memory_space<vmem>>, vector<16xf32>,
        %scan3A_1677 = arith.constant 0 : i32
        scf.yield %scan3A_1677 : i32
      }
      %scan3A_1422 = arith.constant 16 : i32
      %add3A_1423 = arith.constant 192 : i32
      %add3A_1424 = vector.broadcast %add3A_1423 : i32 to vector<16xi32>
      %add3A_1425 = arith.addi %add3A_1424, %iota3A : vector<16xi32>
      %sub3A_1426 = arith.constant 1 : i32
      %sub3A_1427 = vector.broadcast %sub3A_1426 : i32 to vector<16xi32>
      %sub3A_1428 = arith.subi %add3A_1425, %sub3A_1427 : vector<16xi32>
      %jit3A_1429 = arith.constant 0 : i32
      %jit3A_1430 = arith.constant 255 : i32
      %max3A_1431 = vector.broadcast %jit3A_1429 : i32 to vector<16xi32>
      %max3A_1432 = arith.maxsi %max3A_1431, %sub3A_1428 : vector<16xi32>
      %min3A_1433 = vector.broadcast %jit3A_1430 : i32 to vector<16xi32>
      %min3A_1434 = arith.minsi %min3A_1433, %max3A_1432 : vector<16xi32>
      %mul3A_1435 = arith.constant 3 : i32
      %mul3A_1436 = vector.broadcast %mul3A_1435 : i32 to vector<16xi32>
      %mul3A_1437 = arith.muli %min3A_1434, %mul3A_1436 : vector<16xi32>
      %add3A_1438 = arith.constant 768 : i32
      %add3A_1439 = vector.broadcast %add3A_1438 : i32 to vector<16xi32>
      %add3A_1440 = arith.addi %add3A_1439, %mul3A_1437 : vector<16xi32>
      %gather3A_1441 = tpu.vector_load_idx %arg7[%add3A_1440] : memref<1536xi32, #tpu.memory_space<vmem>>[vector<16xi32>], vector<16xi32>,
      %mul3A_1442 = arith.constant 16 : i32
      %mul3A_1443 = vector.broadcast %mul3A_1442 : i32 to vector<16xi32>
      %mul3A_1444 = arith.muli %gather3A_1441, %mul3A_1443 : vector<16xi32>
      %add3A_1445 = arith.constant 1 : i32
      %add3A_1446 = vector.broadcast %add3A_1445 : i32 to vector<16xi32>
      %add3A_1447 = arith.addi %add3A_1440, %add3A_1446 : vector<16xi32>
      %gather3A_1448 = tpu.vector_load_idx %arg7[%add3A_1447] : memref<1536xi32, #tpu.memory_space<vmem>>[vector<16xi32>], vector<16xi32>,
      %mul3A_1449 = arith.constant 16 : i32
      %mul3A_1450 = vector.broadcast %mul3A_1449 : i32 to vector<16xi32>
      %mul3A_1451 = arith.muli %gather3A_1448, %mul3A_1450 : vector<16xi32>
      %add3A_1452 = arith.constant 2 : i32
      %add3A_1453 = vector.broadcast %add3A_1452 : i32 to vector<16xi32>
      %add3A_1454 = arith.addi %add3A_1440, %add3A_1453 : vector<16xi32>
      %gather3A_1455 = tpu.vector_load_idx %arg7[%add3A_1454] : memref<1536xi32, #tpu.memory_space<vmem>>[vector<16xi32>], vector<16xi32>,
      %mul3A_1456 = arith.constant 16 : i32
      %mul3A_1457 = vector.broadcast %mul3A_1456 : i32 to vector<16xi32>
      %mul3A_1458 = arith.muli %gather3A_1455, %mul3A_1457 : vector<16xi32>
      %scan3A_1459 = arith.constant 0 : i32
      %scan3A_1460 = arith.constant 0 : i32
      %scan3A_1461 = arith.constant 16 : i32
      %scan3A_1462 = arith.addi %scan3A_1460, %scan3A_1461 : i32
      %scan3A_1463 = arith.constant 1 : i32
      %scan3A_1464 = scf.for %scan3A_1650 = %scan3A_1460 to %scan3A_1462 step %scan3A_1463 iter_args(%scan3A_1651 = %scan3A_1459) -> (i32)  : i32 {
        %broadcast_in_dim3A_1652 = vector.broadcast %scan3A_1650 : i32 to vector<16xi32>
        %add3A_1653 = arith.addi %mul3A_1444, %broadcast_in_dim3A_1652 : vector<16xi32>
        %gather3A_1654 = tpu.vector_load_idx %arg6[%add3A_1653] : memref<24576xi32, #tpu.memory_space<vmem>>[vector<16xi32>], vector<16xi32>,
        %add3A_1655 = arith.addi %mul3A_1451, %broadcast_in_dim3A_1652 : vector<16xi32>
        %gather3A_1656 = tpu.vector_load_idx %arg6[%add3A_1655] : memref<24576xi32, #tpu.memory_space<vmem>>[vector<16xi32>], vector<16xi32>,
        %add3A_1657 = arith.addi %mul3A_1458, %broadcast_in_dim3A_1652 : vector<16xi32>
        %gather3A_1658 = tpu.vector_load_idx %arg6[%add3A_1657] : memref<24576xi32, #tpu.memory_space<vmem>>[vector<16xi32>], vector<16xi32>,
        %bitcast3A = vector.bitcast %gather3A_1654 : vector<16xi32> to vector<32xbf16>
        %bitcast3A_1659 = vector.bitcast %gather3A_1656 : vector<16xi32> to vector<32xbf16>
        %add3A_1660 = arith.addf %bitcast3A, %bitcast3A_1659 : vector<32xbf16>
        %bitcast3A_1661 = vector.bitcast %gather3A_1658 : vector<16xi32> to vector<32xbf16>
        %add3A_1662 = arith.addf %add3A_1660, %bitcast3A_1661 : vector<32xbf16>
        %bitcast3A_1663 = vector.bitcast %add3A_1662 : vector<32xbf16> to vector<16xi32>
        %shift_left3A = arith.constant 16 : i32
        %shift_left3A_1664 = vector.broadcast %shift_left3A : i32 to vector<16xi32>
        %shift_left3A_1665 = arith.shli %bitcast3A_1663, %shift_left3A_1664 : vector<16xi32>
        %bitcast3A_1666 = vector.bitcast %shift_left3A_1665 : vector<16xi32> to vector<16xf32>
        %and3A_1667 = arith.andi %bitcast3A_1663, %broadcast_in_dim3A_43 : vector<16xi32>
        %bitcast3A_1668 = vector.bitcast %and3A_1667 : vector<16xi32> to vector<16xf32>
        %add3A_1669 = arith.addi %scan3A_1650, %scan3A_1650 : i32
        %swap3A = arith.index_cast %add3A_1669 : i32 to index
        %swap3A_1670 = arith.constant 192 : index
        %swap3A_1671 = tpu.vector_load %arg9[%swap3A, %swap3A_1670] {strides = array<i32>} : memref<32x257xf32, #tpu.memory_space<vmem>>, vector<16xf32>,
        tpu.vector_store %arg9[%swap3A, %swap3A_1670], %bitcast3A_1666 {strides = array<i32>} : memref<32x257xf32, #tpu.memory_space<vmem>>, vector<16xf32>,
        %add3A_1672 = arith.constant 1 : i32
        %add3A_1673 = arith.addi %add3A_1669, %add3A_1672 : i32
        %swap3A_1674 = arith.index_cast %add3A_1673 : i32 to index
        %swap3A_1675 = arith.constant 192 : index
        %swap3A_1676 = tpu.vector_load %arg9[%swap3A_1674, %swap3A_1675] {strides = array<i32>} : memref<32x257xf32, #tpu.memory_space<vmem>>, vector<16xf32>,
        tpu.vector_store %arg9[%swap3A_1674, %swap3A_1675], %bitcast3A_1668 {strides = array<i32>} : memref<32x257xf32, #tpu.memory_space<vmem>>, vector<16xf32>,
        %scan3A_1677 = arith.constant 0 : i32
        scf.yield %scan3A_1677 : i32
      }
      %scan3A_1465 = arith.constant 16 : i32
      %add3A_1466 = arith.constant 208 : i32
      %add3A_1467 = vector.broadcast %add3A_1466 : i32 to vector<16xi32>
      %add3A_1468 = arith.addi %add3A_1467, %iota3A : vector<16xi32>
      %sub3A_1469 = arith.constant 1 : i32
      %sub3A_1470 = vector.broadcast %sub3A_1469 : i32 to vector<16xi32>
      %sub3A_1471 = arith.subi %add3A_1468, %sub3A_1470 : vector<16xi32>
      %jit3A_1472 = arith.constant 0 : i32
      %jit3A_1473 = arith.constant 255 : i32
      %max3A_1474 = vector.broadcast %jit3A_1472 : i32 to vector<16xi32>
      %max3A_1475 = arith.maxsi %max3A_1474, %sub3A_1471 : vector<16xi32>
      %min3A_1476 = vector.broadcast %jit3A_1473 : i32 to vector<16xi32>
      %min3A_1477 = arith.minsi %min3A_1476, %max3A_1475 : vector<16xi32>
      %mul3A_1478 = arith.constant 3 : i32
      %mul3A_1479 = vector.broadcast %mul3A_1478 : i32 to vector<16xi32>
      %mul3A_1480 = arith.muli %min3A_1477, %mul3A_1479 : vector<16xi32>
      %add3A_1481 = arith.constant 768 : i32
      %add3A_1482 = vector.broadcast %add3A_1481 : i32 to vector<16xi32>
      %add3A_1483 = arith.addi %add3A_1482, %mul3A_1480 : vector<16xi32>
      %gather3A_1484 = tpu.vector_load_idx %arg7[%add3A_1483] : memref<1536xi32, #tpu.memory_space<vmem>>[vector<16xi32>], vector<16xi32>,
      %mul3A_1485 = arith.constant 16 : i32
      %mul3A_1486 = vector.broadcast %mul3A_1485 : i32 to vector<16xi32>
      %mul3A_1487 = arith.muli %gather3A_1484, %mul3A_1486 : vector<16xi32>
      %add3A_1488 = arith.constant 1 : i32
      %add3A_1489 = vector.broadcast %add3A_1488 : i32 to vector<16xi32>
      %add3A_1490 = arith.addi %add3A_1483, %add3A_1489 : vector<16xi32>
      %gather3A_1491 = tpu.vector_load_idx %arg7[%add3A_1490] : memref<1536xi32, #tpu.memory_space<vmem>>[vector<16xi32>], vector<16xi32>,
      %mul3A_1492 = arith.constant 16 : i32
      %mul3A_1493 = vector.broadcast %mul3A_1492 : i32 to vector<16xi32>
      %mul3A_1494 = arith.muli %gather3A_1491, %mul3A_1493 : vector<16xi32>
      %add3A_1495 = arith.constant 2 : i32
      %add3A_1496 = vector.broadcast %add3A_1495 : i32 to vector<16xi32>
      %add3A_1497 = arith.addi %add3A_1483, %add3A_1496 : vector<16xi32>
      %gather3A_1498 = tpu.vector_load_idx %arg7[%add3A_1497] : memref<1536xi32, #tpu.memory_space<vmem>>[vector<16xi32>], vector<16xi32>,
      %mul3A_1499 = arith.constant 16 : i32
      %mul3A_1500 = vector.broadcast %mul3A_1499 : i32 to vector<16xi32>
      %mul3A_1501 = arith.muli %gather3A_1498, %mul3A_1500 : vector<16xi32>
      %scan3A_1502 = arith.constant 0 : i32
      %scan3A_1503 = arith.constant 0 : i32
      %scan3A_1504 = arith.constant 16 : i32
      %scan3A_1505 = arith.addi %scan3A_1503, %scan3A_1504 : i32
      %scan3A_1506 = arith.constant 1 : i32
      %scan3A_1507 = scf.for %scan3A_1650 = %scan3A_1503 to %scan3A_1505 step %scan3A_1506 iter_args(%scan3A_1651 = %scan3A_1502) -> (i32)  : i32 {
        %broadcast_in_dim3A_1652 = vector.broadcast %scan3A_1650 : i32 to vector<16xi32>
        %add3A_1653 = arith.addi %mul3A_1487, %broadcast_in_dim3A_1652 : vector<16xi32>
        %gather3A_1654 = tpu.vector_load_idx %arg6[%add3A_1653] : memref<24576xi32, #tpu.memory_space<vmem>>[vector<16xi32>], vector<16xi32>,
        %add3A_1655 = arith.addi %mul3A_1494, %broadcast_in_dim3A_1652 : vector<16xi32>
        %gather3A_1656 = tpu.vector_load_idx %arg6[%add3A_1655] : memref<24576xi32, #tpu.memory_space<vmem>>[vector<16xi32>], vector<16xi32>,
        %add3A_1657 = arith.addi %mul3A_1501, %broadcast_in_dim3A_1652 : vector<16xi32>
        %gather3A_1658 = tpu.vector_load_idx %arg6[%add3A_1657] : memref<24576xi32, #tpu.memory_space<vmem>>[vector<16xi32>], vector<16xi32>,
        %bitcast3A = vector.bitcast %gather3A_1654 : vector<16xi32> to vector<32xbf16>
        %bitcast3A_1659 = vector.bitcast %gather3A_1656 : vector<16xi32> to vector<32xbf16>
        %add3A_1660 = arith.addf %bitcast3A, %bitcast3A_1659 : vector<32xbf16>
        %bitcast3A_1661 = vector.bitcast %gather3A_1658 : vector<16xi32> to vector<32xbf16>
        %add3A_1662 = arith.addf %add3A_1660, %bitcast3A_1661 : vector<32xbf16>
        %bitcast3A_1663 = vector.bitcast %add3A_1662 : vector<32xbf16> to vector<16xi32>
        %shift_left3A = arith.constant 16 : i32
        %shift_left3A_1664 = vector.broadcast %shift_left3A : i32 to vector<16xi32>
        %shift_left3A_1665 = arith.shli %bitcast3A_1663, %shift_left3A_1664 : vector<16xi32>
        %bitcast3A_1666 = vector.bitcast %shift_left3A_1665 : vector<16xi32> to vector<16xf32>
        %and3A_1667 = arith.andi %bitcast3A_1663, %broadcast_in_dim3A_43 : vector<16xi32>
        %bitcast3A_1668 = vector.bitcast %and3A_1667 : vector<16xi32> to vector<16xf32>
        %add3A_1669 = arith.addi %scan3A_1650, %scan3A_1650 : i32
        %swap3A = arith.index_cast %add3A_1669 : i32 to index
        %swap3A_1670 = arith.constant 208 : index
        %swap3A_1671 = tpu.vector_load %arg9[%swap3A, %swap3A_1670] {strides = array<i32>} : memref<32x257xf32, #tpu.memory_space<vmem>>, vector<16xf32>,
        tpu.vector_store %arg9[%swap3A, %swap3A_1670], %bitcast3A_1666 {strides = array<i32>} : memref<32x257xf32, #tpu.memory_space<vmem>>, vector<16xf32>,
        %add3A_1672 = arith.constant 1 : i32
        %add3A_1673 = arith.addi %add3A_1669, %add3A_1672 : i32
        %swap3A_1674 = arith.index_cast %add3A_1673 : i32 to index
        %swap3A_1675 = arith.constant 208 : index
        %swap3A_1676 = tpu.vector_load %arg9[%swap3A_1674, %swap3A_1675] {strides = array<i32>} : memref<32x257xf32, #tpu.memory_space<vmem>>, vector<16xf32>,
        tpu.vector_store %arg9[%swap3A_1674, %swap3A_1675], %bitcast3A_1668 {strides = array<i32>} : memref<32x257xf32, #tpu.memory_space<vmem>>, vector<16xf32>,
        %scan3A_1677 = arith.constant 0 : i32
        scf.yield %scan3A_1677 : i32
      }
      %scan3A_1508 = arith.constant 16 : i32
      %add3A_1509 = arith.constant 224 : i32
      %add3A_1510 = vector.broadcast %add3A_1509 : i32 to vector<16xi32>
      %add3A_1511 = arith.addi %add3A_1510, %iota3A : vector<16xi32>
      %sub3A_1512 = arith.constant 1 : i32
      %sub3A_1513 = vector.broadcast %sub3A_1512 : i32 to vector<16xi32>
      %sub3A_1514 = arith.subi %add3A_1511, %sub3A_1513 : vector<16xi32>
      %jit3A_1515 = arith.constant 0 : i32
      %jit3A_1516 = arith.constant 255 : i32
      %max3A_1517 = vector.broadcast %jit3A_1515 : i32 to vector<16xi32>
      %max3A_1518 = arith.maxsi %max3A_1517, %sub3A_1514 : vector<16xi32>
      %min3A_1519 = vector.broadcast %jit3A_1516 : i32 to vector<16xi32>
      %min3A_1520 = arith.minsi %min3A_1519, %max3A_1518 : vector<16xi32>
      %mul3A_1521 = arith.constant 3 : i32
      %mul3A_1522 = vector.broadcast %mul3A_1521 : i32 to vector<16xi32>
      %mul3A_1523 = arith.muli %min3A_1520, %mul3A_1522 : vector<16xi32>
      %add3A_1524 = arith.constant 768 : i32
      %add3A_1525 = vector.broadcast %add3A_1524 : i32 to vector<16xi32>
      %add3A_1526 = arith.addi %add3A_1525, %mul3A_1523 : vector<16xi32>
      %gather3A_1527 = tpu.vector_load_idx %arg7[%add3A_1526] : memref<1536xi32, #tpu.memory_space<vmem>>[vector<16xi32>], vector<16xi32>,
      %mul3A_1528 = arith.constant 16 : i32
      %mul3A_1529 = vector.broadcast %mul3A_1528 : i32 to vector<16xi32>
      %mul3A_1530 = arith.muli %gather3A_1527, %mul3A_1529 : vector<16xi32>
      %add3A_1531 = arith.constant 1 : i32
      %add3A_1532 = vector.broadcast %add3A_1531 : i32 to vector<16xi32>
      %add3A_1533 = arith.addi %add3A_1526, %add3A_1532 : vector<16xi32>
      %gather3A_1534 = tpu.vector_load_idx %arg7[%add3A_1533] : memref<1536xi32, #tpu.memory_space<vmem>>[vector<16xi32>], vector<16xi32>,
      %mul3A_1535 = arith.constant 16 : i32
      %mul3A_1536 = vector.broadcast %mul3A_1535 : i32 to vector<16xi32>
      %mul3A_1537 = arith.muli %gather3A_1534, %mul3A_1536 : vector<16xi32>
      %add3A_1538 = arith.constant 2 : i32
      %add3A_1539 = vector.broadcast %add3A_1538 : i32 to vector<16xi32>
      %add3A_1540 = arith.addi %add3A_1526, %add3A_1539 : vector<16xi32>
      %gather3A_1541 = tpu.vector_load_idx %arg7[%add3A_1540] : memref<1536xi32, #tpu.memory_space<vmem>>[vector<16xi32>], vector<16xi32>,
      %mul3A_1542 = arith.constant 16 : i32
      %mul3A_1543 = vector.broadcast %mul3A_1542 : i32 to vector<16xi32>
      %mul3A_1544 = arith.muli %gather3A_1541, %mul3A_1543 : vector<16xi32>
      %scan3A_1545 = arith.constant 0 : i32
      %scan3A_1546 = arith.constant 0 : i32
      %scan3A_1547 = arith.constant 16 : i32
      %scan3A_1548 = arith.addi %scan3A_1546, %scan3A_1547 : i32
      %scan3A_1549 = arith.constant 1 : i32
      %scan3A_1550 = scf.for %scan3A_1650 = %scan3A_1546 to %scan3A_1548 step %scan3A_1549 iter_args(%scan3A_1651 = %scan3A_1545) -> (i32)  : i32 {
        %broadcast_in_dim3A_1652 = vector.broadcast %scan3A_1650 : i32 to vector<16xi32>
        %add3A_1653 = arith.addi %mul3A_1530, %broadcast_in_dim3A_1652 : vector<16xi32>
        %gather3A_1654 = tpu.vector_load_idx %arg6[%add3A_1653] : memref<24576xi32, #tpu.memory_space<vmem>>[vector<16xi32>], vector<16xi32>,
        %add3A_1655 = arith.addi %mul3A_1537, %broadcast_in_dim3A_1652 : vector<16xi32>
        %gather3A_1656 = tpu.vector_load_idx %arg6[%add3A_1655] : memref<24576xi32, #tpu.memory_space<vmem>>[vector<16xi32>], vector<16xi32>,
        %add3A_1657 = arith.addi %mul3A_1544, %broadcast_in_dim3A_1652 : vector<16xi32>
        %gather3A_1658 = tpu.vector_load_idx %arg6[%add3A_1657] : memref<24576xi32, #tpu.memory_space<vmem>>[vector<16xi32>], vector<16xi32>,
        %bitcast3A = vector.bitcast %gather3A_1654 : vector<16xi32> to vector<32xbf16>
        %bitcast3A_1659 = vector.bitcast %gather3A_1656 : vector<16xi32> to vector<32xbf16>
        %add3A_1660 = arith.addf %bitcast3A, %bitcast3A_1659 : vector<32xbf16>
        %bitcast3A_1661 = vector.bitcast %gather3A_1658 : vector<16xi32> to vector<32xbf16>
        %add3A_1662 = arith.addf %add3A_1660, %bitcast3A_1661 : vector<32xbf16>
        %bitcast3A_1663 = vector.bitcast %add3A_1662 : vector<32xbf16> to vector<16xi32>
        %shift_left3A = arith.constant 16 : i32
        %shift_left3A_1664 = vector.broadcast %shift_left3A : i32 to vector<16xi32>
        %shift_left3A_1665 = arith.shli %bitcast3A_1663, %shift_left3A_1664 : vector<16xi32>
        %bitcast3A_1666 = vector.bitcast %shift_left3A_1665 : vector<16xi32> to vector<16xf32>
        %and3A_1667 = arith.andi %bitcast3A_1663, %broadcast_in_dim3A_43 : vector<16xi32>
        %bitcast3A_1668 = vector.bitcast %and3A_1667 : vector<16xi32> to vector<16xf32>
        %add3A_1669 = arith.addi %scan3A_1650, %scan3A_1650 : i32
        %swap3A = arith.index_cast %add3A_1669 : i32 to index
        %swap3A_1670 = arith.constant 224 : index
        %swap3A_1671 = tpu.vector_load %arg9[%swap3A, %swap3A_1670] {strides = array<i32>} : memref<32x257xf32, #tpu.memory_space<vmem>>, vector<16xf32>,
        tpu.vector_store %arg9[%swap3A, %swap3A_1670], %bitcast3A_1666 {strides = array<i32>} : memref<32x257xf32, #tpu.memory_space<vmem>>, vector<16xf32>,
        %add3A_1672 = arith.constant 1 : i32
        %add3A_1673 = arith.addi %add3A_1669, %add3A_1672 : i32
        %swap3A_1674 = arith.index_cast %add3A_1673 : i32 to index
        %swap3A_1675 = arith.constant 224 : index
        %swap3A_1676 = tpu.vector_load %arg9[%swap3A_1674, %swap3A_1675] {strides = array<i32>} : memref<32x257xf32, #tpu.memory_space<vmem>>, vector<16xf32>,
        tpu.vector_store %arg9[%swap3A_1674, %swap3A_1675], %bitcast3A_1668 {strides = array<i32>} : memref<32x257xf32, #tpu.memory_space<vmem>>, vector<16xf32>,
        %scan3A_1677 = arith.constant 0 : i32
        scf.yield %scan3A_1677 : i32
      }
      %scan3A_1551 = arith.constant 16 : i32
      %add3A_1552 = arith.constant 240 : i32
      %add3A_1553 = vector.broadcast %add3A_1552 : i32 to vector<16xi32>
      %add3A_1554 = arith.addi %add3A_1553, %iota3A : vector<16xi32>
      %sub3A_1555 = arith.constant 1 : i32
      %sub3A_1556 = vector.broadcast %sub3A_1555 : i32 to vector<16xi32>
      %sub3A_1557 = arith.subi %add3A_1554, %sub3A_1556 : vector<16xi32>
      %jit3A_1558 = arith.constant 0 : i32
      %jit3A_1559 = arith.constant 255 : i32
      %max3A_1560 = vector.broadcast %jit3A_1558 : i32 to vector<16xi32>
      %max3A_1561 = arith.maxsi %max3A_1560, %sub3A_1557 : vector<16xi32>
      %min3A_1562 = vector.broadcast %jit3A_1559 : i32 to vector<16xi32>
      %min3A_1563 = arith.minsi %min3A_1562, %max3A_1561 : vector<16xi32>
      %mul3A_1564 = arith.constant 3 : i32
      %mul3A_1565 = vector.broadcast %mul3A_1564 : i32 to vector<16xi32>
      %mul3A_1566 = arith.muli %min3A_1563, %mul3A_1565 : vector<16xi32>
      %add3A_1567 = arith.constant 768 : i32
      %add3A_1568 = vector.broadcast %add3A_1567 : i32 to vector<16xi32>
      %add3A_1569 = arith.addi %add3A_1568, %mul3A_1566 : vector<16xi32>
      %gather3A_1570 = tpu.vector_load_idx %arg7[%add3A_1569] : memref<1536xi32, #tpu.memory_space<vmem>>[vector<16xi32>], vector<16xi32>,
      %mul3A_1571 = arith.constant 16 : i32
      %mul3A_1572 = vector.broadcast %mul3A_1571 : i32 to vector<16xi32>
      %mul3A_1573 = arith.muli %gather3A_1570, %mul3A_1572 : vector<16xi32>
      %add3A_1574 = arith.constant 1 : i32
      %add3A_1575 = vector.broadcast %add3A_1574 : i32 to vector<16xi32>
      %add3A_1576 = arith.addi %add3A_1569, %add3A_1575 : vector<16xi32>
      %gather3A_1577 = tpu.vector_load_idx %arg7[%add3A_1576] : memref<1536xi32, #tpu.memory_space<vmem>>[vector<16xi32>], vector<16xi32>,
      %mul3A_1578 = arith.constant 16 : i32
      %mul3A_1579 = vector.broadcast %mul3A_1578 : i32 to vector<16xi32>
      %mul3A_1580 = arith.muli %gather3A_1577, %mul3A_1579 : vector<16xi32>
      %add3A_1581 = arith.constant 2 : i32
      %add3A_1582 = vector.broadcast %add3A_1581 : i32 to vector<16xi32>
      %add3A_1583 = arith.addi %add3A_1569, %add3A_1582 : vector<16xi32>
      %gather3A_1584 = tpu.vector_load_idx %arg7[%add3A_1583] : memref<1536xi32, #tpu.memory_space<vmem>>[vector<16xi32>], vector<16xi32>,
      %mul3A_1585 = arith.constant 16 : i32
      %mul3A_1586 = vector.broadcast %mul3A_1585 : i32 to vector<16xi32>
      %mul3A_1587 = arith.muli %gather3A_1584, %mul3A_1586 : vector<16xi32>
      %scan3A_1588 = arith.constant 0 : i32
      %scan3A_1589 = arith.constant 0 : i32
      %scan3A_1590 = arith.constant 16 : i32
      %scan3A_1591 = arith.addi %scan3A_1589, %scan3A_1590 : i32
      %scan3A_1592 = arith.constant 1 : i32
      %scan3A_1593 = scf.for %scan3A_1650 = %scan3A_1589 to %scan3A_1591 step %scan3A_1592 iter_args(%scan3A_1651 = %scan3A_1588) -> (i32)  : i32 {
        %broadcast_in_dim3A_1652 = vector.broadcast %scan3A_1650 : i32 to vector<16xi32>
        %add3A_1653 = arith.addi %mul3A_1573, %broadcast_in_dim3A_1652 : vector<16xi32>
        %gather3A_1654 = tpu.vector_load_idx %arg6[%add3A_1653] : memref<24576xi32, #tpu.memory_space<vmem>>[vector<16xi32>], vector<16xi32>,
        %add3A_1655 = arith.addi %mul3A_1580, %broadcast_in_dim3A_1652 : vector<16xi32>
        %gather3A_1656 = tpu.vector_load_idx %arg6[%add3A_1655] : memref<24576xi32, #tpu.memory_space<vmem>>[vector<16xi32>], vector<16xi32>,
        %add3A_1657 = arith.addi %mul3A_1587, %broadcast_in_dim3A_1652 : vector<16xi32>
        %gather3A_1658 = tpu.vector_load_idx %arg6[%add3A_1657] : memref<24576xi32, #tpu.memory_space<vmem>>[vector<16xi32>], vector<16xi32>,
        %bitcast3A = vector.bitcast %gather3A_1654 : vector<16xi32> to vector<32xbf16>
        %bitcast3A_1659 = vector.bitcast %gather3A_1656 : vector<16xi32> to vector<32xbf16>
        %add3A_1660 = arith.addf %bitcast3A, %bitcast3A_1659 : vector<32xbf16>
        %bitcast3A_1661 = vector.bitcast %gather3A_1658 : vector<16xi32> to vector<32xbf16>
        %add3A_1662 = arith.addf %add3A_1660, %bitcast3A_1661 : vector<32xbf16>
        %bitcast3A_1663 = vector.bitcast %add3A_1662 : vector<32xbf16> to vector<16xi32>
        %shift_left3A = arith.constant 16 : i32
        %shift_left3A_1664 = vector.broadcast %shift_left3A : i32 to vector<16xi32>
        %shift_left3A_1665 = arith.shli %bitcast3A_1663, %shift_left3A_1664 : vector<16xi32>
        %bitcast3A_1666 = vector.bitcast %shift_left3A_1665 : vector<16xi32> to vector<16xf32>
        %and3A_1667 = arith.andi %bitcast3A_1663, %broadcast_in_dim3A_43 : vector<16xi32>
        %bitcast3A_1668 = vector.bitcast %and3A_1667 : vector<16xi32> to vector<16xf32>
        %add3A_1669 = arith.addi %scan3A_1650, %scan3A_1650 : i32
        %swap3A = arith.index_cast %add3A_1669 : i32 to index
        %swap3A_1670 = arith.constant 240 : index
        %swap3A_1671 = tpu.vector_load %arg9[%swap3A, %swap3A_1670] {strides = array<i32>} : memref<32x257xf32, #tpu.memory_space<vmem>>, vector<16xf32>,
        tpu.vector_store %arg9[%swap3A, %swap3A_1670], %bitcast3A_1666 {strides = array<i32>} : memref<32x257xf32, #tpu.memory_space<vmem>>, vector<16xf32>,
        %add3A_1672 = arith.constant 1 : i32
        %add3A_1673 = arith.addi %add3A_1669, %add3A_1672 : i32
        %swap3A_1674 = arith.index_cast %add3A_1673 : i32 to index
        %swap3A_1675 = arith.constant 240 : index
        %swap3A_1676 = tpu.vector_load %arg9[%swap3A_1674, %swap3A_1675] {strides = array<i32>} : memref<32x257xf32, #tpu.memory_space<vmem>>, vector<16xf32>,
        tpu.vector_store %arg9[%swap3A_1674, %swap3A_1675], %bitcast3A_1668 {strides = array<i32>} : memref<32x257xf32, #tpu.memory_space<vmem>>, vector<16xf32>,
        %scan3A_1677 = arith.constant 0 : i32
        scf.yield %scan3A_1677 : i32
      }
      %scan3A_1594 = arith.constant 16 : i32
      %add3A_1595 = arith.constant 256 : i32
      %add3A_1596 = vector.broadcast %add3A_1595 : i32 to vector<16xi32>
      %add3A_1597 = arith.addi %add3A_1596, %iota3A : vector<16xi32>
      %sub3A_1598 = arith.constant 1 : i32
      %sub3A_1599 = vector.broadcast %sub3A_1598 : i32 to vector<16xi32>
      %sub3A_1600 = arith.subi %add3A_1597, %sub3A_1599 : vector<16xi32>
      %jit3A_1601 = arith.constant 0 : i32
      %jit3A_1602 = arith.constant 255 : i32
      %max3A_1603 = vector.broadcast %jit3A_1601 : i32 to vector<16xi32>
      %max3A_1604 = arith.maxsi %max3A_1603, %sub3A_1600 : vector<16xi32>
      %min3A_1605 = vector.broadcast %jit3A_1602 : i32 to vector<16xi32>
      %min3A_1606 = arith.minsi %min3A_1605, %max3A_1604 : vector<16xi32>
      %mul3A_1607 = arith.constant 3 : i32
      %mul3A_1608 = vector.broadcast %mul3A_1607 : i32 to vector<16xi32>
      %mul3A_1609 = arith.muli %min3A_1606, %mul3A_1608 : vector<16xi32>
      %add3A_1610 = arith.constant 768 : i32
      %add3A_1611 = vector.broadcast %add3A_1610 : i32 to vector<16xi32>
      %add3A_1612 = arith.addi %add3A_1611, %mul3A_1609 : vector<16xi32>
      %gather3A_1613 = tpu.vector_load_idx %arg7[%add3A_1612] : memref<1536xi32, #tpu.memory_space<vmem>>[vector<16xi32>], vector<16xi32>,
      %mul3A_1614 = arith.constant 16 : i32
      %mul3A_1615 = vector.broadcast %mul3A_1614 : i32 to vector<16xi32>
      %mul3A_1616 = arith.muli %gather3A_1613, %mul3A_1615 : vector<16xi32>
      %add3A_1617 = arith.constant 1 : i32
      %add3A_1618 = vector.broadcast %add3A_1617 : i32 to vector<16xi32>
      %add3A_1619 = arith.addi %add3A_1612, %add3A_1618 : vector<16xi32>
      %gather3A_1620 = tpu.vector_load_idx %arg7[%add3A_1619] : memref<1536xi32, #tpu.memory_space<vmem>>[vector<16xi32>], vector<16xi32>,
      %mul3A_1621 = arith.constant 16 : i32
      %mul3A_1622 = vector.broadcast %mul3A_1621 : i32 to vector<16xi32>
      %mul3A_1623 = arith.muli %gather3A_1620, %mul3A_1622 : vector<16xi32>
      %add3A_1624 = arith.constant 2 : i32
      %add3A_1625 = vector.broadcast %add3A_1624 : i32 to vector<16xi32>
      %add3A_1626 = arith.addi %add3A_1612, %add3A_1625 : vector<16xi32>
      %gather3A_1627 = tpu.vector_load_idx %arg7[%add3A_1626] : memref<1536xi32, #tpu.memory_space<vmem>>[vector<16xi32>], vector<16xi32>,
      %mul3A_1628 = arith.constant 16 : i32
      %mul3A_1629 = vector.broadcast %mul3A_1628 : i32 to vector<16xi32>
      %mul3A_1630 = arith.muli %gather3A_1627, %mul3A_1629 : vector<16xi32>
      %scan3A_1631 = arith.constant 0 : i32
      %scan3A_1632 = arith.constant 0 : i32
      %scan3A_1633 = arith.constant 16 : i32
      %scan3A_1634 = arith.addi %scan3A_1632, %scan3A_1633 : i32
      %scan3A_1635 = arith.constant 1 : i32
      %scan3A_1636 = scf.for %scan3A_1650 = %scan3A_1632 to %scan3A_1634 step %scan3A_1635 iter_args(%scan3A_1651 = %scan3A_1631) -> (i32)  : i32 {
        %broadcast_in_dim3A_1652 = vector.broadcast %scan3A_1650 : i32 to vector<16xi32>
        %add3A_1653 = arith.addi %mul3A_1616, %broadcast_in_dim3A_1652 : vector<16xi32>
        %gather3A_1654 = tpu.vector_load_idx %arg6[%add3A_1653] : memref<24576xi32, #tpu.memory_space<vmem>>[vector<16xi32>], vector<16xi32>,
        %add3A_1655 = arith.addi %mul3A_1623, %broadcast_in_dim3A_1652 : vector<16xi32>
        %gather3A_1656 = tpu.vector_load_idx %arg6[%add3A_1655] : memref<24576xi32, #tpu.memory_space<vmem>>[vector<16xi32>], vector<16xi32>,
        %add3A_1657 = arith.addi %mul3A_1630, %broadcast_in_dim3A_1652 : vector<16xi32>
        %gather3A_1658 = tpu.vector_load_idx %arg6[%add3A_1657] : memref<24576xi32, #tpu.memory_space<vmem>>[vector<16xi32>], vector<16xi32>,
        %bitcast3A = vector.bitcast %gather3A_1654 : vector<16xi32> to vector<32xbf16>
        %bitcast3A_1659 = vector.bitcast %gather3A_1656 : vector<16xi32> to vector<32xbf16>
        %add3A_1660 = arith.addf %bitcast3A, %bitcast3A_1659 : vector<32xbf16>
        %bitcast3A_1661 = vector.bitcast %gather3A_1658 : vector<16xi32> to vector<32xbf16>
        %add3A_1662 = arith.addf %add3A_1660, %bitcast3A_1661 : vector<32xbf16>
        %bitcast3A_1663 = vector.bitcast %add3A_1662 : vector<32xbf16> to vector<16xi32>
        %shift_left3A = arith.constant 16 : i32
        %shift_left3A_1664 = vector.broadcast %shift_left3A : i32 to vector<16xi32>
        %shift_left3A_1665 = arith.shli %bitcast3A_1663, %shift_left3A_1664 : vector<16xi32>
        %bitcast3A_1666 = vector.bitcast %shift_left3A_1665 : vector<16xi32> to vector<16xf32>
        %and3A_1667 = arith.andi %bitcast3A_1663, %broadcast_in_dim3A_43 : vector<16xi32>
        %bitcast3A_1668 = vector.bitcast %and3A_1667 : vector<16xi32> to vector<16xf32>
        %add3A_1669 = arith.addi %scan3A_1650, %scan3A_1650 : i32
        %add3A_1670 = arith.addi %broadcast_in_dim3A_1652, %broadcast_in_dim3A_1652 : vector<16xi32>
        tpu.vector_store_idx %arg9[%add3A_1670, %min3A_42], %bitcast3A_1666 masked %eq3A_37 : memref<32x257xf32, #tpu.memory_space<vmem>>[vector<16xi32>, vector<16xi32>], vector<16xf32>, vector<16xi1>
        %add3A_1671 = arith.addi %broadcast_in_dim3A_1652, %broadcast_in_dim3A_1652 : vector<16xi32>
        %add3A_1672 = arith.constant 1 : i32
        %add3A_1673 = vector.broadcast %add3A_1672 : i32 to vector<16xi32>
        %add3A_1674 = arith.addi %add3A_1671, %add3A_1673 : vector<16xi32>
        tpu.vector_store_idx %arg9[%add3A_1674, %min3A_42], %bitcast3A_1668 masked %eq3A_37 : memref<32x257xf32, #tpu.memory_space<vmem>>[vector<16xi32>, vector<16xi32>], vector<16xf32>, vector<16xi1>
        %scan3A_1675 = arith.constant 0 : i32
        scf.yield %scan3A_1675 : i32
      }
      %scan3A_1637 = arith.constant 16 : i32
      %add3A_1638 = arith.addi %mul3A_32, %add3A_882 : i32
      %add3A_1639 = arith.constant 1 : i32
      %add3A_1640 = arith.addi %add3A_1638, %add3A_1639 : i32
      %dma_start3A_1641 = arith.constant 0 : i32
      %dma_start3A_1642 = arith.constant 0 : i32
      %dma_start3A_1643 = tpu.memref_slice %arg5[%select_n3A, %dma_start3A_1641, %add3A_1640, %dma_start3A_1642] : memref<8x32x257x257xf32, #tpu.memory_space<hbm>> -> memref<1x32x1x257xf32, #tpu.memory_space<hbm>>
      %dma_start3A_1644 = tpu.memref_squeeze %dma_start3A_1643 : memref<1x32x1x257xf32, #tpu.memory_space<hbm>> -> memref<32x257xf32, #tpu.memory_space<hbm>>
      %dma_start3A_1645 = arith.constant 0 : i32
      %dma_start3A_1646 = arith.constant 0 : i32
      %dma_start3A_1647 = tpu.memref_slice %arg5[%select_n3A, %dma_start3A_1645, %add3A_1640, %dma_start3A_1646] : memref<8x32x257x257xf32, #tpu.memory_space<hbm>> -> memref<1x32x1x257xf32, #tpu.memory_space<hbm>>
      %dma_start3A_1648 = tpu.memref_squeeze %dma_start3A_1647 : memref<1x32x1x257xf32, #tpu.memory_space<hbm>> -> memref<32x257xf32, #tpu.memory_space<hbm>>
      tpu.enqueue_dma source(%arg9 : memref<32x257xf32, #tpu.memory_space<vmem>>) target(%dma_start3A_1648 : memref<32x257xf32, #tpu.memory_space<hbm>>) target_semaphore(%arg14 : memref<!tpu.dma_semaphore, #tpu.memory_space<semaphore_mem>>)
      %scan3A_1649 = arith.constant 0 : i32
      scf.yield %scan3A_1649 : i32
    }
    %scan3A_87 = arith.constant 32 : i32
    %add3A_88 = arith.constant 62 : i32
    %add3A_89 = arith.addi %mul3A_32, %add3A_88 : i32
    %add3A_90 = arith.constant 1 : i32
    %add3A_91 = arith.addi %add3A_89, %add3A_90 : i32
    %dma_wait3A = arith.constant 0 : i32
    %dma_wait3A_92 = arith.constant 0 : i32
    %dma_wait3A_93 = tpu.memref_slice %arg5[%select_n3A, %dma_wait3A, %add3A_91, %dma_wait3A_92] : memref<8x32x257x257xf32, #tpu.memory_space<hbm>> -> memref<1x32x1x257xf32, #tpu.memory_space<hbm>>
    %dma_wait3A_94 = tpu.memref_squeeze %dma_wait3A_93 : memref<1x32x1x257xf32, #tpu.memory_space<hbm>> -> memref<32x257xf32, #tpu.memory_space<hbm>>
    %dma_wait3A_95 = arith.constant 0 : i32
    %dma_wait3A_96 = arith.constant 0 : i32
    %dma_wait3A_97 = tpu.memref_slice %arg5[%select_n3A, %dma_wait3A_95, %add3A_91, %dma_wait3A_96] : memref<8x32x257x257xf32, #tpu.memory_space<hbm>> -> memref<1x32x1x257xf32, #tpu.memory_space<hbm>>
    %dma_wait3A_98 = tpu.memref_squeeze %dma_wait3A_97 : memref<1x32x1x257xf32, #tpu.memory_space<hbm>> -> memref<32x257xf32, #tpu.memory_space<hbm>>
    tpu.wait_dma2 semaphore(%arg13 : memref<!tpu.dma_semaphore, #tpu.memory_space<semaphore_mem>>) src(%arg8 : memref<32x257xf32, #tpu.memory_space<vmem>>) dst(%dma_wait3A_98 : memref<32x257xf32, #tpu.memory_space<hbm>>)
    %add3A_99 = arith.constant 63 : i32
    %add3A_100 = arith.addi %mul3A_32, %add3A_99 : i32
    %add3A_101 = arith.constant 1 : i32
    %add3A_102 = arith.addi %add3A_100, %add3A_101 : i32
    %dma_wait3A_103 = arith.constant 0 : i32
    %dma_wait3A_104 = arith.constant 0 : i32
    %dma_wait3A_105 = tpu.memref_slice %arg5[%select_n3A, %dma_wait3A_103, %add3A_102, %dma_wait3A_104] : memref<8x32x257x257xf32, #tpu.memory_space<hbm>> -> memref<1x32x1x257xf32, #tpu.memory_space<hbm>>
    %dma_wait3A_106 = tpu.memref_squeeze %dma_wait3A_105 : memref<1x32x1x257xf32, #tpu.memory_space<hbm>> -> memref<32x257xf32, #tpu.memory_space<hbm>>
    %dma_wait3A_107 = arith.constant 0 : i32
    %dma_wait3A_108 = arith.constant 0 : i32
    %dma_wait3A_109 = tpu.memref_slice %arg5[%select_n3A, %dma_wait3A_107, %add3A_102, %dma_wait3A_108] : memref<8x32x257x257xf32, #tpu.memory_space<hbm>> -> memref<1x32x1x257xf32, #tpu.memory_space<hbm>>
    %dma_wait3A_110 = tpu.memref_squeeze %dma_wait3A_109 : memref<1x32x1x257xf32, #tpu.memory_space<hbm>> -> memref<32x257xf32, #tpu.memory_space<hbm>>
    tpu.wait_dma2 semaphore(%arg14 : memref<!tpu.dma_semaphore, #tpu.memory_space<semaphore_mem>>) src(%arg9 : memref<32x257xf32, #tpu.memory_space<vmem>>) dst(%dma_wait3A_110 : memref<32x257xf32, #tpu.memory_space<hbm>>)
    return
  }
}

</mosaic_0001>

<sc_bundles>
// kernel: _edge_feature_sc.3.cloned.1.call-start
scs
__scs_entry_jumppad:
0x0: {  	(pc) =	sbr.rel $0x88, $3  }
0x1: {  	(tag) =	ssettag $0x0;
	lr =	simm.s32 $0x1  }
0x2: {  	[smem:$0x3F9E] =	sst lr;
	_ =	strace $0xD0000000  }
0x3: {  	_ = 	snop  }
0x4: {  	_ = 	snop  }
0x5: {  	_ = 	snop  }
0x6: {  	_ = 	snop  }
0x7: {  	_ = 	snop  }
__scs_overlays_trampoline_lowered:
0x8: {  	[smem:$0x3FAD] =	sst s0  }
0x9: {  	[smem:$0x3FAE] =	sst s1  }
0xa: {  	[smem:$0x3FAF] =	sst s2  }
0xb: {  	[smem:$0x3FB0] =	sst s3  }
0xc: {  	[smem:$0x3FB1] =	sst s4  }
0xd: {  	[smem:$0x3FB2] =	sst s5  }
0xe: {  	[smem:$0x3FB3] =	sst s6  }
0xf: {  	[smem:$0x3FB4] =	sst s7  }
0x10: {  	[smem:$0x3FB5] =	sst s8  }
0x11: {  	[smem:$0x3FB6] =	sst s9;
	s0 =	simm.s32 @!p0 $0x0  }
0x12: {  	s1 =	sld [smem:$0x3F9C];
	s0 =	simm.s32 @p0 $0x1  }
0x13: {  	[smem:$0x3FB7] =	sst s0;
	s0 =	simm.s32 @!p1 $0x0  }
0x14: {  	s2 =	sld [smem:$0x3F9B];
	s0 =	simm.s32 @p1 $0x1  }
0x15: {  	[smem:$0x3FB8] =	sst s0;
	s0 =	simm.s32 @!p2 $0x0  }
0x16: {  	s3 =	sld [smem:$0x3FDB];
	s0 =	simm.s32 @p2 $0x1  }
0x17: {  	s4 =	simm.s32 $0x1BF5;
	[smem:$0x3FBA] =	sst s0  }
0x18: {  	s0 =	sld [smem:$0x3F9D];
	_ =	swait.ge [sflag:s4], $0x0  }
0x19: {  	s7 =	sld [smem:$0x3F9E]  }
0x1a: {  	s8 =	sadd.s32 $0xFFFFE003, lr  }
0x1b: {  	s9 =	sadd.s32 $0xFFFFFEF7, lr;
	s5 =	simm.s32 $0xFFFFFFFF;
	p2 =	slt.u32 s8, $0xFFFFF086  }
0x1c: {  	p1 =	slt.u32 s9, $0xF7A;
	s5 =	simm.s32 @!p2 $0x0  }
0x1d: {  	s5 =	simm.s32 @p1 $0x1;
	p0 =	seq.s32 s7, s2  }
0x1e: {  	s7 =	smul.u32 @!p0 $0xF7A, s2;
	p2 =	seq.s32 @!p0 s5, $0x0  }
0x1f: {  	s9 =	smul.u32 $0xF7A, s1;
	s8 =	simm.s32 @!p0 $0x1BF5;
	p2 =	por !p2, p0  }
0x20: {  	[sflag:s8] =	ssyncset.s32 @!p0 $0xFFFFF086;
	s6 =	sadd.s32 @!p0 s3, s7;
	s7 =	simm.s32 @!p0 $0x108  }
0x21: {  	s3 =	sadd.s32 s3, s9;
	s6 =	sadd.s32 @!p0 $0x88, s6;
	s7 =	simm.s32 @p2 $0x1082  }
0x22: {  	[simem:s7], [sflag:s8] =	dma.local @!p0 [hbm:s6], $0xF7A  }
0x23: {  	s9 =	sor.u32 $0xD0000000, s2;
	s6 =	simm.s32 $0x108;
	_ =	swait.ge @!p0 [sflag:s8], $0x0  }
0x24: {  	s3 =	sadd.s32 $0x88, s3;
	s6 =	simm.s32 @!p1 $0x1082;
	[sflag:s4] =	ssyncset.s32 $0xFFFFF086  }
0x25: {  	[simem:s6], [sflag:s4] =	dma.local [hbm:s3], $0xF7A  }
0x26: {  	[smem:$0x3F9E] =	sst s1;
	(tag) =	ssettag s2;
	_ =	strace s9  }
0x27: {  	s1 =	sld [smem:$0x3FAE]  }
0x28: {  	s2 =	sld [smem:$0x3FAF]  }
0x29: {  	s4 =	sld [smem:$0x3FB1]  }
0x2a: {  	p0 =	seq.s32 s5, $0x0;
	s5 =	sld [smem:$0x3FB2]  }
0x2b: {  	s6 =	sld [smem:$0x3FB3]  }
0x2c: {  	s7 =	sld [smem:$0x3FB4]  }
0x2d: {  	s3 =	simm.s32 $0x108;
	s8 =	sld [smem:$0x3FB5]  }
0x2e: {  	s3 =	simm.s32 @!p0 $0x1082;
	s9 =	sld [smem:$0x3FB6]  }
0x2f: {  	lr =	sadd.s32 s0, s3;
	s0 =	sld [smem:$0x3FAD]  }
0x30: {  	s3 =	sld [smem:$0x3FB0]  }
0x31: {  	[smem:$0x3FB9] =	sst s10  }
0x32: {  	s10 =	sld [smem:$0x3FB7];
	_ =	sdelay $0x3  }
0x33: {  	p0 =	seq.s32 s10, $0x1;
	s10 =	sld [smem:$0x3FB9];
	_ =	sdelay $0x3  }
0x34: {  	[smem:$0x3FB9] =	sst s10  }
0x35: {  	s10 =	sld [smem:$0x3FB8];
	_ =	sdelay $0x3  }
0x36: {  	p1 =	seq.s32 s10, $0x1;
	s10 =	sld [smem:$0x3FB9];
	_ =	sdelay $0x3  }
0x37: {  	[smem:$0x3FB9] =	sst s10  }
0x38: {  	s10 =	sld [smem:$0x3FBA]  }
0x39: {  	_ = 	snop;
	(pc) =	sbr.ind lr, $3  }
0x3a: {  	_ = 	snop  }
0x3b: {  	_ = 	snop  }
0x3c: {  	p2 =	seq.s32 s10, $0x1;
	s10 =	sld [smem:$0x3FB9]  }
0x3d: {  	_ =	shalt  }
0x3e: {  	_ =	shalt  }
0x3f: {  	_ =	shalt  }
0x40: {  	_ =	shalt  }
0x41: {  	_ =	shalt  }
0x42: {  	_ =	shalt  }
0x43: {  	_ =	shalt  }
0x44: {  	_ =	shalt  }
0x45: {  	_ =	shalt  }
0x46: {  	_ =	shalt  }
0x47: {  	_ =	shalt  }
0x48: {  	_ =	shalt  }
0x49: {  	_ =	shalt  }
0x4a: {  	_ =	shalt  }
0x4b: {  	_ =	shalt  }
0x4c: {  	_ =	shalt  }
0x4d: {  	_ =	shalt  }
0x4e: {  	_ =	shalt  }
0x4f: {  	_ =	shalt  }
0x50: {  	_ =	shalt  }
0x51: {  	_ =	shalt  }
0x52: {  	_ =	shalt  }
0x53: {  	_ =	shalt  }
0x54: {  	_ =	shalt  }
0x55: {  	_ =	shalt  }
0x56: {  	_ =	shalt  }
0x57: {  	_ =	shalt  }
0x58: {  	_ =	shalt  }
0x59: {  	_ =	shalt  }
0x5a: {  	_ =	shalt  }
0x5b: {  	_ =	shalt  }
0x5c: {  	_ =	shalt  }
0x5d: {  	_ =	shalt  }
0x5e: {  	_ =	shalt  }
0x5f: {  	_ =	shalt  }
0x60: {  	_ =	shalt  }
0x61: {  	_ =	shalt  }
0x62: {  	_ =	shalt  }
0x63: {  	_ =	shalt  }
0x64: {  	_ =	shalt  }
0x65: {  	_ =	shalt  }
0x66: {  	_ =	shalt  }
0x67: {  	_ =	shalt  }
0x68: {  	_ =	shalt  }
0x69: {  	_ =	shalt  }
0x6a: {  	_ =	shalt  }
0x6b: {  	_ =	shalt  }
0x6c: {  	_ =	shalt  }
0x6d: {  	_ =	shalt  }
0x6e: {  	_ =	shalt  }
0x6f: {  	_ =	shalt  }
0x70: {  	_ =	shalt  }
0x71: {  	_ =	shalt  }
0x72: {  	_ =	shalt  }
0x73: {  	_ =	shalt  }
0x74: {  	_ =	shalt  }
0x75: {  	_ =	shalt  }
0x76: {  	_ =	shalt  }
0x77: {  	_ =	shalt  }
0x78: {  	_ =	shalt  }
0x79: {  	_ =	shalt  }
0x7a: {  	_ =	shalt  }
0x7b: {  	_ =	shalt  }
0x7c: {  	_ =	shalt  }
0x7d: {  	_ =	shalt  }
0x7e: {  	_ =	shalt  }
0x7f: {  	_ =	shalt  }
0x80: {  	_ =	shalt  }
0x81: {  	_ =	shalt  }
0x82: {  	_ =	shalt  }
0x83: {  	_ =	shalt  }
0x84: {  	_ =	shalt  }
0x85: {  	_ =	shalt  }
0x86: {  	_ =	shalt  }
0x87: {  	_ =	shalt  }
.Lfunc_end0:
.L_simem_size_0:
called_computation.1_lowered:
.L_overlay_start_0:
0x88: {  	s2 =	sld [smem:$0x3FD9]  }
0x89: {  	s3 =	sld [smem:$0x3FFE];
	_ =	sdelay $0x1  }
0x8a: {  	s1 =	srdreg.scid  }
0x8b: {  	s0 =	sand.u32 $0x1, s1  }
0x8c: {  	s18 =	sshll.u32 s0, $0xA;
	s2 =	sadd.s32 s3, s2  }
0x8d: {  	s2 =	sadd.s32 s2, s18  }
0x8e: {  	[smem:$0x3FC5] =	sst s2  }
0x8f: {  	_ = 	snop  }
0x90: {  	s2 =	sld [smem:$0x3FC9]  }
0x91: {  	s19 =	sld [smem:$0x3FC8]  }
0x92: {  	s4 =	sld [smem:$0x3FC7]  }
0x93: {  	s5 =	sld [smem:$0x3FD0];
	(tm) =	ssettm $0x1  }
0x94: {  	s6 =	sld [smem:$0x3FFB];
	_ =	sdelay $0x3  }
0x95: {  	_ =	strace s6  }
0x96: {  	s6 =	sld [smem:$0x3FFC];
	_ =	sdelay $0x3  }
0x97: {  	_ =	strace s6  }
0x98: {  	s6 =	sld [smem:$0x3FFD];
	_ =	sdelay $0x3  }
0x99: {  	_ =	strace s6  }
0x9a: {  	_ =	strace $0x8FFFFFFF  }
0x9b: {  	s20 =	sld [smem:$0x3FDB];
	_ =	sdelay $0x1  }
0x9c: {  	s7 =	simm.s32 $_scs_section_size  }
0x9d: {  	s8 =	simm.s32 $_size__tile_overlayer_lowered;
	s9 =	simm.s32 $_tile_overlayer_lowered  }
0x9e: {  	s23 =	simm.s32 $0x1BFF;
	s22 =	sshll.u32 s9, $0x1;
	s6 =	sadd.s32 s7, s20  }
0x9f: {  	s10 =	simm.s32 $0x0;
	s21 =	sshll.u32 s8, $0x1;
	s8 =	sadd.s32 s22, s6  }
0xa0: {  	[timem:s10], [sflag:s23] =	dma.local [hbm:s8], s21  }
0xa1: {  	_ =	swait.ge [sflag:s23], s21  }
0xa2: {  	s7 =	ssub.s32 $0x0, s21;
	[sflag:s23] =	ssyncset.done $0x0  }
0xa3: {  	[sflag:s23] =	ssyncadd.s32 s7;
	_ =	sdelay $0x1  }
0xa4: {  	s24 =	simm.s32 $0x1B8B  }
0xa5: {  	_ =	swait.ge [sflag:s24], $0x1  }
0xa6: {  	[sflag:s24] =	ssyncset.done $0x0  }
0xa7: {  	s25 =	simm.s32 $0x1B8E;
	[sflag:s24] =	ssyncadd.s32 $0xFFFFFFFF  }
0xa8: {  	s26 =	simm.s32 $execute0_lowered;
	[smem:$0x3FD2] =	sst s25  }
0xa9: {  	s7 =	sshll.u32 s26, $0x1;
	_ =	strace $0x80000046;
	[dreg:$0x1] =	wrdreg $0xFFFFFFFF  }
0xaa: {  	s28 =	simm.s32 $_size_execute0_lowered;
	s6 =	sadd.s32 s6, s7;
	[dreg:$0x0] =	wrdreg $0x0  }
0xab: {  	s7 =	sshll.u32 s28, $0x1;
	[dreg:$0x2] =	wrdreg s6  }
0xac: {  	[dreg:$0x3] =	wrdreg s7  }
0xad: {  	[dreg:$0x4] =	wrdreg $0xC0  }
0xae: {  	_ =	task [dreg:s10], $0x5FFFF  }
0xaf: {  	[dreg:$0x1] =	wrdreg $0xFFFFFFFF  }
0xb0: {  	[dreg:$0x0] =	wrdreg $0x60  }
0xb1: {  	[dreg:$0x2] =	wrdreg s2  }
0xb2: {  	[dreg:$0x3] =	wrdreg s19  }
0xb3: {  	[dreg:$0x4] =	wrdreg s4  }
0xb4: {  	[dreg:$0x5] =	wrdreg s5  }
0xb5: {  	[dreg:$0x6] =	wrdreg $0x9  }
0xb6: {  	_ =	task.clear_ibuf [dreg:s10], $0x7FFFF;
	_ =	strace $0x90000046  }
0xb7: {  	s29 =	simm.s32 $0x9;
	_ =	strace $0x80000048  }
0xb8: {  	_ =	swait.ge [sflag:s29], $0x1  }
0xb9: {  	[sflag:s29] =	ssyncadd.s32 $0xFFFFFFFF  }
0xba: {  	_ =	strace $0x90000048  }
0xbb: {  	_ =	sfence  }
0xbc: {  	s30 =	sld [smem:$0x0];
	_ =	sdelay $0x2  }
0xbd: {  	s31 =	sshll.u32 s1, $0xD;
	s1 =	sshrl.u32 s1, $0x2  }
0xbe: {  	s3 =	sand.u32 $0x4000, s31;
	s1 =	sadd.s32 s1, s30  }
0xbf: {  	s0 =	sor.u32 s3, s0;
	s1 =	sshll.u32 s1, $0x11  }
0xc0: {  	s0 =	sor.u32 s1, s0  }
0xc1: {  	s0 =	sadd.s32 $0x8F2B, s0  }
0xc2: {  	[sflag:s0] =	ssyncadd.remote.s32 $0x1  }
0xc3: {  	_ =	sfence.sel $0xFFFF  }
0xc4: {  	[dreg:$0x0] =	wrdreg $0xFFFFFFFF;
	(pc) =	sbr.abs _section_cstart, $3  }
0xc5: {  	[dreg:$0x1] =	wrdreg $0xFFFFFFFF  }
0xc6: {  	_ =	task.clear_ibuf [dreg:s10], $0x2FFFF;
	_ =	strace $0x9FFFFFFF  }
0xc7: {  	(tm) =	ssettm $0x7FFFFFFF  }
tec
execute0_lowered:
.L_overlay_start_1:
0x0: {  	(tag) =	ssettag $0x1  }
0x1: {  	v0 =	vimm.s32 $0xFC96300  }
0x2: {  	v1 =	vimm.s32 $0xDA7411;
	vm0 =	vcmask $0x1B00;
	v2 =	vimm.s32 $0x121B1815  }
0x3: {  	v3 =	vimm.s32 $0x1E272421;
	v4 =	vimm.s32 $0xEB8522;
	vm1 =	vcmask $0x1700  }
0x4: {  	vm2 =	vcmask $0x3728;
	v5 =	vimm.s32 $0x201D2623;
	v26 =	vimm.s32 $0x32A  }
0x5: {  	vm4 =	vcmask $0x700;
	vm7 =	vcmask $0xB08;
	vm8 =	vcmask $0xF0C  }
0x6: {  	vm6 =	vcmask $0x1310;
	vm5 =	vcmask $0x1714;
	vm3 =	vcmask $0x1B18  }
0x7: {  	v31 =	vimm.s32 $0x2FF;
	v33 =	vimm.s32 $0x32B;
	v34 =	vimm.s32 $0x32C  }
0x8: {  	vm13 =	vcmask $0x2320;
	vm14 =	vcmask $0x2724;
	vm15 =	vcmask $0x2B28  }
0x9: {  	v35 =	vimm.s32 $0x5FD;
	v36 =	vimm.s32 $0x5FE;
	v37 =	vimm.s32 $0x5FF  }
0xa: {  	v0 =	vunpack.c.l.s4.s8 v0;
	v1 =	vunpack.c.l.s4.s8 v1;
	v2 =	vunpack.c.0.s8.s32 v2  }
0xb: {  	v4 =	vunpack.c.l.s4.s8 v4;
	v27 =	vsel vm4, $0x300, v26;
	v33 =	vsel vm4, $0x301, v33  }
0xc: {  	v34 =	vsel vm4, $0x302, v34;
	v28 =	vsel vm7, $0x303, v27;
	v33 =	vsel vm7, $0x304, v33  }
0xd: {  	v34 =	vsel vm7, $0x305, v34;
	v0 =	vunpack.c.0.s8.s32 v0;
	v1 =	vunpack.c.0.s8.s32 v1  }
0xe: {  	v29 =	vsel vm8, $0x306, v28;
	v33 =	vsel vm8, $0x307, v33;
	v34 =	vsel vm8, $0x308, v34  }
0xf: {  	v30 =	vsel vm6, $0x309, v29;
	v29 =	vimm.s32 $0x2FD;
	v33 =	vsel vm6, $0x30A, v33  }
0x10: {  	v34 =	vsel vm6, $0x30B, v34;
	v0 =	vand.u32 $0xF, v0;
	v1 =	vand.u32 $0xF, v1  }
0x11: {  	v32 =	vsel vm5, $0x30C, v30;
	v30 =	vimm.s32 $0x2FE;
	v33 =	vsel vm5, $0x30D, v33  }
0x12: {  	v34 =	vsel vm5, $0x30E, v34;
	v0 =	vnsel vm0, $0x2A, v0;
	vm0 =	vcmask $0x2B1C  }
0x13: {  	v0 =	vsel vm0, v2, v0;
	v2 =	vunpack.c.0.s8.s32 v3;
	v3 =	vimm.s32 $0x13101916  }
0x14: {  	v1 =	vnsel vm1, $0x2B, v1;
	vm0 =	vcmask $0x3B2C;
	v3 =	vunpack.c.0.s8.s32 v3  }
0x15: {  	v32 =	vsel vm3, $0x30F, v32;
	v0 =	vsel vm0, v2, v0;
	vm0 =	vcmask $0x2718  }
0x16: {  	v2 =	vimm.s32 $0x1F1C2522;
	v1 =	vsel vm0, v3, v1;
	v3 =	vunpack.c.0.s8.s32 v4  }
0x17: {  	v33 =	vsel vm3, $0x310, v33;
	v2 =	vunpack.c.0.s8.s32 v2;
	v4 =	vimm.s32 $0x14111A17  }
0x18: {  	v34 =	vsel vm3, $0x311, v34;
	v4 =	vunpack.c.0.s8.s32 v4;
	v3 =	vand.u32 $0xF, v3  }
0x19: {  	vm3 =	vcmask $0x3330;
	v2 =	vsel vm2, v2, v1;
	v1 =	vnsel vm1, $0x2C, v3  }
0x1a: {  	v3 =	vunpack.c.0.s8.s32 v5;
	vm1 =	vcmask $0x3B38;
	v4 =	vsel vm0, v4, v1  }
0x1b: {  	v1 =	vlaneseq.u32;
	v2 =	vsel vm1, $0x28, v2;
	vm0 =	vcmask $0x3F04  }
0x1c: {  	v4 =	vsel vm2, v3, v4;
	v3 =	vmul.u32 $0x3, v1;
	vm2 =	vcmask $0x1F1C  }
0x1d: {  	v5 =	vadd.s32 $0x108, v1;
	v4 =	vsel vm1, $0x29, v4;
	v32 =	vsel vm2, $0x312, v32  }
0x1e: {  	v33 =	vsel vm2, $0x313, v33;
	v34 =	vsel vm2, $0x314, v34;
	vm2 =	vcmask $0x2F2C  }
0x1f: {  	s5 =	stileid.u32;
	v6 =	vadd.s32 $0x2D, v3;
	v7 =	vadd.s32 $0x2E, v3;
	v8 =	vadd.s32 $0x2F, v3  }
0x20: {  	s1 =	rddreg [dreg:$0x0];
	s0 =	srdreg.scid;
	v9 =	vadd.s32 $0x5D, v3;
	v10 =	vadd.s32 $0x5E, v3;
	v11 =	vadd.s32 $0x5F, v3  }
0x21: {  	s2 =	rddreg [dreg:$0x1];
	s8 =	simm.s32 $0x0;
	s14 =	simm.s32 $0x5;
	v12 =	vadd.s32 $0x8D, v3;
	v13 =	vadd.s32 $0x8E, v3;
	v14 =	vadd.s32 $0x8F, v3  }
0x22: {  	s15 =	simm.s32 $0xA800;
	s16 =	simm.s32 $0x6600;
	s17 =	simm.s32 $0x8700;
	v15 =	vadd.s32 $0xBD, v3;
	v16 =	vadd.s32 $0xBE, v3;
	v17 =	vadd.s32 $0xBF, v3  }
0x23: {  	s18 =	simm.s32 $0x6000;
	s19 =	simm.s32 $0x6300;
	s20 =	simm.s32 $0x1;
	v18 =	vadd.s32 $0xED, v3;
	v19 =	vadd.s32 $0xEE, v3;
	v20 =	vadd.s32 $0xEF, v3  }
0x24: {  	s21 =	simm.s32 $0x108;
	s22 =	simm.s32 $0x10908;
	s23 =	simm.s32 $0x2;
	v21 =	vadd.s32 $0x11D, v3;
	v22 =	vadd.s32 $0x11E, v3;
	v23 =	vadd.s32 $0x11F, v3  }
0x25: {  	s24 =	simm.s32 $0x4;
	s25 =	simm.s32 $0x3;
	s26 =	simm.s32 $0x0;
	v24 =	vadd.s32 $0x14D, v3;
	v25 =	vadd.s32 $0x14E, v3;
	v26 =	vadd.s32 $0x14F, v3  }
0x26: {  	s3 =	sshll.u32 s5, $0x1;
	s9 =	sshrl.u32 s5, $0x1;
	s5 =	rddreg [dreg:$0x3];
	v27 =	vadd.s32 $0x17D, v3;
	v28 =	vadd.s32 $0x17E, v3;
	v32 =	vsel vm13, $0x315, v32  }
0x27: {  	s0 =	sand.u32 $0x1, s0;
	[smem:$0x7FF] =	sst s8;
	s4 =	sand.u32 $0x2, s3;
	v33 =	vsel vm13, $0x316, v33;
	v34 =	vsel vm13, $0x317, v34;
	v32 =	vsel vm14, $0x318, v32  }
0x28: {  	s3 =	rddreg [dreg:$0x2];
	s10 =	smul.u32 $0x42420, s9;
	s4 =	sor.u32 s0, s4;
	v33 =	vsel vm14, $0x319, v33;
	v34 =	vsel vm14, $0x31A, v34;
	v32 =	vsel vm15, $0x31B, v32  }
0x29: {  	s7 =	sshll.u32 s9, $0x8;
	s13 =	smul.u32 $0x212100, s9;
	s6 =	sshll.u32 s4, $0x6;
	v33 =	vsel vm15, $0x31C, v33;
	v34 =	vsel vm15, $0x31D, v34;
	v32 =	vsel vm2, $0x31E, v32  }
0x2a: {  	_ =	strace $0x80000047;
	s0 =	ssub.s32 $0x2, s0;
	s7 =	sor.u32 s7, s6;
	v33 =	vsel vm2, $0x31F, v33;
	v34 =	vsel vm2, $0x320, v34;
	vm2 =	vcmask $0x3734  }
0x2b: {  	s12 =	sshrl.u32 s0, $0x1;
	s9 =	sadd.s32 s5, s10;
	s11 =	smul.u32 $0x60, s7;
	v32 =	vsel vm3, $0x321, v32;
	v33 =	vsel vm3, $0x322, v33;
	v34 =	vsel vm3, $0x323, v34  }
0x2c: {  	p0 =	sne.s32 s4, $0x0;
	s0 =	ssub.s32 s0, s12;
	s12 =	sor.u32 $0x2, s7;
	v32 =	vsel vm2, $0x324, v32;
	v33 =	vsel vm2, $0x325, v33;
	v34 =	vsel vm2, $0x326, v34  }
0x2d: {  	s10 =	sadd.s32 s1, s11;
	s11 =	sadd.s32 $0x108, s13;
	s13 =	smax.u32 s0, $0x1;
	v32 =	vsel vm1, $0x327, v32;
	v33 =	vsel vm1, $0x328, v33;
	v34 =	vsel vm1, $0x329, v34  }
.LBB2_1:
0x2e: {  	[tilespmem:s8], [sflag:$0x5] =	stream.linear.gather [hbm4b:s2+s8], $0x6000, $0x38;
	[tilespmem:$0xA820] =	vst v63  }
0x2f: {  	_ =	swait.ge [sflag:s14], $0x6000  }
0x30: {  	[sflag:s14] =	ssyncset.done $0x0  }
0x31: {  	v39 =	vmov s8;
	[sflag:s14] =	ssyncadd.s32 $0xFFFFA000  }
0x32: {  	[tilespmem:s15], [sflag:$0x5] =	stream.linear.gather [hbm4b:s3+s8], $0x20, $0x38;
	[tilespmem:$0xA820] =	vst v63  }
0x33: {  	_ =	swait.ge [sflag:s14], $0x20  }
0x34: {  	[sflag:s14] =	ssyncset.done $0x0  }
0x35: {  	[sflag:s14] =	ssyncadd.s32 $0xFFFFFFE0  }
0x36: {  	v38 =	vld.idx.msk [tilespmem:v39+s15+$0x0], $0xffff;
	_ =	sdelay $0x3  }
0x37: {  	s28 =	simm.s32 $0x6680  }
0x38: {  	[tilespmem:s28+$0xFFFFFF80] =	vst v38  }
0x39: {  	[tilespmem:s28+$0xFFFFFF90] =	vst v38  }
0x3a: {  	[tilespmem:s28+$0xFFFFFFA0] =	vst v38  }
0x3b: {  	[tilespmem:s28+$0xFFFFFFB0] =	vst v38  }
0x3c: {  	[tilespmem:s28+$0xFFFFFFC0] =	vst v38  }
0x3d: {  	[tilespmem:s28+$0xFFFFFFD0] =	vst v38  }
0x3e: {  	[tilespmem:s28+$0xFFFFFFE0] =	vst v38  }
0x3f: {  	[tilespmem:s28+$0xFFFFFFF0] =	vst v38  }
0x40: {  	[tilespmem:s28+$0x0] =	vst v38  }
0x41: {  	v39 =	vmul.u32 $0x108, v39;
	[tilespmem:s28+$0x10] =	vst v38  }
0x42: {  	[tilespmem:s28+$0x20] =	vst v38  }
0x43: {  	v39 =	vadd.s32 $0x100, v39;
	[tilespmem:s28+$0x30] =	vst v38  }
0x44: {  	[tilespmem:s28+$0x40] =	vst v38  }
0x45: {  	[tilespmem:s28+$0x50] =	vst v38  }
0x46: {  	[tilespmem:s28+$0x60] =	vst v38  }
0x47: {  	[tilespmem:s28+$0x70] =	vst v38  }
0x48: {  	s29 =	simm.s32 $0x8780;
	[tilespmem:v39+s16+$0x0] =	vst.idx.msk $0x1, v38  }
0x49: {  	[tilespmem:s29+$0xFFFFFF80] =	vst v38  }
0x4a: {  	[tilespmem:s29+$0xFFFFFF90] =	vst v38  }
0x4b: {  	[tilespmem:s29+$0xFFFFFFA0] =	vst v38  }
0x4c: {  	[tilespmem:s29+$0xFFFFFFB0] =	vst v38  }
0x4d: {  	[tilespmem:s29+$0xFFFFFFC0] =	vst v38  }
0x4e: {  	s30 =	simm.s32 $0x1;
	[tilespmem:s29+$0xFFFFFFD0] =	vst v38  }
.LBB2_2:
0x4f: {  	p1 =	sne.s32 s30, $0x1F;
	[tilespmem:s29+$0xFFFFFFE0] =	vst v38  }
0x50: {  	[tilespmem:s29+$0xFFFFFFF0] =	vst v38  }
0x51: {  	[tilespmem:s29+$0x0] =	vst v38  }
0x52: {  	[tilespmem:s29+$0x10] =	vst v38  }
0x53: {  	[tilespmem:s29+$0x20] =	vst v38  }
0x54: {  	[tilespmem:s29+$0x30] =	vst v38  }
0x55: {  	v40 =	vmov s30;
	[tilespmem:s29+$0x40] =	vst v38  }
0x56: {  	[tilespmem:s29+$0x50] =	vst v38  }
0x57: {  	[tilespmem:s29+$0x60] =	vst v38  }
0x58: {  	[tilespmem:s29+$0x70] =	vst v38  }
0x59: {  	[tilespmem:v39+s17+$0x0] =	vst.idx.msk $0x1, v38  }
0x5a: {  	v38 =	vld.idx.msk [tilespmem:v40+s15+$0x0], $0xffff;
	_ =	sdelay $0x4  }
0x5b: {  	s28 =	sadd.s32 $0x108, s28  }
0x5c: {  	[tilespmem:s28+$0xFFFFFF80] =	vst v38  }
0x5d: {  	[tilespmem:s28+$0xFFFFFF90] =	vst v38  }
0x5e: {  	[tilespmem:s28+$0xFFFFFFA0] =	vst v38  }
0x5f: {  	[tilespmem:s28+$0xFFFFFFB0] =	vst v38  }
0x60: {  	[tilespmem:s28+$0xFFFFFFC0] =	vst v38  }
0x61: {  	[tilespmem:s28+$0xFFFFFFD0] =	vst v38  }
0x62: {  	[tilespmem:s28+$0xFFFFFFE0] =	vst v38  }
0x63: {  	[tilespmem:s28+$0xFFFFFFF0] =	vst v38  }
0x64: {  	[tilespmem:s28+$0x0] =	vst v38  }
0x65: {  	v39 =	vmul.u32 $0x108, v40;
	[tilespmem:s28+$0x10] =	vst v38  }
0x66: {  	[tilespmem:s28+$0x20] =	vst v38  }
0x67: {  	v39 =	vadd.s32 $0x100, v39;
	[tilespmem:s28+$0x30] =	vst v38  }
0x68: {  	[tilespmem:s28+$0x40] =	vst v38  }
0x69: {  	[tilespmem:s28+$0x50] =	vst v38  }
0x6a: {  	[tilespmem:s28+$0x60] =	vst v38  }
0x6b: {  	[tilespmem:s28+$0x70] =	vst v38  }
0x6c: {  	s29 =	sadd.s32 $0x108, s29;
	[tilespmem:v39+s16+$0x0] =	vst.idx.msk $0x1, v38  }
0x6d: {  	[tilespmem:s29+$0xFFFFFF80] =	vst v38  }
.Ltmp0:
0x6e: {  	[tilespmem:s29+$0xFFFFFF90] =	vst v38;
	(pc) =	sbr.rel @p1 .LBB2_2-.Ltmp0, $4  }
0x6f: {  	[tilespmem:s29+$0xFFFFFFA0] =	vst v38  }
0x70: {  	[tilespmem:s29+$0xFFFFFFB0] =	vst v38  }
0x71: {  	[tilespmem:s29+$0xFFFFFFC0] =	vst v38  }
0x72: {  	s30 =	sadd.s32 $0x1, s30;
	[tilespmem:s29+$0xFFFFFFD0] =	vst v38  }
0x73: {  	[tilespmem:s29+$0xFFFFFFE0] =	vst v38  }
0x74: {  	[tilespmem:s29+$0xFFFFFFF0] =	vst v38  }
0x75: {  	[tilespmem:s29+$0x0] =	vst v38  }
0x76: {  	[tilespmem:s29+$0x10] =	vst v38  }
0x77: {  	[tilespmem:s29+$0x20] =	vst v38  }
0x78: {  	[tilespmem:s29+$0x30] =	vst v38  }
0x79: {  	[tilespmem:s29+$0x40] =	vst v38  }
0x7a: {  	[tilespmem:s29+$0x50] =	vst v38  }
0x7b: {  	[tilespmem:s29+$0x60] =	vst v38  }
0x7c: {  	[tilespmem:s29+$0x70] =	vst v38  }
0x7d: {  	s0 =	simm.s32 @!p0 $0x108;
	s4 =	simm.s32 @!p0 $0x10908;
	s28 =	simm.s32 @!p0 $0x6600;
	[tilespmem:v39+s17+$0x0] =	vst.idx.msk $0x1, v38  }
0x7e: {  	[hbm4b:s9+s0] =	stream.strided.scatter @!p0 [tilespmem:s28], [sflag:$0x5], $0x2100, s4, s0, $0x38;
	[tilespmem:$0xA820] =	vst v63  }
0x7f: {  	s0 =	simm.s32 @!p0 $0x5  }
0x80: {  	_ =	swait.ge @!p0 [sflag:s0], $0x2100  }
0x81: {  	[sflag:s0] =	ssyncset.done @!p0 $0x0  }
0x82: {  	s28 =	simm.s32 $0x0;
	[sflag:s0] =	ssyncadd.s32 @!p0 $0xFFFFDF00  }
0x83: {  	[tilespmem:s18], [sflag:$0x1] =	stream.linear.gather [hbm4b:s10+s28], $0x300, $0x38;
	[tilespmem:$0xA820] =	vst v63  }
.LBB2_4:
0x84: {  	s29 =	sshllo.u32 s28, $0x1  }
0x85: {  	s0 =	sadd.s32 s7, s29  }
0x86: {  	s0 =	smul.u32 $0x60, s0;
	_ =	sdelay $0x1  }
0x87: {  	s0 =	sadd.s32 s1, s0  }
0x88: {  	[tilespmem:s19], [sflag:$0x2] =	stream.linear.gather [hbm4b:s0+s8], $0x300, $0x38;
	[tilespmem:$0xA820] =	vst v63  }
0x89: {  	_ =	swait.ge [sflag:s20], $0x300  }
0x8a: {  	p1 =	seq.s32 s28, $0x0;
	[sflag:s20] =	ssyncset.done $0x0  }
0x8b: {  	s0 =	simm.s32 @!p1 $0x3;
	[sflag:s20] =	ssyncadd.s32 $0xFFFFFD00  }
0x8c: {  	_ =	swait.ge @!p1 [sflag:s0], $0x2100  }
0x8d: {  	[sflag:s0] =	ssyncset.done @!p1 $0x0  }
0x8e: {  	[sflag:s0] =	ssyncadd.s32 @!p1 $0xFFFFDF00  }
0x8f: {  	v38 =	vld.idx.msk [tilespmem:v2+s18+$0x0], $0xffff  }
0x90: {  	v39 =	vld.idx.msk [tilespmem:v0+s18+$0x0], $0xffff  }
0x91: {  	v41 =	vld.idx.msk [tilespmem:v4+s18+$0x0], $0xffff;
	_ =	sdelay $0x2  }
0x92: {  	v40 =	vshll.u32 v38, $0x4  }
0x93: {  	v43 =	vshll.u32 v39, $0x4  }
0x94: {  	v42 =	vshll.u32 v41, $0x4;
	_ =	sdelay $0x1  }
0x95: {  	s4 =	simm.s32 $0x0  }
0x96: {  	v44 =	vmov s4;
	v41 =	vld.idx.msk [tilespmem:v40+s8+$0x0], $0xffff  }
0x97: {  	s30 =	sshll.u32 s28, $0x1;
	s31 =	simm.s32 $0x1;
	s4 =	simm.s32 $0x0;
	v38 =	vor.u32 $0x1, v43;
	v39 =	vor.u32 $0x1, v40;
	v40 =	vor.u32 $0x1, v42;
	v43 =	vld.idx.msk [tilespmem:v43+s8+$0x0], $0xffff  }
.LBB2_5:
0x98: {  	p2 =	sne.s32 s31, $0xF;
	v42 =	vld.idx.msk [tilespmem:v42+s8+$0x0], $0xffff;
	v44 =	vmul.u32 $0x108, v44;
	_ =	sdelay $0x1  }
0x99: {  	v44 =	vbroadcast v44, $0x0;
	_ =	sdelay $0x1  }
0x9a: {  	v41 =	vadd.bf16 v41, v43;
	v43 =	vor.u32 v1, v44  }
0x9b: {  	v44 =	vadd.s32 v5, v44  }
0x9c: {  	v45 =	vadd.s32 s4, v39;
	v41 =	vadd.bf16 v42, v41  }
0x9d: {  	v46 =	vadd.s32 s4, v38  }
0x9e: {  	v47 =	vshll.u32 v41, $0x10;
	v41 =	vand.u32 $0xFFFF0000, v41  }
.Ltmp1:
0x9f: {  	v42 =	vadd.s32 s4, v40;
	s4 =	smov.u32 s31;
	[tilespmem:v43+s16+$0x0] =	vst.idx.msk vm0, v47;
	(pc) =	sbr.rel @p2 .LBB2_5-.Ltmp1, $4  }
0xa0: {  	[tilespmem:v44+s16+$0x0] =	vst.idx.msk vm0, v41  }
0xa1: {  	v41 =	vld.idx.msk [tilespmem:v45+s8+$0x0], $0xffff  }
0xa2: {  	s0 =	sshll.u32 s31, $0x1;
	v43 =	vld.idx.msk [tilespmem:v46+s8+$0x0], $0xffff  }
0xa3: {  	s31 =	sadd.s32 $0x1, s31;
	v44 =	vmov s0  }
0xa4: {  	_ =	sdelay $0x2  }
0xa5: {  	v38 =	vmul.u32 $0x108, v44  }
0xa6: {  	v39 =	vld.idx.msk [tilespmem:v42+s8+$0x0], $0xffff  }
0xa7: {  	v38 =	vbroadcast v38, $0x0;
	_ =	sdelay $0x1  }
0xa8: {  	v40 =	vadd.bf16 v41, v43;
	v58 =	vor.u32 v1, v38  }
0xa9: {  	v38 =	vadd.s32 v5, v38  }
0xaa: {  	v39 =	vadd.bf16 v39, v40;
	_ =	sdelay $0x1  }
0xab: {  	v40 =	vshll.u32 v39, $0x10  }
0xac: {  	v39 =	vand.u32 $0xFFFF0000, v39;
	[tilespmem:v58+s16+$0x0] =	vst.idx.msk vm0, v40  }
0xad: {  	[tilespmem:v38+s16+$0x0] =	vst.idx.msk vm0, v39  }
0xae: {  	v38 =	vld.idx.msk [tilespmem:v7+s18+$0x0], $0xffff  }
0xaf: {  	v39 =	vld.idx.msk [tilespmem:v6+s18+$0x0], $0xffff;
	_ =	sdelay $0x1  }
0xb0: {  	v40 =	vld.idx.msk [tilespmem:v8+s18+$0x0], $0xffff;
	_ =	sdelay $0x1  }
0xb1: {  	v38 =	vshll.u32 v38, $0x4  }
0xb2: {  	v39 =	vshll.u32 v39, $0x4;
	_ =	sdelay $0x1  }
0xb3: {  	v40 =	vshll.u32 v40, $0x4;
	_ =	sdelay $0x1  }
0xb4: {  	v41 =	vld.idx.msk [tilespmem:v38+s8+$0x0], $0xffff  }
0xb5: {  	v59 =	vld.idx.msk [tilespmem:v39+s8+$0x0], $0xffff;
	_ =	sdelay $0x1  }
0xb6: {  	v60 =	vld.idx.msk [tilespmem:v40+s8+$0x0], $0xffff;
	_ =	sdelay $0x2  }
0xb7: {  	v41 =	vadd.bf16 v41, v59;
	_ =	sdelay $0x1  }
0xb8: {  	s4 =	simm.s32 $0x0;
	v38 =	vor.u32 $0x1, v38;
	v41 =	vadd.bf16 v60, v41  }
0xb9: {  	v39 =	vor.u32 $0x1, v39;
	v40 =	vor.u32 $0x1, v40;
	v61 =	vadd.s32 s4, v38  }
0xba: {  	s31 =	simm.s32 $0x6718;
	v62 =	vadd.s32 s4, v39;
	v63 =	vshll.u32 v41, $0x10;
	v41 =	vand.u32 $0xFFFF0000, v41  }
0xbb: {  	[tilespmem:s31+$0x0] =	vst v41;
	v41 =	vadd.s32 s4, v40;
	_ =	sdelay $0x1  }
0xbc: {  	[tilespmem:s31+$0xFFFFFEF8] =	vst v63  }
0xbd: {  	v42 =	vld.idx.msk [tilespmem:v61+s8+$0x0], $0xffff  }
0xbe: {  	s0 =	simm.s32 $0x1;
	s4 =	simm.s32 $0x2;
	v43 =	vld.idx.msk [tilespmem:v62+s8+$0x0], $0xffff  }
.LBB2_7:
0xbf: {  	p2 =	sne.s32 s4, $0xF;
	v41 =	vld.idx.msk [tilespmem:v41+s8+$0x0], $0xffff;
	_ =	sdelay $0x4  }
0xc0: {  	v42 =	vadd.bf16 v42, v43;
	_ =	sdelay $0x1  }
0xc1: {  	v43 =	vadd.s32 s0, v38;
	v42 =	vadd.bf16 v41, v42  }
0xc2: {  	v44 =	vadd.s32 s0, v39  }
.Ltmp2:
0xc3: {  	s31 =	sadd.s32 $0x210, s31;
	v41 =	vadd.s32 s0, v40;
	s0 =	smov.u32 s4;
	v45 =	vshll.u32 v42, $0x10;
	v42 =	vand.u32 $0xFFFF0000, v42;
	(pc) =	sbr.rel @p2 .LBB2_7-.Ltmp2, $4  }
0xc4: {  	[tilespmem:s31+$0xFFFFFEF8] =	vst v45  }
0xc5: {  	[tilespmem:s31+$0x0] =	vst v42  }
0xc6: {  	v42 =	vld.idx.msk [tilespmem:v43+s8+$0x0], $0xffff  }
0xc7: {  	s4 =	sadd.s32 $0x1, s4;
	v43 =	vld.idx.msk [tilespmem:v44+s8+$0x0], $0xffff  }
0xc8: {  	_ =	sdelay $0x3  }
0xc9: {  	v38 =	vld.idx.msk [tilespmem:v41+s8+$0x0], $0xffff;
	_ =	sdelay $0x2  }
0xca: {  	v39 =	vadd.bf16 v42, v43;
	_ =	sdelay $0x1  }
0xcb: {  	v38 =	vadd.bf16 v38, v39;
	_ =	sdelay $0x1  }
0xcc: {  	s0 =	sadd.s32 $0x210, s31;
	v39 =	vshll.u32 v38, $0x10  }
0xcd: {  	v38 =	vand.u32 $0xFFFF0000, v38;
	[tilespmem:s0+$0xFFFFFEF8] =	vst v39  }
0xce: {  	[tilespmem:s0+$0x0] =	vst v38  }
0xcf: {  	v38 =	vld.idx.msk [tilespmem:v10+s18+$0x0], $0xffff  }
0xd0: {  	v39 =	vld.idx.msk [tilespmem:v9+s18+$0x0], $0xffff;
	_ =	sdelay $0x1  }
0xd1: {  	v40 =	vld.idx.msk [tilespmem:v11+s18+$0x0], $0xffff;
	_ =	sdelay $0x1  }
0xd2: {  	v38 =	vshll.u32 v38, $0x4  }
0xd3: {  	v39 =	vshll.u32 v39, $0x4;
	_ =	sdelay $0x1  }
0xd4: {  	v40 =	vshll.u32 v40, $0x4;
	_ =	sdelay $0x1  }
0xd5: {  	v59 =	vld.idx.msk [tilespmem:v38+s8+$0x0], $0xffff  }
0xd6: {  	v60 =	vld.idx.msk [tilespmem:v39+s8+$0x0], $0xffff;
	_ =	sdelay $0x1  }
0xd7: {  	v61 =	vld.idx.msk [tilespmem:v40+s8+$0x0], $0xffff;
	_ =	sdelay $0x2  }
0xd8: {  	v41 =	vadd.bf16 v59, v60;
	_ =	sdelay $0x1  }
0xd9: {  	s4 =	simm.s32 $0x0;
	v38 =	vor.u32 $0x1, v38;
	v41 =	vadd.bf16 v61, v41  }
0xda: {  	v39 =	vor.u32 $0x1, v39;
	v40 =	vor.u32 $0x1, v40;
	v62 =	vadd.s32 s4, v38  }
0xdb: {  	s31 =	simm.s32 $0x6728;
	v63 =	vadd.s32 s4, v39;
	v44 =	vshll.u32 v41, $0x10;
	v41 =	vand.u32 $0xFFFF0000, v41  }
0xdc: {  	[tilespmem:s31+$0x0] =	vst v41;
	v41 =	vadd.s32 s4, v40;
	_ =	sdelay $0x1  }
0xdd: {  	[tilespmem:s31+$0xFFFFFEF8] =	vst v44  }
0xde: {  	v42 =	vld.idx.msk [tilespmem:v62+s8+$0x0], $0xffff  }
0xdf: {  	s0 =	simm.s32 $0x1;
	s4 =	simm.s32 $0x2;
	v43 =	vld.idx.msk [tilespmem:v63+s8+$0x0], $0xffff  }
.LBB2_9:
0xe0: {  	p2 =	sne.s32 s4, $0xF;
	v41 =	vld.idx.msk [tilespmem:v41+s8+$0x0], $0xffff;
	_ =	sdelay $0x4  }
0xe1: {  	v42 =	vadd.bf16 v42, v43;
	_ =	sdelay $0x1  }
0xe2: {  	v43 =	vadd.s32 s0, v38;
	v42 =	vadd.bf16 v41, v42  }
0xe3: {  	v44 =	vadd.s32 s0, v39  }
.Ltmp3:
0xe4: {  	s31 =	sadd.s32 $0x210, s31;
	v41 =	vadd.s32 s0, v40;
	s0 =	smov.u32 s4;
	v45 =	vshll.u32 v42, $0x10;
	v42 =	vand.u32 $0xFFFF0000, v42;
	(pc) =	sbr.rel @p2 .LBB2_9-.Ltmp3, $4  }
0xe5: {  	[tilespmem:s31+$0xFFFFFEF8] =	vst v45  }
0xe6: {  	[tilespmem:s31+$0x0] =	vst v42  }
0xe7: {  	v42 =	vld.idx.msk [tilespmem:v43+s8+$0x0], $0xffff  }
0xe8: {  	s4 =	sadd.s32 $0x1, s4;
	v43 =	vld.idx.msk [tilespmem:v44+s8+$0x0], $0xffff  }
0xe9: {  	_ =	sdelay $0x3  }
0xea: {  	v38 =	vld.idx.msk [tilespmem:v41+s8+$0x0], $0xffff;
	_ =	sdelay $0x2  }
0xeb: {  	v39 =	vadd.bf16 v42, v43;
	_ =	sdelay $0x1  }
0xec: {  	v38 =	vadd.bf16 v38, v39;
	_ =	sdelay $0x1  }
0xed: {  	s0 =	sadd.s32 $0x210, s31;
	v39 =	vshll.u32 v38, $0x10  }
0xee: {  	v38 =	vand.u32 $0xFFFF0000, v38;
	[tilespmem:s0+$0xFFFFFEF8] =	vst v39  }
0xef: {  	[tilespmem:s0+$0x0] =	vst v38  }
0xf0: {  	v38 =	vld.idx.msk [tilespmem:v13+s18+$0x0], $0xffff  }
0xf1: {  	v39 =	vld.idx.msk [tilespmem:v12+s18+$0x0], $0xffff;
	_ =	sdelay $0x1  }
0xf2: {  	v40 =	vld.idx.msk [tilespmem:v14+s18+$0x0], $0xffff;
	_ =	sdelay $0x1  }
0xf3: {  	v38 =	vshll.u32 v38, $0x4  }
0xf4: {  	v39 =	vshll.u32 v39, $0x4;
	_ =	sdelay $0x1  }
0xf5: {  	v40 =	vshll.u32 v40, $0x4;
	_ =	sdelay $0x1  }
0xf6: {  	v59 =	vld.idx.msk [tilespmem:v38+s8+$0x0], $0xffff  }
0xf7: {  	v60 =	vld.idx.msk [tilespmem:v39+s8+$0x0], $0xffff;
	_ =	sdelay $0x1  }
0xf8: {  	v61 =	vld.idx.msk [tilespmem:v40+s8+$0x0], $0xffff;
	_ =	sdelay $0x2  }
0xf9: {  	v41 =	vadd.bf16 v59, v60;
	_ =	sdelay $0x1  }
0xfa: {  	s4 =	simm.s32 $0x0;
	v38 =	vor.u32 $0x1, v38;
	v41 =	vadd.bf16 v61, v41  }
0xfb: {  	v39 =	vor.u32 $0x1, v39;
	v40 =	vor.u32 $0x1, v40;
	v62 =	vadd.s32 s4, v38  }
0xfc: {  	s31 =	simm.s32 $0x6738;
	v63 =	vadd.s32 s4, v39;
	v44 =	vshll.u32 v41, $0x10;
	v41 =	vand.u32 $0xFFFF0000, v41  }
0xfd: {  	[tilespmem:s31+$0x0] =	vst v41;
	v41 =	vadd.s32 s4, v40;
	_ =	sdelay $0x1  }
0xfe: {  	[tilespmem:s31+$0xFFFFFEF8] =	vst v44  }
0xff: {  	v42 =	vld.idx.msk [tilespmem:v62+s8+$0x0], $0xffff  }
0x100: {  	s0 =	simm.s32 $0x1;
	s4 =	simm.s32 $0x2;
	v43 =	vld.idx.msk [tilespmem:v63+s8+$0x0], $0xffff  }
.LBB2_11:
0x101: {  	p2 =	sne.s32 s4, $0xF;
	v41 =	vld.idx.msk [tilespmem:v41+s8+$0x0], $0xffff;
	_ =	sdelay $0x4  }
0x102: {  	v42 =	vadd.bf16 v42, v43;
	_ =	sdelay $0x1  }
0x103: {  	v43 =	vadd.s32 s0, v38;
	v42 =	vadd.bf16 v41, v42  }
0x104: {  	v44 =	vadd.s32 s0, v39  }
.Ltmp4:
0x105: {  	s31 =	sadd.s32 $0x210, s31;
	v41 =	vadd.s32 s0, v40;
	s0 =	smov.u32 s4;
	v45 =	vshll.u32 v42, $0x10;
	v42 =	vand.u32 $0xFFFF0000, v42;
	(pc) =	sbr.rel @p2 .LBB2_11-.Ltmp4, $4  }
0x106: {  	[tilespmem:s31+$0xFFFFFEF8] =	vst v45  }
0x107: {  	[tilespmem:s31+$0x0] =	vst v42  }
0x108: {  	v42 =	vld.idx.msk [tilespmem:v43+s8+$0x0], $0xffff  }
0x109: {  	s4 =	sadd.s32 $0x1, s4;
	v43 =	vld.idx.msk [tilespmem:v44+s8+$0x0], $0xffff  }
0x10a: {  	_ =	sdelay $0x3  }
0x10b: {  	v38 =	vld.idx.msk [tilespmem:v41+s8+$0x0], $0xffff;
	_ =	sdelay $0x2  }
0x10c: {  	v39 =	vadd.bf16 v42, v43;
	_ =	sdelay $0x1  }
0x10d: {  	v38 =	vadd.bf16 v38, v39;
	_ =	sdelay $0x1  }
0x10e: {  	s0 =	sadd.s32 $0x210, s31;
	v39 =	vshll.u32 v38, $0x10  }
0x10f: {  	v38 =	vand.u32 $0xFFFF0000, v38;
	[tilespmem:s0+$0xFFFFFEF8] =	vst v39  }
0x110: {  	[tilespmem:s0+$0x0] =	vst v38  }
0x111: {  	v38 =	vld.idx.msk [tilespmem:v16+s18+$0x0], $0xffff  }
0x112: {  	v39 =	vld.idx.msk [tilespmem:v15+s18+$0x0], $0xffff;
	_ =	sdelay $0x1  }
0x113: {  	v40 =	vld.idx.msk [tilespmem:v17+s18+$0x0], $0xffff;
	_ =	sdelay $0x1  }
0x114: {  	v38 =	vshll.u32 v38, $0x4  }
0x115: {  	v39 =	vshll.u32 v39, $0x4;
	_ =	sdelay $0x1  }
0x116: {  	v40 =	vshll.u32 v40, $0x4;
	_ =	sdelay $0x1  }
0x117: {  	v59 =	vld.idx.msk [tilespmem:v38+s8+$0x0], $0xffff  }
0x118: {  	v60 =	vld.idx.msk [tilespmem:v39+s8+$0x0], $0xffff;
	_ =	sdelay $0x1  }
0x119: {  	v61 =	vld.idx.msk [tilespmem:v40+s8+$0x0], $0xffff;
	_ =	sdelay $0x2  }
0x11a: {  	v41 =	vadd.bf16 v59, v60;
	_ =	sdelay $0x1  }
0x11b: {  	s4 =	simm.s32 $0x0;
	v38 =	vor.u32 $0x1, v38;
	v41 =	vadd.bf16 v61, v41  }
0x11c: {  	v39 =	vor.u32 $0x1, v39;
	v40 =	vor.u32 $0x1, v40;
	v62 =	vadd.s32 s4, v38  }
0x11d: {  	s31 =	simm.s32 $0x6748;
	v63 =	vadd.s32 s4, v39;
	v44 =	vshll.u32 v41, $0x10;
	v41 =	vand.u32 $0xFFFF0000, v41  }
0x11e: {  	[tilespmem:s31+$0x0] =	vst v41;
	v41 =	vadd.s32 s4, v40;
	_ =	sdelay $0x1  }
0x11f: {  	[tilespmem:s31+$0xFFFFFEF8] =	vst v44  }
0x120: {  	v42 =	vld.idx.msk [tilespmem:v62+s8+$0x0], $0xffff  }
0x121: {  	s0 =	simm.s32 $0x1;
	s4 =	simm.s32 $0x2;
	v43 =	vld.idx.msk [tilespmem:v63+s8+$0x0], $0xffff  }
.LBB2_13:
0x122: {  	p2 =	sne.s32 s4, $0xF;
	v41 =	vld.idx.msk [tilespmem:v41+s8+$0x0], $0xffff;
	_ =	sdelay $0x4  }
0x123: {  	v42 =	vadd.bf16 v42, v43;
	_ =	sdelay $0x1  }
0x124: {  	v43 =	vadd.s32 s0, v38;
	v42 =	vadd.bf16 v41, v42  }
0x125: {  	v44 =	vadd.s32 s0, v39  }
.Ltmp5:
0x126: {  	s31 =	sadd.s32 $0x210, s31;
	v41 =	vadd.s32 s0, v40;
	s0 =	smov.u32 s4;
	v45 =	vshll.u32 v42, $0x10;
	v42 =	vand.u32 $0xFFFF0000, v42;
	(pc) =	sbr.rel @p2 .LBB2_13-.Ltmp5, $4  }
0x127: {  	[tilespmem:s31+$0xFFFFFEF8] =	vst v45  }
0x128: {  	[tilespmem:s31+$0x0] =	vst v42  }
0x129: {  	v42 =	vld.idx.msk [tilespmem:v43+s8+$0x0], $0xffff  }
0x12a: {  	s4 =	sadd.s32 $0x1, s4;
	v43 =	vld.idx.msk [tilespmem:v44+s8+$0x0], $0xffff  }
0x12b: {  	_ =	sdelay $0x3  }
0x12c: {  	v38 =	vld.idx.msk [tilespmem:v41+s8+$0x0], $0xffff;
	_ =	sdelay $0x2  }
0x12d: {  	v39 =	vadd.bf16 v42, v43;
	_ =	sdelay $0x1  }
0x12e: {  	v38 =	vadd.bf16 v38, v39;
	_ =	sdelay $0x1  }
0x12f: {  	s0 =	sadd.s32 $0x210, s31;
	v39 =	vshll.u32 v38, $0x10  }
0x130: {  	v38 =	vand.u32 $0xFFFF0000, v38;
	[tilespmem:s0+$0xFFFFFEF8] =	vst v39  }
0x131: {  	[tilespmem:s0+$0x0] =	vst v38  }
0x132: {  	v38 =	vld.idx.msk [tilespmem:v19+s18+$0x0], $0xffff  }
0x133: {  	v39 =	vld.idx.msk [tilespmem:v18+s18+$0x0], $0xffff;
	_ =	sdelay $0x1  }
0x134: {  	v40 =	vld.idx.msk [tilespmem:v20+s18+$0x0], $0xffff;
	_ =	sdelay $0x1  }
0x135: {  	v38 =	vshll.u32 v38, $0x4  }
0x136: {  	v39 =	vshll.u32 v39, $0x4;
	_ =	sdelay $0x1  }
0x137: {  	v40 =	vshll.u32 v40, $0x4;
	_ =	sdelay $0x1  }
0x138: {  	v59 =	vld.idx.msk [tilespmem:v38+s8+$0x0], $0xffff  }
0x139: {  	v60 =	vld.idx.msk [tilespmem:v39+s8+$0x0], $0xffff;
	_ =	sdelay $0x1  }
0x13a: {  	v61 =	vld.idx.msk [tilespmem:v40+s8+$0x0], $0xffff;
	_ =	sdelay $0x2  }
0x13b: {  	v41 =	vadd.bf16 v59, v60;
	_ =	sdelay $0x1  }
0x13c: {  	s4 =	simm.s32 $0x0;
	v38 =	vor.u32 $0x1, v38;
	v41 =	vadd.bf16 v61, v41  }
0x13d: {  	v39 =	vor.u32 $0x1, v39;
	v40 =	vor.u32 $0x1, v40;
	v62 =	vadd.s32 s4, v38  }
0x13e: {  	s31 =	simm.s32 $0x6758;
	v63 =	vadd.s32 s4, v39;
	v44 =	vshll.u32 v41, $0x10;
	v41 =	vand.u32 $0xFFFF0000, v41  }
0x13f: {  	[tilespmem:s31+$0x0] =	vst v41;
	v41 =	vadd.s32 s4, v40;
	_ =	sdelay $0x1  }
0x140: {  	[tilespmem:s31+$0xFFFFFEF8] =	vst v44  }
0x141: {  	v42 =	vld.idx.msk [tilespmem:v62+s8+$0x0], $0xffff  }
0x142: {  	s0 =	simm.s32 $0x1;
	s4 =	simm.s32 $0x2;
	v43 =	vld.idx.msk [tilespmem:v63+s8+$0x0], $0xffff  }
.LBB2_15:
0x143: {  	p2 =	sne.s32 s4, $0xF;
	v41 =	vld.idx.msk [tilespmem:v41+s8+$0x0], $0xffff;
	_ =	sdelay $0x4  }
0x144: {  	v42 =	vadd.bf16 v42, v43;
	_ =	sdelay $0x1  }
0x145: {  	v43 =	vadd.s32 s0, v38;
	v42 =	vadd.bf16 v41, v42  }
0x146: {  	v44 =	vadd.s32 s0, v39  }
.Ltmp6:
0x147: {  	s31 =	sadd.s32 $0x210, s31;
	v41 =	vadd.s32 s0, v40;
	s0 =	smov.u32 s4;
	v45 =	vshll.u32 v42, $0x10;
	v42 =	vand.u32 $0xFFFF0000, v42;
	(pc) =	sbr.rel @p2 .LBB2_15-.Ltmp6, $4  }
0x148: {  	[tilespmem:s31+$0xFFFFFEF8] =	vst v45  }
0x149: {  	[tilespmem:s31+$0x0] =	vst v42  }
0x14a: {  	v42 =	vld.idx.msk [tilespmem:v43+s8+$0x0], $0xffff  }
0x14b: {  	s4 =	sadd.s32 $0x1, s4;
	v43 =	vld.idx.msk [tilespmem:v44+s8+$0x0], $0xffff  }
0x14c: {  	_ =	sdelay $0x3  }
0x14d: {  	v38 =	vld.idx.msk [tilespmem:v41+s8+$0x0], $0xffff;
	_ =	sdelay $0x2  }
0x14e: {  	v39 =	vadd.bf16 v42, v43;
	_ =	sdelay $0x1  }
0x14f: {  	v38 =	vadd.bf16 v38, v39;
	_ =	sdelay $0x1  }
0x150: {  	s0 =	sadd.s32 $0x210, s31;
	v39 =	vshll.u32 v38, $0x10  }
0x151: {  	v38 =	vand.u32 $0xFFFF0000, v38;
	[tilespmem:s0+$0xFFFFFEF8] =	vst v39  }
0x152: {  	[tilespmem:s0+$0x0] =	vst v38  }
0x153: {  	v38 =	vld.idx.msk [tilespmem:v22+s18+$0x0], $0xffff  }
0x154: {  	v39 =	vld.idx.msk [tilespmem:v21+s18+$0x0], $0xffff;
	_ =	sdelay $0x1  }
0x155: {  	v40 =	vld.idx.msk [tilespmem:v23+s18+$0x0], $0xffff;
	_ =	sdelay $0x1  }
0x156: {  	v38 =	vshll.u32 v38, $0x4  }
0x157: {  	v39 =	vshll.u32 v39, $0x4;
	_ =	sdelay $0x1  }
0x158: {  	v40 =	vshll.u32 v40, $0x4;
	_ =	sdelay $0x1  }
0x159: {  	v59 =	vld.idx.msk [tilespmem:v38+s8+$0x0], $0xffff  }
0x15a: {  	v60 =	vld.idx.msk [tilespmem:v39+s8+$0x0], $0xffff;
	_ =	sdelay $0x1  }
0x15b: {  	v61 =	vld.idx.msk [tilespmem:v40+s8+$0x0], $0xffff;
	_ =	sdelay $0x2  }
0x15c: {  	v41 =	vadd.bf16 v59, v60;
	_ =	sdelay $0x1  }
0x15d: {  	s4 =	simm.s32 $0x0;
	v38 =	vor.u32 $0x1, v38;
	v41 =	vadd.bf16 v61, v41  }
0x15e: {  	v39 =	vor.u32 $0x1, v39;
	v40 =	vor.u32 $0x1, v40;
	v62 =	vadd.s32 s4, v38  }
0x15f: {  	s31 =	simm.s32 $0x6768;
	v63 =	vadd.s32 s4, v39;
	v44 =	vshll.u32 v41, $0x10;
	v41 =	vand.u32 $0xFFFF0000, v41  }
0x160: {  	[tilespmem:s31+$0x0] =	vst v41;
	v41 =	vadd.s32 s4, v40;
	_ =	sdelay $0x1  }
0x161: {  	[tilespmem:s31+$0xFFFFFEF8] =	vst v44  }
0x162: {  	v42 =	vld.idx.msk [tilespmem:v62+s8+$0x0], $0xffff  }
0x163: {  	s0 =	simm.s32 $0x1;
	s4 =	simm.s32 $0x2;
	v43 =	vld.idx.msk [tilespmem:v63+s8+$0x0], $0xffff  }
.LBB2_17:
0x164: {  	p2 =	sne.s32 s4, $0xF;
	v41 =	vld.idx.msk [tilespmem:v41+s8+$0x0], $0xffff;
	_ =	sdelay $0x4  }
0x165: {  	v42 =	vadd.bf16 v42, v43;
	_ =	sdelay $0x1  }
0x166: {  	v43 =	vadd.s32 s0, v38;
	v42 =	vadd.bf16 v41, v42  }
0x167: {  	v44 =	vadd.s32 s0, v39  }
.Ltmp7:
0x168: {  	s31 =	sadd.s32 $0x210, s31;
	v41 =	vadd.s32 s0, v40;
	s0 =	smov.u32 s4;
	v45 =	vshll.u32 v42, $0x10;
	v42 =	vand.u32 $0xFFFF0000, v42;
	(pc) =	sbr.rel @p2 .LBB2_17-.Ltmp7, $4  }
0x169: {  	[tilespmem:s31+$0xFFFFFEF8] =	vst v45  }
0x16a: {  	[tilespmem:s31+$0x0] =	vst v42  }
0x16b: {  	v42 =	vld.idx.msk [tilespmem:v43+s8+$0x0], $0xffff  }
0x16c: {  	s4 =	sadd.s32 $0x1, s4;
	v43 =	vld.idx.msk [tilespmem:v44+s8+$0x0], $0xffff  }
0x16d: {  	_ =	sdelay $0x3  }
0x16e: {  	v38 =	vld.idx.msk [tilespmem:v41+s8+$0x0], $0xffff;
	_ =	sdelay $0x2  }
0x16f: {  	v39 =	vadd.bf16 v42, v43;
	_ =	sdelay $0x1  }
0x170: {  	v38 =	vadd.bf16 v38, v39;
	_ =	sdelay $0x1  }
0x171: {  	s0 =	sadd.s32 $0x210, s31;
	v39 =	vshll.u32 v38, $0x10  }
0x172: {  	v38 =	vand.u32 $0xFFFF0000, v38;
	[tilespmem:s0+$0xFFFFFEF8] =	vst v39  }
0x173: {  	[tilespmem:s0+$0x0] =	vst v38  }
0x174: {  	v38 =	vld.idx.msk [tilespmem:v25+s18+$0x0], $0xffff  }
0x175: {  	v39 =	vld.idx.msk [tilespmem:v24+s18+$0x0], $0xffff;
	_ =	sdelay $0x1  }
0x176: {  	v40 =	vld.idx.msk [tilespmem:v26+s18+$0x0], $0xffff;
	_ =	sdelay $0x1  }
0x177: {  	v38 =	vshll.u32 v38, $0x4  }
0x178: {  	v39 =	vshll.u32 v39, $0x4;
	_ =	sdelay $0x1  }
0x179: {  	v40 =	vshll.u32 v40, $0x4;
	_ =	sdelay $0x1  }
0x17a: {  	v59 =	vld.idx.msk [tilespmem:v38+s8+$0x0], $0xffff  }
0x17b: {  	v60 =	vld.idx.msk [tilespmem:v39+s8+$0x0], $0xffff;
	_ =	sdelay $0x1  }
0x17c: {  	v61 =	vld.idx.msk [tilespmem:v40+s8+$0x0], $0xffff;
	_ =	sdelay $0x2  }
0x17d: {  	v41 =	vadd.bf16 v59, v60;
	_ =	sdelay $0x1  }
0x17e: {  	s4 =	simm.s32 $0x0;
	v38 =	vor.u32 $0x1, v38;
	v41 =	vadd.bf16 v61, v41  }
0x17f: {  	v39 =	vor.u32 $0x1, v39;
	v40 =	vor.u32 $0x1, v40;
	v62 =	vadd.s32 s4, v38  }
0x180: {  	s31 =	simm.s32 $0x6778;
	v63 =	vadd.s32 s4, v39;
	v44 =	vshll.u32 v41, $0x10;
	v41 =	vand.u32 $0xFFFF0000, v41  }
0x181: {  	[tilespmem:s31+$0x0] =	vst v41;
	v41 =	vadd.s32 s4, v40;
	_ =	sdelay $0x1  }
0x182: {  	[tilespmem:s31+$0xFFFFFEF8] =	vst v44  }
0x183: {  	v42 =	vld.idx.msk [tilespmem:v62+s8+$0x0], $0xffff  }
0x184: {  	s0 =	simm.s32 $0x1;
	s4 =	simm.s32 $0x2;
	v43 =	vld.idx.msk [tilespmem:v63+s8+$0x0], $0xffff  }
.LBB2_19:
0x185: {  	p2 =	sne.s32 s4, $0xF;
	v41 =	vld.idx.msk [tilespmem:v41+s8+$0x0], $0xffff;
	_ =	sdelay $0x4  }
0x186: {  	v42 =	vadd.bf16 v42, v43;
	_ =	sdelay $0x1  }
0x187: {  	v43 =	vadd.s32 s0, v38;
	v42 =	vadd.bf16 v41, v42  }
0x188: {  	v44 =	vadd.s32 s0, v39  }
.Ltmp8:
0x189: {  	s31 =	sadd.s32 $0x210, s31;
	v41 =	vadd.s32 s0, v40;
	s0 =	smov.u32 s4;
	v45 =	vshll.u32 v42, $0x10;
	v42 =	vand.u32 $0xFFFF0000, v42;
	(pc) =	sbr.rel @p2 .LBB2_19-.Ltmp8, $4  }
0x18a: {  	[tilespmem:s31+$0xFFFFFEF8] =	vst v45  }
0x18b: {  	[tilespmem:s31+$0x0] =	vst v42  }
0x18c: {  	v42 =	vld.idx.msk [tilespmem:v43+s8+$0x0], $0xffff  }
0x18d: {  	s4 =	sadd.s32 $0x1, s4;
	v43 =	vld.idx.msk [tilespmem:v44+s8+$0x0], $0xffff  }
0x18e: {  	_ =	sdelay $0x3  }
0x18f: {  	v38 =	vld.idx.msk [tilespmem:v41+s8+$0x0], $0xffff;
	_ =	sdelay $0x2  }
0x190: {  	v39 =	vadd.bf16 v42, v43;
	_ =	sdelay $0x1  }
0x191: {  	v38 =	vadd.bf16 v38, v39;
	_ =	sdelay $0x1  }
0x192: {  	s0 =	sadd.s32 $0x210, s31;
	v39 =	vshll.u32 v38, $0x10  }
0x193: {  	v57 =	vadd.s32 $0x17F, v3;
	v38 =	vand.u32 $0xFFFF0000, v38;
	[tilespmem:s0+$0xFFFFFEF8] =	vst v39  }
0x194: {  	[tilespmem:s0+$0x0] =	vst v38  }
0x195: {  	v38 =	vld.idx.msk [tilespmem:v28+s18+$0x0], $0xffff  }
0x196: {  	v40 =	vld.idx.msk [tilespmem:v27+s18+$0x0], $0xffff;
	_ =	sdelay $0x1  }
0x197: {  	v39 =	vld.idx.msk [tilespmem:v57+s18+$0x0], $0xffff;
	_ =	sdelay $0x1  }
0x198: {  	v38 =	vshll.u32 v38, $0x4  }
0x199: {  	v40 =	vshll.u32 v40, $0x4;
	_ =	sdelay $0x1  }
0x19a: {  	v58 =	vshll.u32 v39, $0x4;
	_ =	sdelay $0x1  }
0x19b: {  	v59 =	vld.idx.msk [tilespmem:v38+s8+$0x0], $0xffff  }
0x19c: {  	v60 =	vld.idx.msk [tilespmem:v40+s8+$0x0], $0xffff;
	_ =	sdelay $0x1  }
0x19d: {  	v61 =	vld.idx.msk [tilespmem:v58+s8+$0x0], $0xffff;
	_ =	sdelay $0x2  }
0x19e: {  	v42 =	vadd.bf16 v59, v60;
	_ =	sdelay $0x1  }
0x19f: {  	v62 =	vadd.bf16 v61, v42  }
0x1a0: {  	s4 =	simm.s32 $0x0;
	v38 =	vor.u32 $0x1, v38  }
0x1a1: {  	s31 =	simm.s32 $0x6788;
	v39 =	vor.u32 $0x1, v40;
	v44 =	vadd.s32 s4, v38;
	v40 =	vand.u32 $0xFFFF0000, v62  }
0x1a2: {  	v63 =	vadd.s32 s4, v39;
	[tilespmem:s31+$0x0] =	vst v40;
	v40 =	vor.u32 $0x1, v58  }
0x1a3: {  	v41 =	vadd.s32 s4, v40  }
0x1a4: {  	v42 =	vshll.u32 v62, $0x10  }
0x1a5: {  	[tilespmem:s31+$0xFFFFFEF8] =	vst v42  }
0x1a6: {  	v42 =	vld.idx.msk [tilespmem:v44+s8+$0x0], $0xffff  }
0x1a7: {  	s0 =	simm.s32 $0x1;
	v43 =	vld.idx.msk [tilespmem:v63+s8+$0x0], $0xffff;
	s4 =	simm.s32 $0x2  }
.LBB2_21:
0x1a8: {  	p2 =	sne.s32 s4, $0xF;
	v41 =	vld.idx.msk [tilespmem:v41+s8+$0x0], $0xffff;
	_ =	sdelay $0x4  }
0x1a9: {  	v42 =	vadd.bf16 v42, v43;
	_ =	sdelay $0x1  }
0x1aa: {  	v43 =	vadd.s32 s0, v38;
	v42 =	vadd.bf16 v41, v42  }
0x1ab: {  	v44 =	vadd.s32 s0, v39  }
.Ltmp9:
0x1ac: {  	s31 =	sadd.s32 $0x210, s31;
	v41 =	vadd.s32 s0, v40;
	s0 =	smov.u32 s4;
	v45 =	vshll.u32 v42, $0x10;
	v42 =	vand.u32 $0xFFFF0000, v42;
	(pc) =	sbr.rel @p2 .LBB2_21-.Ltmp9, $4  }
0x1ad: {  	[tilespmem:s31+$0xFFFFFEF8] =	vst v45  }
0x1ae: {  	[tilespmem:s31+$0x0] =	vst v42  }
0x1af: {  	v42 =	vld.idx.msk [tilespmem:v43+s8+$0x0], $0xffff  }
0x1b0: {  	s4 =	sadd.s32 $0x1, s4;
	v43 =	vld.idx.msk [tilespmem:v44+s8+$0x0], $0xffff  }
0x1b1: {  	_ =	sdelay $0x3  }
0x1b2: {  	v38 =	vld.idx.msk [tilespmem:v41+s8+$0x0], $0xffff;
	_ =	sdelay $0x2  }
0x1b3: {  	v39 =	vadd.bf16 v42, v43;
	_ =	sdelay $0x1  }
0x1b4: {  	v54 =	vadd.s32 $0x1AE, v3;
	v38 =	vadd.bf16 v38, v39  }
0x1b5: {  	v40 =	vadd.s32 $0x1AD, v3  }
0x1b6: {  	s0 =	sadd.s32 $0x210, s31;
	v55 =	vshll.u32 v38, $0x10  }
0x1b7: {  	v56 =	vadd.s32 $0x1AF, v3;
	v38 =	vand.u32 $0xFFFF0000, v38;
	[tilespmem:s0+$0xFFFFFEF8] =	vst v55  }
0x1b8: {  	[tilespmem:s0+$0x0] =	vst v38  }
0x1b9: {  	v38 =	vld.idx.msk [tilespmem:v54+s18+$0x0], $0xffff  }
0x1ba: {  	v57 =	vld.idx.msk [tilespmem:v40+s18+$0x0], $0xffff;
	_ =	sdelay $0x1  }
0x1bb: {  	v58 =	vld.idx.msk [tilespmem:v56+s18+$0x0], $0xffff;
	_ =	sdelay $0x1  }
0x1bc: {  	v38 =	vshll.u32 v38, $0x4  }
0x1bd: {  	v39 =	vshll.u32 v57, $0x4;
	_ =	sdelay $0x1  }
0x1be: {  	v40 =	vshll.u32 v58, $0x4;
	_ =	sdelay $0x1  }
0x1bf: {  	v59 =	vld.idx.msk [tilespmem:v38+s8+$0x0], $0xffff  }
0x1c0: {  	v60 =	vld.idx.msk [tilespmem:v39+s8+$0x0], $0xffff;
	_ =	sdelay $0x1  }
0x1c1: {  	v61 =	vld.idx.msk [tilespmem:v40+s8+$0x0], $0xffff;
	_ =	sdelay $0x2  }
0x1c2: {  	v41 =	vadd.bf16 v59, v60;
	_ =	sdelay $0x1  }
0x1c3: {  	s4 =	simm.s32 $0x0;
	v38 =	vor.u32 $0x1, v38;
	v41 =	vadd.bf16 v61, v41  }
0x1c4: {  	v39 =	vor.u32 $0x1, v39;
	v40 =	vor.u32 $0x1, v40;
	v62 =	vadd.s32 s4, v38  }
0x1c5: {  	s31 =	simm.s32 $0x6798;
	v63 =	vadd.s32 s4, v39;
	v44 =	vshll.u32 v41, $0x10;
	v41 =	vand.u32 $0xFFFF0000, v41  }
0x1c6: {  	[tilespmem:s31+$0x0] =	vst v41;
	v41 =	vadd.s32 s4, v40;
	_ =	sdelay $0x1  }
0x1c7: {  	[tilespmem:s31+$0xFFFFFEF8] =	vst v44  }
0x1c8: {  	v42 =	vld.idx.msk [tilespmem:v62+s8+$0x0], $0xffff  }
0x1c9: {  	s0 =	simm.s32 $0x1;
	s4 =	simm.s32 $0x2;
	v43 =	vld.idx.msk [tilespmem:v63+s8+$0x0], $0xffff  }
.LBB2_23:
0x1ca: {  	p2 =	sne.s32 s4, $0xF;
	v41 =	vld.idx.msk [tilespmem:v41+s8+$0x0], $0xffff;
	_ =	sdelay $0x4  }
0x1cb: {  	v42 =	vadd.bf16 v42, v43;
	_ =	sdelay $0x1  }
0x1cc: {  	v43 =	vadd.s32 s0, v38;
	v42 =	vadd.bf16 v41, v42  }
0x1cd: {  	v44 =	vadd.s32 s0, v39  }
.Ltmp10:
0x1ce: {  	s31 =	sadd.s32 $0x210, s31;
	v41 =	vadd.s32 s0, v40;
	s0 =	smov.u32 s4;
	v45 =	vshll.u32 v42, $0x10;
	v42 =	vand.u32 $0xFFFF0000, v42;
	(pc) =	sbr.rel @p2 .LBB2_23-.Ltmp10, $4  }
0x1cf: {  	[tilespmem:s31+$0xFFFFFEF8] =	vst v45  }
0x1d0: {  	[tilespmem:s31+$0x0] =	vst v42  }
0x1d1: {  	v42 =	vld.idx.msk [tilespmem:v43+s8+$0x0], $0xffff  }
0x1d2: {  	s4 =	sadd.s32 $0x1, s4;
	v43 =	vld.idx.msk [tilespmem:v44+s8+$0x0], $0xffff  }
0x1d3: {  	_ =	sdelay $0x3  }
0x1d4: {  	v38 =	vld.idx.msk [tilespmem:v41+s8+$0x0], $0xffff;
	_ =	sdelay $0x2  }
0x1d5: {  	v39 =	vadd.bf16 v42, v43;
	_ =	sdelay $0x1  }
0x1d6: {  	v54 =	vadd.s32 $0x1DE, v3;
	v38 =	vadd.bf16 v38, v39  }
0x1d7: {  	v40 =	vadd.s32 $0x1DD, v3  }
0x1d8: {  	s0 =	sadd.s32 $0x210, s31;
	v55 =	vshll.u32 v38, $0x10  }
0x1d9: {  	v56 =	vadd.s32 $0x1DF, v3;
	v38 =	vand.u32 $0xFFFF0000, v38;
	[tilespmem:s0+$0xFFFFFEF8] =	vst v55  }
0x1da: {  	[tilespmem:s0+$0x0] =	vst v38  }
0x1db: {  	v38 =	vld.idx.msk [tilespmem:v54+s18+$0x0], $0xffff  }
0x1dc: {  	v57 =	vld.idx.msk [tilespmem:v40+s18+$0x0], $0xffff;
	_ =	sdelay $0x1  }
0x1dd: {  	v58 =	vld.idx.msk [tilespmem:v56+s18+$0x0], $0xffff;
	_ =	sdelay $0x1  }
0x1de: {  	v38 =	vshll.u32 v38, $0x4  }
0x1df: {  	v39 =	vshll.u32 v57, $0x4;
	_ =	sdelay $0x1  }
0x1e0: {  	v40 =	vshll.u32 v58, $0x4;
	_ =	sdelay $0x1  }
0x1e1: {  	v59 =	vld.idx.msk [tilespmem:v38+s8+$0x0], $0xffff  }
0x1e2: {  	v60 =	vld.idx.msk [tilespmem:v39+s8+$0x0], $0xffff;
	_ =	sdelay $0x1  }
0x1e3: {  	v61 =	vld.idx.msk [tilespmem:v40+s8+$0x0], $0xffff;
	_ =	sdelay $0x2  }
0x1e4: {  	v41 =	vadd.bf16 v59, v60;
	_ =	sdelay $0x1  }
0x1e5: {  	s4 =	simm.s32 $0x0;
	v38 =	vor.u32 $0x1, v38;
	v41 =	vadd.bf16 v61, v41  }
0x1e6: {  	v39 =	vor.u32 $0x1, v39;
	v40 =	vor.u32 $0x1, v40;
	v62 =	vadd.s32 s4, v38  }
0x1e7: {  	s31 =	simm.s32 $0x67A8;
	v63 =	vadd.s32 s4, v39;
	v44 =	vshll.u32 v41, $0x10;
	v41 =	vand.u32 $0xFFFF0000, v41  }
0x1e8: {  	[tilespmem:s31+$0x0] =	vst v41;
	v41 =	vadd.s32 s4, v40;
	_ =	sdelay $0x1  }
0x1e9: {  	[tilespmem:s31+$0xFFFFFEF8] =	vst v44  }
0x1ea: {  	v42 =	vld.idx.msk [tilespmem:v62+s8+$0x0], $0xffff  }
0x1eb: {  	s0 =	simm.s32 $0x1;
	s4 =	simm.s32 $0x2;
	v43 =	vld.idx.msk [tilespmem:v63+s8+$0x0], $0xffff  }
.LBB2_25:
0x1ec: {  	p2 =	sne.s32 s4, $0xF;
	v41 =	vld.idx.msk [tilespmem:v41+s8+$0x0], $0xffff;
	_ =	sdelay $0x4  }
0x1ed: {  	v42 =	vadd.bf16 v42, v43;
	_ =	sdelay $0x1  }
0x1ee: {  	v43 =	vadd.s32 s0, v38;
	v42 =	vadd.bf16 v41, v42  }
0x1ef: {  	v44 =	vadd.s32 s0, v39  }
.Ltmp11:
0x1f0: {  	s31 =	sadd.s32 $0x210, s31;
	v41 =	vadd.s32 s0, v40;
	s0 =	smov.u32 s4;
	v45 =	vshll.u32 v42, $0x10;
	v42 =	vand.u32 $0xFFFF0000, v42;
	(pc) =	sbr.rel @p2 .LBB2_25-.Ltmp11, $4  }
0x1f1: {  	[tilespmem:s31+$0xFFFFFEF8] =	vst v45  }
0x1f2: {  	[tilespmem:s31+$0x0] =	vst v42  }
0x1f3: {  	v42 =	vld.idx.msk [tilespmem:v43+s8+$0x0], $0xffff  }
0x1f4: {  	s4 =	sadd.s32 $0x1, s4;
	v43 =	vld.idx.msk [tilespmem:v44+s8+$0x0], $0xffff  }
0x1f5: {  	_ =	sdelay $0x3  }
0x1f6: {  	v38 =	vld.idx.msk [tilespmem:v41+s8+$0x0], $0xffff;
	_ =	sdelay $0x2  }
0x1f7: {  	v39 =	vadd.bf16 v42, v43;
	_ =	sdelay $0x1  }
0x1f8: {  	v54 =	vadd.s32 $0x20E, v3;
	v38 =	vadd.bf16 v38, v39  }
0x1f9: {  	v40 =	vadd.s32 $0x20D, v3  }
0x1fa: {  	s0 =	sadd.s32 $0x210, s31;
	v55 =	vshll.u32 v38, $0x10  }
0x1fb: {  	v56 =	vadd.s32 $0x20F, v3;
	v38 =	vand.u32 $0xFFFF0000, v38;
	[tilespmem:s0+$0xFFFFFEF8] =	vst v55  }
0x1fc: {  	[tilespmem:s0+$0x0] =	vst v38  }
0x1fd: {  	v38 =	vld.idx.msk [tilespmem:v54+s18+$0x0], $0xffff  }
0x1fe: {  	v57 =	vld.idx.msk [tilespmem:v40+s18+$0x0], $0xffff;
	_ =	sdelay $0x1  }
0x1ff: {  	v58 =	vld.idx.msk [tilespmem:v56+s18+$0x0], $0xffff;
	_ =	sdelay $0x1  }
0x200: {  	v38 =	vshll.u32 v38, $0x4  }
0x201: {  	v39 =	vshll.u32 v57, $0x4;
	_ =	sdelay $0x1  }
0x202: {  	v40 =	vshll.u32 v58, $0x4;
	_ =	sdelay $0x1  }
0x203: {  	v59 =	vld.idx.msk [tilespmem:v38+s8+$0x0], $0xffff  }
0x204: {  	v60 =	vld.idx.msk [tilespmem:v39+s8+$0x0], $0xffff;
	_ =	sdelay $0x1  }
0x205: {  	v61 =	vld.idx.msk [tilespmem:v40+s8+$0x0], $0xffff;
	_ =	sdelay $0x2  }
0x206: {  	v41 =	vadd.bf16 v59, v60;
	_ =	sdelay $0x1  }
0x207: {  	s4 =	simm.s32 $0x0;
	v38 =	vor.u32 $0x1, v38;
	v41 =	vadd.bf16 v61, v41  }
0x208: {  	v39 =	vor.u32 $0x1, v39;
	v40 =	vor.u32 $0x1, v40;
	v62 =	vadd.s32 s4, v38  }
0x209: {  	s31 =	simm.s32 $0x67B8;
	v63 =	vadd.s32 s4, v39;
	v44 =	vshll.u32 v41, $0x10;
	v41 =	vand.u32 $0xFFFF0000, v41  }
0x20a: {  	[tilespmem:s31+$0x0] =	vst v41;
	v41 =	vadd.s32 s4, v40;
	_ =	sdelay $0x1  }
0x20b: {  	[tilespmem:s31+$0xFFFFFEF8] =	vst v44  }
0x20c: {  	v42 =	vld.idx.msk [tilespmem:v62+s8+$0x0], $0xffff  }
0x20d: {  	s0 =	simm.s32 $0x1;
	s4 =	simm.s32 $0x2;
	v43 =	vld.idx.msk [tilespmem:v63+s8+$0x0], $0xffff  }
.LBB2_27:
0x20e: {  	p2 =	sne.s32 s4, $0xF;
	v41 =	vld.idx.msk [tilespmem:v41+s8+$0x0], $0xffff;
	_ =	sdelay $0x4  }
0x20f: {  	v42 =	vadd.bf16 v42, v43;
	_ =	sdelay $0x1  }
0x210: {  	v43 =	vadd.s32 s0, v38;
	v42 =	vadd.bf16 v41, v42  }
0x211: {  	v44 =	vadd.s32 s0, v39  }
.Ltmp12:
0x212: {  	s31 =	sadd.s32 $0x210, s31;
	v41 =	vadd.s32 s0, v40;
	s0 =	smov.u32 s4;
	v45 =	vshll.u32 v42, $0x10;
	v42 =	vand.u32 $0xFFFF0000, v42;
	(pc) =	sbr.rel @p2 .LBB2_27-.Ltmp12, $4  }
0x213: {  	[tilespmem:s31+$0xFFFFFEF8] =	vst v45  }
0x214: {  	[tilespmem:s31+$0x0] =	vst v42  }
0x215: {  	v42 =	vld.idx.msk [tilespmem:v43+s8+$0x0], $0xffff  }
0x216: {  	s4 =	sadd.s32 $0x1, s4;
	v43 =	vld.idx.msk [tilespmem:v44+s8+$0x0], $0xffff  }
0x217: {  	_ =	sdelay $0x3  }
0x218: {  	v38 =	vld.idx.msk [tilespmem:v41+s8+$0x0], $0xffff;
	_ =	sdelay $0x2  }
0x219: {  	v39 =	vadd.bf16 v42, v43;
	_ =	sdelay $0x1  }
0x21a: {  	v54 =	vadd.s32 $0x23E, v3;
	v38 =	vadd.bf16 v38, v39  }
0x21b: {  	v40 =	vadd.s32 $0x23D, v3  }
0x21c: {  	s0 =	sadd.s32 $0x210, s31;
	v55 =	vshll.u32 v38, $0x10  }
0x21d: {  	v56 =	vadd.s32 $0x23F, v3;
	v38 =	vand.u32 $0xFFFF0000, v38;
	[tilespmem:s0+$0xFFFFFEF8] =	vst v55  }
0x21e: {  	[tilespmem:s0+$0x0] =	vst v38  }
0x21f: {  	v38 =	vld.idx.msk [tilespmem:v54+s18+$0x0], $0xffff  }
0x220: {  	v57 =	vld.idx.msk [tilespmem:v40+s18+$0x0], $0xffff;
	_ =	sdelay $0x1  }
0x221: {  	v58 =	vld.idx.msk [tilespmem:v56+s18+$0x0], $0xffff;
	_ =	sdelay $0x1  }
0x222: {  	v38 =	vshll.u32 v38, $0x4  }
0x223: {  	v39 =	vshll.u32 v57, $0x4;
	_ =	sdelay $0x1  }
0x224: {  	v40 =	vshll.u32 v58, $0x4;
	_ =	sdelay $0x1  }
0x225: {  	v59 =	vld.idx.msk [tilespmem:v38+s8+$0x0], $0xffff  }
0x226: {  	v60 =	vld.idx.msk [tilespmem:v39+s8+$0x0], $0xffff;
	_ =	sdelay $0x1  }
0x227: {  	v61 =	vld.idx.msk [tilespmem:v40+s8+$0x0], $0xffff;
	_ =	sdelay $0x2  }
0x228: {  	v41 =	vadd.bf16 v59, v60;
	_ =	sdelay $0x1  }
0x229: {  	s4 =	simm.s32 $0x0;
	v38 =	vor.u32 $0x1, v38;
	v41 =	vadd.bf16 v61, v41  }
0x22a: {  	v39 =	vor.u32 $0x1, v39;
	v40 =	vor.u32 $0x1, v40;
	v62 =	vadd.s32 s4, v38  }
0x22b: {  	s31 =	simm.s32 $0x67C8;
	v63 =	vadd.s32 s4, v39;
	v44 =	vshll.u32 v41, $0x10;
	v41 =	vand.u32 $0xFFFF0000, v41  }
0x22c: {  	[tilespmem:s31+$0x0] =	vst v41;
	v41 =	vadd.s32 s4, v40;
	_ =	sdelay $0x1  }
0x22d: {  	[tilespmem:s31+$0xFFFFFEF8] =	vst v44  }
0x22e: {  	v42 =	vld.idx.msk [tilespmem:v62+s8+$0x0], $0xffff  }
0x22f: {  	s0 =	simm.s32 $0x1;
	s4 =	simm.s32 $0x2;
	v43 =	vld.idx.msk [tilespmem:v63+s8+$0x0], $0xffff  }
.LBB2_29:
0x230: {  	p2 =	sne.s32 s4, $0xF;
	v41 =	vld.idx.msk [tilespmem:v41+s8+$0x0], $0xffff;
	_ =	sdelay $0x4  }
0x231: {  	v42 =	vadd.bf16 v42, v43;
	_ =	sdelay $0x1  }
0x232: {  	v43 =	vadd.s32 s0, v38;
	v42 =	vadd.bf16 v41, v42  }
0x233: {  	v44 =	vadd.s32 s0, v39  }
.Ltmp13:
0x234: {  	s31 =	sadd.s32 $0x210, s31;
	v41 =	vadd.s32 s0, v40;
	s0 =	smov.u32 s4;
	v45 =	vshll.u32 v42, $0x10;
	v42 =	vand.u32 $0xFFFF0000, v42;
	(pc) =	sbr.rel @p2 .LBB2_29-.Ltmp13, $4  }
0x235: {  	[tilespmem:s31+$0xFFFFFEF8] =	vst v45  }
0x236: {  	[tilespmem:s31+$0x0] =	vst v42  }
0x237: {  	v42 =	vld.idx.msk [tilespmem:v43+s8+$0x0], $0xffff  }
0x238: {  	s4 =	sadd.s32 $0x1, s4;
	v43 =	vld.idx.msk [tilespmem:v44+s8+$0x0], $0xffff  }
0x239: {  	_ =	sdelay $0x3  }
0x23a: {  	v38 =	vld.idx.msk [tilespmem:v41+s8+$0x0], $0xffff;
	_ =	sdelay $0x2  }
0x23b: {  	v39 =	vadd.bf16 v42, v43;
	_ =	sdelay $0x1  }
0x23c: {  	v54 =	vadd.s32 $0x26E, v3;
	v38 =	vadd.bf16 v38, v39  }
0x23d: {  	v40 =	vadd.s32 $0x26D, v3  }
0x23e: {  	s0 =	sadd.s32 $0x210, s31;
	v55 =	vshll.u32 v38, $0x10  }
0x23f: {  	v56 =	vadd.s32 $0x26F, v3;
	v38 =	vand.u32 $0xFFFF0000, v38;
	[tilespmem:s0+$0xFFFFFEF8] =	vst v55  }
0x240: {  	[tilespmem:s0+$0x0] =	vst v38  }
0x241: {  	v38 =	vld.idx.msk [tilespmem:v54+s18+$0x0], $0xffff  }
0x242: {  	v57 =	vld.idx.msk [tilespmem:v40+s18+$0x0], $0xffff;
	_ =	sdelay $0x1  }
0x243: {  	v58 =	vld.idx.msk [tilespmem:v56+s18+$0x0], $0xffff;
	_ =	sdelay $0x1  }
0x244: {  	v38 =	vshll.u32 v38, $0x4  }
0x245: {  	v39 =	vshll.u32 v57, $0x4;
	_ =	sdelay $0x1  }
0x246: {  	v40 =	vshll.u32 v58, $0x4;
	_ =	sdelay $0x1  }
0x247: {  	v59 =	vld.idx.msk [tilespmem:v38+s8+$0x0], $0xffff  }
0x248: {  	v60 =	vld.idx.msk [tilespmem:v39+s8+$0x0], $0xffff;
	_ =	sdelay $0x1  }
0x249: {  	v61 =	vld.idx.msk [tilespmem:v40+s8+$0x0], $0xffff;
	_ =	sdelay $0x2  }
0x24a: {  	v41 =	vadd.bf16 v59, v60;
	_ =	sdelay $0x1  }
0x24b: {  	s4 =	simm.s32 $0x0;
	v38 =	vor.u32 $0x1, v38;
	v41 =	vadd.bf16 v61, v41  }
0x24c: {  	v39 =	vor.u32 $0x1, v39;
	v40 =	vor.u32 $0x1, v40;
	v62 =	vadd.s32 s4, v38  }
0x24d: {  	s31 =	simm.s32 $0x67D8;
	v63 =	vadd.s32 s4, v39;
	v44 =	vshll.u32 v41, $0x10;
	v41 =	vand.u32 $0xFFFF0000, v41  }
0x24e: {  	[tilespmem:s31+$0x0] =	vst v41;
	v41 =	vadd.s32 s4, v40;
	_ =	sdelay $0x1  }
0x24f: {  	[tilespmem:s31+$0xFFFFFEF8] =	vst v44  }
0x250: {  	v42 =	vld.idx.msk [tilespmem:v62+s8+$0x0], $0xffff  }
0x251: {  	s0 =	simm.s32 $0x1;
	s4 =	simm.s32 $0x2;
	v43 =	vld.idx.msk [tilespmem:v63+s8+$0x0], $0xffff  }
.LBB2_31:
0x252: {  	p2 =	sne.s32 s4, $0xF;
	v41 =	vld.idx.msk [tilespmem:v41+s8+$0x0], $0xffff;
	_ =	sdelay $0x4  }
0x253: {  	v42 =	vadd.bf16 v42, v43;
	_ =	sdelay $0x1  }
0x254: {  	v43 =	vadd.s32 s0, v38;
	v42 =	vadd.bf16 v41, v42  }
0x255: {  	v44 =	vadd.s32 s0, v39  }
.Ltmp14:
0x256: {  	s31 =	sadd.s32 $0x210, s31;
	v41 =	vadd.s32 s0, v40;
	s0 =	smov.u32 s4;
	v45 =	vshll.u32 v42, $0x10;
	v42 =	vand.u32 $0xFFFF0000, v42;
	(pc) =	sbr.rel @p2 .LBB2_31-.Ltmp14, $4  }
0x257: {  	[tilespmem:s31+$0xFFFFFEF8] =	vst v45  }
0x258: {  	[tilespmem:s31+$0x0] =	vst v42  }
0x259: {  	v42 =	vld.idx.msk [tilespmem:v43+s8+$0x0], $0xffff  }
0x25a: {  	s4 =	sadd.s32 $0x1, s4;
	v43 =	vld.idx.msk [tilespmem:v44+s8+$0x0], $0xffff  }
0x25b: {  	_ =	sdelay $0x3  }
0x25c: {  	v38 =	vld.idx.msk [tilespmem:v41+s8+$0x0], $0xffff;
	_ =	sdelay $0x2  }
0x25d: {  	v39 =	vadd.bf16 v42, v43;
	_ =	sdelay $0x1  }
0x25e: {  	v54 =	vadd.s32 $0x29E, v3;
	v38 =	vadd.bf16 v38, v39  }
0x25f: {  	v40 =	vadd.s32 $0x29D, v3  }
0x260: {  	s0 =	sadd.s32 $0x210, s31;
	v55 =	vshll.u32 v38, $0x10  }
0x261: {  	v56 =	vadd.s32 $0x29F, v3;
	v38 =	vand.u32 $0xFFFF0000, v38;
	[tilespmem:s0+$0xFFFFFEF8] =	vst v55  }
0x262: {  	[tilespmem:s0+$0x0] =	vst v38  }
0x263: {  	v38 =	vld.idx.msk [tilespmem:v54+s18+$0x0], $0xffff  }
0x264: {  	v57 =	vld.idx.msk [tilespmem:v40+s18+$0x0], $0xffff;
	_ =	sdelay $0x1  }
0x265: {  	v58 =	vld.idx.msk [tilespmem:v56+s18+$0x0], $0xffff;
	_ =	sdelay $0x1  }
0x266: {  	v38 =	vshll.u32 v38, $0x4  }
0x267: {  	v39 =	vshll.u32 v57, $0x4;
	_ =	sdelay $0x1  }
0x268: {  	v40 =	vshll.u32 v58, $0x4;
	_ =	sdelay $0x1  }
0x269: {  	v59 =	vld.idx.msk [tilespmem:v38+s8+$0x0], $0xffff  }
0x26a: {  	v60 =	vld.idx.msk [tilespmem:v39+s8+$0x0], $0xffff;
	_ =	sdelay $0x1  }
0x26b: {  	v61 =	vld.idx.msk [tilespmem:v40+s8+$0x0], $0xffff;
	_ =	sdelay $0x2  }
0x26c: {  	v41 =	vadd.bf16 v59, v60;
	_ =	sdelay $0x1  }
0x26d: {  	s4 =	simm.s32 $0x0;
	v38 =	vor.u32 $0x1, v38;
	v41 =	vadd.bf16 v61, v41  }
0x26e: {  	v39 =	vor.u32 $0x1, v39;
	v40 =	vor.u32 $0x1, v40;
	v62 =	vadd.s32 s4, v38  }
0x26f: {  	s31 =	simm.s32 $0x67E8;
	v63 =	vadd.s32 s4, v39;
	v44 =	vshll.u32 v41, $0x10;
	v41 =	vand.u32 $0xFFFF0000, v41  }
0x270: {  	[tilespmem:s31+$0x0] =	vst v41;
	v41 =	vadd.s32 s4, v40;
	_ =	sdelay $0x1  }
0x271: {  	[tilespmem:s31+$0xFFFFFEF8] =	vst v44  }
0x272: {  	v42 =	vld.idx.msk [tilespmem:v62+s8+$0x0], $0xffff  }
0x273: {  	s0 =	simm.s32 $0x1;
	s4 =	simm.s32 $0x2;
	v43 =	vld.idx.msk [tilespmem:v63+s8+$0x0], $0xffff  }
.LBB2_33:
0x274: {  	p2 =	sne.s32 s4, $0xF;
	v41 =	vld.idx.msk [tilespmem:v41+s8+$0x0], $0xffff;
	_ =	sdelay $0x4  }
0x275: {  	v42 =	vadd.bf16 v42, v43;
	_ =	sdelay $0x1  }
0x276: {  	v43 =	vadd.s32 s0, v38;
	v42 =	vadd.bf16 v41, v42  }
0x277: {  	v44 =	vadd.s32 s0, v39  }
.Ltmp15:
0x278: {  	s31 =	sadd.s32 $0x210, s31;
	v41 =	vadd.s32 s0, v40;
	s0 =	smov.u32 s4;
	v45 =	vshll.u32 v42, $0x10;
	v42 =	vand.u32 $0xFFFF0000, v42;
	(pc) =	sbr.rel @p2 .LBB2_33-.Ltmp15, $4  }
0x279: {  	[tilespmem:s31+$0xFFFFFEF8] =	vst v45  }
0x27a: {  	[tilespmem:s31+$0x0] =	vst v42  }
0x27b: {  	v42 =	vld.idx.msk [tilespmem:v43+s8+$0x0], $0xffff  }
0x27c: {  	s4 =	sadd.s32 $0x1, s4;
	v43 =	vld.idx.msk [tilespmem:v44+s8+$0x0], $0xffff  }
0x27d: {  	_ =	sdelay $0x3  }
0x27e: {  	v38 =	vld.idx.msk [tilespmem:v41+s8+$0x0], $0xffff;
	_ =	sdelay $0x2  }
0x27f: {  	v39 =	vadd.bf16 v42, v43;
	_ =	sdelay $0x1  }
0x280: {  	v54 =	vadd.s32 $0x2CE, v3;
	v38 =	vadd.bf16 v38, v39  }
0x281: {  	v40 =	vadd.s32 $0x2CD, v3  }
0x282: {  	s0 =	sadd.s32 $0x210, s31;
	v55 =	vshll.u32 v38, $0x10  }
0x283: {  	v56 =	vadd.s32 $0x2CF, v3;
	v38 =	vand.u32 $0xFFFF0000, v38;
	[tilespmem:s0+$0xFFFFFEF8] =	vst v55  }
0x284: {  	[tilespmem:s0+$0x0] =	vst v38  }
0x285: {  	v38 =	vld.idx.msk [tilespmem:v54+s18+$0x0], $0xffff  }
0x286: {  	v57 =	vld.idx.msk [tilespmem:v40+s18+$0x0], $0xffff;
	_ =	sdelay $0x1  }
0x287: {  	v58 =	vld.idx.msk [tilespmem:v56+s18+$0x0], $0xffff;
	_ =	sdelay $0x1  }
0x288: {  	v38 =	vshll.u32 v38, $0x4  }
0x289: {  	v39 =	vshll.u32 v57, $0x4;
	_ =	sdelay $0x1  }
0x28a: {  	v40 =	vshll.u32 v58, $0x4;
	_ =	sdelay $0x1  }
0x28b: {  	v59 =	vld.idx.msk [tilespmem:v38+s8+$0x0], $0xffff  }
0x28c: {  	v60 =	vld.idx.msk [tilespmem:v39+s8+$0x0], $0xffff;
	_ =	sdelay $0x1  }
0x28d: {  	v61 =	vld.idx.msk [tilespmem:v40+s8+$0x0], $0xffff;
	_ =	sdelay $0x2  }
0x28e: {  	v41 =	vadd.bf16 v59, v60;
	_ =	sdelay $0x1  }
0x28f: {  	s4 =	simm.s32 $0x0;
	v38 =	vor.u32 $0x1, v38;
	v41 =	vadd.bf16 v61, v41  }
0x290: {  	v39 =	vor.u32 $0x1, v39;
	v40 =	vor.u32 $0x1, v40;
	v62 =	vadd.s32 s4, v38  }
0x291: {  	s31 =	simm.s32 $0x67F8;
	v63 =	vadd.s32 s4, v39;
	v44 =	vshll.u32 v41, $0x10;
	v41 =	vand.u32 $0xFFFF0000, v41  }
0x292: {  	[tilespmem:s31+$0x0] =	vst v41;
	v41 =	vadd.s32 s4, v40;
	_ =	sdelay $0x1  }
0x293: {  	[tilespmem:s31+$0xFFFFFEF8] =	vst v44  }
0x294: {  	v42 =	vld.idx.msk [tilespmem:v62+s8+$0x0], $0xffff  }
0x295: {  	s0 =	simm.s32 $0x1;
	s4 =	simm.s32 $0x2;
	v43 =	vld.idx.msk [tilespmem:v63+s8+$0x0], $0xffff  }
.LBB2_35:
0x296: {  	p2 =	sne.s32 s4, $0xF;
	v41 =	vld.idx.msk [tilespmem:v41+s8+$0x0], $0xffff;
	_ =	sdelay $0x4  }
0x297: {  	v42 =	vadd.bf16 v42, v43;
	_ =	sdelay $0x1  }
0x298: {  	v43 =	vadd.s32 s0, v38;
	v42 =	vadd.bf16 v41, v42  }
0x299: {  	v44 =	vadd.s32 s0, v39  }
.Ltmp16:
0x29a: {  	s31 =	sadd.s32 $0x210, s31;
	v41 =	vadd.s32 s0, v40;
	s0 =	smov.u32 s4;
	v45 =	vshll.u32 v42, $0x10;
	v42 =	vand.u32 $0xFFFF0000, v42;
	(pc) =	sbr.rel @p2 .LBB2_35-.Ltmp16, $4  }
0x29b: {  	[tilespmem:s31+$0xFFFFFEF8] =	vst v45  }
0x29c: {  	[tilespmem:s31+$0x0] =	vst v42  }
0x29d: {  	v42 =	vld.idx.msk [tilespmem:v43+s8+$0x0], $0xffff  }
0x29e: {  	s4 =	sadd.s32 $0x1, s4;
	v43 =	vld.idx.msk [tilespmem:v44+s8+$0x0], $0xffff  }
0x29f: {  	_ =	sdelay $0x3  }
0x2a0: {  	v38 =	vld.idx.msk [tilespmem:v41+s8+$0x0], $0xffff;
	_ =	sdelay $0x2  }
0x2a1: {  	v39 =	vadd.bf16 v42, v43;
	_ =	sdelay $0x1  }
0x2a2: {  	v38 =	vadd.bf16 v38, v39;
	_ =	sdelay $0x1  }
0x2a3: {  	s0 =	sadd.s32 $0x210, s31;
	v39 =	vshll.u32 v38, $0x10  }
0x2a4: {  	v38 =	vand.u32 $0xFFFF0000, v38;
	[tilespmem:s0+$0xFFFFFEF8] =	vst v39  }
0x2a5: {  	[tilespmem:s0+$0x0] =	vst v38  }
0x2a6: {  	v38 =	vld.idx.msk [tilespmem:v30+s18+$0x0], $0xffff  }
0x2a7: {  	v39 =	vld.idx.msk [tilespmem:v29+s18+$0x0], $0xffff  }
0x2a8: {  	v62 =	vld.idx.msk [tilespmem:v31+s18+$0x0], $0xffff;
	_ =	sdelay $0x2  }
0x2a9: {  	v40 =	vshll.u32 v38, $0x4  }
0x2aa: {  	v63 =	vshll.u32 v39, $0x4  }
0x2ab: {  	v42 =	vshll.u32 v62, $0x4;
	_ =	sdelay $0x1  }
0x2ac: {  	s4 =	simm.s32 $0x0  }
0x2ad: {  	v44 =	vmov s4;
	v41 =	vld.idx.msk [tilespmem:v40+s8+$0x0], $0xffff  }
0x2ae: {  	s31 =	simm.s32 $0x0;
	s4 =	simm.s32 $0x1;
	v38 =	vor.u32 $0x1, v63;
	v39 =	vor.u32 $0x1, v40;
	v40 =	vor.u32 $0x1, v42;
	v43 =	vld.idx.msk [tilespmem:v63+s8+$0x0], $0xffff  }
.LBB2_37:
0x2af: {  	p2 =	sne.s32 s4, $0xF;
	v42 =	vld.idx.msk [tilespmem:v42+s8+$0x0], $0xffff;
	v44 =	vmul.u32 $0x108, v44;
	_ =	sdelay $0x1  }
0x2b0: {  	v44 =	vbroadcast v44, $0x0;
	_ =	sdelay $0x1  }
0x2b1: {  	v41 =	vadd.bf16 v41, v43;
	v43 =	vadd.s32 $0x100, v44  }
0x2b2: {  	v44 =	vadd.s32 $0x208, v44  }
0x2b3: {  	v45 =	vadd.s32 s31, v39;
	v41 =	vadd.bf16 v42, v41  }
0x2b4: {  	v46 =	vadd.s32 s31, v38  }
0x2b5: {  	v47 =	vshll.u32 v41, $0x10;
	v41 =	vand.u32 $0xFFFF0000, v41  }
.Ltmp17:
0x2b6: {  	v42 =	vadd.s32 s31, v40;
	s31 =	smov.u32 s4;
	[tilespmem:v43+s16+$0x0] =	vst.idx.msk $0x1, v47;
	(pc) =	sbr.rel @p2 .LBB2_37-.Ltmp17, $4  }
0x2b7: {  	[tilespmem:v44+s16+$0x0] =	vst.idx.msk $0x1, v41  }
0x2b8: {  	v41 =	vld.idx.msk [tilespmem:v45+s8+$0x0], $0xffff  }
0x2b9: {  	s0 =	sshll.u32 s4, $0x1;
	v43 =	vld.idx.msk [tilespmem:v46+s8+$0x0], $0xffff  }
0x2ba: {  	s4 =	sadd.s32 $0x1, s4;
	v44 =	vmov s0  }
0x2bb: {  	_ =	sdelay $0x2  }
0x2bc: {  	v38 =	vmul.u32 $0x108, v44  }
0x2bd: {  	v39 =	vld.idx.msk [tilespmem:v42+s8+$0x0], $0xffff  }
0x2be: {  	v38 =	vbroadcast v38, $0x0;
	_ =	sdelay $0x1  }
0x2bf: {  	v40 =	vadd.bf16 v41, v43;
	v63 =	vadd.s32 $0x100, v38  }
0x2c0: {  	s0 =	sadd.s32 s6, s30;
	v38 =	vadd.s32 $0x208, v38  }
0x2c1: {  	p2 =	sne.s32 s28, $0x1F;
	s0 =	smul.u32 $0x108, s0;
	v39 =	vadd.bf16 v39, v40  }
.Ltmp18:
0x2c2: {  	_ = 	snop;
	(pc) =	sbr.rel @p2 .LBB2_40-.Ltmp18, $4  }
0x2c3: {  	s0 =	sadd.s32 s0, s11;
	v40 =	vshll.u32 v39, $0x10  }
0x2c4: {  	s0 =	sshrl.u32 s0, $0x3;
	v39 =	vand.u32 $0xFFFF0000, v39;
	[tilespmem:v63+s16+$0x0] =	vst.idx.msk $0x1, v40  }
0x2c5: {  	s0 =	sadd.s32 s5, s0;
	[tilespmem:v38+s16+$0x0] =	vst.idx.msk $0x1, v39  }
0x2c6: {  	[hbm4b:s0+s21] =	stream.strided.scatter [tilespmem:s16], [sflag:$0x3], $0x2100, s22, s21, $0x38;
	[tilespmem:$0xA820] =	vst v63  }
.Ltmp19:
0x2c7: {  	(pc) =	sbr.rel .LBB2_41-.Ltmp19, $4  }
0x2c8: {  	_ = 	snop  }
0x2c9: {  	_ =	swait.ge [sflag:s23], $0x300  }
0x2ca: {  	[sflag:s23] =	ssyncset.done $0x0  }
0x2cb: {  	[sflag:s23] =	ssyncadd.s32 $0xFFFFFD00  }
.LBB2_40:
0x2cc: {  	s0 =	sadd.s32 s30, s12  }
0x2cd: {  	s0 =	smul.u32 $0x60, s0;
	_ =	sdelay $0x1  }
.Ltmp20:
0x2ce: {  	s0 =	sadd.s32 s1, s0;
	(pc) =	sbr.rel @p1 .LBB2_42-.Ltmp20, $4  }
0x2cf: {  	[tilespmem:s18], [sflag:$0x1] =	stream.linear.gather [hbm4b:s0+s8], $0x300, $0x38;
	[tilespmem:$0xA820] =	vst v63  }
0x2d0: {  	_ =	swait.ge [sflag:s23], $0x300  }
0x2d1: {  	[sflag:s23] =	ssyncset.done $0x0  }
0x2d2: {  	[sflag:s23] =	ssyncadd.s32 $0xFFFFFD00  }
.LBB2_41:
0x2d3: {  	_ =	swait.ge [sflag:s24], $0x2100  }
0x2d4: {  	[sflag:s24] =	ssyncset.done $0x0  }
0x2d5: {  	[sflag:s24] =	ssyncadd.s32 $0xFFFFDF00  }
.LBB2_42:
0x2d6: {  	_ =	sdelay $0x3  }
0x2d7: {  	v38 =	vld.idx.msk [tilespmem:v33+s18+$0x0], $0xffff  }
0x2d8: {  	v39 =	vld.idx.msk [tilespmem:v32+s18+$0x0], $0xffff  }
0x2d9: {  	v41 =	vld.idx.msk [tilespmem:v34+s18+$0x0], $0xffff;
	_ =	sdelay $0x2  }
0x2da: {  	v40 =	vshll.u32 v38, $0x4  }
0x2db: {  	v43 =	vshll.u32 v39, $0x4  }
0x2dc: {  	v42 =	vshll.u32 v41, $0x4;
	_ =	sdelay $0x1  }
0x2dd: {  	s0 =	simm.s32 $0x0  }
0x2de: {  	v44 =	vmov s0;
	v41 =	vld.idx.msk [tilespmem:v40+s8+$0x0], $0xffff  }
0x2df: {  	s30 =	simm.s32 $0x0;
	s4 =	simm.s32 $0x1;
	v38 =	vor.u32 $0x1, v43;
	v39 =	vor.u32 $0x1, v40;
	v40 =	vor.u32 $0x1, v42;
	v43 =	vld.idx.msk [tilespmem:v43+s8+$0x0], $0xffff  }
.LBB2_43:
0x2e0: {  	p1 =	sne.s32 s4, $0xF;
	v42 =	vld.idx.msk [tilespmem:v42+s8+$0x0], $0xffff;
	v44 =	vmul.u32 $0x108, v44;
	_ =	sdelay $0x1  }
0x2e1: {  	v44 =	vbroadcast v44, $0x0;
	_ =	sdelay $0x1  }
0x2e2: {  	v41 =	vadd.bf16 v41, v43;
	v43 =	vor.u32 v1, v44  }
0x2e3: {  	v44 =	vadd.s32 v5, v44  }
0x2e4: {  	v45 =	vadd.s32 s30, v39;
	v41 =	vadd.bf16 v42, v41  }
0x2e5: {  	v46 =	vadd.s32 s30, v38  }
0x2e6: {  	v47 =	vshll.u32 v41, $0x10;
	v41 =	vand.u32 $0xFFFF0000, v41  }
.Ltmp21:
0x2e7: {  	v42 =	vadd.s32 s30, v40;
	s30 =	smov.u32 s4;
	[tilespmem:v43+s17+$0x0] =	vst.idx.msk vm0, v47;
	(pc) =	sbr.rel @p1 .LBB2_43-.Ltmp21, $4  }
0x2e8: {  	[tilespmem:v44+s17+$0x0] =	vst.idx.msk vm0, v41  }
0x2e9: {  	v41 =	vld.idx.msk [tilespmem:v45+s8+$0x0], $0xffff  }
0x2ea: {  	s0 =	sshll.u32 s4, $0x1;
	v43 =	vld.idx.msk [tilespmem:v46+s8+$0x0], $0xffff  }
0x2eb: {  	s4 =	sadd.s32 $0x1, s4;
	v44 =	vmov s0  }
0x2ec: {  	_ =	sdelay $0x2  }
0x2ed: {  	v38 =	vmul.u32 $0x108, v44  }
0x2ee: {  	v39 =	vld.idx.msk [tilespmem:v42+s8+$0x0], $0xffff  }
0x2ef: {  	v38 =	vbroadcast v38, $0x0;
	_ =	sdelay $0x1  }
0x2f0: {  	v40 =	vadd.bf16 v41, v43;
	v53 =	vor.u32 v1, v38  }
0x2f1: {  	v38 =	vadd.s32 v5, v38  }
0x2f2: {  	v54 =	vadd.s32 $0x32E, v3;
	v39 =	vadd.bf16 v39, v40  }
0x2f3: {  	v55 =	vadd.s32 $0x32D, v3  }
0x2f4: {  	v56 =	vshll.u32 v39, $0x10  }
0x2f5: {  	v57 =	vadd.s32 $0x32F, v3;
	v39 =	vand.u32 $0xFFFF0000, v39;
	[tilespmem:v53+s17+$0x0] =	vst.idx.msk vm0, v56  }
0x2f6: {  	[tilespmem:v38+s17+$0x0] =	vst.idx.msk vm0, v39  }
0x2f7: {  	v38 =	vld.idx.msk [tilespmem:v54+s18+$0x0], $0xffff  }
0x2f8: {  	v39 =	vld.idx.msk [tilespmem:v55+s18+$0x0], $0xffff;
	_ =	sdelay $0x1  }
0x2f9: {  	v58 =	vld.idx.msk [tilespmem:v57+s18+$0x0], $0xffff;
	_ =	sdelay $0x1  }
0x2fa: {  	v38 =	vshll.u32 v38, $0x4  }
0x2fb: {  	v39 =	vshll.u32 v39, $0x4;
	_ =	sdelay $0x1  }
0x2fc: {  	v40 =	vshll.u32 v58, $0x4;
	_ =	sdelay $0x1  }
0x2fd: {  	v59 =	vld.idx.msk [tilespmem:v38+s8+$0x0], $0xffff  }
0x2fe: {  	v60 =	vld.idx.msk [tilespmem:v39+s8+$0x0], $0xffff;
	_ =	sdelay $0x1  }
0x2ff: {  	v43 =	vld.idx.msk [tilespmem:v40+s8+$0x0], $0xffff;
	_ =	sdelay $0x2  }
0x300: {  	v41 =	vadd.bf16 v59, v60;
	_ =	sdelay $0x1  }
0x301: {  	s4 =	simm.s32 $0x0;
	v38 =	vor.u32 $0x1, v38;
	v41 =	vadd.bf16 v43, v41  }
0x302: {  	v39 =	vor.u32 $0x1, v39;
	v40 =	vor.u32 $0x1, v40;
	v61 =	vadd.s32 s4, v38  }
0x303: {  	s30 =	simm.s32 $0x8818;
	v62 =	vadd.s32 s4, v39;
	v63 =	vshll.u32 v41, $0x10;
	v41 =	vand.u32 $0xFFFF0000, v41  }
0x304: {  	[tilespmem:s30+$0x0] =	vst v41;
	v41 =	vadd.s32 s4, v40;
	_ =	sdelay $0x1  }
0x305: {  	[tilespmem:s30+$0xFFFFFEF8] =	vst v63  }
0x306: {  	v42 =	vld.idx.msk [tilespmem:v61+s8+$0x0], $0xffff  }
0x307: {  	s0 =	simm.s32 $0x1;
	s4 =	simm.s32 $0x2;
	v43 =	vld.idx.msk [tilespmem:v62+s8+$0x0], $0xffff  }
.LBB2_45:
0x308: {  	p1 =	sne.s32 s4, $0xF;
	v41 =	vld.idx.msk [tilespmem:v41+s8+$0x0], $0xffff;
	_ =	sdelay $0x4  }
0x309: {  	v42 =	vadd.bf16 v42, v43;
	_ =	sdelay $0x1  }
0x30a: {  	v43 =	vadd.s32 s0, v38;
	v42 =	vadd.bf16 v41, v42  }
0x30b: {  	v44 =	vadd.s32 s0, v39  }
.Ltmp22:
0x30c: {  	s30 =	sadd.s32 $0x210, s30;
	v41 =	vadd.s32 s0, v40;
	s0 =	smov.u32 s4;
	v45 =	vshll.u32 v42, $0x10;
	v42 =	vand.u32 $0xFFFF0000, v42;
	(pc) =	sbr.rel @p1 .LBB2_45-.Ltmp22, $4  }
0x30d: {  	[tilespmem:s30+$0xFFFFFEF8] =	vst v45  }
0x30e: {  	[tilespmem:s30+$0x0] =	vst v42  }
0x30f: {  	v42 =	vld.idx.msk [tilespmem:v43+s8+$0x0], $0xffff  }
0x310: {  	s4 =	sadd.s32 $0x1, s4;
	v43 =	vld.idx.msk [tilespmem:v44+s8+$0x0], $0xffff  }
0x311: {  	_ =	sdelay $0x3  }
0x312: {  	v38 =	vld.idx.msk [tilespmem:v41+s8+$0x0], $0xffff;
	_ =	sdelay $0x2  }
0x313: {  	v39 =	vadd.bf16 v42, v43;
	_ =	sdelay $0x1  }
0x314: {  	v54 =	vadd.s32 $0x35E, v3;
	v38 =	vadd.bf16 v38, v39  }
0x315: {  	v40 =	vadd.s32 $0x35D, v3  }
0x316: {  	s0 =	sadd.s32 $0x210, s30;
	v55 =	vshll.u32 v38, $0x10  }
0x317: {  	v56 =	vadd.s32 $0x35F, v3;
	v38 =	vand.u32 $0xFFFF0000, v38;
	[tilespmem:s0+$0xFFFFFEF8] =	vst v55  }
0x318: {  	[tilespmem:s0+$0x0] =	vst v38  }
0x319: {  	v38 =	vld.idx.msk [tilespmem:v54+s18+$0x0], $0xffff  }
0x31a: {  	v57 =	vld.idx.msk [tilespmem:v40+s18+$0x0], $0xffff;
	_ =	sdelay $0x1  }
0x31b: {  	v58 =	vld.idx.msk [tilespmem:v56+s18+$0x0], $0xffff;
	_ =	sdelay $0x1  }
0x31c: {  	v38 =	vshll.u32 v38, $0x4  }
0x31d: {  	v39 =	vshll.u32 v57, $0x4;
	_ =	sdelay $0x1  }
0x31e: {  	v40 =	vshll.u32 v58, $0x4;
	_ =	sdelay $0x1  }
0x31f: {  	v59 =	vld.idx.msk [tilespmem:v38+s8+$0x0], $0xffff  }
0x320: {  	v60 =	vld.idx.msk [tilespmem:v39+s8+$0x0], $0xffff;
	_ =	sdelay $0x1  }
0x321: {  	v61 =	vld.idx.msk [tilespmem:v40+s8+$0x0], $0xffff;
	_ =	sdelay $0x2  }
0x322: {  	v41 =	vadd.bf16 v59, v60;
	_ =	sdelay $0x1  }
0x323: {  	s4 =	simm.s32 $0x0;
	v38 =	vor.u32 $0x1, v38;
	v41 =	vadd.bf16 v61, v41  }
0x324: {  	v39 =	vor.u32 $0x1, v39;
	v40 =	vor.u32 $0x1, v40;
	v62 =	vadd.s32 s4, v38  }
0x325: {  	s30 =	simm.s32 $0x8828;
	v63 =	vadd.s32 s4, v39;
	v44 =	vshll.u32 v41, $0x10;
	v41 =	vand.u32 $0xFFFF0000, v41  }
0x326: {  	[tilespmem:s30+$0x0] =	vst v41;
	v41 =	vadd.s32 s4, v40;
	_ =	sdelay $0x1  }
0x327: {  	[tilespmem:s30+$0xFFFFFEF8] =	vst v44  }
0x328: {  	v42 =	vld.idx.msk [tilespmem:v62+s8+$0x0], $0xffff  }
0x329: {  	s0 =	simm.s32 $0x1;
	s4 =	simm.s32 $0x2;
	v43 =	vld.idx.msk [tilespmem:v63+s8+$0x0], $0xffff  }
.LBB2_47:
0x32a: {  	p1 =	sne.s32 s4, $0xF;
	v41 =	vld.idx.msk [tilespmem:v41+s8+$0x0], $0xffff;
	_ =	sdelay $0x4  }
0x32b: {  	v42 =	vadd.bf16 v42, v43;
	_ =	sdelay $0x1  }
0x32c: {  	v43 =	vadd.s32 s0, v38;
	v42 =	vadd.bf16 v41, v42  }
0x32d: {  	v44 =	vadd.s32 s0, v39  }
.Ltmp23:
0x32e: {  	s30 =	sadd.s32 $0x210, s30;
	v41 =	vadd.s32 s0, v40;
	s0 =	smov.u32 s4;
	v45 =	vshll.u32 v42, $0x10;
	v42 =	vand.u32 $0xFFFF0000, v42;
	(pc) =	sbr.rel @p1 .LBB2_47-.Ltmp23, $4  }
0x32f: {  	[tilespmem:s30+$0xFFFFFEF8] =	vst v45  }
0x330: {  	[tilespmem:s30+$0x0] =	vst v42  }
0x331: {  	v42 =	vld.idx.msk [tilespmem:v43+s8+$0x0], $0xffff  }
0x332: {  	s4 =	sadd.s32 $0x1, s4;
	v43 =	vld.idx.msk [tilespmem:v44+s8+$0x0], $0xffff  }
0x333: {  	_ =	sdelay $0x3  }
0x334: {  	v38 =	vld.idx.msk [tilespmem:v41+s8+$0x0], $0xffff;
	_ =	sdelay $0x2  }
0x335: {  	v39 =	vadd.bf16 v42, v43;
	_ =	sdelay $0x1  }
0x336: {  	v54 =	vadd.s32 $0x38E, v3;
	v38 =	vadd.bf16 v38, v39  }
0x337: {  	v40 =	vadd.s32 $0x38D, v3  }
0x338: {  	s0 =	sadd.s32 $0x210, s30;
	v55 =	vshll.u32 v38, $0x10  }
0x339: {  	v56 =	vadd.s32 $0x38F, v3;
	v38 =	vand.u32 $0xFFFF0000, v38;
	[tilespmem:s0+$0xFFFFFEF8] =	vst v55  }
0x33a: {  	[tilespmem:s0+$0x0] =	vst v38  }
0x33b: {  	v38 =	vld.idx.msk [tilespmem:v54+s18+$0x0], $0xffff  }
0x33c: {  	v57 =	vld.idx.msk [tilespmem:v40+s18+$0x0], $0xffff;
	_ =	sdelay $0x1  }
0x33d: {  	v58 =	vld.idx.msk [tilespmem:v56+s18+$0x0], $0xffff;
	_ =	sdelay $0x1  }
0x33e: {  	v38 =	vshll.u32 v38, $0x4  }
0x33f: {  	v39 =	vshll.u32 v57, $0x4;
	_ =	sdelay $0x1  }
0x340: {  	v40 =	vshll.u32 v58, $0x4;
	_ =	sdelay $0x1  }
0x341: {  	v59 =	vld.idx.msk [tilespmem:v38+s8+$0x0], $0xffff  }
0x342: {  	v60 =	vld.idx.msk [tilespmem:v39+s8+$0x0], $0xffff;
	_ =	sdelay $0x1  }
0x343: {  	v61 =	vld.idx.msk [tilespmem:v40+s8+$0x0], $0xffff;
	_ =	sdelay $0x2  }
0x344: {  	v41 =	vadd.bf16 v59, v60;
	_ =	sdelay $0x1  }
0x345: {  	s4 =	simm.s32 $0x0;
	v38 =	vor.u32 $0x1, v38;
	v41 =	vadd.bf16 v61, v41  }
0x346: {  	v39 =	vor.u32 $0x1, v39;
	v40 =	vor.u32 $0x1, v40;
	v62 =	vadd.s32 s4, v38  }
0x347: {  	s30 =	simm.s32 $0x8838;
	v63 =	vadd.s32 s4, v39;
	v44 =	vshll.u32 v41, $0x10;
	v41 =	vand.u32 $0xFFFF0000, v41  }
0x348: {  	[tilespmem:s30+$0x0] =	vst v41;
	v41 =	vadd.s32 s4, v40;
	_ =	sdelay $0x1  }
0x349: {  	[tilespmem:s30+$0xFFFFFEF8] =	vst v44  }
0x34a: {  	v42 =	vld.idx.msk [tilespmem:v62+s8+$0x0], $0xffff  }
0x34b: {  	s0 =	simm.s32 $0x1;
	s4 =	simm.s32 $0x2;
	v43 =	vld.idx.msk [tilespmem:v63+s8+$0x0], $0xffff  }
.LBB2_49:
0x34c: {  	p1 =	sne.s32 s4, $0xF;
	v41 =	vld.idx.msk [tilespmem:v41+s8+$0x0], $0xffff;
	_ =	sdelay $0x4  }
0x34d: {  	v42 =	vadd.bf16 v42, v43;
	_ =	sdelay $0x1  }
0x34e: {  	v43 =	vadd.s32 s0, v38;
	v42 =	vadd.bf16 v41, v42  }
0x34f: {  	v44 =	vadd.s32 s0, v39  }
.Ltmp24:
0x350: {  	s30 =	sadd.s32 $0x210, s30;
	v41 =	vadd.s32 s0, v40;
	s0 =	smov.u32 s4;
	v45 =	vshll.u32 v42, $0x10;
	v42 =	vand.u32 $0xFFFF0000, v42;
	(pc) =	sbr.rel @p1 .LBB2_49-.Ltmp24, $4  }
0x351: {  	[tilespmem:s30+$0xFFFFFEF8] =	vst v45  }
0x352: {  	[tilespmem:s30+$0x0] =	vst v42  }
0x353: {  	v42 =	vld.idx.msk [tilespmem:v43+s8+$0x0], $0xffff  }
0x354: {  	s4 =	sadd.s32 $0x1, s4;
	v43 =	vld.idx.msk [tilespmem:v44+s8+$0x0], $0xffff  }
0x355: {  	_ =	sdelay $0x3  }
0x356: {  	v38 =	vld.idx.msk [tilespmem:v41+s8+$0x0], $0xffff;
	_ =	sdelay $0x2  }
0x357: {  	v39 =	vadd.bf16 v42, v43;
	_ =	sdelay $0x1  }
0x358: {  	v54 =	vadd.s32 $0x3BE, v3;
	v38 =	vadd.bf16 v38, v39  }
0x359: {  	v40 =	vadd.s32 $0x3BD, v3  }
0x35a: {  	s0 =	sadd.s32 $0x210, s30;
	v55 =	vshll.u32 v38, $0x10  }
0x35b: {  	v56 =	vadd.s32 $0x3BF, v3;
	v38 =	vand.u32 $0xFFFF0000, v38;
	[tilespmem:s0+$0xFFFFFEF8] =	vst v55  }
0x35c: {  	[tilespmem:s0+$0x0] =	vst v38  }
0x35d: {  	v38 =	vld.idx.msk [tilespmem:v54+s18+$0x0], $0xffff  }
0x35e: {  	v57 =	vld.idx.msk [tilespmem:v40+s18+$0x0], $0xffff;
	_ =	sdelay $0x1  }
0x35f: {  	v58 =	vld.idx.msk [tilespmem:v56+s18+$0x0], $0xffff;
	_ =	sdelay $0x1  }
0x360: {  	v38 =	vshll.u32 v38, $0x4  }
0x361: {  	v39 =	vshll.u32 v57, $0x4;
	_ =	sdelay $0x1  }
0x362: {  	v40 =	vshll.u32 v58, $0x4;
	_ =	sdelay $0x1  }
0x363: {  	v59 =	vld.idx.msk [tilespmem:v38+s8+$0x0], $0xffff  }
0x364: {  	v60 =	vld.idx.msk [tilespmem:v39+s8+$0x0], $0xffff;
	_ =	sdelay $0x1  }
0x365: {  	v61 =	vld.idx.msk [tilespmem:v40+s8+$0x0], $0xffff;
	_ =	sdelay $0x2  }
0x366: {  	v41 =	vadd.bf16 v59, v60;
	_ =	sdelay $0x1  }
0x367: {  	s4 =	simm.s32 $0x0;
	v38 =	vor.u32 $0x1, v38;
	v41 =	vadd.bf16 v61, v41  }
0x368: {  	v39 =	vor.u32 $0x1, v39;
	v40 =	vor.u32 $0x1, v40;
	v62 =	vadd.s32 s4, v38  }
0x369: {  	s30 =	simm.s32 $0x8848;
	v63 =	vadd.s32 s4, v39;
	v44 =	vshll.u32 v41, $0x10;
	v41 =	vand.u32 $0xFFFF0000, v41  }
0x36a: {  	[tilespmem:s30+$0x0] =	vst v41;
	v41 =	vadd.s32 s4, v40;
	_ =	sdelay $0x1  }
0x36b: {  	[tilespmem:s30+$0xFFFFFEF8] =	vst v44  }
0x36c: {  	v42 =	vld.idx.msk [tilespmem:v62+s8+$0x0], $0xffff  }
0x36d: {  	s0 =	simm.s32 $0x1;
	s4 =	simm.s32 $0x2;
	v43 =	vld.idx.msk [tilespmem:v63+s8+$0x0], $0xffff  }
.LBB2_51:
0x36e: {  	p1 =	sne.s32 s4, $0xF;
	v41 =	vld.idx.msk [tilespmem:v41+s8+$0x0], $0xffff;
	_ =	sdelay $0x4  }
0x36f: {  	v42 =	vadd.bf16 v42, v43;
	_ =	sdelay $0x1  }
0x370: {  	v43 =	vadd.s32 s0, v38;
	v42 =	vadd.bf16 v41, v42  }
0x371: {  	v44 =	vadd.s32 s0, v39  }
.Ltmp25:
0x372: {  	s30 =	sadd.s32 $0x210, s30;
	v41 =	vadd.s32 s0, v40;
	s0 =	smov.u32 s4;
	v45 =	vshll.u32 v42, $0x10;
	v42 =	vand.u32 $0xFFFF0000, v42;
	(pc) =	sbr.rel @p1 .LBB2_51-.Ltmp25, $4  }
0x373: {  	[tilespmem:s30+$0xFFFFFEF8] =	vst v45  }
0x374: {  	[tilespmem:s30+$0x0] =	vst v42  }
0x375: {  	v42 =	vld.idx.msk [tilespmem:v43+s8+$0x0], $0xffff  }
0x376: {  	s4 =	sadd.s32 $0x1, s4;
	v43 =	vld.idx.msk [tilespmem:v44+s8+$0x0], $0xffff  }
0x377: {  	_ =	sdelay $0x3  }
0x378: {  	v38 =	vld.idx.msk [tilespmem:v41+s8+$0x0], $0xffff;
	_ =	sdelay $0x2  }
0x379: {  	v39 =	vadd.bf16 v42, v43;
	_ =	sdelay $0x1  }
0x37a: {  	v54 =	vadd.s32 $0x3EE, v3;
	v38 =	vadd.bf16 v38, v39  }
0x37b: {  	v40 =	vadd.s32 $0x3ED, v3  }
0x37c: {  	s0 =	sadd.s32 $0x210, s30;
	v55 =	vshll.u32 v38, $0x10  }
0x37d: {  	v56 =	vadd.s32 $0x3EF, v3;
	v38 =	vand.u32 $0xFFFF0000, v38;
	[tilespmem:s0+$0xFFFFFEF8] =	vst v55  }
0x37e: {  	[tilespmem:s0+$0x0] =	vst v38  }
0x37f: {  	v38 =	vld.idx.msk [tilespmem:v54+s18+$0x0], $0xffff  }
0x380: {  	v57 =	vld.idx.msk [tilespmem:v40+s18+$0x0], $0xffff;
	_ =	sdelay $0x1  }
0x381: {  	v58 =	vld.idx.msk [tilespmem:v56+s18+$0x0], $0xffff;
	_ =	sdelay $0x1  }
0x382: {  	v38 =	vshll.u32 v38, $0x4  }
0x383: {  	v39 =	vshll.u32 v57, $0x4;
	_ =	sdelay $0x1  }
0x384: {  	v40 =	vshll.u32 v58, $0x4;
	_ =	sdelay $0x1  }
0x385: {  	v59 =	vld.idx.msk [tilespmem:v38+s8+$0x0], $0xffff  }
0x386: {  	v60 =	vld.idx.msk [tilespmem:v39+s8+$0x0], $0xffff;
	_ =	sdelay $0x1  }
0x387: {  	v61 =	vld.idx.msk [tilespmem:v40+s8+$0x0], $0xffff;
	_ =	sdelay $0x2  }
0x388: {  	v41 =	vadd.bf16 v59, v60;
	_ =	sdelay $0x1  }
0x389: {  	s4 =	simm.s32 $0x0;
	v38 =	vor.u32 $0x1, v38;
	v41 =	vadd.bf16 v61, v41  }
0x38a: {  	v39 =	vor.u32 $0x1, v39;
	v40 =	vor.u32 $0x1, v40;
	v62 =	vadd.s32 s4, v38  }
0x38b: {  	s30 =	simm.s32 $0x8858;
	v63 =	vadd.s32 s4, v39;
	v44 =	vshll.u32 v41, $0x10;
	v41 =	vand.u32 $0xFFFF0000, v41  }
0x38c: {  	[tilespmem:s30+$0x0] =	vst v41;
	v41 =	vadd.s32 s4, v40;
	_ =	sdelay $0x1  }
0x38d: {  	[tilespmem:s30+$0xFFFFFEF8] =	vst v44  }
0x38e: {  	v42 =	vld.idx.msk [tilespmem:v62+s8+$0x0], $0xffff  }
0x38f: {  	s0 =	simm.s32 $0x1;
	s4 =	simm.s32 $0x2;
	v43 =	vld.idx.msk [tilespmem:v63+s8+$0x0], $0xffff  }
.LBB2_53:
0x390: {  	p1 =	sne.s32 s4, $0xF;
	v41 =	vld.idx.msk [tilespmem:v41+s8+$0x0], $0xffff;
	_ =	sdelay $0x4  }
0x391: {  	v42 =	vadd.bf16 v42, v43;
	_ =	sdelay $0x1  }
0x392: {  	v43 =	vadd.s32 s0, v38;
	v42 =	vadd.bf16 v41, v42  }
0x393: {  	v44 =	vadd.s32 s0, v39  }
.Ltmp26:
0x394: {  	s30 =	sadd.s32 $0x210, s30;
	v41 =	vadd.s32 s0, v40;
	s0 =	smov.u32 s4;
	v45 =	vshll.u32 v42, $0x10;
	v42 =	vand.u32 $0xFFFF0000, v42;
	(pc) =	sbr.rel @p1 .LBB2_53-.Ltmp26, $4  }
0x395: {  	[tilespmem:s30+$0xFFFFFEF8] =	vst v45  }
0x396: {  	[tilespmem:s30+$0x0] =	vst v42  }
0x397: {  	v42 =	vld.idx.msk [tilespmem:v43+s8+$0x0], $0xffff  }
0x398: {  	s4 =	sadd.s32 $0x1, s4;
	v43 =	vld.idx.msk [tilespmem:v44+s8+$0x0], $0xffff  }
0x399: {  	_ =	sdelay $0x3  }
0x39a: {  	v38 =	vld.idx.msk [tilespmem:v41+s8+$0x0], $0xffff;
	_ =	sdelay $0x2  }
0x39b: {  	v39 =	vadd.bf16 v42, v43;
	_ =	sdelay $0x1  }
0x39c: {  	v54 =	vadd.s32 $0x41E, v3;
	v38 =	vadd.bf16 v38, v39  }
0x39d: {  	v40 =	vadd.s32 $0x41D, v3  }
0x39e: {  	s0 =	sadd.s32 $0x210, s30;
	v55 =	vshll.u32 v38, $0x10  }
0x39f: {  	v56 =	vadd.s32 $0x41F, v3;
	v38 =	vand.u32 $0xFFFF0000, v38;
	[tilespmem:s0+$0xFFFFFEF8] =	vst v55  }
0x3a0: {  	[tilespmem:s0+$0x0] =	vst v38  }
0x3a1: {  	v38 =	vld.idx.msk [tilespmem:v54+s18+$0x0], $0xffff  }
0x3a2: {  	v57 =	vld.idx.msk [tilespmem:v40+s18+$0x0], $0xffff;
	_ =	sdelay $0x1  }
0x3a3: {  	v58 =	vld.idx.msk [tilespmem:v56+s18+$0x0], $0xffff;
	_ =	sdelay $0x1  }
0x3a4: {  	v38 =	vshll.u32 v38, $0x4  }
0x3a5: {  	v39 =	vshll.u32 v57, $0x4;
	_ =	sdelay $0x1  }
0x3a6: {  	v40 =	vshll.u32 v58, $0x4;
	_ =	sdelay $0x1  }
0x3a7: {  	v59 =	vld.idx.msk [tilespmem:v38+s8+$0x0], $0xffff  }
0x3a8: {  	v60 =	vld.idx.msk [tilespmem:v39+s8+$0x0], $0xffff;
	_ =	sdelay $0x1  }
0x3a9: {  	v61 =	vld.idx.msk [tilespmem:v40+s8+$0x0], $0xffff;
	_ =	sdelay $0x2  }
0x3aa: {  	v41 =	vadd.bf16 v59, v60;
	_ =	sdelay $0x1  }
0x3ab: {  	s4 =	simm.s32 $0x0;
	v38 =	vor.u32 $0x1, v38;
	v41 =	vadd.bf16 v61, v41  }
0x3ac: {  	v39 =	vor.u32 $0x1, v39;
	v40 =	vor.u32 $0x1, v40;
	v62 =	vadd.s32 s4, v38  }
0x3ad: {  	s30 =	simm.s32 $0x8868;
	v63 =	vadd.s32 s4, v39;
	v44 =	vshll.u32 v41, $0x10;
	v41 =	vand.u32 $0xFFFF0000, v41  }
0x3ae: {  	[tilespmem:s30+$0x0] =	vst v41;
	v41 =	vadd.s32 s4, v40;
	_ =	sdelay $0x1  }
0x3af: {  	[tilespmem:s30+$0xFFFFFEF8] =	vst v44  }
0x3b0: {  	v42 =	vld.idx.msk [tilespmem:v62+s8+$0x0], $0xffff  }
0x3b1: {  	s0 =	simm.s32 $0x1;
	s4 =	simm.s32 $0x2;
	v43 =	vld.idx.msk [tilespmem:v63+s8+$0x0], $0xffff  }
.LBB2_55:
0x3b2: {  	p1 =	sne.s32 s4, $0xF;
	v41 =	vld.idx.msk [tilespmem:v41+s8+$0x0], $0xffff;
	_ =	sdelay $0x4  }
0x3b3: {  	v42 =	vadd.bf16 v42, v43;
	_ =	sdelay $0x1  }
0x3b4: {  	v43 =	vadd.s32 s0, v38;
	v42 =	vadd.bf16 v41, v42  }
0x3b5: {  	v44 =	vadd.s32 s0, v39  }
.Ltmp27:
0x3b6: {  	s30 =	sadd.s32 $0x210, s30;
	v41 =	vadd.s32 s0, v40;
	s0 =	smov.u32 s4;
	v45 =	vshll.u32 v42, $0x10;
	v42 =	vand.u32 $0xFFFF0000, v42;
	(pc) =	sbr.rel @p1 .LBB2_55-.Ltmp27, $4  }
0x3b7: {  	[tilespmem:s30+$0xFFFFFEF8] =	vst v45  }
0x3b8: {  	[tilespmem:s30+$0x0] =	vst v42  }
0x3b9: {  	v42 =	vld.idx.msk [tilespmem:v43+s8+$0x0], $0xffff  }
0x3ba: {  	s4 =	sadd.s32 $0x1, s4;
	v43 =	vld.idx.msk [tilespmem:v44+s8+$0x0], $0xffff  }
0x3bb: {  	_ =	sdelay $0x3  }
0x3bc: {  	v38 =	vld.idx.msk [tilespmem:v41+s8+$0x0], $0xffff;
	_ =	sdelay $0x2  }
0x3bd: {  	v39 =	vadd.bf16 v42, v43;
	_ =	sdelay $0x1  }
0x3be: {  	v54 =	vadd.s32 $0x44E, v3;
	v38 =	vadd.bf16 v38, v39  }
0x3bf: {  	v40 =	vadd.s32 $0x44D, v3  }
0x3c0: {  	s0 =	sadd.s32 $0x210, s30;
	v55 =	vshll.u32 v38, $0x10  }
0x3c1: {  	v56 =	vadd.s32 $0x44F, v3;
	v38 =	vand.u32 $0xFFFF0000, v38;
	[tilespmem:s0+$0xFFFFFEF8] =	vst v55  }
0x3c2: {  	[tilespmem:s0+$0x0] =	vst v38  }
0x3c3: {  	v38 =	vld.idx.msk [tilespmem:v54+s18+$0x0], $0xffff  }
0x3c4: {  	v57 =	vld.idx.msk [tilespmem:v40+s18+$0x0], $0xffff;
	_ =	sdelay $0x1  }
0x3c5: {  	v58 =	vld.idx.msk [tilespmem:v56+s18+$0x0], $0xffff;
	_ =	sdelay $0x1  }
0x3c6: {  	v38 =	vshll.u32 v38, $0x4  }
0x3c7: {  	v39 =	vshll.u32 v57, $0x4;
	_ =	sdelay $0x1  }
0x3c8: {  	v40 =	vshll.u32 v58, $0x4;
	_ =	sdelay $0x1  }
0x3c9: {  	v59 =	vld.idx.msk [tilespmem:v38+s8+$0x0], $0xffff  }
0x3ca: {  	v60 =	vld.idx.msk [tilespmem:v39+s8+$0x0], $0xffff;
	_ =	sdelay $0x1  }
0x3cb: {  	v61 =	vld.idx.msk [tilespmem:v40+s8+$0x0], $0xffff;
	_ =	sdelay $0x2  }
0x3cc: {  	v41 =	vadd.bf16 v59, v60;
	_ =	sdelay $0x1  }
0x3cd: {  	s4 =	simm.s32 $0x0;
	v38 =	vor.u32 $0x1, v38;
	v41 =	vadd.bf16 v61, v41  }
0x3ce: {  	v39 =	vor.u32 $0x1, v39;
	v40 =	vor.u32 $0x1, v40;
	v62 =	vadd.s32 s4, v38  }
0x3cf: {  	s30 =	simm.s32 $0x8878;
	v63 =	vadd.s32 s4, v39;
	v44 =	vshll.u32 v41, $0x10;
	v41 =	vand.u32 $0xFFFF0000, v41  }
0x3d0: {  	[tilespmem:s30+$0x0] =	vst v41;
	v41 =	vadd.s32 s4, v40;
	_ =	sdelay $0x1  }
0x3d1: {  	[tilespmem:s30+$0xFFFFFEF8] =	vst v44  }
0x3d2: {  	v42 =	vld.idx.msk [tilespmem:v62+s8+$0x0], $0xffff  }
0x3d3: {  	s0 =	simm.s32 $0x1;
	s4 =	simm.s32 $0x2;
	v43 =	vld.idx.msk [tilespmem:v63+s8+$0x0], $0xffff  }
.LBB2_57:
0x3d4: {  	p1 =	sne.s32 s4, $0xF;
	v41 =	vld.idx.msk [tilespmem:v41+s8+$0x0], $0xffff;
	_ =	sdelay $0x4  }
0x3d5: {  	v42 =	vadd.bf16 v42, v43;
	_ =	sdelay $0x1  }
0x3d6: {  	v43 =	vadd.s32 s0, v38;
	v42 =	vadd.bf16 v41, v42  }
0x3d7: {  	v44 =	vadd.s32 s0, v39  }
.Ltmp28:
0x3d8: {  	s30 =	sadd.s32 $0x210, s30;
	v41 =	vadd.s32 s0, v40;
	s0 =	smov.u32 s4;
	v45 =	vshll.u32 v42, $0x10;
	v42 =	vand.u32 $0xFFFF0000, v42;
	(pc) =	sbr.rel @p1 .LBB2_57-.Ltmp28, $4  }
0x3d9: {  	[tilespmem:s30+$0xFFFFFEF8] =	vst v45  }
0x3da: {  	[tilespmem:s30+$0x0] =	vst v42  }
0x3db: {  	v42 =	vld.idx.msk [tilespmem:v43+s8+$0x0], $0xffff  }
0x3dc: {  	s4 =	sadd.s32 $0x1, s4;
	v43 =	vld.idx.msk [tilespmem:v44+s8+$0x0], $0xffff  }
0x3dd: {  	_ =	sdelay $0x3  }
0x3de: {  	v38 =	vld.idx.msk [tilespmem:v41+s8+$0x0], $0xffff;
	_ =	sdelay $0x2  }
0x3df: {  	v39 =	vadd.bf16 v42, v43;
	_ =	sdelay $0x1  }
0x3e0: {  	v54 =	vadd.s32 $0x47E, v3;
	v38 =	vadd.bf16 v38, v39  }
0x3e1: {  	v40 =	vadd.s32 $0x47D, v3  }
0x3e2: {  	s0 =	sadd.s32 $0x210, s30;
	v55 =	vshll.u32 v38, $0x10  }
0x3e3: {  	v56 =	vadd.s32 $0x47F, v3;
	v38 =	vand.u32 $0xFFFF0000, v38;
	[tilespmem:s0+$0xFFFFFEF8] =	vst v55  }
0x3e4: {  	[tilespmem:s0+$0x0] =	vst v38  }
0x3e5: {  	v38 =	vld.idx.msk [tilespmem:v54+s18+$0x0], $0xffff  }
0x3e6: {  	v57 =	vld.idx.msk [tilespmem:v40+s18+$0x0], $0xffff;
	_ =	sdelay $0x1  }
0x3e7: {  	v58 =	vld.idx.msk [tilespmem:v56+s18+$0x0], $0xffff;
	_ =	sdelay $0x1  }
0x3e8: {  	v38 =	vshll.u32 v38, $0x4  }
0x3e9: {  	v39 =	vshll.u32 v57, $0x4;
	_ =	sdelay $0x1  }
0x3ea: {  	v40 =	vshll.u32 v58, $0x4;
	_ =	sdelay $0x1  }
0x3eb: {  	v59 =	vld.idx.msk [tilespmem:v38+s8+$0x0], $0xffff  }
0x3ec: {  	v60 =	vld.idx.msk [tilespmem:v39+s8+$0x0], $0xffff;
	_ =	sdelay $0x1  }
0x3ed: {  	v61 =	vld.idx.msk [tilespmem:v40+s8+$0x0], $0xffff;
	_ =	sdelay $0x2  }
0x3ee: {  	v41 =	vadd.bf16 v59, v60;
	_ =	sdelay $0x1  }
0x3ef: {  	s4 =	simm.s32 $0x0;
	v38 =	vor.u32 $0x1, v38;
	v41 =	vadd.bf16 v61, v41  }
0x3f0: {  	v39 =	vor.u32 $0x1, v39;
	v40 =	vor.u32 $0x1, v40;
	v62 =	vadd.s32 s4, v38  }
0x3f1: {  	s30 =	simm.s32 $0x8888;
	v63 =	vadd.s32 s4, v39;
	v44 =	vshll.u32 v41, $0x10;
	v41 =	vand.u32 $0xFFFF0000, v41  }
0x3f2: {  	[tilespmem:s30+$0x0] =	vst v41;
	v41 =	vadd.s32 s4, v40;
	_ =	sdelay $0x1  }
0x3f3: {  	[tilespmem:s30+$0xFFFFFEF8] =	vst v44  }
0x3f4: {  	v42 =	vld.idx.msk [tilespmem:v62+s8+$0x0], $0xffff  }
0x3f5: {  	s0 =	simm.s32 $0x1;
	s4 =	simm.s32 $0x2;
	v43 =	vld.idx.msk [tilespmem:v63+s8+$0x0], $0xffff  }
.LBB2_59:
0x3f6: {  	p1 =	sne.s32 s4, $0xF;
	v41 =	vld.idx.msk [tilespmem:v41+s8+$0x0], $0xffff;
	_ =	sdelay $0x4  }
0x3f7: {  	v42 =	vadd.bf16 v42, v43;
	_ =	sdelay $0x1  }
0x3f8: {  	v43 =	vadd.s32 s0, v38;
	v42 =	vadd.bf16 v41, v42  }
0x3f9: {  	v44 =	vadd.s32 s0, v39  }
.Ltmp29:
0x3fa: {  	s30 =	sadd.s32 $0x210, s30;
	v41 =	vadd.s32 s0, v40;
	s0 =	smov.u32 s4;
	v45 =	vshll.u32 v42, $0x10;
	v42 =	vand.u32 $0xFFFF0000, v42;
	(pc) =	sbr.rel @p1 .LBB2_59-.Ltmp29, $4  }
0x3fb: {  	[tilespmem:s30+$0xFFFFFEF8] =	vst v45  }
0x3fc: {  	[tilespmem:s30+$0x0] =	vst v42  }
0x3fd: {  	v42 =	vld.idx.msk [tilespmem:v43+s8+$0x0], $0xffff  }
0x3fe: {  	s4 =	sadd.s32 $0x1, s4;
	v43 =	vld.idx.msk [tilespmem:v44+s8+$0x0], $0xffff  }
0x3ff: {  	_ =	sdelay $0x3  }
0x400: {  	v38 =	vld.idx.msk [tilespmem:v41+s8+$0x0], $0xffff;
	_ =	sdelay $0x2  }
0x401: {  	v39 =	vadd.bf16 v42, v43;
	_ =	sdelay $0x1  }
0x402: {  	v54 =	vadd.s32 $0x4AE, v3;
	v38 =	vadd.bf16 v38, v39  }
0x403: {  	v40 =	vadd.s32 $0x4AD, v3  }
0x404: {  	s0 =	sadd.s32 $0x210, s30;
	v55 =	vshll.u32 v38, $0x10  }
0x405: {  	v56 =	vadd.s32 $0x4AF, v3;
	v38 =	vand.u32 $0xFFFF0000, v38;
	[tilespmem:s0+$0xFFFFFEF8] =	vst v55  }
0x406: {  	[tilespmem:s0+$0x0] =	vst v38  }
0x407: {  	v38 =	vld.idx.msk [tilespmem:v54+s18+$0x0], $0xffff  }
0x408: {  	v57 =	vld.idx.msk [tilespmem:v40+s18+$0x0], $0xffff;
	_ =	sdelay $0x1  }
0x409: {  	v58 =	vld.idx.msk [tilespmem:v56+s18+$0x0], $0xffff;
	_ =	sdelay $0x1  }
0x40a: {  	v38 =	vshll.u32 v38, $0x4  }
0x40b: {  	v39 =	vshll.u32 v57, $0x4;
	_ =	sdelay $0x1  }
0x40c: {  	v40 =	vshll.u32 v58, $0x4;
	_ =	sdelay $0x1  }
0x40d: {  	v59 =	vld.idx.msk [tilespmem:v38+s8+$0x0], $0xffff  }
0x40e: {  	v60 =	vld.idx.msk [tilespmem:v39+s8+$0x0], $0xffff;
	_ =	sdelay $0x1  }
0x40f: {  	v61 =	vld.idx.msk [tilespmem:v40+s8+$0x0], $0xffff;
	_ =	sdelay $0x2  }
0x410: {  	v41 =	vadd.bf16 v59, v60;
	_ =	sdelay $0x1  }
0x411: {  	s4 =	simm.s32 $0x0;
	v38 =	vor.u32 $0x1, v38;
	v41 =	vadd.bf16 v61, v41  }
0x412: {  	v39 =	vor.u32 $0x1, v39;
	v40 =	vor.u32 $0x1, v40;
	v62 =	vadd.s32 s4, v38  }
0x413: {  	s30 =	simm.s32 $0x8898;
	v63 =	vadd.s32 s4, v39;
	v44 =	vshll.u32 v41, $0x10;
	v41 =	vand.u32 $0xFFFF0000, v41  }
0x414: {  	[tilespmem:s30+$0x0] =	vst v41;
	v41 =	vadd.s32 s4, v40;
	_ =	sdelay $0x1  }
0x415: {  	[tilespmem:s30+$0xFFFFFEF8] =	vst v44  }
0x416: {  	v42 =	vld.idx.msk [tilespmem:v62+s8+$0x0], $0xffff  }
0x417: {  	s0 =	simm.s32 $0x1;
	s4 =	simm.s32 $0x2;
	v43 =	vld.idx.msk [tilespmem:v63+s8+$0x0], $0xffff  }
.LBB2_61:
0x418: {  	p1 =	sne.s32 s4, $0xF;
	v41 =	vld.idx.msk [tilespmem:v41+s8+$0x0], $0xffff;
	_ =	sdelay $0x4  }
0x419: {  	v42 =	vadd.bf16 v42, v43;
	_ =	sdelay $0x1  }
0x41a: {  	v43 =	vadd.s32 s0, v38;
	v42 =	vadd.bf16 v41, v42  }
0x41b: {  	v44 =	vadd.s32 s0, v39  }
.Ltmp30:
0x41c: {  	s30 =	sadd.s32 $0x210, s30;
	v41 =	vadd.s32 s0, v40;
	s0 =	smov.u32 s4;
	v45 =	vshll.u32 v42, $0x10;
	v42 =	vand.u32 $0xFFFF0000, v42;
	(pc) =	sbr.rel @p1 .LBB2_61-.Ltmp30, $4  }
0x41d: {  	[tilespmem:s30+$0xFFFFFEF8] =	vst v45  }
0x41e: {  	[tilespmem:s30+$0x0] =	vst v42  }
0x41f: {  	v42 =	vld.idx.msk [tilespmem:v43+s8+$0x0], $0xffff  }
0x420: {  	s4 =	sadd.s32 $0x1, s4;
	v43 =	vld.idx.msk [tilespmem:v44+s8+$0x0], $0xffff  }
0x421: {  	_ =	sdelay $0x3  }
0x422: {  	v38 =	vld.idx.msk [tilespmem:v41+s8+$0x0], $0xffff;
	_ =	sdelay $0x2  }
0x423: {  	v39 =	vadd.bf16 v42, v43;
	_ =	sdelay $0x1  }
0x424: {  	v54 =	vadd.s32 $0x4DE, v3;
	v38 =	vadd.bf16 v38, v39  }
0x425: {  	v40 =	vadd.s32 $0x4DD, v3  }
0x426: {  	s0 =	sadd.s32 $0x210, s30;
	v55 =	vshll.u32 v38, $0x10  }
0x427: {  	v56 =	vadd.s32 $0x4DF, v3;
	v38 =	vand.u32 $0xFFFF0000, v38;
	[tilespmem:s0+$0xFFFFFEF8] =	vst v55  }
0x428: {  	[tilespmem:s0+$0x0] =	vst v38  }
0x429: {  	v38 =	vld.idx.msk [tilespmem:v54+s18+$0x0], $0xffff  }
0x42a: {  	v57 =	vld.idx.msk [tilespmem:v40+s18+$0x0], $0xffff;
	_ =	sdelay $0x1  }
0x42b: {  	v58 =	vld.idx.msk [tilespmem:v56+s18+$0x0], $0xffff;
	_ =	sdelay $0x1  }
0x42c: {  	v38 =	vshll.u32 v38, $0x4  }
0x42d: {  	v39 =	vshll.u32 v57, $0x4;
	_ =	sdelay $0x1  }
0x42e: {  	v40 =	vshll.u32 v58, $0x4;
	_ =	sdelay $0x1  }
0x42f: {  	v59 =	vld.idx.msk [tilespmem:v38+s8+$0x0], $0xffff  }
0x430: {  	v60 =	vld.idx.msk [tilespmem:v39+s8+$0x0], $0xffff;
	_ =	sdelay $0x1  }
0x431: {  	v61 =	vld.idx.msk [tilespmem:v40+s8+$0x0], $0xffff;
	_ =	sdelay $0x2  }
0x432: {  	v41 =	vadd.bf16 v59, v60;
	_ =	sdelay $0x1  }
0x433: {  	s4 =	simm.s32 $0x0;
	v38 =	vor.u32 $0x1, v38;
	v41 =	vadd.bf16 v61, v41  }
0x434: {  	v39 =	vor.u32 $0x1, v39;
	v40 =	vor.u32 $0x1, v40;
	v62 =	vadd.s32 s4, v38  }
0x435: {  	s30 =	simm.s32 $0x88A8;
	v63 =	vadd.s32 s4, v39;
	v44 =	vshll.u32 v41, $0x10;
	v41 =	vand.u32 $0xFFFF0000, v41  }
0x436: {  	[tilespmem:s30+$0x0] =	vst v41;
	v41 =	vadd.s32 s4, v40;
	_ =	sdelay $0x1  }
0x437: {  	[tilespmem:s30+$0xFFFFFEF8] =	vst v44  }
0x438: {  	v42 =	vld.idx.msk [tilespmem:v62+s8+$0x0], $0xffff  }
0x439: {  	s0 =	simm.s32 $0x1;
	s4 =	simm.s32 $0x2;
	v43 =	vld.idx.msk [tilespmem:v63+s8+$0x0], $0xffff  }
.LBB2_63:
0x43a: {  	p1 =	sne.s32 s4, $0xF;
	v41 =	vld.idx.msk [tilespmem:v41+s8+$0x0], $0xffff;
	_ =	sdelay $0x4  }
0x43b: {  	v42 =	vadd.bf16 v42, v43;
	_ =	sdelay $0x1  }
0x43c: {  	v43 =	vadd.s32 s0, v38;
	v42 =	vadd.bf16 v41, v42  }
0x43d: {  	v44 =	vadd.s32 s0, v39  }
.Ltmp31:
0x43e: {  	s30 =	sadd.s32 $0x210, s30;
	v41 =	vadd.s32 s0, v40;
	s0 =	smov.u32 s4;
	v45 =	vshll.u32 v42, $0x10;
	v42 =	vand.u32 $0xFFFF0000, v42;
	(pc) =	sbr.rel @p1 .LBB2_63-.Ltmp31, $4  }
0x43f: {  	[tilespmem:s30+$0xFFFFFEF8] =	vst v45  }
0x440: {  	[tilespmem:s30+$0x0] =	vst v42  }
0x441: {  	v42 =	vld.idx.msk [tilespmem:v43+s8+$0x0], $0xffff  }
0x442: {  	s4 =	sadd.s32 $0x1, s4;
	v43 =	vld.idx.msk [tilespmem:v44+s8+$0x0], $0xffff  }
0x443: {  	_ =	sdelay $0x3  }
0x444: {  	v38 =	vld.idx.msk [tilespmem:v41+s8+$0x0], $0xffff;
	_ =	sdelay $0x2  }
0x445: {  	v39 =	vadd.bf16 v42, v43;
	_ =	sdelay $0x1  }
0x446: {  	v54 =	vadd.s32 $0x50E, v3;
	v38 =	vadd.bf16 v38, v39  }
0x447: {  	v40 =	vadd.s32 $0x50D, v3  }
0x448: {  	s0 =	sadd.s32 $0x210, s30;
	v55 =	vshll.u32 v38, $0x10  }
0x449: {  	v56 =	vadd.s32 $0x50F, v3;
	v38 =	vand.u32 $0xFFFF0000, v38;
	[tilespmem:s0+$0xFFFFFEF8] =	vst v55  }
0x44a: {  	[tilespmem:s0+$0x0] =	vst v38  }
0x44b: {  	v38 =	vld.idx.msk [tilespmem:v54+s18+$0x0], $0xffff  }
0x44c: {  	v57 =	vld.idx.msk [tilespmem:v40+s18+$0x0], $0xffff;
	_ =	sdelay $0x1  }
0x44d: {  	v58 =	vld.idx.msk [tilespmem:v56+s18+$0x0], $0xffff;
	_ =	sdelay $0x1  }
0x44e: {  	v38 =	vshll.u32 v38, $0x4  }
0x44f: {  	v39 =	vshll.u32 v57, $0x4;
	_ =	sdelay $0x1  }
0x450: {  	v40 =	vshll.u32 v58, $0x4;
	_ =	sdelay $0x1  }
0x451: {  	v59 =	vld.idx.msk [tilespmem:v38+s8+$0x0], $0xffff  }
0x452: {  	v60 =	vld.idx.msk [tilespmem:v39+s8+$0x0], $0xffff;
	_ =	sdelay $0x1  }
0x453: {  	v61 =	vld.idx.msk [tilespmem:v40+s8+$0x0], $0xffff;
	_ =	sdelay $0x2  }
0x454: {  	v41 =	vadd.bf16 v59, v60;
	_ =	sdelay $0x1  }
0x455: {  	s4 =	simm.s32 $0x0;
	v38 =	vor.u32 $0x1, v38;
	v41 =	vadd.bf16 v61, v41  }
0x456: {  	v39 =	vor.u32 $0x1, v39;
	v40 =	vor.u32 $0x1, v40;
	v62 =	vadd.s32 s4, v38  }
0x457: {  	s30 =	simm.s32 $0x88B8;
	v63 =	vadd.s32 s4, v39;
	v44 =	vshll.u32 v41, $0x10;
	v41 =	vand.u32 $0xFFFF0000, v41  }
0x458: {  	[tilespmem:s30+$0x0] =	vst v41;
	v41 =	vadd.s32 s4, v40;
	_ =	sdelay $0x1  }
0x459: {  	[tilespmem:s30+$0xFFFFFEF8] =	vst v44  }
0x45a: {  	v42 =	vld.idx.msk [tilespmem:v62+s8+$0x0], $0xffff  }
0x45b: {  	s0 =	simm.s32 $0x1;
	s4 =	simm.s32 $0x2;
	v43 =	vld.idx.msk [tilespmem:v63+s8+$0x0], $0xffff  }
.LBB2_65:
0x45c: {  	p1 =	sne.s32 s4, $0xF;
	v41 =	vld.idx.msk [tilespmem:v41+s8+$0x0], $0xffff;
	_ =	sdelay $0x4  }
0x45d: {  	v42 =	vadd.bf16 v42, v43;
	_ =	sdelay $0x1  }
0x45e: {  	v43 =	vadd.s32 s0, v38;
	v42 =	vadd.bf16 v41, v42  }
0x45f: {  	v44 =	vadd.s32 s0, v39  }
.Ltmp32:
0x460: {  	s30 =	sadd.s32 $0x210, s30;
	v41 =	vadd.s32 s0, v40;
	s0 =	smov.u32 s4;
	v45 =	vshll.u32 v42, $0x10;
	v42 =	vand.u32 $0xFFFF0000, v42;
	(pc) =	sbr.rel @p1 .LBB2_65-.Ltmp32, $4  }
0x461: {  	[tilespmem:s30+$0xFFFFFEF8] =	vst v45  }
0x462: {  	[tilespmem:s30+$0x0] =	vst v42  }
0x463: {  	v42 =	vld.idx.msk [tilespmem:v43+s8+$0x0], $0xffff  }
0x464: {  	s4 =	sadd.s32 $0x1, s4;
	v43 =	vld.idx.msk [tilespmem:v44+s8+$0x0], $0xffff  }
0x465: {  	_ =	sdelay $0x3  }
0x466: {  	v38 =	vld.idx.msk [tilespmem:v41+s8+$0x0], $0xffff;
	_ =	sdelay $0x2  }
0x467: {  	v39 =	vadd.bf16 v42, v43;
	_ =	sdelay $0x1  }
0x468: {  	v54 =	vadd.s32 $0x53E, v3;
	v38 =	vadd.bf16 v38, v39  }
0x469: {  	v40 =	vadd.s32 $0x53D, v3  }
0x46a: {  	s0 =	sadd.s32 $0x210, s30;
	v55 =	vshll.u32 v38, $0x10  }
0x46b: {  	v56 =	vadd.s32 $0x53F, v3;
	v38 =	vand.u32 $0xFFFF0000, v38;
	[tilespmem:s0+$0xFFFFFEF8] =	vst v55  }
0x46c: {  	[tilespmem:s0+$0x0] =	vst v38  }
0x46d: {  	v38 =	vld.idx.msk [tilespmem:v54+s18+$0x0], $0xffff  }
0x46e: {  	v57 =	vld.idx.msk [tilespmem:v40+s18+$0x0], $0xffff;
	_ =	sdelay $0x1  }
0x46f: {  	v58 =	vld.idx.msk [tilespmem:v56+s18+$0x0], $0xffff;
	_ =	sdelay $0x1  }
0x470: {  	v38 =	vshll.u32 v38, $0x4  }
0x471: {  	v39 =	vshll.u32 v57, $0x4;
	_ =	sdelay $0x1  }
0x472: {  	v40 =	vshll.u32 v58, $0x4;
	_ =	sdelay $0x1  }
0x473: {  	v59 =	vld.idx.msk [tilespmem:v38+s8+$0x0], $0xffff  }
0x474: {  	v60 =	vld.idx.msk [tilespmem:v39+s8+$0x0], $0xffff;
	_ =	sdelay $0x1  }
0x475: {  	v61 =	vld.idx.msk [tilespmem:v40+s8+$0x0], $0xffff;
	_ =	sdelay $0x2  }
0x476: {  	v41 =	vadd.bf16 v59, v60;
	_ =	sdelay $0x1  }
0x477: {  	s4 =	simm.s32 $0x0;
	v38 =	vor.u32 $0x1, v38;
	v41 =	vadd.bf16 v61, v41  }
0x478: {  	v39 =	vor.u32 $0x1, v39;
	v40 =	vor.u32 $0x1, v40;
	v62 =	vadd.s32 s4, v38  }
0x479: {  	s30 =	simm.s32 $0x88C8;
	v63 =	vadd.s32 s4, v39;
	v44 =	vshll.u32 v41, $0x10;
	v41 =	vand.u32 $0xFFFF0000, v41  }
0x47a: {  	[tilespmem:s30+$0x0] =	vst v41;
	v41 =	vadd.s32 s4, v40;
	_ =	sdelay $0x1  }
0x47b: {  	[tilespmem:s30+$0xFFFFFEF8] =	vst v44  }
0x47c: {  	v42 =	vld.idx.msk [tilespmem:v62+s8+$0x0], $0xffff  }
0x47d: {  	s0 =	simm.s32 $0x1;
	s4 =	simm.s32 $0x2;
	v43 =	vld.idx.msk [tilespmem:v63+s8+$0x0], $0xffff  }
.LBB2_67:
0x47e: {  	p1 =	sne.s32 s4, $0xF;
	v41 =	vld.idx.msk [tilespmem:v41+s8+$0x0], $0xffff;
	_ =	sdelay $0x4  }
0x47f: {  	v42 =	vadd.bf16 v42, v43;
	_ =	sdelay $0x1  }
0x480: {  	v43 =	vadd.s32 s0, v38;
	v42 =	vadd.bf16 v41, v42  }
0x481: {  	v44 =	vadd.s32 s0, v39  }
.Ltmp33:
0x482: {  	s30 =	sadd.s32 $0x210, s30;
	v41 =	vadd.s32 s0, v40;
	s0 =	smov.u32 s4;
	v45 =	vshll.u32 v42, $0x10;
	v42 =	vand.u32 $0xFFFF0000, v42;
	(pc) =	sbr.rel @p1 .LBB2_67-.Ltmp33, $4  }
0x483: {  	[tilespmem:s30+$0xFFFFFEF8] =	vst v45  }
0x484: {  	[tilespmem:s30+$0x0] =	vst v42  }
0x485: {  	v42 =	vld.idx.msk [tilespmem:v43+s8+$0x0], $0xffff  }
0x486: {  	s4 =	sadd.s32 $0x1, s4;
	v43 =	vld.idx.msk [tilespmem:v44+s8+$0x0], $0xffff  }
0x487: {  	_ =	sdelay $0x3  }
0x488: {  	v38 =	vld.idx.msk [tilespmem:v41+s8+$0x0], $0xffff;
	_ =	sdelay $0x2  }
0x489: {  	v39 =	vadd.bf16 v42, v43;
	_ =	sdelay $0x1  }
0x48a: {  	v54 =	vadd.s32 $0x56E, v3;
	v38 =	vadd.bf16 v38, v39  }
0x48b: {  	v40 =	vadd.s32 $0x56D, v3  }
0x48c: {  	s0 =	sadd.s32 $0x210, s30;
	v55 =	vshll.u32 v38, $0x10  }
0x48d: {  	v56 =	vadd.s32 $0x56F, v3;
	v38 =	vand.u32 $0xFFFF0000, v38;
	[tilespmem:s0+$0xFFFFFEF8] =	vst v55  }
0x48e: {  	[tilespmem:s0+$0x0] =	vst v38  }
0x48f: {  	v38 =	vld.idx.msk [tilespmem:v54+s18+$0x0], $0xffff  }
0x490: {  	v57 =	vld.idx.msk [tilespmem:v40+s18+$0x0], $0xffff;
	_ =	sdelay $0x1  }
0x491: {  	v58 =	vld.idx.msk [tilespmem:v56+s18+$0x0], $0xffff;
	_ =	sdelay $0x1  }
0x492: {  	v38 =	vshll.u32 v38, $0x4  }
0x493: {  	v39 =	vshll.u32 v57, $0x4;
	_ =	sdelay $0x1  }
0x494: {  	v40 =	vshll.u32 v58, $0x4;
	_ =	sdelay $0x1  }
0x495: {  	v59 =	vld.idx.msk [tilespmem:v38+s8+$0x0], $0xffff  }
0x496: {  	v60 =	vld.idx.msk [tilespmem:v39+s8+$0x0], $0xffff;
	_ =	sdelay $0x1  }
0x497: {  	v61 =	vld.idx.msk [tilespmem:v40+s8+$0x0], $0xffff;
	_ =	sdelay $0x2  }
0x498: {  	v41 =	vadd.bf16 v59, v60;
	_ =	sdelay $0x1  }
0x499: {  	s4 =	simm.s32 $0x0;
	v38 =	vor.u32 $0x1, v38;
	v41 =	vadd.bf16 v61, v41  }
0x49a: {  	v39 =	vor.u32 $0x1, v39;
	v40 =	vor.u32 $0x1, v40;
	v62 =	vadd.s32 s4, v38  }
0x49b: {  	s30 =	simm.s32 $0x88D8;
	v63 =	vadd.s32 s4, v39;
	v44 =	vshll.u32 v41, $0x10;
	v41 =	vand.u32 $0xFFFF0000, v41  }
0x49c: {  	[tilespmem:s30+$0x0] =	vst v41;
	v41 =	vadd.s32 s4, v40;
	_ =	sdelay $0x1  }
0x49d: {  	[tilespmem:s30+$0xFFFFFEF8] =	vst v44  }
0x49e: {  	v42 =	vld.idx.msk [tilespmem:v62+s8+$0x0], $0xffff  }
0x49f: {  	s0 =	simm.s32 $0x1;
	s4 =	simm.s32 $0x2;
	v43 =	vld.idx.msk [tilespmem:v63+s8+$0x0], $0xffff  }
.LBB2_69:
0x4a0: {  	p1 =	sne.s32 s4, $0xF;
	v41 =	vld.idx.msk [tilespmem:v41+s8+$0x0], $0xffff;
	_ =	sdelay $0x4  }
0x4a1: {  	v42 =	vadd.bf16 v42, v43;
	_ =	sdelay $0x1  }
0x4a2: {  	v43 =	vadd.s32 s0, v38;
	v42 =	vadd.bf16 v41, v42  }
0x4a3: {  	v44 =	vadd.s32 s0, v39  }
.Ltmp34:
0x4a4: {  	s30 =	sadd.s32 $0x210, s30;
	v41 =	vadd.s32 s0, v40;
	s0 =	smov.u32 s4;
	v45 =	vshll.u32 v42, $0x10;
	v42 =	vand.u32 $0xFFFF0000, v42;
	(pc) =	sbr.rel @p1 .LBB2_69-.Ltmp34, $4  }
0x4a5: {  	[tilespmem:s30+$0xFFFFFEF8] =	vst v45  }
0x4a6: {  	[tilespmem:s30+$0x0] =	vst v42  }
0x4a7: {  	v42 =	vld.idx.msk [tilespmem:v43+s8+$0x0], $0xffff  }
0x4a8: {  	s4 =	sadd.s32 $0x1, s4;
	v43 =	vld.idx.msk [tilespmem:v44+s8+$0x0], $0xffff  }
0x4a9: {  	_ =	sdelay $0x3  }
0x4aa: {  	v38 =	vld.idx.msk [tilespmem:v41+s8+$0x0], $0xffff;
	_ =	sdelay $0x2  }
0x4ab: {  	v39 =	vadd.bf16 v42, v43;
	_ =	sdelay $0x1  }
0x4ac: {  	v54 =	vadd.s32 $0x59E, v3;
	v38 =	vadd.bf16 v38, v39  }
0x4ad: {  	v40 =	vadd.s32 $0x59D, v3  }
0x4ae: {  	s0 =	sadd.s32 $0x210, s30;
	v55 =	vshll.u32 v38, $0x10  }
0x4af: {  	v56 =	vadd.s32 $0x59F, v3;
	v38 =	vand.u32 $0xFFFF0000, v38;
	[tilespmem:s0+$0xFFFFFEF8] =	vst v55  }
0x4b0: {  	[tilespmem:s0+$0x0] =	vst v38  }
0x4b1: {  	v38 =	vld.idx.msk [tilespmem:v54+s18+$0x0], $0xffff  }
0x4b2: {  	v57 =	vld.idx.msk [tilespmem:v40+s18+$0x0], $0xffff;
	_ =	sdelay $0x1  }
0x4b3: {  	v58 =	vld.idx.msk [tilespmem:v56+s18+$0x0], $0xffff;
	_ =	sdelay $0x1  }
0x4b4: {  	v38 =	vshll.u32 v38, $0x4  }
0x4b5: {  	v39 =	vshll.u32 v57, $0x4;
	_ =	sdelay $0x1  }
0x4b6: {  	v40 =	vshll.u32 v58, $0x4;
	_ =	sdelay $0x1  }
0x4b7: {  	v59 =	vld.idx.msk [tilespmem:v38+s8+$0x0], $0xffff  }
0x4b8: {  	v60 =	vld.idx.msk [tilespmem:v39+s8+$0x0], $0xffff;
	_ =	sdelay $0x1  }
0x4b9: {  	v61 =	vld.idx.msk [tilespmem:v40+s8+$0x0], $0xffff;
	_ =	sdelay $0x2  }
0x4ba: {  	v41 =	vadd.bf16 v59, v60;
	_ =	sdelay $0x1  }
0x4bb: {  	s4 =	simm.s32 $0x0;
	v38 =	vor.u32 $0x1, v38;
	v41 =	vadd.bf16 v61, v41  }
0x4bc: {  	v39 =	vor.u32 $0x1, v39;
	v40 =	vor.u32 $0x1, v40;
	v62 =	vadd.s32 s4, v38  }
0x4bd: {  	s30 =	simm.s32 $0x88E8;
	v63 =	vadd.s32 s4, v39;
	v44 =	vshll.u32 v41, $0x10;
	v41 =	vand.u32 $0xFFFF0000, v41  }
0x4be: {  	[tilespmem:s30+$0x0] =	vst v41;
	v41 =	vadd.s32 s4, v40;
	_ =	sdelay $0x1  }
0x4bf: {  	[tilespmem:s30+$0xFFFFFEF8] =	vst v44  }
0x4c0: {  	v42 =	vld.idx.msk [tilespmem:v62+s8+$0x0], $0xffff  }
0x4c1: {  	s0 =	simm.s32 $0x1;
	s4 =	simm.s32 $0x2;
	v43 =	vld.idx.msk [tilespmem:v63+s8+$0x0], $0xffff  }
.LBB2_71:
0x4c2: {  	p1 =	sne.s32 s4, $0xF;
	v41 =	vld.idx.msk [tilespmem:v41+s8+$0x0], $0xffff;
	_ =	sdelay $0x4  }
0x4c3: {  	v42 =	vadd.bf16 v42, v43;
	_ =	sdelay $0x1  }
0x4c4: {  	v43 =	vadd.s32 s0, v38;
	v42 =	vadd.bf16 v41, v42  }
0x4c5: {  	v44 =	vadd.s32 s0, v39  }
.Ltmp35:
0x4c6: {  	s30 =	sadd.s32 $0x210, s30;
	v41 =	vadd.s32 s0, v40;
	s0 =	smov.u32 s4;
	v45 =	vshll.u32 v42, $0x10;
	v42 =	vand.u32 $0xFFFF0000, v42;
	(pc) =	sbr.rel @p1 .LBB2_71-.Ltmp35, $4  }
0x4c7: {  	[tilespmem:s30+$0xFFFFFEF8] =	vst v45  }
0x4c8: {  	[tilespmem:s30+$0x0] =	vst v42  }
0x4c9: {  	v42 =	vld.idx.msk [tilespmem:v43+s8+$0x0], $0xffff  }
0x4ca: {  	s4 =	sadd.s32 $0x1, s4;
	v43 =	vld.idx.msk [tilespmem:v44+s8+$0x0], $0xffff  }
0x4cb: {  	_ =	sdelay $0x3  }
0x4cc: {  	v38 =	vld.idx.msk [tilespmem:v41+s8+$0x0], $0xffff;
	_ =	sdelay $0x2  }
0x4cd: {  	v39 =	vadd.bf16 v42, v43;
	_ =	sdelay $0x1  }
0x4ce: {  	v54 =	vadd.s32 $0x5CE, v3;
	v38 =	vadd.bf16 v38, v39  }
0x4cf: {  	v40 =	vadd.s32 $0x5CD, v3  }
0x4d0: {  	s0 =	sadd.s32 $0x210, s30;
	v55 =	vshll.u32 v38, $0x10  }
0x4d1: {  	v56 =	vadd.s32 $0x5CF, v3;
	v38 =	vand.u32 $0xFFFF0000, v38;
	[tilespmem:s0+$0xFFFFFEF8] =	vst v55  }
0x4d2: {  	[tilespmem:s0+$0x0] =	vst v38  }
0x4d3: {  	v38 =	vld.idx.msk [tilespmem:v54+s18+$0x0], $0xffff  }
0x4d4: {  	v57 =	vld.idx.msk [tilespmem:v40+s18+$0x0], $0xffff;
	_ =	sdelay $0x1  }
0x4d5: {  	v58 =	vld.idx.msk [tilespmem:v56+s18+$0x0], $0xffff;
	_ =	sdelay $0x1  }
0x4d6: {  	v38 =	vshll.u32 v38, $0x4  }
0x4d7: {  	v39 =	vshll.u32 v57, $0x4;
	_ =	sdelay $0x1  }
0x4d8: {  	v40 =	vshll.u32 v58, $0x4;
	_ =	sdelay $0x1  }
0x4d9: {  	v59 =	vld.idx.msk [tilespmem:v38+s8+$0x0], $0xffff  }
0x4da: {  	v60 =	vld.idx.msk [tilespmem:v39+s8+$0x0], $0xffff;
	_ =	sdelay $0x1  }
0x4db: {  	v61 =	vld.idx.msk [tilespmem:v40+s8+$0x0], $0xffff;
	_ =	sdelay $0x2  }
0x4dc: {  	v41 =	vadd.bf16 v59, v60;
	_ =	sdelay $0x1  }
0x4dd: {  	s4 =	simm.s32 $0x0;
	v38 =	vor.u32 $0x1, v38;
	v41 =	vadd.bf16 v61, v41  }
0x4de: {  	v39 =	vor.u32 $0x1, v39;
	v40 =	vor.u32 $0x1, v40;
	v62 =	vadd.s32 s4, v38  }
0x4df: {  	s30 =	simm.s32 $0x88F8;
	v63 =	vadd.s32 s4, v39;
	v44 =	vshll.u32 v41, $0x10;
	v41 =	vand.u32 $0xFFFF0000, v41  }
0x4e0: {  	[tilespmem:s30+$0x0] =	vst v41;
	v41 =	vadd.s32 s4, v40;
	_ =	sdelay $0x1  }
0x4e1: {  	[tilespmem:s30+$0xFFFFFEF8] =	vst v44  }
0x4e2: {  	v42 =	vld.idx.msk [tilespmem:v62+s8+$0x0], $0xffff  }
0x4e3: {  	s0 =	simm.s32 $0x1;
	s4 =	simm.s32 $0x2;
	v43 =	vld.idx.msk [tilespmem:v63+s8+$0x0], $0xffff  }
.LBB2_73:
0x4e4: {  	p1 =	sne.s32 s4, $0xF;
	v41 =	vld.idx.msk [tilespmem:v41+s8+$0x0], $0xffff;
	_ =	sdelay $0x4  }
0x4e5: {  	v42 =	vadd.bf16 v42, v43;
	_ =	sdelay $0x1  }
0x4e6: {  	v43 =	vadd.s32 s0, v38;
	v42 =	vadd.bf16 v41, v42  }
0x4e7: {  	v44 =	vadd.s32 s0, v39  }
.Ltmp36:
0x4e8: {  	s30 =	sadd.s32 $0x210, s30;
	v41 =	vadd.s32 s0, v40;
	s0 =	smov.u32 s4;
	v45 =	vshll.u32 v42, $0x10;
	v42 =	vand.u32 $0xFFFF0000, v42;
	(pc) =	sbr.rel @p1 .LBB2_73-.Ltmp36, $4  }
0x4e9: {  	[tilespmem:s30+$0xFFFFFEF8] =	vst v45  }
0x4ea: {  	[tilespmem:s30+$0x0] =	vst v42  }
0x4eb: {  	v42 =	vld.idx.msk [tilespmem:v43+s8+$0x0], $0xffff  }
0x4ec: {  	s4 =	sadd.s32 $0x1, s4;
	v43 =	vld.idx.msk [tilespmem:v44+s8+$0x0], $0xffff  }
0x4ed: {  	_ =	sdelay $0x3  }
0x4ee: {  	v38 =	vld.idx.msk [tilespmem:v41+s8+$0x0], $0xffff;
	_ =	sdelay $0x2  }
0x4ef: {  	v39 =	vadd.bf16 v42, v43;
	_ =	sdelay $0x1  }
0x4f0: {  	v38 =	vadd.bf16 v38, v39;
	_ =	sdelay $0x1  }
0x4f1: {  	s0 =	sadd.s32 $0x210, s30;
	v39 =	vshll.u32 v38, $0x10  }
0x4f2: {  	v38 =	vand.u32 $0xFFFF0000, v38;
	[tilespmem:s0+$0xFFFFFEF8] =	vst v39  }
0x4f3: {  	[tilespmem:s0+$0x0] =	vst v38  }
0x4f4: {  	v38 =	vld.idx.msk [tilespmem:v36+s18+$0x0], $0xffff  }
0x4f5: {  	v39 =	vld.idx.msk [tilespmem:v35+s18+$0x0], $0xffff  }
0x4f6: {  	v62 =	vld.idx.msk [tilespmem:v37+s18+$0x0], $0xffff;
	_ =	sdelay $0x2  }
0x4f7: {  	v40 =	vshll.u32 v38, $0x4  }
0x4f8: {  	v63 =	vshll.u32 v39, $0x4  }
0x4f9: {  	v42 =	vshll.u32 v62, $0x4;
	_ =	sdelay $0x1  }
0x4fa: {  	s31 =	simm.s32 $0x0  }
0x4fb: {  	v44 =	vmov s31;
	v41 =	vld.idx.msk [tilespmem:v40+s8+$0x0], $0xffff  }
0x4fc: {  	s30 =	simm.s32 $0x0;
	s4 =	simm.s32 $0x1;
	v38 =	vor.u32 $0x1, v63;
	v39 =	vor.u32 $0x1, v40;
	v40 =	vor.u32 $0x1, v42;
	v43 =	vld.idx.msk [tilespmem:v63+s8+$0x0], $0xffff  }
.LBB2_75:
0x4fd: {  	p1 =	sne.s32 s4, $0xF;
	v42 =	vld.idx.msk [tilespmem:v42+s8+$0x0], $0xffff;
	v44 =	vmul.u32 $0x108, v44;
	_ =	sdelay $0x1  }
0x4fe: {  	v44 =	vbroadcast v44, $0x0;
	_ =	sdelay $0x1  }
0x4ff: {  	v41 =	vadd.bf16 v41, v43;
	v43 =	vadd.s32 $0x100, v44  }
0x500: {  	v44 =	vadd.s32 $0x208, v44  }
0x501: {  	v45 =	vadd.s32 s30, v39;
	v41 =	vadd.bf16 v42, v41  }
0x502: {  	v46 =	vadd.s32 s30, v38  }
0x503: {  	v47 =	vshll.u32 v41, $0x10;
	v41 =	vand.u32 $0xFFFF0000, v41  }
.Ltmp37:
0x504: {  	v42 =	vadd.s32 s30, v40;
	s30 =	smov.u32 s4;
	[tilespmem:v43+s17+$0x0] =	vst.idx.msk $0x1, v47;
	(pc) =	sbr.rel @p1 .LBB2_75-.Ltmp37, $4  }
0x505: {  	[tilespmem:v44+s17+$0x0] =	vst.idx.msk $0x1, v41  }
0x506: {  	v41 =	vld.idx.msk [tilespmem:v45+s8+$0x0], $0xffff  }
0x507: {  	s0 =	sshll.u32 s4, $0x1;
	v43 =	vld.idx.msk [tilespmem:v46+s8+$0x0], $0xffff  }
0x508: {  	s4 =	sadd.s32 $0x1, s4;
	v44 =	vmov s0  }
0x509: {  	_ =	sdelay $0x2  }
0x50a: {  	v38 =	vmul.u32 $0x108, v44  }
0x50b: {  	v39 =	vld.idx.msk [tilespmem:v42+s8+$0x0], $0xffff  }
0x50c: {  	v38 =	vbroadcast v38, $0x0;
	_ =	sdelay $0x1  }
0x50d: {  	v40 =	vadd.bf16 v41, v43;
	v63 =	vadd.s32 $0x100, v38  }
0x50e: {  	s0 =	sadd.s32 s6, s29;
	s28 =	sadd.s32 $0x1, s28;
	v38 =	vadd.s32 $0x208, v38  }
0x50f: {  	s0 =	smul.u32 $0x108, s0;
	p1 =	sne.s32 s28, $0x20;
	v39 =	vadd.bf16 v39, v40  }
.Ltmp38:
0x510: {  	_ = 	snop;
	(pc) =	sbr.rel @p1 .LBB2_4-.Ltmp38, $4  }
0x511: {  	s0 =	sadd.s32 s0, s11;
	v40 =	vshll.u32 v39, $0x10  }
0x512: {  	s0 =	sshrl.u32 s0, $0x3;
	v39 =	vand.u32 $0xFFFF0000, v39;
	[tilespmem:v63+s17+$0x0] =	vst.idx.msk $0x1, v40  }
0x513: {  	s0 =	sadd.s32 s5, s0;
	[tilespmem:v38+s17+$0x0] =	vst.idx.msk $0x1, v39  }
0x514: {  	[hbm4b:s0+s21] =	stream.strided.scatter [tilespmem:s17], [sflag:$0x4], $0x2100, s22, s21, $0x38;
	[tilespmem:$0xA820] =	vst v63  }
0x515: {  	s26 =	sadd.s32 $0x1, s26  }
0x516: {  	_ =	swait.ge [sflag:s25], $0x2100;
	p1 =	sne.s32 s26, s13  }
.Ltmp39:
0x517: {  	[sflag:s25] =	ssyncset.done $0x0;
	(pc) =	sbr.rel @p1 .LBB2_1-.Ltmp39, $4  }
0x518: {  	[sflag:s25] =	ssyncadd.s32 $0xFFFFDF00  }
0x519: {  	_ =	swait.ge [sflag:s24], $0x2100  }
0x51a: {  	[sflag:s24] =	ssyncset.done $0x0  }
0x51b: {  	[sflag:s24] =	ssyncadd.s32 $0xFFFFDF00  }
0x51c: {  	_ =	sfence.sel $0x180000  }
0x51d: {  	[bflag:$0x0] =	sbarrier.arrive $0xFFFF  }
0x51e: {  	_ =	strace $0x90000047  }
0x51f: {  	s0 =	stileid.u32;
	[bflag:$0x2] =	sbarrier.arrive $0xFFFF  }
0x520: {  	p0 =	sne.s32 s0, $0x0;
	s0 =	rddreg [dreg:$0x4]  }
0x521: {  	s0 =	sadd.s32 @!p0 $0x100000, s0  }
0x522: {  	[sflag:s0] =	ssyncadd.tile.s32 @!p0 $0x1;
	_ =	shalt  }
.Lfunc_end2:
_tile_overlayer_lowered:
.L_overlay_start_2:
0x523: {  	(tag) =	ssettag $0x2  }
0x524: {  	s0 =	rddreg [dreg:$0x0];
	s2 =	stileid.u32  }
0x525: {  	s1 =	rddreg [dreg:$0x1];
	p0 =	sne.s32 s2, $0x0  }
0x526: {  	s3 =	rddreg [dreg:$0x2];
	[bflag:$0x3] =	sbarrier.arrive $0xFFFF;
	s2 =	simm.s32 @!p0 $0x1C05  }
0x527: {  	[timem:s3], [sflag:s2] =	dma.local @!p0 [hbm:s0], s1  }
0x528: {  	s0 =	simm.s32 @!p0 $0x5  }
0x529: {  	_ =	swait.ge @!p0 [sflag:s0], s1  }
0x52a: {  	s1 =	ssub.s32 @!p0 $0x0, s1;
	[sflag:s0] =	ssyncset.done @!p0 $0x0  }
0x52b: {  	[sflag:s0] =	ssyncadd.s32 @!p0 s1  }
0x52c: {  	[bflag:$0x3] =	sbarrier.arrive $0xFFFF  }
0x52d: {  	_ =	shalt  }

// kernel: sparse-core-data-format-call.cloned.1.call-start
scs
called_computation_lowered:
.L_overlay_start_0:
0x0: {  	s2 =	sld [smem:$0x3FD9]  }
0x1: {  	s3 =	sld [smem:$0x3FFE];
	_ =	sdelay $0x1  }
0x2: {  	s1 =	srdreg.scid  }
0x3: {  	s0 =	sand.u32 $0x1, s1  }
0x4: {  	s18 =	sshll.u32 s0, $0xA;
	s2 =	sadd.s32 s3, s2  }
0x5: {  	s2 =	sadd.s32 s2, s18  }
0x6: {  	[smem:$0x3FC5] =	sst s2  }
0x7: {  	_ = 	snop  }
0x8: {  	s2 =	sld [smem:$0x3FD0];
	(tm) =	ssettm $0x1  }
0x9: {  	s19 =	sld [smem:$0x3FFB];
	_ =	sdelay $0x3  }
0xa: {  	_ =	strace s19  }
0xb: {  	s3 =	sld [smem:$0x3FFC];
	_ =	sdelay $0x3  }
0xc: {  	_ =	strace s3  }
0xd: {  	s3 =	sld [smem:$0x3FFD];
	_ =	sdelay $0x3  }
0xe: {  	_ =	strace s3  }
0xf: {  	_ =	strace $0x8FFFFFFF  }
0x10: {  	s20 =	sld [smem:$0x3FDB];
	_ =	sdelay $0x1  }
0x11: {  	s4 =	simm.s32 $_scs_section_size  }
0x12: {  	s5 =	simm.s32 $_size__tile_overlayer_lowered;
	s6 =	simm.s32 $_tile_overlayer_lowered  }
0x13: {  	s23 =	simm.s32 $0x1BFF;
	s22 =	sshll.u32 s6, $0x1;
	s3 =	sadd.s32 s4, s20  }
0x14: {  	s7 =	simm.s32 $0x0;
	s21 =	sshll.u32 s5, $0x1;
	s5 =	sadd.s32 s22, s3  }
0x15: {  	[timem:s7], [sflag:s23] =	dma.local [hbm:s5], s21  }
0x16: {  	_ =	swait.ge [sflag:s23], s21  }
0x17: {  	s4 =	ssub.s32 $0x0, s21;
	[sflag:s23] =	ssyncset.done $0x0  }
0x18: {  	[sflag:s23] =	ssyncadd.s32 s4;
	_ =	sdelay $0x1  }
0x19: {  	s24 =	simm.s32 $0x1B8B  }
0x1a: {  	_ =	swait.ge [sflag:s24], $0x1  }
0x1b: {  	[sflag:s24] =	ssyncset.done $0x0  }
0x1c: {  	s26 =	simm.s32 $0x1B8E;
	s25 =	sld [smem:$0x3FFE];
	[sflag:s24] =	ssyncadd.s32 $0xFFFFFFFF  }
0x1d: {  	s27 =	simm.s32 $execute0_lowered;
	[smem:$0x3FD2] =	sst s26  }
0x1e: {  	s5 =	sshll.u32 s27, $0x1;
	_ =	strace $0x80000049;
	[dreg:$0x1] =	wrdreg $0xFFFFFFFF  }
0x1f: {  	s28 =	simm.s32 $_size_execute0_lowered;
	s3 =	sadd.s32 s3, s5;
	[dreg:$0x0] =	wrdreg $0x0  }
0x20: {  	s5 =	sshll.u32 s28, $0x1;
	[dreg:$0x2] =	wrdreg s3  }
0x21: {  	[dreg:$0x3] =	wrdreg s5  }
0x22: {  	[dreg:$0x4] =	wrdreg $0xC0  }
0x23: {  	_ =	task [dreg:s7], $0x5FFFF  }
0x24: {  	[dreg:$0x1] =	wrdreg $0xFFFFFFFF  }
0x25: {  	[dreg:$0x0] =	wrdreg $0x60  }
0x26: {  	[dreg:$0x2] =	wrdreg s25  }
0x27: {  	[dreg:$0x3] =	wrdreg s2  }
0x28: {  	[dreg:$0x4] =	wrdreg $0x9  }
0x29: {  	_ =	task.clear_ibuf [dreg:s7], $0x5FFFF;
	_ =	strace $0x90000049  }
0x2a: {  	s29 =	simm.s32 $0x9;
	_ =	strace $0x8000004B  }
0x2b: {  	_ =	swait.ge [sflag:s29], $0x1  }
0x2c: {  	[sflag:s29] =	ssyncadd.s32 $0xFFFFFFFF  }
0x2d: {  	_ =	strace $0x9000004B  }
0x2e: {  	_ =	sfence  }
0x2f: {  	s30 =	sld [smem:$0x0];
	_ =	sdelay $0x2  }
0x30: {  	s31 =	sshll.u32 s1, $0xD;
	s1 =	sshrl.u32 s1, $0x2  }
0x31: {  	s3 =	sand.u32 $0x4000, s31;
	s1 =	sadd.s32 s1, s30  }
0x32: {  	s0 =	sor.u32 s3, s0;
	s1 =	sshll.u32 s1, $0x11  }
0x33: {  	s0 =	sor.u32 s1, s0  }
0x34: {  	s0 =	sadd.s32 $0x8F2B, s0  }
0x35: {  	[sflag:s0] =	ssyncadd.remote.s32 $0x1  }
0x36: {  	_ =	sfence.sel $0xFFFF  }
0x37: {  	[dreg:$0x0] =	wrdreg $0xFFFFFFFF;
	(pc) =	sbr.abs _section_cstart, $3  }
0x38: {  	[dreg:$0x1] =	wrdreg $0xFFFFFFFF  }
0x39: {  	_ =	task.clear_ibuf [dreg:s7], $0x2FFFF;
	_ =	strace $0x9FFFFFFF  }
0x3a: {  	(tm) =	ssettm $0x7FFFFFFF  }
0x3b: {  	_ =	shalt  }
tec
execute0_lowered:
.L_overlay_start_1:
0x0: {  	(tag) =	ssettag $0x1  }
0x1: {  	s0 =	stileid.u32;
	s1 =	srdreg.scid  }
0x2: {  	s4 =	rddreg [dreg:$0x0];
	s5 =	simm.s32 $0x1;
	s8 =	simm.s32 $0x2  }
0x3: {  	s20 =	simm.s32 $0x0;
	s10 =	simm.s32 $0x400;
	s11 =	simm.s32 $0xC00  }
0x4: {  	s22 =	simm.s32 $0x0;
	s21 =	simm.s32 $0x0;
	s23 =	simm.s32 $0x0  }
0x5: {  	s12 =	simm.s32 $0x0;
	s2 =	sshll.u32 s0, $0x4;
	s1 =	sshll.u32 s1, $0x8  }
0x6: {  	s13 =	simm.s32 $0x0;
	s14 =	simm.s32 $0x0;
	s1 =	sor.u32 s2, s1  }
0x7: {  	s15 =	simm.s32 $0x0;
	s16 =	simm.s32 $0x0;
	s3 =	sand.u32 $0x180, s1  }
0x8: {  	s17 =	simm.s32 $0x0;
	s19 =	simm.s32 $0x0;
	s7 =	ssub.s32 $0x101, s3  }
0x9: {  	s4 =	sadd.s32 $0xC00, s4;
	s6 =	sand.u32 $0x7, s0;
	p0 =	sgt.s32 s7, $0x0  }
.Ltmp0:
0xa: {  	s2 =	rddreg [dreg:$0x1];
	s7 =	simm.s32 @!p0 $0x0;
	(pc) =	sbr.rel .LBB1_1-.Ltmp0, $4  }
0xb: {  	s1 =	rddreg [dreg:$0x2];
	_ =	strace $0x8000004A;
	s7 =	sand.u32 $0x181, s7  }
0xc: {  	[sflag:s5] =	ssyncpa.u1 $0x0;
	p0 =	seq.s32 s7, $0x0;
	s7 =	simm.s32 $0x0  }
0xd: {  	s18 =	smov.u32 s6;
	[sflag:s8] =	ssyncpa.u1 $0x0;
	s7 =	simm.s32 @!p0 $0x41  }
0xe: {  	s8 =	sshll.u32 s3, $0x3;
	p0 =	por $0x0, $0x0;
	s9 =	sadd.s32 $0x1, s7  }
.LBB1_7:
0xf: {  	p1 =	slt.u32 s19, $0x2  }
0x10: {  	s24 =	smov.u32 s23;
	s27 =	smov.u32 s18;
	p2 =	sgt.s32 @!p1 s23, $0x7  }
0x11: {  	s29 =	sadd.s32 $0x1, s19;
	s25 =	sshra.s32 @!p1 s23, $0x1F;
	p2 =	por !p2, p1  }
0x12: {  	p3 =	sgt.s32 @!p1 s22, $0xFD;
	s23 =	sand.u32 @!p1 s25, s23;
	s24 =	simm.s32 @p2 $0x7  }
0x13: {  	p4 =	sgt.s32 @!p1 s20, $0x17F;
	p3 =	por !p3, p1;
	s23 =	ssub.s32 @!p1 s24, s23  }
0x14: {  	s25 =	sshra.s32 @!p1 s22, $0x1F;
	s24 =	sadd.s32 @!p1 $0xFFFFFFF9, s23;
	s23 =	ssub.s32 @!p1 $0x8, s23  }
0x15: {  	p2 =	sgt.s32 @!p1 s24, $0x0;
	s24 =	smov.u32 s22;
	s22 =	sand.u32 @!p1 s25, s22  }
0x16: {  	s25 =	ssub.s32 @!p1 $0x0, s21;
	p2 =	por !p2, p1;
	s24 =	simm.s32 @p3 $0xFD  }
0x17: {  	s21 =	smin.u32 @!p1 s21, s25;
	p3 =	sgt.s32 @!p1 s20, $0x100;
	s23 =	simm.s32 @!p2 $0x0  }
0x18: {  	s22 =	ssub.s32 @!p1 s24, s22;
	p2 =	sgt.s32 @!p1 s21, $0x1F;
	s21 =	ssub.s32 @!p1 $0x20, s21  }
0x19: {  	p3 =	por !p3, p1;
	p2 =	por !p2, p1;
	s24 =	sadd.s32 @!p1 $0xFFFFFF03, s22  }
0x1a: {  	s20 =	simm.s32 @p3 $0x100;
	s22 =	ssub.s32 @!p1 $0x101, s22;
	s21 =	simm.s32 @!p2 $0x0  }
0x1b: {  	s20 =	ssub.s32 @!p1 $0x180, s20;
	p2 =	por !p4, p1;
	p3 =	sgt.s32 @!p1 s24, $0x3  }
0x1c: {  	s21 =	smul.u32 @!p1 s23, s21;
	s20 =	simm.s32 @!p2 $0x0;
	p2 =	por !p3, p1  }
0x1d: {  	s25 =	smov.u32 s17;
	s24 =	sadd.s32 $0x4, s16;
	s22 =	simm.s32 @!p2 $0x0  }
0x1e: {  	p2 =	sgt.s32 s24, $0x100;
	s20 =	smul.u32 @!p1 s20, s21;
	s21 =	sadd.s32 $0x20, s17  }
0x1f: {  	p0 =	por !p0, !p0;
	s26 =	simm.s32 @!p1 $0x2;
	s25 =	smov.u32 @p2 s21  }
0x20: {  	s23 =	smov.u32 s15;
	s21 =	sadd.s32 $0x8, s18;
	p3 =	sgt.s32 s25, $0x1F  }
0x21: {  	s15 =	smov.u32 s18;
	s24 =	simm.s32 @p2 $0x0;
	s27 =	smov.u32 @p3 s21  }
0x22: {  	s20 =	smul.u32 @!p1 s22, s20;
	s22 =	smov.u32 s13;
	p2 =	sgt.s32 s27, $0x7  }
0x23: {  	s13 =	smov.u32 s16;
	s27 =	smov.u32 @p2 s6;
	p2 =	sne.s32 s19, s9  }
.Ltmp1:
0x24: {  	s16 =	smov.u32 s24;
	s25 =	simm.s32 @p3 $0x0;
	(pc) =	sbr.rel @!p2 .LBB1_8-.Ltmp1, $4  }
0x25: {  	s21 =	smov.u32 s14;
	s14 =	smov.u32 s17;
	s20 =	sand.u32 @!p1 $0x3FFFFFFF, s20  }
0x26: {  	s17 =	smov.u32 s25;
	_ =	swait.ge @!p1 [sflag:s26], s20;
	s28 =	ssub.s32 @!p1 $0x0, s20  }
0x27: {  	s20 =	smov.u32 s12;
	s12 =	smov.u32 s3;
	[sflag:s26] =	ssyncset.done @!p1 $0x0  }
0x28: {  	s19 =	smov.u32 s29;
	s18 =	smov.u32 s27;
	[sflag:s26] =	ssyncadd.s32 @!p1 s28  }
.LBB1_1:
0x29: {  	p1 =	sge.u32 s19, s7  }
0x2a: {  	s24 =	sshrl.u32 @!p1 s16, $0x3  }
0x2b: {  	s24 =	smul.u32 @!p1 $0xC00, s24  }
0x2c: {  	s25 =	sshll.u32 @!p1 s16, $0x7  }
0x2d: {  	s25 =	sand.u32 @!p1 $0x380, s25;
	s24 =	sadd.s32 @!p1 s8, s24  }
0x2e: {  	s24 =	sor.u32 @!p1 s25, s24  }
0x2f: {  	s25 =	smulhi.u32 @!p1 $0xAAAAAAAB, s24;
	_ =	sdelay $0x1  }
0x30: {  	s28 =	smul.u32 @!p1 $0x63000, s18;
	s25 =	sshrl.u32 @!p1 s25, $0x8  }
0x31: {  	s26 =	smulhi.u32 @!p1 $0xF83E10, s25  }
0x32: {  	s27 =	smul.u32 @!p1 $0x180, s25  }
0x33: {  	s26 =	smul.u32 @!p1 $0x108, s26  }
0x34: {  	s29 =	sxor.u32 @!p1 $0xFFFFFFFF, s19;
	s24 =	ssub.s32 @!p1 s24, s27;
	s27 =	smul.u32 @!p1 $0x3180, s17  }
0x35: {  	s28 =	sadd.s32 @!p1 s4, s28;
	s24 =	sshrl.u32 @!p1 s24, $0x3;
	s25 =	ssub.s32 @!p1 s25, s26  }
0x36: {  	s26 =	sshll.u32 @!p1 s29, $0xE;
	s27 =	sadd.s32 @!p1 s27, s28;
	s25 =	smul.u32 @!p1 $0x30, s25  }
0x37: {  	s31 =	sadd.s32 $0xFFFFFFFF, s19;
	s26 =	sand.u32 @!p1 $0x4000, s26;
	s24 =	sadd.s32 @!p1 s24, s27  }
0x38: {  	s27 =	simm.s32 @!p1 $0x18C00;
	s24 =	sadd.s32 @!p1 s25, s24;
	s25 =	simm.s32 @!p1 $0x200  }
0x39: {  	[tilespmem:s26], [sflag:$0x1] =	stream.strided.gather @!p1 [hbm4b:s24+s25], $0x4000, s27, s25, $0x38;
	[tilespmem:$0x10000] =	vst v63  }
0x3a: {  	p1 =	sge.u32 s31, s7  }
.Ltmp2:
0x3b: {  	_ = 	snop;
	(pc) =	sbr.rel @p1 .LBB1_7-.Ltmp2, $1  }
0x3c: {  	_ =	sdelay $0x3  }
0x3d: {  	s24 =	simm.s32 $0x1;
	_ =	swait.ge [sflag:s5], $0x4000;
	s27 =	sshll.u32 s19, $0xE  }
0x3e: {  	s24 =	simm.s32 @!p0 $0x0;
	[sflag:s5] =	ssyncset.done $0x0;
	s31 =	sand.u32 $0x4000, s27  }
0x3f: {  	s27 =	simm.s32 $0x0;
	s24 =	sshll.u32 s24, $0xE;
	[sflag:s5] =	ssyncadd.s32 $0xFFFFC000  }
0x40: {  	s25 =	sor.u32 $0x8040, s24;
	s26 =	sor.u32 $0x40, s24;
	s24 =	sor.u32 $0x8000, s31  }
.LBB1_3:
0x41: {  	v0 =	vmov s26;
	_ =	sdelay $0x3  }
0x42: {  	s29 =	simm.s32 $0x0  }
0x43: {  	v6 =	vld.idx.msk [tilespmem:v0+s29+$0x30 ss:$0x1], $0xffff  }
0x44: {  	v7 =	vld.idx.msk [tilespmem:v0+s29+$0xFFFFFFC0 ss:$0x1], $0xffff  }
0x45: {  	v5 =	vld.idx.msk [tilespmem:v0+s29+$0xFFFFFFD0 ss:$0x1], $0xffff  }
0x46: {  	v4 =	vld.idx.msk [tilespmem:v0+s29+$0xFFFFFFE0 ss:$0x1], $0xffff  }
0x47: {  	v3 =	vld.idx.msk [tilespmem:v0+s29+$0xFFFFFFF0 ss:$0x1], $0xffff  }
0x48: {  	v1 =	vld.idx.msk [tilespmem:v0+s29+$0x0 ss:$0x1], $0xffff  }
0x49: {  	v2 =	vld.idx.msk [tilespmem:v0+s29+$0x10 ss:$0x1], $0xffff;
	[tilespmem:s25+$0x30] =	vst v6  }
0x4a: {  	s28 =	simm.s32 $0x80;
	s30 =	simm.s32 $0x400;
	[tilespmem:s25+$0xFFFFFFC0] =	vst v7;
	v6 =	vld.idx.msk [tilespmem:v0+s29+$0x20 ss:$0x1], $0xffff;
	s29 =	smov.u32 s25  }
.LBB1_4:
0x4b: {  	p1 =	sne.s32 s30, $0x600;
	v7 =	vld.idx.msk [tilespmem:v0+s28+$0x30 ss:$0x1], $0xffff;
	[tilespmem:s29+$0xFFFFFFD0] =	vst v5  }
0x4c: {  	v8 =	vld.idx.msk [tilespmem:v0+s28+$0xFFFFFFC0 ss:$0x1], $0xffff;
	[tilespmem:s29+$0xFFFFFFE0] =	vst v4  }
0x4d: {  	v5 =	vld.idx.msk [tilespmem:v0+s28+$0xFFFFFFD0 ss:$0x1], $0xffff;
	[tilespmem:s29+$0xFFFFFFF0] =	vst v3  }
.Ltmp3:
0x4e: {  	v4 =	vld.idx.msk [tilespmem:v0+s28+$0xFFFFFFE0 ss:$0x1], $0xffff;
	[tilespmem:s29+$0x0] =	vst v1;
	(pc) =	sbr.rel @p1 .LBB1_4-.Ltmp3, $4  }
0x4f: {  	v3 =	vld.idx.msk [tilespmem:v0+s28+$0xFFFFFFF0 ss:$0x1], $0xffff;
	[tilespmem:s29+$0x10] =	vst v2  }
0x50: {  	v1 =	vld.idx.msk [tilespmem:v0+s28+$0x0 ss:$0x1], $0xffff;
	[tilespmem:s29+$0x20] =	vst v6;
	s29 =	sadd.s32 $0x1000, s29  }
0x51: {  	v2 =	vld.idx.msk [tilespmem:v0+s28+$0x10 ss:$0x1], $0xffff;
	[tilespmem:s29+$0x30] =	vst v7  }
0x52: {  	[tilespmem:s29+$0xFFFFFFC0] =	vst v8;
	v6 =	vld.idx.msk [tilespmem:v0+s28+$0x20 ss:$0x1], $0xffff;
	s28 =	sshra.s32 s30, $0x2;
	s30 =	sadd.s32 $0x200, s30  }
0x53: {  	_ =	sdelay $0x2  }
0x54: {  	[tilespmem:s29+$0xFFFFFFD0] =	vst v5  }
0x55: {  	v56 =	vld.idx.msk [tilespmem:v0+s28+$0x30 ss:$0x1], $0xffff;
	[tilespmem:s29+$0xFFFFFFE0] =	vst v4  }
0x56: {  	v57 =	vld.idx.msk [tilespmem:v0+s28+$0xFFFFFFC0 ss:$0x1], $0xffff;
	[tilespmem:s29+$0xFFFFFFF0] =	vst v3  }
0x57: {  	v58 =	vld.idx.msk [tilespmem:v0+s28+$0xFFFFFFD0 ss:$0x1], $0xffff;
	[tilespmem:s29+$0x0] =	vst v1  }
0x58: {  	v59 =	vld.idx.msk [tilespmem:v0+s28+$0xFFFFFFE0 ss:$0x1], $0xffff;
	[tilespmem:s29+$0x10] =	vst v2  }
0x59: {  	v60 =	vld.idx.msk [tilespmem:v0+s28+$0xFFFFFFF0 ss:$0x1], $0xffff;
	s31 =	sadd.s32 $0x1000, s29;
	[tilespmem:s29+$0x20] =	vst v6  }
0x5a: {  	v61 =	vld.idx.msk [tilespmem:v0+s28+$0x0 ss:$0x1], $0xffff;
	[tilespmem:s31+$0x30] =	vst v56  }
0x5b: {  	v62 =	vld.idx.msk [tilespmem:v0+s28+$0x10 ss:$0x1], $0xffff;
	s27 =	sadd.s32 $0x1, s27;
	[tilespmem:s31+$0xFFFFFFC0] =	vst v57  }
0x5c: {  	v63 =	vld.idx.msk [tilespmem:v0+s28+$0x20 ss:$0x1], $0xffff;
	p1 =	sne.s32 s27, $0x20;
	[tilespmem:s31+$0xFFFFFFD0] =	vst v58  }
.Ltmp4:
0x5d: {  	[tilespmem:s31+$0xFFFFFFE0] =	vst v59;
	(pc) =	sbr.rel @p1 .LBB1_3-.Ltmp4, $4  }
0x5e: {  	[tilespmem:s31+$0xFFFFFFF0] =	vst v60  }
0x5f: {  	[tilespmem:s31+$0x0] =	vst v61  }
0x60: {  	[tilespmem:s31+$0x10] =	vst v62  }
0x61: {  	s25 =	sadd.s32 $0x80, s25;
	s26 =	sadd.s32 $0x200, s26;
	[tilespmem:s31+$0x20] =	vst v63  }
0x62: {  	s25 =	sshrl.u32 s14, $0x3;
	s26 =	sshll.u32 s12, $0x3;
	p1 =	sgt.s32 s15, $0x7  }
0x63: {  	s27 =	smov.u32 s15;
	s28 =	sshra.s32 s15, $0x1F;
	s29 =	sshll.u32 s14, $0x7  }
0x64: {  	s25 =	smul.u32 $0xC00, s25;
	s27 =	simm.s32 @!p1 $0x7;
	s28 =	sand.u32 s28, s15  }
0x65: {  	s30 =	ssub.s32 $0x0, s14;
	s31 =	sand.u32 $0x380, s29;
	s27 =	ssub.s32 s27, s28  }
0x66: {  	s28 =	smov.u32 s13;
	s25 =	sadd.s32 s25, s26;
	s29 =	sadd.s32 $0xFFFFFFF9, s27  }
0x67: {  	s26 =	ssub.s32 $0x8, s27;
	s27 =	smin.u32 s14, s30;
	s30 =	sshra.s32 s13, $0x1F  }
0x68: {  	s25 =	sor.u32 s31, s25;
	p1 =	sgt.s32 s29, $0x0;
	s30 =	sand.u32 s30, s13  }
0x69: {  	s26 =	simm.s32 @p1 $0x0;
	p1 =	sgt.s32 s13, $0xFD;
	s31 =	smulhi.u32 $0xAAAAAAAB, s25  }
0x6a: {  	s28 =	simm.s32 @!p1 $0xFD;
	p1 =	sgt.s32 s27, $0x1F;
	s27 =	ssub.s32 $0x20, s27  }
0x6b: {  	s27 =	simm.s32 @p1 $0x0;
	p1 =	sgt.s32 s12, $0x100;
	s29 =	sshrl.u32 s31, $0x8  }
0x6c: {  	s28 =	ssub.s32 s28, s30;
	s26 =	smul.u32 s26, s27;
	s27 =	smov.u32 s12  }
0x6d: {  	s30 =	smul.u32 $0x180, s29;
	s31 =	sadd.s32 $0xFFFFFF03, s28;
	s27 =	simm.s32 @!p1 $0x100  }
0x6e: {  	p1 =	sgt.s32 s31, $0x3;
	s31 =	smul.u32 $0x60600, s15;
	s27 =	ssub.s32 $0x180, s27  }
0x6f: {  	s26 =	smul.u32 s27, s26;
	s27 =	ssub.s32 $0x101, s28  }
0x70: {  	s25 =	ssub.s32 s25, s30;
	s30 =	smul.u32 $0x600, s13;
	s27 =	simm.s32 @p1 $0x0  }
0x71: {  	s26 =	smul.u32 s27, s26  }
.Ltmp5:
0x72: {  	s29 =	sand.u32 $0x1F, s29;
	s27 =	sadd.s32 s2, s31;
	(pc) =	sbr.rel .LBB1_7-.Ltmp5, $4  }
0x73: {  	s25 =	sshrl.u32 s25, $0x3;
	s31 =	smul.u32 $0x30, s29;
	s27 =	sadd.s32 s30, s27  }
0x74: {  	s25 =	sadd.s32 s25, s27  }
0x75: {  	s26 =	sand.u32 $0x3FFFFF80, s26;
	s25 =	sadd.s32 s31, s25  }
0x76: {  	[hbm4b:s25+s10] =	stream.strided.scatter [tilespmem:s24], [sflag:$0x2], s26, s11, s10, $0x38;
	[tilespmem:$0x10000] =	vst v63  }
.LBB1_8:
0x77: {  	_ =	sfence.sel $0x180000  }
0x78: {  	s2 =	simm.s32 $0x1;
	[bflag:$0x0] =	sbarrier.arrive $0xFFFF  }
0x79: {  	s31 =	simm.s32 $0x2;
	[sflag:s2] =	ssyncpa.u1 $0x1  }
0x7a: {  	[sflag:s31] =	ssyncpa.u1 $0x1  }
0x7b: {  	p0 =	sne.s32 s0, $0x0;
	_ =	strace $0x9000004A  }
0x7c: {  	s0 =	sadd.s32 @!p0 $0x100000, s1;
	[bflag:$0x2] =	sbarrier.arrive $0xFFFF  }
0x7d: {  	[sflag:s0] =	ssyncadd.tile.s32 @!p0 $0x1;
	_ =	shalt  }
.Lfunc_end1:
_tile_overlayer_lowered:
.L_overlay_start_2:
0x7e: {  	(tag) =	ssettag $0x2  }
0x7f: {  	s0 =	rddreg [dreg:$0x0];
	s2 =	stileid.u32  }
0x80: {  	s1 =	rddreg [dreg:$0x1];
	p0 =	sne.s32 s2, $0x0  }
0x81: {  	s3 =	rddreg [dreg:$0x2];
	[bflag:$0x3] =	sbarrier.arrive $0xFFFF;
	s2 =	simm.s32 @!p0 $0x1C01  }
0x82: {  	[timem:s3], [sflag:s2] =	dma.local @!p0 [hbm:s0], s1  }
0x83: {  	s0 =	simm.s32 @!p0 $0x1  }
0x84: {  	_ =	swait.ge @!p0 [sflag:s0], s1  }
0x85: {  	s1 =	ssub.s32 @!p0 $0x0, s1;
	[sflag:s0] =	ssyncset.done @!p0 $0x0  }
0x86: {  	[sflag:s0] =	ssyncadd.s32 @!p0 s1  }
0x87: {  	[bflag:$0x3] =	sbarrier.arrive $0xFFFF  }
0x88: {  	_ =	shalt  }

</sc_bundles>
